<compile_context>
chip_gen: v7x
topology: tpu7x:2x2x1
jax: 0.10.2.dev20260603
libtpu: 0.0.44.dev20260713+nightly
codegen_flags: <defaults>
</compile_context>

<pallas_src>
import functools

import jax
import jax.numpy as jnp
from jax import lax
from jax.experimental import pallas as pl
from jax.experimental.pallas import tpu as pltpu
from jax.experimental.pallas import tpu_sc as plsc

HID = 128
N_NODES = 10000
N_MAIN = 8000
N_SUPE = N_NODES - N_MAIN
N_EDGES = 320000
ROW_BLK = 1000

NC = 2
NS = 16
NW = NC * NS
EB = 80



def _node_stage_body(x_ref, wam_ref, wamb_ref, was_ref, wasb_ref,
                     cmsw_ref, cmsb_ref, cmaw_ref, cmmw_ref, cmmb_ref,
                     cssw_ref, cssb_ref, csaw_ref, csmw_ref, csmb_ref,
                     xw_ref, u1_ref, m1_ref, u2_ref, m2_ref):
    i = pl.program_id(0)
    is_main = i * ROW_BLK < N_MAIN
    xb = x_ref[...]
    w = jnp.where(is_main, wam_ref[...], was_ref[...])
    b = jnp.where(is_main, wamb_ref[...], wasb_ref[...])
    xw = jnp.tanh(jnp.dot(xb, w.T, preferred_element_type=jnp.float32) + b)
    xw_ref[...] = xw
    u1_ref[...] = (jnp.dot(xw, cmsw_ref[...].T,
                           preferred_element_type=jnp.float32)
                   + cmsb_ref[...]) * cmaw_ref[...]
    m1_ref[...] = jnp.dot(xw, cmmw_ref[...].T,
                          preferred_element_type=jnp.float32) + cmmb_ref[...]
    u2_ref[...] = (jnp.dot(xw, cssw_ref[...].T,
                           preferred_element_type=jnp.float32)
                   + cssb_ref[...]) * csaw_ref[...]
    m2_ref[...] = jnp.dot(xw, csmw_ref[...].T,
                          preferred_element_type=jnp.float32) + csmb_ref[...]


def _node_stage(x, wam_w, wam_b, was_w, was_b,
                cm_supe_w, cm_supe_b, cm_attn_w, cm_main_w, cm_main_b,
                cs_supe_w, cs_supe_b, cs_attn_w, cs_main_w, cs_main_b):
    n = x.shape[0]
    row_spec = pl.BlockSpec((ROW_BLK, HID), lambda i: (i, 0))
    full_spec = pl.BlockSpec((HID, HID), lambda i: (0, 0))
    vec_spec = pl.BlockSpec((1, HID), lambda i: (0, 0))
    out_sds = jax.ShapeDtypeStruct((n, HID), jnp.float32)
    return pl.pallas_call(
        _node_stage_body,
        grid=(n // ROW_BLK,),
        in_specs=[row_spec,
                  full_spec, vec_spec, full_spec, vec_spec,
                  full_spec, vec_spec, vec_spec, full_spec, vec_spec,
                  full_spec, vec_spec, vec_spec, full_spec, vec_spec],
        out_specs=[row_spec] * 5,
        out_shape=[out_sds] * 5,
    )(x, wam_w, wam_b.reshape(1, HID), was_w, was_b.reshape(1, HID),
      cm_supe_w, cm_supe_b.reshape(1, HID), cm_attn_w, cm_main_w,
      cm_main_b.reshape(1, HID),
      cs_supe_w, cs_supe_b.reshape(1, HID), cs_attn_w, cs_main_w,
      cs_main_b.reshape(1, HID))



E_PER_TILE = N_EDGES // NW
N_BATCH = E_PER_TILE // EB


def _make_edge_logits():
    mesh = plsc.VectorSubcoreMesh(core_axis_name="c", subcore_axis_name="s",
                                  num_cores=NC, num_subcores=NS)

    @functools.partial(
        pl.kernel,
        out_type=[jax.ShapeDtypeStruct((N_EDGES, 16), jnp.float32),
                  jax.ShapeDtypeStruct((N_EDGES, 16), jnp.float32),
                  jax.ShapeDtypeStruct((N_EDGES, HID), jnp.float32),
                  jax.ShapeDtypeStruct((N_EDGES, HID), jnp.float32)],
        mesh=mesh,
        compiler_params=pltpu.CompilerParams(needs_layout_passes=False),
        scratch_types=[
            pltpu.VMEM((2, EB), jnp.int32),
            pltpu.VMEM((2, EB), jnp.int32),
            pltpu.VMEM((EB, HID), jnp.float32),
            pltpu.VMEM((EB, HID), jnp.float32),
            pltpu.VMEM((EB, 16), jnp.float32),
            pltpu.VMEM((EB, HID), jnp.float32),
            pltpu.VMEM((EB, HID), jnp.float32),
            pltpu.SemaphoreType.DMA,
            pltpu.SemaphoreType.DMA,
            pltpu.SemaphoreType.DMA,
        ],
    )
    def edge_logits(dst_hbm, src_hbm, u1_hbm, u2_hbm, m1_hbm, m2_hbm,
                    xw_hbm, w1_hbm, w2_hbm, msg1_hbm, msg2_hbm,
                    aggv, othv, urows, xrows, wrow, mrows, msg,
                    sem1, sem2, sem3):
        cid = lax.axis_index("c")
        sid = lax.axis_index("s")
        wid = sid * NC + cid
        iota = lax.broadcasted_iota(jnp.int32, (16,), 0)
        ebase0 = wid * E_PER_TILE

        def run_conv(agg_hbm, oth_hbm, u_hbm, m_hbm, w_hbm, msg_hbm):
            def batch_body(t, carry):
                base = ebase0 + t * EB
                pltpu.sync_copy(agg_hbm.at[pl.ds(base, EB)], aggv.at[0])
                pltpu.sync_copy(oth_hbm.at[pl.ds(base, EB)], othv.at[0])
                cp1 = pltpu.async_copy(u_hbm.at[aggv.at[0]], urows, sem1)
                cp2 = pltpu.async_copy(xw_hbm.at[othv.at[0]], xrows, sem2)
                cp3 = pltpu.async_copy(m_hbm.at[othv.at[0]], mrows, sem3)
                cp1.wait()
                cp2.wait()
                cp3.wait()

                def edge_body(e, carry):
                    p = urows[e, pl.ds(0, 16)] * xrows[e, pl.ds(0, 16)]
                    for c in range(1, HID // 16):
                        p = p + (urows[e, pl.ds(c * 16, 16)]
                                 * xrows[e, pl.ds(c * 16, 16)])
                    a = jnp.sum(p)
                    wv = jnp.exp(jnp.full((16,), a, jnp.float32))
                    wrow[e, pl.ds(0, 16)] = jnp.where(iota == 0, wv, 0.0)
                    for c in range(HID // 16):
                        msg[e, pl.ds(c * 16, 16)] = (
                            mrows[e, pl.ds(c * 16, 16)] * wv)
                    return carry
                lax.fori_loop(0, EB, edge_body, 0)

                pltpu.sync_copy(wrow, w_hbm.at[pl.ds(base, EB)])
                pltpu.sync_copy(msg, msg_hbm.at[pl.ds(base, EB)])
                return carry

            lax.fori_loop(0, N_BATCH, batch_body, 0)

        run_conv(dst_hbm, src_hbm, u1_hbm, m1_hbm, w1_hbm, msg1_hbm)
        run_conv(src_hbm, dst_hbm, u2_hbm, m2_hbm, w2_hbm, msg2_hbm)

    return edge_logits


_make_edge_logits = functools.lru_cache(maxsize=None)(_make_edge_logits)



def _finish_body(m_ref, w_ref, W_ref, b_ref, o_ref):
    y = m_ref[...] / (w_ref[...][:, 0:1] + 1e-6)
    o_ref[...] = jnp.tanh(
        jnp.dot(y, W_ref[...].T, preferred_element_type=jnp.float32)
        + b_ref[...])


def _finish(outm, outw, nseg, w, b, blk):
    return pl.pallas_call(
        _finish_body,
        grid=(nseg // blk,),
        in_specs=[
            pl.BlockSpec((blk, HID), lambda i: (i, 0)),
            pl.BlockSpec((blk, 1), lambda i: (i, 0)),
            pl.BlockSpec((HID, HID), lambda i: (0, 0)),
            pl.BlockSpec((1, HID), lambda i: (0, 0)),
        ],
        out_specs=pl.BlockSpec((blk, HID), lambda i: (i, 0)),
        out_shape=jax.ShapeDtypeStruct((nseg, HID), jnp.float32),
    )(outm, outw, w, b.reshape(1, HID))


def kernel(x, edge_index, num_main, wam_w, wam_b, was_w, was_b,
           cm_supe_w, cm_supe_b, cm_attn_w, cm_attn_b, cm_main_w, cm_main_b,
           cs_supe_w, cs_supe_b, cs_attn_w, cs_attn_b, cs_main_w, cs_main_b,
           m2s_w, m2s_b, s2m_w, s2m_b):
    src = edge_index[0]
    dst = edge_index[1]
    xw, u1, m1, u2, m2 = _node_stage(
        x, wam_w, wam_b, was_w, was_b,
        cm_supe_w, cm_supe_b, cm_attn_w, cm_main_w, cm_main_b,
        cs_supe_w, cs_supe_b, cs_attn_w, cs_main_w, cs_main_b)
    w1o, w2o, msg1, msg2 = _make_edge_logits()(dst, src, u1, u2, m1, m2, xw)
    w1 = w1o[:, 0]
    w2 = w2o[:, 0]
    keep1 = dst >= N_MAIN
    seg1 = jnp.where(keep1, dst - N_MAIN, N_SUPE)
    s1 = jax.ops.segment_sum(jnp.where(keep1, w1, 0.0), seg1,
                             num_segments=N_SUPE + 8)
    acc1 = jax.ops.segment_sum(msg1, seg1, num_segments=N_SUPE + 8)
    keep2 = src < N_MAIN
    seg2 = jnp.where(keep2, src, N_MAIN)
    s2 = jax.ops.segment_sum(jnp.where(keep2, w2, 0.0), seg2,
                             num_segments=N_MAIN + 8)
    acc2 = jax.ops.segment_sum(msg2, seg2, num_segments=N_MAIN + 8)
    main_to_supe = _finish(acc1[:N_SUPE], s1[:N_SUPE, None], N_SUPE,
                           m2s_w, m2s_b, 400)
    supe_to_main = _finish(acc2[:N_MAIN], s2[:N_MAIN, None], N_MAIN,
                           s2m_w, s2m_b, 1000)
    return (supe_to_main, main_to_supe)

# --- scband reference (transcript-rebuilt; emitter-appended) ---
"""Pipeline reference for scband-transmitter-conv-29300266893458 (READ-ONLY COPY).

The authoritative reference and input builder live on the scoring server;
editing this copy changes nothing except your own understanding.
"""

import jax, jax.numpy as jnp
import numpy as np

HID = 128
N_NODES = 10000
N_EDGES = 320000
NUM_MAIN = 8000
NUM_SUPE = N_NODES - NUM_MAIN


def _lin(x, w, b):
    return x @ w.T + b


def _softmax_conv(x, src, dst, w_s, b_s, w_a, b_a, w_m, b_m, n):
    # MessagePassing with aggr='add': x_i = x[dst], x_j = x[src]
    x_i = x[dst]
    x_j = x[src]
    a = _lin(_lin(x_i, w_s, b_s) * x_j, w_a, b_a)  # [E, 1]
    a_max = jax.ops.segment_max(a, dst, num_segments=n)
    a_exp = jnp.exp(a - a_max[dst])
    a_sum = jax.ops.segment_sum(a_exp, dst, num_segments=n) + 1e-06
    attn = a_exp / a_sum[dst]
    msg = attn * _lin(x_j, w_m, b_m)
    return jax.ops.segment_sum(msg, dst, num_segments=n)


def _lin_params(k, dout, din):
    kw, kb = jax.random.split(k)
    w = jax.random.normal(kw, (dout, din), dtype=jnp.float32) * 0.05
    b = jax.random.normal(kb, (dout,), dtype=jnp.float32) * 0.05
    return w, b


def setup_inputs(seed: int = 0):
    key = jax.random.key(seed)
    ks = [jax.random.fold_in(key, i) for i in range(16)]
    inp = {}
    inp['x'] = jax.random.normal(ks[0], (N_NODES, HID), dtype=jnp.float32)
    inp['edge_index'] = jax.random.randint(ks[1], (2, N_EDGES), 0, N_NODES, dtype=jnp.int32)
    inp['num_main'] = NUM_MAIN
    inp['wam_w'], inp['wam_b'] = _lin_params(ks[2], HID, HID)
    inp['was_w'], inp['was_b'] = _lin_params(ks[3], HID, HID)
    inp['cm_supe_w'], inp['cm_supe_b'] = _lin_params(ks[4], HID, HID)
    inp['cm_attn_w'], inp['cm_attn_b'] = _lin_params(ks[5], 1, HID)
    inp['cm_main_w'], inp['cm_main_b'] = _lin_params(ks[6], HID, HID)
    inp['cs_supe_w'], inp['cs_supe_b'] = _lin_params(ks[7], HID, HID)
    inp['cs_attn_w'], inp['cs_attn_b'] = _lin_params(ks[8], 1, HID)
    inp['cs_main_w'], inp['cs_main_b'] = _lin_params(ks[9], HID, HID)
    inp['m2s_w'], inp['m2s_b'] = _lin_params(ks[10], HID, HID)
    inp['s2m_w'], inp['s2m_b'] = _lin_params(ks[11], HID, HID)
    return inp


def reference(x, edge_index, num_main, wam_w, wam_b, was_w, was_b,
              cm_supe_w, cm_supe_b, cm_attn_w, cm_attn_b, cm_main_w, cm_main_b,
              cs_supe_w, cs_supe_b, cs_attn_w, cs_attn_b, cs_main_w, cs_main_b,
              m2s_w, m2s_b, s2m_w, s2m_b):
    n = x.shape[0]
    src = edge_index[0]
    dst = edge_index[1]
    # get_split_feature (single graph in batch)
    main_feat = jax.lax.dynamic_slice_in_dim(x, num_main * 0, NUM_MAIN, axis=0)
    supe_feat = jax.lax.dynamic_slice_in_dim(x, num_main, n - NUM_MAIN, axis=0)
    # k_head = 1
    a_main = jnp.tanh(_lin(main_feat, wam_w, wam_b))
    a_supe = jnp.tanh(_lin(supe_feat, was_w, was_b))
    xw = jnp.concatenate([a_main, a_supe], axis=0)
    # W_main SoftmaxConv over edge_index
    x1 = _softmax_conv(xw, src, dst, cm_supe_w, cm_supe_b, cm_attn_w, cm_attn_b, cm_main_w, cm_main_b, n)
    k_main_to_supe = jax.lax.dynamic_slice_in_dim(x1, num_main, n - NUM_MAIN, axis=0)
    # W_supe SoftmaxConv over reversed edge_index[[1,0]]
    x2 = _softmax_conv(xw, dst, src, cs_supe_w, cs_supe_b, cs_attn_w, cs_attn_b, cs_main_w, cs_main_b, n)
    k_supe_to_main = jax.lax.dynamic_slice_in_dim(x2, num_main * 0, NUM_MAIN, axis=0)
    main_to_supe = jnp.tanh(_lin(k_main_to_supe, m2s_w, m2s_b))
    supe_to_main = jnp.tanh(_lin(k_supe_to_main, s2m_w, s2m_b))
    return (supe_to_main, main_to_supe)

if __name__ == "__main__":
    import jax
    _d = setup_inputs()
    print(jax.jit(kernel)(*tuple(_d.values())))

</pallas_src>

<mosaic_0001>
#map = affine_map<(d0, d1) -> (0)>
#map1 = affine_map<(d0, d1) -> (0, 0)>
module attributes {stable_mosaic.version = 14 : i64} {
  func.func @edge_logits(%arg0: i32, %arg1: i32, %arg2: memref<320000xi32, #tpu.memory_space<hbm>>, %arg3: memref<320000xi32, #tpu.memory_space<hbm>>, %arg4: memref<10000x128xf32, #tpu.memory_space<hbm>>, %arg5: memref<10000x128xf32, #tpu.memory_space<hbm>>, %arg6: memref<10000x128xf32, #tpu.memory_space<hbm>>, %arg7: memref<10000x128xf32, #tpu.memory_space<hbm>>, %arg8: memref<10000x128xf32, #tpu.memory_space<hbm>>, %arg9: memref<320000x16xf32, #tpu.memory_space<hbm>>, %arg10: memref<320000x16xf32, #tpu.memory_space<hbm>>, %arg11: memref<320000x128xf32, #tpu.memory_space<hbm>>, %arg12: memref<320000x128xf32, #tpu.memory_space<hbm>>, %arg13: memref<2x80xi32, #tpu.memory_space<vmem>>, %arg14: memref<2x80xi32, #tpu.memory_space<vmem>>, %arg15: memref<80x128xf32, #tpu.memory_space<vmem>>, %arg16: memref<80x128xf32, #tpu.memory_space<vmem>>, %arg17: memref<80x16xf32, #tpu.memory_space<vmem>>, %arg18: memref<80x128xf32, #tpu.memory_space<vmem>>, %arg19: memref<80x128xf32, #tpu.memory_space<vmem>>, %arg20: memref<!tpu.dma_semaphore, #tpu.memory_space<semaphore_mem>>, %arg21: memref<!tpu.dma_semaphore, #tpu.memory_space<semaphore_mem>>, %arg22: memref<!tpu.dma_semaphore, #tpu.memory_space<semaphore_mem>>) attributes {dimension_semantics = [#tpu.dimension_semantics<core_parallel>, #tpu.dimension_semantics<subcore_parallel>], iteration_bounds = array<i64: 2, 16>, scalar_prefetch = 0 : i64, scratch_operands = 10 : i64, tpu.core_type = #tpu.core_type<sc_vector_subcore>, window_params = [{transform_indices = #map}, {transform_indices = #map}, {transform_indices = #map1}, {transform_indices = #map1}, {transform_indices = #map1}, {transform_indices = #map1}, {transform_indices = #map1}, {transform_indices = #map1}, {transform_indices = #map1}, {transform_indices = #map1}, {transform_indices = #map1}]} {
    %mul3A = arith.constant 2 : i32
    %mul3A_0 = arith.muli %arg1, %mul3A : i32
    %add3A = arith.addi %mul3A_0, %arg0 : i32
    %iota3A = tpu.iota {dimensions = array<i32: 0>} : vector<16xi32>
    %mul3A_1 = arith.constant 10000 : i32
    %mul3A_2 = arith.muli %add3A, %mul3A_1 : i32
    %scan3A = arith.constant 0 : i32
    %scan3A_3 = arith.constant 0 : i32
    %scan3A_4 = arith.constant 125 : i32
    %scan3A_5 = arith.addi %scan3A_3, %scan3A_4 : i32
    %scan3A_6 = arith.constant 1 : i32
    scf.for %scan3A_14 = %scan3A_3 to %scan3A_5 step %scan3A_6  : i32 {
      %mul3A_15 = arith.constant 80 : i32
      %mul3A_16 = arith.muli %scan3A_14, %mul3A_15 : i32
      %add3A_17 = arith.addi %mul3A_2, %mul3A_16 : i32
      %run_scoped3A = arith.constant 0 : i32
      "tpu.region"() ({
        %run_scoped3A_65 = tpu.sem_alloc : memref<!tpu.dma_semaphore, #tpu.memory_space<semaphore_mem>>
        %dma_start3A_66 = arith.constant 0 : i32
        %dma_start3A_67 = tpu.memref_slice %arg13[%run_scoped3A, %dma_start3A_66] : memref<2x80xi32, #tpu.memory_space<vmem>> -> memref<1x80xi32, #tpu.memory_space<vmem>>
        %dma_start3A_68 = tpu.memref_squeeze %dma_start3A_67 : memref<1x80xi32, #tpu.memory_space<vmem>> -> memref<80xi32, #tpu.memory_space<vmem>>
        %dma_start3A_69 = tpu.memref_slice %arg2[%add3A_17] : memref<320000xi32, #tpu.memory_space<hbm>> -> memref<80xi32, #tpu.memory_space<hbm>>
        %dma_start3A_70 = arith.constant 0 : i32
        %dma_start3A_71 = tpu.memref_slice %arg13[%run_scoped3A, %dma_start3A_70] : memref<2x80xi32, #tpu.memory_space<vmem>> -> memref<1x80xi32, #tpu.memory_space<vmem>>
        %dma_start3A_72 = tpu.memref_squeeze %dma_start3A_71 : memref<1x80xi32, #tpu.memory_space<vmem>> -> memref<80xi32, #tpu.memory_space<vmem>>
        %dma_start3A_73 = tpu.memref_slice %arg2[%add3A_17] : memref<320000xi32, #tpu.memory_space<hbm>> -> memref<80xi32, #tpu.memory_space<hbm>>
        tpu.enqueue_dma source(%dma_start3A_73 : memref<80xi32, #tpu.memory_space<hbm>>) target(%dma_start3A_72 : memref<80xi32, #tpu.memory_space<vmem>>) target_semaphore(%run_scoped3A_65 : memref<!tpu.dma_semaphore, #tpu.memory_space<semaphore_mem>>)
        %dma_wait3A_74 = arith.constant 0 : i32
        %dma_wait3A_75 = tpu.memref_slice %arg13[%run_scoped3A, %dma_wait3A_74] : memref<2x80xi32, #tpu.memory_space<vmem>> -> memref<1x80xi32, #tpu.memory_space<vmem>>
        %dma_wait3A_76 = tpu.memref_squeeze %dma_wait3A_75 : memref<1x80xi32, #tpu.memory_space<vmem>> -> memref<80xi32, #tpu.memory_space<vmem>>
        %dma_wait3A_77 = tpu.memref_slice %arg2[%add3A_17] : memref<320000xi32, #tpu.memory_space<hbm>> -> memref<80xi32, #tpu.memory_space<hbm>>
        %dma_wait3A_78 = arith.constant 0 : i32
        %dma_wait3A_79 = tpu.memref_slice %arg13[%run_scoped3A, %dma_wait3A_78] : memref<2x80xi32, #tpu.memory_space<vmem>> -> memref<1x80xi32, #tpu.memory_space<vmem>>
        %dma_wait3A_80 = tpu.memref_squeeze %dma_wait3A_79 : memref<1x80xi32, #tpu.memory_space<vmem>> -> memref<80xi32, #tpu.memory_space<vmem>>
        %dma_wait3A_81 = tpu.memref_slice %arg2[%add3A_17] : memref<320000xi32, #tpu.memory_space<hbm>> -> memref<80xi32, #tpu.memory_space<hbm>>
        tpu.wait_dma2 semaphore(%run_scoped3A_65 : memref<!tpu.dma_semaphore, #tpu.memory_space<semaphore_mem>>) src(%dma_wait3A_81 : memref<80xi32, #tpu.memory_space<hbm>>) dst(%dma_wait3A_80 : memref<80xi32, #tpu.memory_space<vmem>>)
        tpu.yield
      }) : () -> ()
      %run_scoped3A_18 = arith.constant 0 : i32
      "tpu.region"() ({
        %run_scoped3A_65 = tpu.sem_alloc : memref<!tpu.dma_semaphore, #tpu.memory_space<semaphore_mem>>
        %dma_start3A_66 = arith.constant 0 : i32
        %dma_start3A_67 = tpu.memref_slice %arg14[%run_scoped3A_18, %dma_start3A_66] : memref<2x80xi32, #tpu.memory_space<vmem>> -> memref<1x80xi32, #tpu.memory_space<vmem>>
        %dma_start3A_68 = tpu.memref_squeeze %dma_start3A_67 : memref<1x80xi32, #tpu.memory_space<vmem>> -> memref<80xi32, #tpu.memory_space<vmem>>
        %dma_start3A_69 = tpu.memref_slice %arg3[%add3A_17] : memref<320000xi32, #tpu.memory_space<hbm>> -> memref<80xi32, #tpu.memory_space<hbm>>
        %dma_start3A_70 = arith.constant 0 : i32
        %dma_start3A_71 = tpu.memref_slice %arg14[%run_scoped3A_18, %dma_start3A_70] : memref<2x80xi32, #tpu.memory_space<vmem>> -> memref<1x80xi32, #tpu.memory_space<vmem>>
        %dma_start3A_72 = tpu.memref_squeeze %dma_start3A_71 : memref<1x80xi32, #tpu.memory_space<vmem>> -> memref<80xi32, #tpu.memory_space<vmem>>
        %dma_start3A_73 = tpu.memref_slice %arg3[%add3A_17] : memref<320000xi32, #tpu.memory_space<hbm>> -> memref<80xi32, #tpu.memory_space<hbm>>
        tpu.enqueue_dma source(%dma_start3A_73 : memref<80xi32, #tpu.memory_space<hbm>>) target(%dma_start3A_72 : memref<80xi32, #tpu.memory_space<vmem>>) target_semaphore(%run_scoped3A_65 : memref<!tpu.dma_semaphore, #tpu.memory_space<semaphore_mem>>)
        %dma_wait3A_74 = arith.constant 0 : i32
        %dma_wait3A_75 = tpu.memref_slice %arg14[%run_scoped3A_18, %dma_wait3A_74] : memref<2x80xi32, #tpu.memory_space<vmem>> -> memref<1x80xi32, #tpu.memory_space<vmem>>
        %dma_wait3A_76 = tpu.memref_squeeze %dma_wait3A_75 : memref<1x80xi32, #tpu.memory_space<vmem>> -> memref<80xi32, #tpu.memory_space<vmem>>
        %dma_wait3A_77 = tpu.memref_slice %arg3[%add3A_17] : memref<320000xi32, #tpu.memory_space<hbm>> -> memref<80xi32, #tpu.memory_space<hbm>>
        %dma_wait3A_78 = arith.constant 0 : i32
        %dma_wait3A_79 = tpu.memref_slice %arg14[%run_scoped3A_18, %dma_wait3A_78] : memref<2x80xi32, #tpu.memory_space<vmem>> -> memref<1x80xi32, #tpu.memory_space<vmem>>
        %dma_wait3A_80 = tpu.memref_squeeze %dma_wait3A_79 : memref<1x80xi32, #tpu.memory_space<vmem>> -> memref<80xi32, #tpu.memory_space<vmem>>
        %dma_wait3A_81 = tpu.memref_slice %arg3[%add3A_17] : memref<320000xi32, #tpu.memory_space<hbm>> -> memref<80xi32, #tpu.memory_space<hbm>>
        tpu.wait_dma2 semaphore(%run_scoped3A_65 : memref<!tpu.dma_semaphore, #tpu.memory_space<semaphore_mem>>) src(%dma_wait3A_81 : memref<80xi32, #tpu.memory_space<hbm>>) dst(%dma_wait3A_80 : memref<80xi32, #tpu.memory_space<vmem>>)
        tpu.yield
      }) : () -> ()
      %dma_start3A = arith.constant 0 : i32
      %dma_start3A_19 = arith.constant 0 : i32
      %dma_start3A_20 = tpu.memref_slice %arg13[%dma_start3A, %dma_start3A_19] : memref<2x80xi32, #tpu.memory_space<vmem>> -> memref<1x80xi32, #tpu.memory_space<vmem>>
      %dma_start3A_21 = tpu.memref_squeeze %dma_start3A_20 : memref<1x80xi32, #tpu.memory_space<vmem>> -> memref<80xi32, #tpu.memory_space<vmem>>
      %dma_start3A_22 = arith.constant 0 : i32
      %dma_start3A_23 = arith.constant 0 : i32
      %dma_start3A_24 = tpu.memref_slice %arg4[%dma_start3A_22, %dma_start3A_23] : memref<10000x128xf32, #tpu.memory_space<hbm>> -> memref<10000x128xf32, #tpu.memory_space<hbm>>
      tpu.enqueue_indirect_dma source(%dma_start3A_24 : memref<10000x128xf32, #tpu.memory_space<hbm>>) target(%arg15 : memref<80x128xf32, #tpu.memory_space<vmem>>) offsets(%dma_start3A_21 : memref<80xi32, #tpu.memory_space<vmem>>) semaphore(%arg20 : memref<!tpu.dma_semaphore, #tpu.memory_space<semaphore_mem>>)
      %dma_start3A_25 = arith.constant 0 : i32
      %dma_start3A_26 = arith.constant 0 : i32
      %dma_start3A_27 = tpu.memref_slice %arg14[%dma_start3A_25, %dma_start3A_26] : memref<2x80xi32, #tpu.memory_space<vmem>> -> memref<1x80xi32, #tpu.memory_space<vmem>>
      %dma_start3A_28 = tpu.memref_squeeze %dma_start3A_27 : memref<1x80xi32, #tpu.memory_space<vmem>> -> memref<80xi32, #tpu.memory_space<vmem>>
      %dma_start3A_29 = arith.constant 0 : i32
      %dma_start3A_30 = arith.constant 0 : i32
      %dma_start3A_31 = tpu.memref_slice %arg8[%dma_start3A_29, %dma_start3A_30] : memref<10000x128xf32, #tpu.memory_space<hbm>> -> memref<10000x128xf32, #tpu.memory_space<hbm>>
      tpu.enqueue_indirect_dma source(%dma_start3A_31 : memref<10000x128xf32, #tpu.memory_space<hbm>>) target(%arg16 : memref<80x128xf32, #tpu.memory_space<vmem>>) offsets(%dma_start3A_28 : memref<80xi32, #tpu.memory_space<vmem>>) semaphore(%arg21 : memref<!tpu.dma_semaphore, #tpu.memory_space<semaphore_mem>>)
      %dma_start3A_32 = arith.constant 0 : i32
      %dma_start3A_33 = arith.constant 0 : i32
      %dma_start3A_34 = tpu.memref_slice %arg14[%dma_start3A_32, %dma_start3A_33] : memref<2x80xi32, #tpu.memory_space<vmem>> -> memref<1x80xi32, #tpu.memory_space<vmem>>
      %dma_start3A_35 = tpu.memref_squeeze %dma_start3A_34 : memref<1x80xi32, #tpu.memory_space<vmem>> -> memref<80xi32, #tpu.memory_space<vmem>>
      %dma_start3A_36 = arith.constant 0 : i32
      %dma_start3A_37 = arith.constant 0 : i32
      %dma_start3A_38 = tpu.memref_slice %arg6[%dma_start3A_36, %dma_start3A_37] : memref<10000x128xf32, #tpu.memory_space<hbm>> -> memref<10000x128xf32, #tpu.memory_space<hbm>>
      tpu.enqueue_indirect_dma source(%dma_start3A_38 : memref<10000x128xf32, #tpu.memory_space<hbm>>) target(%arg18 : memref<80x128xf32, #tpu.memory_space<vmem>>) offsets(%dma_start3A_35 : memref<80xi32, #tpu.memory_space<vmem>>) semaphore(%arg22 : memref<!tpu.dma_semaphore, #tpu.memory_space<semaphore_mem>>)
      %dma_wait3A = arith.constant 0 : i32
      %dma_wait3A_39 = arith.constant 0 : i32
      %dma_wait3A_40 = tpu.memref_slice %arg13[%dma_wait3A, %dma_wait3A_39] : memref<2x80xi32, #tpu.memory_space<vmem>> -> memref<1x80xi32, #tpu.memory_space<vmem>>
      %dma_wait3A_41 = tpu.memref_squeeze %dma_wait3A_40 : memref<1x80xi32, #tpu.memory_space<vmem>> -> memref<80xi32, #tpu.memory_space<vmem>>
      %dma_wait3A_42 = arith.constant 0 : i32
      %dma_wait3A_43 = arith.constant 0 : i32
      %dma_wait3A_44 = tpu.memref_slice %arg4[%dma_wait3A_42, %dma_wait3A_43] : memref<10000x128xf32, #tpu.memory_space<hbm>> -> memref<10000x128xf32, #tpu.memory_space<hbm>>
      tpu.wait_indirect_dma semaphore(%arg20 : memref<!tpu.dma_semaphore, #tpu.memory_space<semaphore_mem>>) src(%dma_wait3A_44 : memref<10000x128xf32, #tpu.memory_space<hbm>>) dst(%arg15 : memref<80x128xf32, #tpu.memory_space<vmem>>)
      %dma_wait3A_45 = arith.constant 0 : i32
      %dma_wait3A_46 = arith.constant 0 : i32
      %dma_wait3A_47 = tpu.memref_slice %arg14[%dma_wait3A_45, %dma_wait3A_46] : memref<2x80xi32, #tpu.memory_space<vmem>> -> memref<1x80xi32, #tpu.memory_space<vmem>>
      %dma_wait3A_48 = tpu.memref_squeeze %dma_wait3A_47 : memref<1x80xi32, #tpu.memory_space<vmem>> -> memref<80xi32, #tpu.memory_space<vmem>>
      %dma_wait3A_49 = arith.constant 0 : i32
      %dma_wait3A_50 = arith.constant 0 : i32
      %dma_wait3A_51 = tpu.memref_slice %arg8[%dma_wait3A_49, %dma_wait3A_50] : memref<10000x128xf32, #tpu.memory_space<hbm>> -> memref<10000x128xf32, #tpu.memory_space<hbm>>
      tpu.wait_indirect_dma semaphore(%arg21 : memref<!tpu.dma_semaphore, #tpu.memory_space<semaphore_mem>>) src(%dma_wait3A_51 : memref<10000x128xf32, #tpu.memory_space<hbm>>) dst(%arg16 : memref<80x128xf32, #tpu.memory_space<vmem>>)
      %dma_wait3A_52 = arith.constant 0 : i32
      %dma_wait3A_53 = arith.constant 0 : i32
      %dma_wait3A_54 = tpu.memref_slice %arg14[%dma_wait3A_52, %dma_wait3A_53] : memref<2x80xi32, #tpu.memory_space<vmem>> -> memref<1x80xi32, #tpu.memory_space<vmem>>
      %dma_wait3A_55 = tpu.memref_squeeze %dma_wait3A_54 : memref<1x80xi32, #tpu.memory_space<vmem>> -> memref<80xi32, #tpu.memory_space<vmem>>
      %dma_wait3A_56 = arith.constant 0 : i32
      %dma_wait3A_57 = arith.constant 0 : i32
      %dma_wait3A_58 = tpu.memref_slice %arg6[%dma_wait3A_56, %dma_wait3A_57] : memref<10000x128xf32, #tpu.memory_space<hbm>> -> memref<10000x128xf32, #tpu.memory_space<hbm>>
      tpu.wait_indirect_dma semaphore(%arg22 : memref<!tpu.dma_semaphore, #tpu.memory_space<semaphore_mem>>) src(%dma_wait3A_58 : memref<10000x128xf32, #tpu.memory_space<hbm>>) dst(%arg18 : memref<80x128xf32, #tpu.memory_space<vmem>>)
      %scan3A_59 = arith.constant 0 : i32
      %scan3A_60 = arith.constant 0 : i32
      %scan3A_61 = arith.constant 80 : i32
      %scan3A_62 = arith.addi %scan3A_60, %scan3A_61 : i32
      %scan3A_63 = arith.constant 1 : i32
      scf.for %scan3A_65 = %scan3A_60 to %scan3A_62 step %scan3A_63  : i32 {
        %get3A = arith.index_cast %scan3A_65 : i32 to index
        %get3A_66 = arith.constant 0 : index
        %get3A_67 = tpu.vector_load %arg15[%get3A, %get3A_66] {strides = array<i32>} : memref<80x128xf32, #tpu.memory_space<vmem>>, vector<16xf32>,
        %get3A_68 = arith.index_cast %scan3A_65 : i32 to index
        %get3A_69 = arith.constant 0 : index
        %get3A_70 = tpu.vector_load %arg16[%get3A_68, %get3A_69] {strides = array<i32>} : memref<80x128xf32, #tpu.memory_space<vmem>>, vector<16xf32>,
        %mul3A_71 = arith.mulf %get3A_67, %get3A_70 : vector<16xf32>
        %get3A_72 = arith.index_cast %scan3A_65 : i32 to index
        %get3A_73 = arith.constant 16 : index
        %get3A_74 = tpu.vector_load %arg15[%get3A_72, %get3A_73] {strides = array<i32>} : memref<80x128xf32, #tpu.memory_space<vmem>>, vector<16xf32>,
        %get3A_75 = arith.index_cast %scan3A_65 : i32 to index
        %get3A_76 = arith.constant 16 : index
        %get3A_77 = tpu.vector_load %arg16[%get3A_75, %get3A_76] {strides = array<i32>} : memref<80x128xf32, #tpu.memory_space<vmem>>, vector<16xf32>,
        %mul3A_78 = arith.mulf %get3A_74, %get3A_77 : vector<16xf32>
        %add3A_79 = arith.addf %mul3A_71, %mul3A_78 : vector<16xf32>
        %get3A_80 = arith.index_cast %scan3A_65 : i32 to index
        %get3A_81 = arith.constant 32 : index
        %get3A_82 = tpu.vector_load %arg15[%get3A_80, %get3A_81] {strides = array<i32>} : memref<80x128xf32, #tpu.memory_space<vmem>>, vector<16xf32>,
        %get3A_83 = arith.index_cast %scan3A_65 : i32 to index
        %get3A_84 = arith.constant 32 : index
        %get3A_85 = tpu.vector_load %arg16[%get3A_83, %get3A_84] {strides = array<i32>} : memref<80x128xf32, #tpu.memory_space<vmem>>, vector<16xf32>,
        %mul3A_86 = arith.mulf %get3A_82, %get3A_85 : vector<16xf32>
        %add3A_87 = arith.addf %add3A_79, %mul3A_86 : vector<16xf32>
        %get3A_88 = arith.index_cast %scan3A_65 : i32 to index
        %get3A_89 = arith.constant 48 : index
        %get3A_90 = tpu.vector_load %arg15[%get3A_88, %get3A_89] {strides = array<i32>} : memref<80x128xf32, #tpu.memory_space<vmem>>, vector<16xf32>,
        %get3A_91 = arith.index_cast %scan3A_65 : i32 to index
        %get3A_92 = arith.constant 48 : index
        %get3A_93 = tpu.vector_load %arg16[%get3A_91, %get3A_92] {strides = array<i32>} : memref<80x128xf32, #tpu.memory_space<vmem>>, vector<16xf32>,
        %mul3A_94 = arith.mulf %get3A_90, %get3A_93 : vector<16xf32>
        %add3A_95 = arith.addf %add3A_87, %mul3A_94 : vector<16xf32>
        %get3A_96 = arith.index_cast %scan3A_65 : i32 to index
        %get3A_97 = arith.constant 64 : index
        %get3A_98 = tpu.vector_load %arg15[%get3A_96, %get3A_97] {strides = array<i32>} : memref<80x128xf32, #tpu.memory_space<vmem>>, vector<16xf32>,
        %get3A_99 = arith.index_cast %scan3A_65 : i32 to index
        %get3A_100 = arith.constant 64 : index
        %get3A_101 = tpu.vector_load %arg16[%get3A_99, %get3A_100] {strides = array<i32>} : memref<80x128xf32, #tpu.memory_space<vmem>>, vector<16xf32>,
        %mul3A_102 = arith.mulf %get3A_98, %get3A_101 : vector<16xf32>
        %add3A_103 = arith.addf %add3A_95, %mul3A_102 : vector<16xf32>
        %get3A_104 = arith.index_cast %scan3A_65 : i32 to index
        %get3A_105 = arith.constant 80 : index
        %get3A_106 = tpu.vector_load %arg15[%get3A_104, %get3A_105] {strides = array<i32>} : memref<80x128xf32, #tpu.memory_space<vmem>>, vector<16xf32>,
        %get3A_107 = arith.index_cast %scan3A_65 : i32 to index
        %get3A_108 = arith.constant 80 : index
        %get3A_109 = tpu.vector_load %arg16[%get3A_107, %get3A_108] {strides = array<i32>} : memref<80x128xf32, #tpu.memory_space<vmem>>, vector<16xf32>,
        %mul3A_110 = arith.mulf %get3A_106, %get3A_109 : vector<16xf32>
        %add3A_111 = arith.addf %add3A_103, %mul3A_110 : vector<16xf32>
        %get3A_112 = arith.index_cast %scan3A_65 : i32 to index
        %get3A_113 = arith.constant 96 : index
        %get3A_114 = tpu.vector_load %arg15[%get3A_112, %get3A_113] {strides = array<i32>} : memref<80x128xf32, #tpu.memory_space<vmem>>, vector<16xf32>,
        %get3A_115 = arith.index_cast %scan3A_65 : i32 to index
        %get3A_116 = arith.constant 96 : index
        %get3A_117 = tpu.vector_load %arg16[%get3A_115, %get3A_116] {strides = array<i32>} : memref<80x128xf32, #tpu.memory_space<vmem>>, vector<16xf32>,
        %mul3A_118 = arith.mulf %get3A_114, %get3A_117 : vector<16xf32>
        %add3A_119 = arith.addf %add3A_111, %mul3A_118 : vector<16xf32>
        %get3A_120 = arith.index_cast %scan3A_65 : i32 to index
        %get3A_121 = arith.constant 112 : index
        %get3A_122 = tpu.vector_load %arg15[%get3A_120, %get3A_121] {strides = array<i32>} : memref<80x128xf32, #tpu.memory_space<vmem>>, vector<16xf32>,
        %get3A_123 = arith.index_cast %scan3A_65 : i32 to index
        %get3A_124 = arith.constant 112 : index
        %get3A_125 = tpu.vector_load %arg16[%get3A_123, %get3A_124] {strides = array<i32>} : memref<80x128xf32, #tpu.memory_space<vmem>>, vector<16xf32>,
        %mul3A_126 = arith.mulf %get3A_122, %get3A_125 : vector<16xf32>
        %add3A_127 = arith.addf %add3A_119, %mul3A_126 : vector<16xf32>
        %reduce_sum3A = arith.constant true
        %reduce_sum3A_128 = vector.broadcast %reduce_sum3A : i1 to vector<16xi1>
        %reduce_sum3A_129 = tpu.scan <sum>, %add3A_127 masked %reduce_sum3A_128 : vector<16xf32>, vector<16xi1> -> vector<16xf32>
        %reduce_sum3A_130 = vector.extract %reduce_sum3A_129[15] : f32 from vector<16xf32>
        %broadcast_in_dim3A = vector.broadcast %reduce_sum3A_130 : f32 to vector<16xf32>
        %exp3A = math.exp %broadcast_in_dim3A : vector<16xf32>
        %eq3A = arith.constant 0 : i32
        %eq3A_131 = vector.broadcast %eq3A : i32 to vector<16xi32>
        %eq3A_132 = arith.cmpi eq, %iota3A, %eq3A_131 : vector<16xi32>
        %jit3A = arith.constant 0.000000e+00 : f32
        %broadcast_in_dim3A_133 = vector.broadcast %jit3A : f32 to vector<16xf32>
        %select_n3A = arith.select %eq3A_132, %exp3A, %broadcast_in_dim3A_133 : vector<16xi1>, vector<16xf32>
        %swap3A = arith.index_cast %scan3A_65 : i32 to index
        %swap3A_134 = arith.constant 0 : index
        %swap3A_135 = tpu.vector_load %arg17[%swap3A, %swap3A_134] {strides = array<i32>} : memref<80x16xf32, #tpu.memory_space<vmem>>, vector<16xf32>,
        tpu.vector_store %arg17[%swap3A, %swap3A_134], %select_n3A {strides = array<i32>} : memref<80x16xf32, #tpu.memory_space<vmem>>, vector<16xf32>,
        %get3A_136 = arith.index_cast %scan3A_65 : i32 to index
        %get3A_137 = arith.constant 0 : index
        %get3A_138 = tpu.vector_load %arg18[%get3A_136, %get3A_137] {strides = array<i32>} : memref<80x128xf32, #tpu.memory_space<vmem>>, vector<16xf32>,
        %mul3A_139 = arith.mulf %get3A_138, %exp3A : vector<16xf32>
        %swap3A_140 = arith.index_cast %scan3A_65 : i32 to index
        %swap3A_141 = arith.constant 0 : index
        %swap3A_142 = tpu.vector_load %arg19[%swap3A_140, %swap3A_141] {strides = array<i32>} : memref<80x128xf32, #tpu.memory_space<vmem>>, vector<16xf32>,
        tpu.vector_store %arg19[%swap3A_140, %swap3A_141], %mul3A_139 {strides = array<i32>} : memref<80x128xf32, #tpu.memory_space<vmem>>, vector<16xf32>,
        %get3A_143 = arith.index_cast %scan3A_65 : i32 to index
        %get3A_144 = arith.constant 16 : index
        %get3A_145 = tpu.vector_load %arg18[%get3A_143, %get3A_144] {strides = array<i32>} : memref<80x128xf32, #tpu.memory_space<vmem>>, vector<16xf32>,
        %mul3A_146 = arith.mulf %get3A_145, %exp3A : vector<16xf32>
        %swap3A_147 = arith.index_cast %scan3A_65 : i32 to index
        %swap3A_148 = arith.constant 16 : index
        %swap3A_149 = tpu.vector_load %arg19[%swap3A_147, %swap3A_148] {strides = array<i32>} : memref<80x128xf32, #tpu.memory_space<vmem>>, vector<16xf32>,
        tpu.vector_store %arg19[%swap3A_147, %swap3A_148], %mul3A_146 {strides = array<i32>} : memref<80x128xf32, #tpu.memory_space<vmem>>, vector<16xf32>,
        %get3A_150 = arith.index_cast %scan3A_65 : i32 to index
        %get3A_151 = arith.constant 32 : index
        %get3A_152 = tpu.vector_load %arg18[%get3A_150, %get3A_151] {strides = array<i32>} : memref<80x128xf32, #tpu.memory_space<vmem>>, vector<16xf32>,
        %mul3A_153 = arith.mulf %get3A_152, %exp3A : vector<16xf32>
        %swap3A_154 = arith.index_cast %scan3A_65 : i32 to index
        %swap3A_155 = arith.constant 32 : index
        %swap3A_156 = tpu.vector_load %arg19[%swap3A_154, %swap3A_155] {strides = array<i32>} : memref<80x128xf32, #tpu.memory_space<vmem>>, vector<16xf32>,
        tpu.vector_store %arg19[%swap3A_154, %swap3A_155], %mul3A_153 {strides = array<i32>} : memref<80x128xf32, #tpu.memory_space<vmem>>, vector<16xf32>,
        %get3A_157 = arith.index_cast %scan3A_65 : i32 to index
        %get3A_158 = arith.constant 48 : index
        %get3A_159 = tpu.vector_load %arg18[%get3A_157, %get3A_158] {strides = array<i32>} : memref<80x128xf32, #tpu.memory_space<vmem>>, vector<16xf32>,
        %mul3A_160 = arith.mulf %get3A_159, %exp3A : vector<16xf32>
        %swap3A_161 = arith.index_cast %scan3A_65 : i32 to index
        %swap3A_162 = arith.constant 48 : index
        %swap3A_163 = tpu.vector_load %arg19[%swap3A_161, %swap3A_162] {strides = array<i32>} : memref<80x128xf32, #tpu.memory_space<vmem>>, vector<16xf32>,
        tpu.vector_store %arg19[%swap3A_161, %swap3A_162], %mul3A_160 {strides = array<i32>} : memref<80x128xf32, #tpu.memory_space<vmem>>, vector<16xf32>,
        %get3A_164 = arith.index_cast %scan3A_65 : i32 to index
        %get3A_165 = arith.constant 64 : index
        %get3A_166 = tpu.vector_load %arg18[%get3A_164, %get3A_165] {strides = array<i32>} : memref<80x128xf32, #tpu.memory_space<vmem>>, vector<16xf32>,
        %mul3A_167 = arith.mulf %get3A_166, %exp3A : vector<16xf32>
        %swap3A_168 = arith.index_cast %scan3A_65 : i32 to index
        %swap3A_169 = arith.constant 64 : index
        %swap3A_170 = tpu.vector_load %arg19[%swap3A_168, %swap3A_169] {strides = array<i32>} : memref<80x128xf32, #tpu.memory_space<vmem>>, vector<16xf32>,
        tpu.vector_store %arg19[%swap3A_168, %swap3A_169], %mul3A_167 {strides = array<i32>} : memref<80x128xf32, #tpu.memory_space<vmem>>, vector<16xf32>,
        %get3A_171 = arith.index_cast %scan3A_65 : i32 to index
        %get3A_172 = arith.constant 80 : index
        %get3A_173 = tpu.vector_load %arg18[%get3A_171, %get3A_172] {strides = array<i32>} : memref<80x128xf32, #tpu.memory_space<vmem>>, vector<16xf32>,
        %mul3A_174 = arith.mulf %get3A_173, %exp3A : vector<16xf32>
        %swap3A_175 = arith.index_cast %scan3A_65 : i32 to index
        %swap3A_176 = arith.constant 80 : index
        %swap3A_177 = tpu.vector_load %arg19[%swap3A_175, %swap3A_176] {strides = array<i32>} : memref<80x128xf32, #tpu.memory_space<vmem>>, vector<16xf32>,
        tpu.vector_store %arg19[%swap3A_175, %swap3A_176], %mul3A_174 {strides = array<i32>} : memref<80x128xf32, #tpu.memory_space<vmem>>, vector<16xf32>,
        %get3A_178 = arith.index_cast %scan3A_65 : i32 to index
        %get3A_179 = arith.constant 96 : index
        %get3A_180 = tpu.vector_load %arg18[%get3A_178, %get3A_179] {strides = array<i32>} : memref<80x128xf32, #tpu.memory_space<vmem>>, vector<16xf32>,
        %mul3A_181 = arith.mulf %get3A_180, %exp3A : vector<16xf32>
        %swap3A_182 = arith.index_cast %scan3A_65 : i32 to index
        %swap3A_183 = arith.constant 96 : index
        %swap3A_184 = tpu.vector_load %arg19[%swap3A_182, %swap3A_183] {strides = array<i32>} : memref<80x128xf32, #tpu.memory_space<vmem>>, vector<16xf32>,
        tpu.vector_store %arg19[%swap3A_182, %swap3A_183], %mul3A_181 {strides = array<i32>} : memref<80x128xf32, #tpu.memory_space<vmem>>, vector<16xf32>,
        %get3A_185 = arith.index_cast %scan3A_65 : i32 to index
        %get3A_186 = arith.constant 112 : index
        %get3A_187 = tpu.vector_load %arg18[%get3A_185, %get3A_186] {strides = array<i32>} : memref<80x128xf32, #tpu.memory_space<vmem>>, vector<16xf32>,
        %mul3A_188 = arith.mulf %get3A_187, %exp3A : vector<16xf32>
        %swap3A_189 = arith.index_cast %scan3A_65 : i32 to index
        %swap3A_190 = arith.constant 112 : index
        %swap3A_191 = tpu.vector_load %arg19[%swap3A_189, %swap3A_190] {strides = array<i32>} : memref<80x128xf32, #tpu.memory_space<vmem>>, vector<16xf32>,
        tpu.vector_store %arg19[%swap3A_189, %swap3A_190], %mul3A_188 {strides = array<i32>} : memref<80x128xf32, #tpu.memory_space<vmem>>, vector<16xf32>,
      }
      %scan3A_64 = arith.constant 80 : i32
      "tpu.region"() ({
        %run_scoped3A_65 = tpu.sem_alloc : memref<!tpu.dma_semaphore, #tpu.memory_space<semaphore_mem>>
        %dma_start3A_66 = arith.constant 0 : i32
        %dma_start3A_67 = tpu.memref_slice %arg9[%add3A_17, %dma_start3A_66] : memref<320000x16xf32, #tpu.memory_space<hbm>> -> memref<80x16xf32, #tpu.memory_space<hbm>>
        %dma_start3A_68 = arith.constant 0 : i32
        %dma_start3A_69 = tpu.memref_slice %arg9[%add3A_17, %dma_start3A_68] : memref<320000x16xf32, #tpu.memory_space<hbm>> -> memref<80x16xf32, #tpu.memory_space<hbm>>
        tpu.enqueue_dma source(%arg17 : memref<80x16xf32, #tpu.memory_space<vmem>>) target(%dma_start3A_69 : memref<80x16xf32, #tpu.memory_space<hbm>>) target_semaphore(%run_scoped3A_65 : memref<!tpu.dma_semaphore, #tpu.memory_space<semaphore_mem>>)
        %dma_wait3A_70 = arith.constant 0 : i32
        %dma_wait3A_71 = tpu.memref_slice %arg9[%add3A_17, %dma_wait3A_70] : memref<320000x16xf32, #tpu.memory_space<hbm>> -> memref<80x16xf32, #tpu.memory_space<hbm>>
        %dma_wait3A_72 = arith.constant 0 : i32
        %dma_wait3A_73 = tpu.memref_slice %arg9[%add3A_17, %dma_wait3A_72] : memref<320000x16xf32, #tpu.memory_space<hbm>> -> memref<80x16xf32, #tpu.memory_space<hbm>>
        tpu.wait_dma2 semaphore(%run_scoped3A_65 : memref<!tpu.dma_semaphore, #tpu.memory_space<semaphore_mem>>) src(%arg17 : memref<80x16xf32, #tpu.memory_space<vmem>>) dst(%dma_wait3A_73 : memref<80x16xf32, #tpu.memory_space<hbm>>)
        tpu.yield
      }) : () -> ()
      "tpu.region"() ({
        %run_scoped3A_65 = tpu.sem_alloc : memref<!tpu.dma_semaphore, #tpu.memory_space<semaphore_mem>>
        %dma_start3A_66 = arith.constant 0 : i32
        %dma_start3A_67 = tpu.memref_slice %arg11[%add3A_17, %dma_start3A_66] : memref<320000x128xf32, #tpu.memory_space<hbm>> -> memref<80x128xf32, #tpu.memory_space<hbm>>
        %dma_start3A_68 = arith.constant 0 : i32
        %dma_start3A_69 = tpu.memref_slice %arg11[%add3A_17, %dma_start3A_68] : memref<320000x128xf32, #tpu.memory_space<hbm>> -> memref<80x128xf32, #tpu.memory_space<hbm>>
        tpu.enqueue_dma source(%arg19 : memref<80x128xf32, #tpu.memory_space<vmem>>) target(%dma_start3A_69 : memref<80x128xf32, #tpu.memory_space<hbm>>) target_semaphore(%run_scoped3A_65 : memref<!tpu.dma_semaphore, #tpu.memory_space<semaphore_mem>>)
        %dma_wait3A_70 = arith.constant 0 : i32
        %dma_wait3A_71 = tpu.memref_slice %arg11[%add3A_17, %dma_wait3A_70] : memref<320000x128xf32, #tpu.memory_space<hbm>> -> memref<80x128xf32, #tpu.memory_space<hbm>>
        %dma_wait3A_72 = arith.constant 0 : i32
        %dma_wait3A_73 = tpu.memref_slice %arg11[%add3A_17, %dma_wait3A_72] : memref<320000x128xf32, #tpu.memory_space<hbm>> -> memref<80x128xf32, #tpu.memory_space<hbm>>
        tpu.wait_dma2 semaphore(%run_scoped3A_65 : memref<!tpu.dma_semaphore, #tpu.memory_space<semaphore_mem>>) src(%arg19 : memref<80x128xf32, #tpu.memory_space<vmem>>) dst(%dma_wait3A_73 : memref<80x128xf32, #tpu.memory_space<hbm>>)
        tpu.yield
      }) : () -> ()
    }
    %scan3A_7 = arith.constant 125 : i32
    %scan3A_8 = arith.constant 0 : i32
    %scan3A_9 = arith.constant 0 : i32
    %scan3A_10 = arith.constant 125 : i32
    %scan3A_11 = arith.addi %scan3A_9, %scan3A_10 : i32
    %scan3A_12 = arith.constant 1 : i32
    scf.for %scan3A_14 = %scan3A_9 to %scan3A_11 step %scan3A_12  : i32 {
      %mul3A_15 = arith.constant 80 : i32
      %mul3A_16 = arith.muli %scan3A_14, %mul3A_15 : i32
      %add3A_17 = arith.addi %mul3A_2, %mul3A_16 : i32
      %run_scoped3A = arith.constant 0 : i32
      "tpu.region"() ({
        %run_scoped3A_65 = tpu.sem_alloc : memref<!tpu.dma_semaphore, #tpu.memory_space<semaphore_mem>>
        %dma_start3A_66 = arith.constant 0 : i32
        %dma_start3A_67 = tpu.memref_slice %arg13[%run_scoped3A, %dma_start3A_66] : memref<2x80xi32, #tpu.memory_space<vmem>> -> memref<1x80xi32, #tpu.memory_space<vmem>>
        %dma_start3A_68 = tpu.memref_squeeze %dma_start3A_67 : memref<1x80xi32, #tpu.memory_space<vmem>> -> memref<80xi32, #tpu.memory_space<vmem>>
        %dma_start3A_69 = tpu.memref_slice %arg3[%add3A_17] : memref<320000xi32, #tpu.memory_space<hbm>> -> memref<80xi32, #tpu.memory_space<hbm>>
        %dma_start3A_70 = arith.constant 0 : i32
        %dma_start3A_71 = tpu.memref_slice %arg13[%run_scoped3A, %dma_start3A_70] : memref<2x80xi32, #tpu.memory_space<vmem>> -> memref<1x80xi32, #tpu.memory_space<vmem>>
        %dma_start3A_72 = tpu.memref_squeeze %dma_start3A_71 : memref<1x80xi32, #tpu.memory_space<vmem>> -> memref<80xi32, #tpu.memory_space<vmem>>
        %dma_start3A_73 = tpu.memref_slice %arg3[%add3A_17] : memref<320000xi32, #tpu.memory_space<hbm>> -> memref<80xi32, #tpu.memory_space<hbm>>
        tpu.enqueue_dma source(%dma_start3A_73 : memref<80xi32, #tpu.memory_space<hbm>>) target(%dma_start3A_72 : memref<80xi32, #tpu.memory_space<vmem>>) target_semaphore(%run_scoped3A_65 : memref<!tpu.dma_semaphore, #tpu.memory_space<semaphore_mem>>)
        %dma_wait3A_74 = arith.constant 0 : i32
        %dma_wait3A_75 = tpu.memref_slice %arg13[%run_scoped3A, %dma_wait3A_74] : memref<2x80xi32, #tpu.memory_space<vmem>> -> memref<1x80xi32, #tpu.memory_space<vmem>>
        %dma_wait3A_76 = tpu.memref_squeeze %dma_wait3A_75 : memref<1x80xi32, #tpu.memory_space<vmem>> -> memref<80xi32, #tpu.memory_space<vmem>>
        %dma_wait3A_77 = tpu.memref_slice %arg3[%add3A_17] : memref<320000xi32, #tpu.memory_space<hbm>> -> memref<80xi32, #tpu.memory_space<hbm>>
        %dma_wait3A_78 = arith.constant 0 : i32
        %dma_wait3A_79 = tpu.memref_slice %arg13[%run_scoped3A, %dma_wait3A_78] : memref<2x80xi32, #tpu.memory_space<vmem>> -> memref<1x80xi32, #tpu.memory_space<vmem>>
        %dma_wait3A_80 = tpu.memref_squeeze %dma_wait3A_79 : memref<1x80xi32, #tpu.memory_space<vmem>> -> memref<80xi32, #tpu.memory_space<vmem>>
        %dma_wait3A_81 = tpu.memref_slice %arg3[%add3A_17] : memref<320000xi32, #tpu.memory_space<hbm>> -> memref<80xi32, #tpu.memory_space<hbm>>
        tpu.wait_dma2 semaphore(%run_scoped3A_65 : memref<!tpu.dma_semaphore, #tpu.memory_space<semaphore_mem>>) src(%dma_wait3A_81 : memref<80xi32, #tpu.memory_space<hbm>>) dst(%dma_wait3A_80 : memref<80xi32, #tpu.memory_space<vmem>>)
        tpu.yield
      }) : () -> ()
      %run_scoped3A_18 = arith.constant 0 : i32
      "tpu.region"() ({
        %run_scoped3A_65 = tpu.sem_alloc : memref<!tpu.dma_semaphore, #tpu.memory_space<semaphore_mem>>
        %dma_start3A_66 = arith.constant 0 : i32
        %dma_start3A_67 = tpu.memref_slice %arg14[%run_scoped3A_18, %dma_start3A_66] : memref<2x80xi32, #tpu.memory_space<vmem>> -> memref<1x80xi32, #tpu.memory_space<vmem>>
        %dma_start3A_68 = tpu.memref_squeeze %dma_start3A_67 : memref<1x80xi32, #tpu.memory_space<vmem>> -> memref<80xi32, #tpu.memory_space<vmem>>
        %dma_start3A_69 = tpu.memref_slice %arg2[%add3A_17] : memref<320000xi32, #tpu.memory_space<hbm>> -> memref<80xi32, #tpu.memory_space<hbm>>
        %dma_start3A_70 = arith.constant 0 : i32
        %dma_start3A_71 = tpu.memref_slice %arg14[%run_scoped3A_18, %dma_start3A_70] : memref<2x80xi32, #tpu.memory_space<vmem>> -> memref<1x80xi32, #tpu.memory_space<vmem>>
        %dma_start3A_72 = tpu.memref_squeeze %dma_start3A_71 : memref<1x80xi32, #tpu.memory_space<vmem>> -> memref<80xi32, #tpu.memory_space<vmem>>
        %dma_start3A_73 = tpu.memref_slice %arg2[%add3A_17] : memref<320000xi32, #tpu.memory_space<hbm>> -> memref<80xi32, #tpu.memory_space<hbm>>
        tpu.enqueue_dma source(%dma_start3A_73 : memref<80xi32, #tpu.memory_space<hbm>>) target(%dma_start3A_72 : memref<80xi32, #tpu.memory_space<vmem>>) target_semaphore(%run_scoped3A_65 : memref<!tpu.dma_semaphore, #tpu.memory_space<semaphore_mem>>)
        %dma_wait3A_74 = arith.constant 0 : i32
        %dma_wait3A_75 = tpu.memref_slice %arg14[%run_scoped3A_18, %dma_wait3A_74] : memref<2x80xi32, #tpu.memory_space<vmem>> -> memref<1x80xi32, #tpu.memory_space<vmem>>
        %dma_wait3A_76 = tpu.memref_squeeze %dma_wait3A_75 : memref<1x80xi32, #tpu.memory_space<vmem>> -> memref<80xi32, #tpu.memory_space<vmem>>
        %dma_wait3A_77 = tpu.memref_slice %arg2[%add3A_17] : memref<320000xi32, #tpu.memory_space<hbm>> -> memref<80xi32, #tpu.memory_space<hbm>>
        %dma_wait3A_78 = arith.constant 0 : i32
        %dma_wait3A_79 = tpu.memref_slice %arg14[%run_scoped3A_18, %dma_wait3A_78] : memref<2x80xi32, #tpu.memory_space<vmem>> -> memref<1x80xi32, #tpu.memory_space<vmem>>
        %dma_wait3A_80 = tpu.memref_squeeze %dma_wait3A_79 : memref<1x80xi32, #tpu.memory_space<vmem>> -> memref<80xi32, #tpu.memory_space<vmem>>
        %dma_wait3A_81 = tpu.memref_slice %arg2[%add3A_17] : memref<320000xi32, #tpu.memory_space<hbm>> -> memref<80xi32, #tpu.memory_space<hbm>>
        tpu.wait_dma2 semaphore(%run_scoped3A_65 : memref<!tpu.dma_semaphore, #tpu.memory_space<semaphore_mem>>) src(%dma_wait3A_81 : memref<80xi32, #tpu.memory_space<hbm>>) dst(%dma_wait3A_80 : memref<80xi32, #tpu.memory_space<vmem>>)
        tpu.yield
      }) : () -> ()
      %dma_start3A = arith.constant 0 : i32
      %dma_start3A_19 = arith.constant 0 : i32
      %dma_start3A_20 = tpu.memref_slice %arg13[%dma_start3A, %dma_start3A_19] : memref<2x80xi32, #tpu.memory_space<vmem>> -> memref<1x80xi32, #tpu.memory_space<vmem>>
      %dma_start3A_21 = tpu.memref_squeeze %dma_start3A_20 : memref<1x80xi32, #tpu.memory_space<vmem>> -> memref<80xi32, #tpu.memory_space<vmem>>
      %dma_start3A_22 = arith.constant 0 : i32
      %dma_start3A_23 = arith.constant 0 : i32
      %dma_start3A_24 = tpu.memref_slice %arg5[%dma_start3A_22, %dma_start3A_23] : memref<10000x128xf32, #tpu.memory_space<hbm>> -> memref<10000x128xf32, #tpu.memory_space<hbm>>
      tpu.enqueue_indirect_dma source(%dma_start3A_24 : memref<10000x128xf32, #tpu.memory_space<hbm>>) target(%arg15 : memref<80x128xf32, #tpu.memory_space<vmem>>) offsets(%dma_start3A_21 : memref<80xi32, #tpu.memory_space<vmem>>) semaphore(%arg20 : memref<!tpu.dma_semaphore, #tpu.memory_space<semaphore_mem>>)
      %dma_start3A_25 = arith.constant 0 : i32
      %dma_start3A_26 = arith.constant 0 : i32
      %dma_start3A_27 = tpu.memref_slice %arg14[%dma_start3A_25, %dma_start3A_26] : memref<2x80xi32, #tpu.memory_space<vmem>> -> memref<1x80xi32, #tpu.memory_space<vmem>>
      %dma_start3A_28 = tpu.memref_squeeze %dma_start3A_27 : memref<1x80xi32, #tpu.memory_space<vmem>> -> memref<80xi32, #tpu.memory_space<vmem>>
      %dma_start3A_29 = arith.constant 0 : i32
      %dma_start3A_30 = arith.constant 0 : i32
      %dma_start3A_31 = tpu.memref_slice %arg8[%dma_start3A_29, %dma_start3A_30] : memref<10000x128xf32, #tpu.memory_space<hbm>> -> memref<10000x128xf32, #tpu.memory_space<hbm>>
      tpu.enqueue_indirect_dma source(%dma_start3A_31 : memref<10000x128xf32, #tpu.memory_space<hbm>>) target(%arg16 : memref<80x128xf32, #tpu.memory_space<vmem>>) offsets(%dma_start3A_28 : memref<80xi32, #tpu.memory_space<vmem>>) semaphore(%arg21 : memref<!tpu.dma_semaphore, #tpu.memory_space<semaphore_mem>>)
      %dma_start3A_32 = arith.constant 0 : i32
      %dma_start3A_33 = arith.constant 0 : i32
      %dma_start3A_34 = tpu.memref_slice %arg14[%dma_start3A_32, %dma_start3A_33] : memref<2x80xi32, #tpu.memory_space<vmem>> -> memref<1x80xi32, #tpu.memory_space<vmem>>
      %dma_start3A_35 = tpu.memref_squeeze %dma_start3A_34 : memref<1x80xi32, #tpu.memory_space<vmem>> -> memref<80xi32, #tpu.memory_space<vmem>>
      %dma_start3A_36 = arith.constant 0 : i32
      %dma_start3A_37 = arith.constant 0 : i32
      %dma_start3A_38 = tpu.memref_slice %arg7[%dma_start3A_36, %dma_start3A_37] : memref<10000x128xf32, #tpu.memory_space<hbm>> -> memref<10000x128xf32, #tpu.memory_space<hbm>>
      tpu.enqueue_indirect_dma source(%dma_start3A_38 : memref<10000x128xf32, #tpu.memory_space<hbm>>) target(%arg18 : memref<80x128xf32, #tpu.memory_space<vmem>>) offsets(%dma_start3A_35 : memref<80xi32, #tpu.memory_space<vmem>>) semaphore(%arg22 : memref<!tpu.dma_semaphore, #tpu.memory_space<semaphore_mem>>)
      %dma_wait3A = arith.constant 0 : i32
      %dma_wait3A_39 = arith.constant 0 : i32
      %dma_wait3A_40 = tpu.memref_slice %arg13[%dma_wait3A, %dma_wait3A_39] : memref<2x80xi32, #tpu.memory_space<vmem>> -> memref<1x80xi32, #tpu.memory_space<vmem>>
      %dma_wait3A_41 = tpu.memref_squeeze %dma_wait3A_40 : memref<1x80xi32, #tpu.memory_space<vmem>> -> memref<80xi32, #tpu.memory_space<vmem>>
      %dma_wait3A_42 = arith.constant 0 : i32
      %dma_wait3A_43 = arith.constant 0 : i32
      %dma_wait3A_44 = tpu.memref_slice %arg5[%dma_wait3A_42, %dma_wait3A_43] : memref<10000x128xf32, #tpu.memory_space<hbm>> -> memref<10000x128xf32, #tpu.memory_space<hbm>>
      tpu.wait_indirect_dma semaphore(%arg20 : memref<!tpu.dma_semaphore, #tpu.memory_space<semaphore_mem>>) src(%dma_wait3A_44 : memref<10000x128xf32, #tpu.memory_space<hbm>>) dst(%arg15 : memref<80x128xf32, #tpu.memory_space<vmem>>)
      %dma_wait3A_45 = arith.constant 0 : i32
      %dma_wait3A_46 = arith.constant 0 : i32
      %dma_wait3A_47 = tpu.memref_slice %arg14[%dma_wait3A_45, %dma_wait3A_46] : memref<2x80xi32, #tpu.memory_space<vmem>> -> memref<1x80xi32, #tpu.memory_space<vmem>>
      %dma_wait3A_48 = tpu.memref_squeeze %dma_wait3A_47 : memref<1x80xi32, #tpu.memory_space<vmem>> -> memref<80xi32, #tpu.memory_space<vmem>>
      %dma_wait3A_49 = arith.constant 0 : i32
      %dma_wait3A_50 = arith.constant 0 : i32
      %dma_wait3A_51 = tpu.memref_slice %arg8[%dma_wait3A_49, %dma_wait3A_50] : memref<10000x128xf32, #tpu.memory_space<hbm>> -> memref<10000x128xf32, #tpu.memory_space<hbm>>
      tpu.wait_indirect_dma semaphore(%arg21 : memref<!tpu.dma_semaphore, #tpu.memory_space<semaphore_mem>>) src(%dma_wait3A_51 : memref<10000x128xf32, #tpu.memory_space<hbm>>) dst(%arg16 : memref<80x128xf32, #tpu.memory_space<vmem>>)
      %dma_wait3A_52 = arith.constant 0 : i32
      %dma_wait3A_53 = arith.constant 0 : i32
      %dma_wait3A_54 = tpu.memref_slice %arg14[%dma_wait3A_52, %dma_wait3A_53] : memref<2x80xi32, #tpu.memory_space<vmem>> -> memref<1x80xi32, #tpu.memory_space<vmem>>
      %dma_wait3A_55 = tpu.memref_squeeze %dma_wait3A_54 : memref<1x80xi32, #tpu.memory_space<vmem>> -> memref<80xi32, #tpu.memory_space<vmem>>
      %dma_wait3A_56 = arith.constant 0 : i32
      %dma_wait3A_57 = arith.constant 0 : i32
      %dma_wait3A_58 = tpu.memref_slice %arg7[%dma_wait3A_56, %dma_wait3A_57] : memref<10000x128xf32, #tpu.memory_space<hbm>> -> memref<10000x128xf32, #tpu.memory_space<hbm>>
      tpu.wait_indirect_dma semaphore(%arg22 : memref<!tpu.dma_semaphore, #tpu.memory_space<semaphore_mem>>) src(%dma_wait3A_58 : memref<10000x128xf32, #tpu.memory_space<hbm>>) dst(%arg18 : memref<80x128xf32, #tpu.memory_space<vmem>>)
      %scan3A_59 = arith.constant 0 : i32
      %scan3A_60 = arith.constant 0 : i32
      %scan3A_61 = arith.constant 80 : i32
      %scan3A_62 = arith.addi %scan3A_60, %scan3A_61 : i32
      %scan3A_63 = arith.constant 1 : i32
      scf.for %scan3A_65 = %scan3A_60 to %scan3A_62 step %scan3A_63  : i32 {
        %get3A = arith.index_cast %scan3A_65 : i32 to index
        %get3A_66 = arith.constant 0 : index
        %get3A_67 = tpu.vector_load %arg15[%get3A, %get3A_66] {strides = array<i32>} : memref<80x128xf32, #tpu.memory_space<vmem>>, vector<16xf32>,
        %get3A_68 = arith.index_cast %scan3A_65 : i32 to index
        %get3A_69 = arith.constant 0 : index
        %get3A_70 = tpu.vector_load %arg16[%get3A_68, %get3A_69] {strides = array<i32>} : memref<80x128xf32, #tpu.memory_space<vmem>>, vector<16xf32>,
        %mul3A_71 = arith.mulf %get3A_67, %get3A_70 : vector<16xf32>
        %get3A_72 = arith.index_cast %scan3A_65 : i32 to index
        %get3A_73 = arith.constant 16 : index
        %get3A_74 = tpu.vector_load %arg15[%get3A_72, %get3A_73] {strides = array<i32>} : memref<80x128xf32, #tpu.memory_space<vmem>>, vector<16xf32>,
        %get3A_75 = arith.index_cast %scan3A_65 : i32 to index
        %get3A_76 = arith.constant 16 : index
        %get3A_77 = tpu.vector_load %arg16[%get3A_75, %get3A_76] {strides = array<i32>} : memref<80x128xf32, #tpu.memory_space<vmem>>, vector<16xf32>,
        %mul3A_78 = arith.mulf %get3A_74, %get3A_77 : vector<16xf32>
        %add3A_79 = arith.addf %mul3A_71, %mul3A_78 : vector<16xf32>
        %get3A_80 = arith.index_cast %scan3A_65 : i32 to index
        %get3A_81 = arith.constant 32 : index
        %get3A_82 = tpu.vector_load %arg15[%get3A_80, %get3A_81] {strides = array<i32>} : memref<80x128xf32, #tpu.memory_space<vmem>>, vector<16xf32>,
        %get3A_83 = arith.index_cast %scan3A_65 : i32 to index
        %get3A_84 = arith.constant 32 : index
        %get3A_85 = tpu.vector_load %arg16[%get3A_83, %get3A_84] {strides = array<i32>} : memref<80x128xf32, #tpu.memory_space<vmem>>, vector<16xf32>,
        %mul3A_86 = arith.mulf %get3A_82, %get3A_85 : vector<16xf32>
        %add3A_87 = arith.addf %add3A_79, %mul3A_86 : vector<16xf32>
        %get3A_88 = arith.index_cast %scan3A_65 : i32 to index
        %get3A_89 = arith.constant 48 : index
        %get3A_90 = tpu.vector_load %arg15[%get3A_88, %get3A_89] {strides = array<i32>} : memref<80x128xf32, #tpu.memory_space<vmem>>, vector<16xf32>,
        %get3A_91 = arith.index_cast %scan3A_65 : i32 to index
        %get3A_92 = arith.constant 48 : index
        %get3A_93 = tpu.vector_load %arg16[%get3A_91, %get3A_92] {strides = array<i32>} : memref<80x128xf32, #tpu.memory_space<vmem>>, vector<16xf32>,
        %mul3A_94 = arith.mulf %get3A_90, %get3A_93 : vector<16xf32>
        %add3A_95 = arith.addf %add3A_87, %mul3A_94 : vector<16xf32>
        %get3A_96 = arith.index_cast %scan3A_65 : i32 to index
        %get3A_97 = arith.constant 64 : index
        %get3A_98 = tpu.vector_load %arg15[%get3A_96, %get3A_97] {strides = array<i32>} : memref<80x128xf32, #tpu.memory_space<vmem>>, vector<16xf32>,
        %get3A_99 = arith.index_cast %scan3A_65 : i32 to index
        %get3A_100 = arith.constant 64 : index
        %get3A_101 = tpu.vector_load %arg16[%get3A_99, %get3A_100] {strides = array<i32>} : memref<80x128xf32, #tpu.memory_space<vmem>>, vector<16xf32>,
        %mul3A_102 = arith.mulf %get3A_98, %get3A_101 : vector<16xf32>
        %add3A_103 = arith.addf %add3A_95, %mul3A_102 : vector<16xf32>
        %get3A_104 = arith.index_cast %scan3A_65 : i32 to index
        %get3A_105 = arith.constant 80 : index
        %get3A_106 = tpu.vector_load %arg15[%get3A_104, %get3A_105] {strides = array<i32>} : memref<80x128xf32, #tpu.memory_space<vmem>>, vector<16xf32>,
        %get3A_107 = arith.index_cast %scan3A_65 : i32 to index
        %get3A_108 = arith.constant 80 : index
        %get3A_109 = tpu.vector_load %arg16[%get3A_107, %get3A_108] {strides = array<i32>} : memref<80x128xf32, #tpu.memory_space<vmem>>, vector<16xf32>,
        %mul3A_110 = arith.mulf %get3A_106, %get3A_109 : vector<16xf32>
        %add3A_111 = arith.addf %add3A_103, %mul3A_110 : vector<16xf32>
        %get3A_112 = arith.index_cast %scan3A_65 : i32 to index
        %get3A_113 = arith.constant 96 : index
        %get3A_114 = tpu.vector_load %arg15[%get3A_112, %get3A_113] {strides = array<i32>} : memref<80x128xf32, #tpu.memory_space<vmem>>, vector<16xf32>,
        %get3A_115 = arith.index_cast %scan3A_65 : i32 to index
        %get3A_116 = arith.constant 96 : index
        %get3A_117 = tpu.vector_load %arg16[%get3A_115, %get3A_116] {strides = array<i32>} : memref<80x128xf32, #tpu.memory_space<vmem>>, vector<16xf32>,
        %mul3A_118 = arith.mulf %get3A_114, %get3A_117 : vector<16xf32>
        %add3A_119 = arith.addf %add3A_111, %mul3A_118 : vector<16xf32>
        %get3A_120 = arith.index_cast %scan3A_65 : i32 to index
        %get3A_121 = arith.constant 112 : index
        %get3A_122 = tpu.vector_load %arg15[%get3A_120, %get3A_121] {strides = array<i32>} : memref<80x128xf32, #tpu.memory_space<vmem>>, vector<16xf32>,
        %get3A_123 = arith.index_cast %scan3A_65 : i32 to index
        %get3A_124 = arith.constant 112 : index
        %get3A_125 = tpu.vector_load %arg16[%get3A_123, %get3A_124] {strides = array<i32>} : memref<80x128xf32, #tpu.memory_space<vmem>>, vector<16xf32>,
        %mul3A_126 = arith.mulf %get3A_122, %get3A_125 : vector<16xf32>
        %add3A_127 = arith.addf %add3A_119, %mul3A_126 : vector<16xf32>
        %reduce_sum3A = arith.constant true
        %reduce_sum3A_128 = vector.broadcast %reduce_sum3A : i1 to vector<16xi1>
        %reduce_sum3A_129 = tpu.scan <sum>, %add3A_127 masked %reduce_sum3A_128 : vector<16xf32>, vector<16xi1> -> vector<16xf32>
        %reduce_sum3A_130 = vector.extract %reduce_sum3A_129[15] : f32 from vector<16xf32>
        %broadcast_in_dim3A = vector.broadcast %reduce_sum3A_130 : f32 to vector<16xf32>
        %exp3A = math.exp %broadcast_in_dim3A : vector<16xf32>
        %eq3A = arith.constant 0 : i32
        %eq3A_131 = vector.broadcast %eq3A : i32 to vector<16xi32>
        %eq3A_132 = arith.cmpi eq, %iota3A, %eq3A_131 : vector<16xi32>
        %jit3A = arith.constant 0.000000e+00 : f32
        %broadcast_in_dim3A_133 = vector.broadcast %jit3A : f32 to vector<16xf32>
        %select_n3A = arith.select %eq3A_132, %exp3A, %broadcast_in_dim3A_133 : vector<16xi1>, vector<16xf32>
        %swap3A = arith.index_cast %scan3A_65 : i32 to index
        %swap3A_134 = arith.constant 0 : index
        %swap3A_135 = tpu.vector_load %arg17[%swap3A, %swap3A_134] {strides = array<i32>} : memref<80x16xf32, #tpu.memory_space<vmem>>, vector<16xf32>,
        tpu.vector_store %arg17[%swap3A, %swap3A_134], %select_n3A {strides = array<i32>} : memref<80x16xf32, #tpu.memory_space<vmem>>, vector<16xf32>,
        %get3A_136 = arith.index_cast %scan3A_65 : i32 to index
        %get3A_137 = arith.constant 0 : index
        %get3A_138 = tpu.vector_load %arg18[%get3A_136, %get3A_137] {strides = array<i32>} : memref<80x128xf32, #tpu.memory_space<vmem>>, vector<16xf32>,
        %mul3A_139 = arith.mulf %get3A_138, %exp3A : vector<16xf32>
        %swap3A_140 = arith.index_cast %scan3A_65 : i32 to index
        %swap3A_141 = arith.constant 0 : index
        %swap3A_142 = tpu.vector_load %arg19[%swap3A_140, %swap3A_141] {strides = array<i32>} : memref<80x128xf32, #tpu.memory_space<vmem>>, vector<16xf32>,
        tpu.vector_store %arg19[%swap3A_140, %swap3A_141], %mul3A_139 {strides = array<i32>} : memref<80x128xf32, #tpu.memory_space<vmem>>, vector<16xf32>,
        %get3A_143 = arith.index_cast %scan3A_65 : i32 to index
        %get3A_144 = arith.constant 16 : index
        %get3A_145 = tpu.vector_load %arg18[%get3A_143, %get3A_144] {strides = array<i32>} : memref<80x128xf32, #tpu.memory_space<vmem>>, vector<16xf32>,
        %mul3A_146 = arith.mulf %get3A_145, %exp3A : vector<16xf32>
        %swap3A_147 = arith.index_cast %scan3A_65 : i32 to index
        %swap3A_148 = arith.constant 16 : index
        %swap3A_149 = tpu.vector_load %arg19[%swap3A_147, %swap3A_148] {strides = array<i32>} : memref<80x128xf32, #tpu.memory_space<vmem>>, vector<16xf32>,
        tpu.vector_store %arg19[%swap3A_147, %swap3A_148], %mul3A_146 {strides = array<i32>} : memref<80x128xf32, #tpu.memory_space<vmem>>, vector<16xf32>,
        %get3A_150 = arith.index_cast %scan3A_65 : i32 to index
        %get3A_151 = arith.constant 32 : index
        %get3A_152 = tpu.vector_load %arg18[%get3A_150, %get3A_151] {strides = array<i32>} : memref<80x128xf32, #tpu.memory_space<vmem>>, vector<16xf32>,
        %mul3A_153 = arith.mulf %get3A_152, %exp3A : vector<16xf32>
        %swap3A_154 = arith.index_cast %scan3A_65 : i32 to index
        %swap3A_155 = arith.constant 32 : index
        %swap3A_156 = tpu.vector_load %arg19[%swap3A_154, %swap3A_155] {strides = array<i32>} : memref<80x128xf32, #tpu.memory_space<vmem>>, vector<16xf32>,
        tpu.vector_store %arg19[%swap3A_154, %swap3A_155], %mul3A_153 {strides = array<i32>} : memref<80x128xf32, #tpu.memory_space<vmem>>, vector<16xf32>,
        %get3A_157 = arith.index_cast %scan3A_65 : i32 to index
        %get3A_158 = arith.constant 48 : index
        %get3A_159 = tpu.vector_load %arg18[%get3A_157, %get3A_158] {strides = array<i32>} : memref<80x128xf32, #tpu.memory_space<vmem>>, vector<16xf32>,
        %mul3A_160 = arith.mulf %get3A_159, %exp3A : vector<16xf32>
        %swap3A_161 = arith.index_cast %scan3A_65 : i32 to index
        %swap3A_162 = arith.constant 48 : index
        %swap3A_163 = tpu.vector_load %arg19[%swap3A_161, %swap3A_162] {strides = array<i32>} : memref<80x128xf32, #tpu.memory_space<vmem>>, vector<16xf32>,
        tpu.vector_store %arg19[%swap3A_161, %swap3A_162], %mul3A_160 {strides = array<i32>} : memref<80x128xf32, #tpu.memory_space<vmem>>, vector<16xf32>,
        %get3A_164 = arith.index_cast %scan3A_65 : i32 to index
        %get3A_165 = arith.constant 64 : index
        %get3A_166 = tpu.vector_load %arg18[%get3A_164, %get3A_165] {strides = array<i32>} : memref<80x128xf32, #tpu.memory_space<vmem>>, vector<16xf32>,
        %mul3A_167 = arith.mulf %get3A_166, %exp3A : vector<16xf32>
        %swap3A_168 = arith.index_cast %scan3A_65 : i32 to index
        %swap3A_169 = arith.constant 64 : index
        %swap3A_170 = tpu.vector_load %arg19[%swap3A_168, %swap3A_169] {strides = array<i32>} : memref<80x128xf32, #tpu.memory_space<vmem>>, vector<16xf32>,
        tpu.vector_store %arg19[%swap3A_168, %swap3A_169], %mul3A_167 {strides = array<i32>} : memref<80x128xf32, #tpu.memory_space<vmem>>, vector<16xf32>,
        %get3A_171 = arith.index_cast %scan3A_65 : i32 to index
        %get3A_172 = arith.constant 80 : index
        %get3A_173 = tpu.vector_load %arg18[%get3A_171, %get3A_172] {strides = array<i32>} : memref<80x128xf32, #tpu.memory_space<vmem>>, vector<16xf32>,
        %mul3A_174 = arith.mulf %get3A_173, %exp3A : vector<16xf32>
        %swap3A_175 = arith.index_cast %scan3A_65 : i32 to index
        %swap3A_176 = arith.constant 80 : index
        %swap3A_177 = tpu.vector_load %arg19[%swap3A_175, %swap3A_176] {strides = array<i32>} : memref<80x128xf32, #tpu.memory_space<vmem>>, vector<16xf32>,
        tpu.vector_store %arg19[%swap3A_175, %swap3A_176], %mul3A_174 {strides = array<i32>} : memref<80x128xf32, #tpu.memory_space<vmem>>, vector<16xf32>,
        %get3A_178 = arith.index_cast %scan3A_65 : i32 to index
        %get3A_179 = arith.constant 96 : index
        %get3A_180 = tpu.vector_load %arg18[%get3A_178, %get3A_179] {strides = array<i32>} : memref<80x128xf32, #tpu.memory_space<vmem>>, vector<16xf32>,
        %mul3A_181 = arith.mulf %get3A_180, %exp3A : vector<16xf32>
        %swap3A_182 = arith.index_cast %scan3A_65 : i32 to index
        %swap3A_183 = arith.constant 96 : index
        %swap3A_184 = tpu.vector_load %arg19[%swap3A_182, %swap3A_183] {strides = array<i32>} : memref<80x128xf32, #tpu.memory_space<vmem>>, vector<16xf32>,
        tpu.vector_store %arg19[%swap3A_182, %swap3A_183], %mul3A_181 {strides = array<i32>} : memref<80x128xf32, #tpu.memory_space<vmem>>, vector<16xf32>,
        %get3A_185 = arith.index_cast %scan3A_65 : i32 to index
        %get3A_186 = arith.constant 112 : index
        %get3A_187 = tpu.vector_load %arg18[%get3A_185, %get3A_186] {strides = array<i32>} : memref<80x128xf32, #tpu.memory_space<vmem>>, vector<16xf32>,
        %mul3A_188 = arith.mulf %get3A_187, %exp3A : vector<16xf32>
        %swap3A_189 = arith.index_cast %scan3A_65 : i32 to index
        %swap3A_190 = arith.constant 112 : index
        %swap3A_191 = tpu.vector_load %arg19[%swap3A_189, %swap3A_190] {strides = array<i32>} : memref<80x128xf32, #tpu.memory_space<vmem>>, vector<16xf32>,
        tpu.vector_store %arg19[%swap3A_189, %swap3A_190], %mul3A_188 {strides = array<i32>} : memref<80x128xf32, #tpu.memory_space<vmem>>, vector<16xf32>,
      }
      %scan3A_64 = arith.constant 80 : i32
      "tpu.region"() ({
        %run_scoped3A_65 = tpu.sem_alloc : memref<!tpu.dma_semaphore, #tpu.memory_space<semaphore_mem>>
        %dma_start3A_66 = arith.constant 0 : i32
        %dma_start3A_67 = tpu.memref_slice %arg10[%add3A_17, %dma_start3A_66] : memref<320000x16xf32, #tpu.memory_space<hbm>> -> memref<80x16xf32, #tpu.memory_space<hbm>>
        %dma_start3A_68 = arith.constant 0 : i32
        %dma_start3A_69 = tpu.memref_slice %arg10[%add3A_17, %dma_start3A_68] : memref<320000x16xf32, #tpu.memory_space<hbm>> -> memref<80x16xf32, #tpu.memory_space<hbm>>
        tpu.enqueue_dma source(%arg17 : memref<80x16xf32, #tpu.memory_space<vmem>>) target(%dma_start3A_69 : memref<80x16xf32, #tpu.memory_space<hbm>>) target_semaphore(%run_scoped3A_65 : memref<!tpu.dma_semaphore, #tpu.memory_space<semaphore_mem>>)
        %dma_wait3A_70 = arith.constant 0 : i32
        %dma_wait3A_71 = tpu.memref_slice %arg10[%add3A_17, %dma_wait3A_70] : memref<320000x16xf32, #tpu.memory_space<hbm>> -> memref<80x16xf32, #tpu.memory_space<hbm>>
        %dma_wait3A_72 = arith.constant 0 : i32
        %dma_wait3A_73 = tpu.memref_slice %arg10[%add3A_17, %dma_wait3A_72] : memref<320000x16xf32, #tpu.memory_space<hbm>> -> memref<80x16xf32, #tpu.memory_space<hbm>>
        tpu.wait_dma2 semaphore(%run_scoped3A_65 : memref<!tpu.dma_semaphore, #tpu.memory_space<semaphore_mem>>) src(%arg17 : memref<80x16xf32, #tpu.memory_space<vmem>>) dst(%dma_wait3A_73 : memref<80x16xf32, #tpu.memory_space<hbm>>)
        tpu.yield
      }) : () -> ()
      "tpu.region"() ({
        %run_scoped3A_65 = tpu.sem_alloc : memref<!tpu.dma_semaphore, #tpu.memory_space<semaphore_mem>>
        %dma_start3A_66 = arith.constant 0 : i32
        %dma_start3A_67 = tpu.memref_slice %arg12[%add3A_17, %dma_start3A_66] : memref<320000x128xf32, #tpu.memory_space<hbm>> -> memref<80x128xf32, #tpu.memory_space<hbm>>
        %dma_start3A_68 = arith.constant 0 : i32
        %dma_start3A_69 = tpu.memref_slice %arg12[%add3A_17, %dma_start3A_68] : memref<320000x128xf32, #tpu.memory_space<hbm>> -> memref<80x128xf32, #tpu.memory_space<hbm>>
        tpu.enqueue_dma source(%arg19 : memref<80x128xf32, #tpu.memory_space<vmem>>) target(%dma_start3A_69 : memref<80x128xf32, #tpu.memory_space<hbm>>) target_semaphore(%run_scoped3A_65 : memref<!tpu.dma_semaphore, #tpu.memory_space<semaphore_mem>>)
        %dma_wait3A_70 = arith.constant 0 : i32
        %dma_wait3A_71 = tpu.memref_slice %arg12[%add3A_17, %dma_wait3A_70] : memref<320000x128xf32, #tpu.memory_space<hbm>> -> memref<80x128xf32, #tpu.memory_space<hbm>>
        %dma_wait3A_72 = arith.constant 0 : i32
        %dma_wait3A_73 = tpu.memref_slice %arg12[%add3A_17, %dma_wait3A_72] : memref<320000x128xf32, #tpu.memory_space<hbm>> -> memref<80x128xf32, #tpu.memory_space<hbm>>
        tpu.wait_dma2 semaphore(%run_scoped3A_65 : memref<!tpu.dma_semaphore, #tpu.memory_space<semaphore_mem>>) src(%arg19 : memref<80x128xf32, #tpu.memory_space<vmem>>) dst(%dma_wait3A_73 : memref<80x128xf32, #tpu.memory_space<hbm>>)
        tpu.yield
      }) : () -> ()
    }
    %scan3A_13 = arith.constant 125 : i32
    return
  }
}

module attributes {stable_mosaic.version = 14 : i64} {
  func.func @_node_stage_body(%arg0: i32, %arg1: memref<1000x128xf32, #tpu.memory_space<vmem>>, %arg2: memref<128x128xf32, #tpu.memory_space<vmem>>, %arg3: memref<1x128xf32, #tpu.memory_space<vmem>>, %arg4: memref<128x128xf32, #tpu.memory_space<vmem>>, %arg5: memref<1x128xf32, #tpu.memory_space<vmem>>, %arg6: memref<128x128xf32, #tpu.memory_space<vmem>>, %arg7: memref<1x128xf32, #tpu.memory_space<vmem>>, %arg8: memref<1x128xf32, #tpu.memory_space<vmem>>, %arg9: memref<128x128xf32, #tpu.memory_space<vmem>>, %arg10: memref<1x128xf32, #tpu.memory_space<vmem>>, %arg11: memref<128x128xf32, #tpu.memory_space<vmem>>, %arg12: memref<1x128xf32, #tpu.memory_space<vmem>>, %arg13: memref<1x128xf32, #tpu.memory_space<vmem>>, %arg14: memref<128x128xf32, #tpu.memory_space<vmem>>, %arg15: memref<1x128xf32, #tpu.memory_space<vmem>>, %arg16: memref<1000x128xf32, #tpu.memory_space<vmem>>, %arg17: memref<1000x128xf32, #tpu.memory_space<vmem>>, %arg18: memref<1000x128xf32, #tpu.memory_space<vmem>>, %arg19: memref<1000x128xf32, #tpu.memory_space<vmem>>, %arg20: memref<1000x128xf32, #tpu.memory_space<vmem>>) attributes {dimension_semantics = [#tpu.dimension_semantics<arbitrary>], iteration_bounds = array<i64: 10>, scalar_prefetch = 0 : i64, scratch_operands = 0 : i64, tpu.core_type = #tpu.core_type<tc>, window_params = [{transform_indices = @transform_0, window_bounds = array<i64: 1000, 128>}, {pipeline_mode = #tpu.pipeline_mode<synchronous>, transform_indices = @transform_1, window_bounds = array<i64: 128, 128>}, {pipeline_mode = #tpu.pipeline_mode<synchronous>, transform_indices = @transform_2, window_bounds = array<i64: 1, 128>}, {pipeline_mode = #tpu.pipeline_mode<synchronous>, transform_indices = @transform_3, window_bounds = array<i64: 128, 128>}, {pipeline_mode = #tpu.pipeline_mode<synchronous>, transform_indices = @transform_4, window_bounds = array<i64: 1, 128>}, {pipeline_mode = #tpu.pipeline_mode<synchronous>, transform_indices = @transform_5, window_bounds = array<i64: 128, 128>}, {pipeline_mode = #tpu.pipeline_mode<synchronous>, transform_indices = @transform_6, window_bounds = array<i64: 1, 128>}, {pipeline_mode = #tpu.pipeline_mode<synchronous>, transform_indices = @transform_7, window_bounds = array<i64: 1, 128>}, {pipeline_mode = #tpu.pipeline_mode<synchronous>, transform_indices = @transform_8, window_bounds = array<i64: 128, 128>}, {pipeline_mode = #tpu.pipeline_mode<synchronous>, transform_indices = @transform_9, window_bounds = array<i64: 1, 128>}, {pipeline_mode = #tpu.pipeline_mode<synchronous>, transform_indices = @transform_10, window_bounds = array<i64: 128, 128>}, {pipeline_mode = #tpu.pipeline_mode<synchronous>, transform_indices = @transform_11, window_bounds = array<i64: 1, 128>}, {pipeline_mode = #tpu.pipeline_mode<synchronous>, transform_indices = @transform_12, window_bounds = array<i64: 1, 128>}, {pipeline_mode = #tpu.pipeline_mode<synchronous>, transform_indices = @transform_13, window_bounds = array<i64: 128, 128>}, {pipeline_mode = #tpu.pipeline_mode<synchronous>, transform_indices = @transform_14, window_bounds = array<i64: 1, 128>}, {transform_indices = @transform_15, window_bounds = array<i64: 1000, 128>}, {transform_indices = @transform_16, window_bounds = array<i64: 1000, 128>}, {transform_indices = @transform_17, window_bounds = array<i64: 1000, 128>}, {transform_indices = @transform_18, window_bounds = array<i64: 1000, 128>}, {transform_indices = @transform_19, window_bounds = array<i64: 1000, 128>}]} {
    %mul3A = arith.constant 1000 : i32
    %mul3A_0 = arith.muli %arg0, %mul3A : i32
    %lt3A = arith.constant 8000 : i32
    %lt3A_1 = arith.cmpi slt, %mul3A_0, %lt3A : i32
    %get3A = arith.constant 0 : index
    %get3A_2 = arith.constant 0 : index
    %get3A_3 = vector.load %arg1[%get3A, %get3A_2] : memref<1000x128xf32, #tpu.memory_space<vmem>>, vector<1000x128xf32>
    %get3A_4 = arith.constant 0 : index
    %get3A_5 = arith.constant 0 : index
    %get3A_6 = vector.load %arg2[%get3A_4, %get3A_5] : memref<128x128xf32, #tpu.memory_space<vmem>>, vector<128x128xf32>
    %get3A_7 = arith.constant 0 : index
    %get3A_8 = arith.constant 0 : index
    %get3A_9 = vector.load %arg4[%get3A_7, %get3A_8] : memref<128x128xf32, #tpu.memory_space<vmem>>, vector<128x128xf32>
    %select_n3A = arith.select %lt3A_1, %get3A_6, %get3A_9 : vector<128x128xf32>
    %get3A_10 = arith.constant 0 : index
    %get3A_11 = arith.constant 0 : index
    %get3A_12 = vector.load %arg3[%get3A_10, %get3A_11] : memref<1x128xf32, #tpu.memory_space<vmem>>, vector<1x128xf32>
    %get3A_13 = arith.constant 0 : index
    %get3A_14 = arith.constant 0 : index
    %get3A_15 = vector.load %arg5[%get3A_13, %get3A_14] : memref<1x128xf32, #tpu.memory_space<vmem>>, vector<1x128xf32>
    %select_n3A_16 = arith.select %lt3A_1, %get3A_12, %get3A_15 : vector<1x128xf32>
    %transpose3A = tpu.transpose %select_n3A, [1, 0] : vector<128x128xf32> -> vector<128x128xf32>
    %dot_general3A = arith.constant dense<0.000000e+00> : vector<1000x128xf32>
    %dot_general3A_17 = tpu.matmul %get3A_3, %transpose3A, %dot_general3A {dimension_numbers = #tpu.dot_dimension_numbers<[1], [0], [0], [1], [0, 0, 1, 1], [], []>, transpose_lhs_hint = false} : vector<1000x128xf32>, vector<128x128xf32>, vector<1000x128xf32> -> vector<1000x128xf32>
    %add3A = vector.broadcast %select_n3A_16 : vector<1x128xf32> to vector<1000x128xf32>
    %add3A_18 = arith.addf %dot_general3A_17, %add3A : vector<1000x128xf32>
    %tanh3A = math.tanh %add3A_18 : vector<1000x128xf32>
    %swap3A = arith.constant 0 : index
    %swap3A_19 = arith.constant 0 : index
    %swap3A_20 = vector.load %arg16[%swap3A, %swap3A_19] : memref<1000x128xf32, #tpu.memory_space<vmem>>, vector<1000x128xf32>
    tpu.vector_store %arg16[%swap3A, %swap3A_19], %tanh3A {strides = array<i32>} : memref<1000x128xf32, #tpu.memory_space<vmem>>, vector<1000x128xf32>,
    %get3A_21 = arith.constant 0 : index
    %get3A_22 = arith.constant 0 : index
    %get3A_23 = vector.load %arg6[%get3A_21, %get3A_22] : memref<128x128xf32, #tpu.memory_space<vmem>>, vector<128x128xf32>
    %transpose3A_24 = tpu.transpose %get3A_23, [1, 0] : vector<128x128xf32> -> vector<128x128xf32>
    %dot_general3A_25 = arith.constant dense<0.000000e+00> : vector<1000x128xf32>
    %dot_general3A_26 = tpu.matmul %tanh3A, %transpose3A_24, %dot_general3A_25 {dimension_numbers = #tpu.dot_dimension_numbers<[1], [0], [0], [1], [0, 0, 1, 1], [], []>, transpose_lhs_hint = false} : vector<1000x128xf32>, vector<128x128xf32>, vector<1000x128xf32> -> vector<1000x128xf32>
    %get3A_27 = arith.constant 0 : index
    %get3A_28 = arith.constant 0 : index
    %get3A_29 = vector.load %arg7[%get3A_27, %get3A_28] : memref<1x128xf32, #tpu.memory_space<vmem>>, vector<1x128xf32>
    %add3A_30 = vector.broadcast %get3A_29 : vector<1x128xf32> to vector<1000x128xf32>
    %add3A_31 = arith.addf %dot_general3A_26, %add3A_30 : vector<1000x128xf32>
    %get3A_32 = arith.constant 0 : index
    %get3A_33 = arith.constant 0 : index
    %get3A_34 = vector.load %arg8[%get3A_32, %get3A_33] : memref<1x128xf32, #tpu.memory_space<vmem>>, vector<1x128xf32>
    %mul3A_35 = vector.broadcast %get3A_34 : vector<1x128xf32> to vector<1000x128xf32>
    %mul3A_36 = arith.mulf %add3A_31, %mul3A_35 : vector<1000x128xf32>
    %swap3A_37 = arith.constant 0 : index
    %swap3A_38 = arith.constant 0 : index
    %swap3A_39 = vector.load %arg17[%swap3A_37, %swap3A_38] : memref<1000x128xf32, #tpu.memory_space<vmem>>, vector<1000x128xf32>
    tpu.vector_store %arg17[%swap3A_37, %swap3A_38], %mul3A_36 {strides = array<i32>} : memref<1000x128xf32, #tpu.memory_space<vmem>>, vector<1000x128xf32>,
    %get3A_40 = arith.constant 0 : index
    %get3A_41 = arith.constant 0 : index
    %get3A_42 = vector.load %arg9[%get3A_40, %get3A_41] : memref<128x128xf32, #tpu.memory_space<vmem>>, vector<128x128xf32>
    %transpose3A_43 = tpu.transpose %get3A_42, [1, 0] : vector<128x128xf32> -> vector<128x128xf32>
    %dot_general3A_44 = arith.constant dense<0.000000e+00> : vector<1000x128xf32>
    %dot_general3A_45 = tpu.matmul %tanh3A, %transpose3A_43, %dot_general3A_44 {dimension_numbers = #tpu.dot_dimension_numbers<[1], [0], [0], [1], [0, 0, 1, 1], [], []>, transpose_lhs_hint = false} : vector<1000x128xf32>, vector<128x128xf32>, vector<1000x128xf32> -> vector<1000x128xf32>
    %get3A_46 = arith.constant 0 : index
    %get3A_47 = arith.constant 0 : index
    %get3A_48 = vector.load %arg10[%get3A_46, %get3A_47] : memref<1x128xf32, #tpu.memory_space<vmem>>, vector<1x128xf32>
    %add3A_49 = vector.broadcast %get3A_48 : vector<1x128xf32> to vector<1000x128xf32>
    %add3A_50 = arith.addf %dot_general3A_45, %add3A_49 : vector<1000x128xf32>
    %swap3A_51 = arith.constant 0 : index
    %swap3A_52 = arith.constant 0 : index
    %swap3A_53 = vector.load %arg18[%swap3A_51, %swap3A_52] : memref<1000x128xf32, #tpu.memory_space<vmem>>, vector<1000x128xf32>
    tpu.vector_store %arg18[%swap3A_51, %swap3A_52], %add3A_50 {strides = array<i32>} : memref<1000x128xf32, #tpu.memory_space<vmem>>, vector<1000x128xf32>,
    %get3A_54 = arith.constant 0 : index
    %get3A_55 = arith.constant 0 : index
    %get3A_56 = vector.load %arg11[%get3A_54, %get3A_55] : memref<128x128xf32, #tpu.memory_space<vmem>>, vector<128x128xf32>
    %transpose3A_57 = tpu.transpose %get3A_56, [1, 0] : vector<128x128xf32> -> vector<128x128xf32>
    %dot_general3A_58 = arith.constant dense<0.000000e+00> : vector<1000x128xf32>
    %dot_general3A_59 = tpu.matmul %tanh3A, %transpose3A_57, %dot_general3A_58 {dimension_numbers = #tpu.dot_dimension_numbers<[1], [0], [0], [1], [0, 0, 1, 1], [], []>, transpose_lhs_hint = false} : vector<1000x128xf32>, vector<128x128xf32>, vector<1000x128xf32> -> vector<1000x128xf32>
    %get3A_60 = arith.constant 0 : index
    %get3A_61 = arith.constant 0 : index
    %get3A_62 = vector.load %arg12[%get3A_60, %get3A_61] : memref<1x128xf32, #tpu.memory_space<vmem>>, vector<1x128xf32>
    %add3A_63 = vector.broadcast %get3A_62 : vector<1x128xf32> to vector<1000x128xf32>
    %add3A_64 = arith.addf %dot_general3A_59, %add3A_63 : vector<1000x128xf32>
    %get3A_65 = arith.constant 0 : index
    %get3A_66 = arith.constant 0 : index
    %get3A_67 = vector.load %arg13[%get3A_65, %get3A_66] : memref<1x128xf32, #tpu.memory_space<vmem>>, vector<1x128xf32>
    %mul3A_68 = vector.broadcast %get3A_67 : vector<1x128xf32> to vector<1000x128xf32>
    %mul3A_69 = arith.mulf %add3A_64, %mul3A_68 : vector<1000x128xf32>
    %swap3A_70 = arith.constant 0 : index
    %swap3A_71 = arith.constant 0 : index
    %swap3A_72 = vector.load %arg19[%swap3A_70, %swap3A_71] : memref<1000x128xf32, #tpu.memory_space<vmem>>, vector<1000x128xf32>
    tpu.vector_store %arg19[%swap3A_70, %swap3A_71], %mul3A_69 {strides = array<i32>} : memref<1000x128xf32, #tpu.memory_space<vmem>>, vector<1000x128xf32>,
    %get3A_73 = arith.constant 0 : index
    %get3A_74 = arith.constant 0 : index
    %get3A_75 = vector.load %arg14[%get3A_73, %get3A_74] : memref<128x128xf32, #tpu.memory_space<vmem>>, vector<128x128xf32>
    %transpose3A_76 = tpu.transpose %get3A_75, [1, 0] : vector<128x128xf32> -> vector<128x128xf32>
    %dot_general3A_77 = arith.constant dense<0.000000e+00> : vector<1000x128xf32>
    %dot_general3A_78 = tpu.matmul %tanh3A, %transpose3A_76, %dot_general3A_77 {dimension_numbers = #tpu.dot_dimension_numbers<[1], [0], [0], [1], [0, 0, 1, 1], [], []>, transpose_lhs_hint = false} : vector<1000x128xf32>, vector<128x128xf32>, vector<1000x128xf32> -> vector<1000x128xf32>
    %get3A_79 = arith.constant 0 : index
    %get3A_80 = arith.constant 0 : index
    %get3A_81 = vector.load %arg15[%get3A_79, %get3A_80] : memref<1x128xf32, #tpu.memory_space<vmem>>, vector<1x128xf32>
    %add3A_82 = vector.broadcast %get3A_81 : vector<1x128xf32> to vector<1000x128xf32>
    %add3A_83 = arith.addf %dot_general3A_78, %add3A_82 : vector<1000x128xf32>
    %swap3A_84 = arith.constant 0 : index
    %swap3A_85 = arith.constant 0 : index
    %swap3A_86 = vector.load %arg20[%swap3A_84, %swap3A_85] : memref<1000x128xf32, #tpu.memory_space<vmem>>, vector<1000x128xf32>
    tpu.vector_store %arg20[%swap3A_84, %swap3A_85], %add3A_83 {strides = array<i32>} : memref<1000x128xf32, #tpu.memory_space<vmem>>, vector<1000x128xf32>,
    return
  }
  func.func @transform_0(%arg0: i32) -> (i32, i32) {
    %c0_i32 = arith.constant 0 : i32
    %c0_i32_0 = arith.constant 0 : i32
    return %arg0, %c0_i32 : i32, i32
  }
  func.func @transform_1(%arg0: i32) -> (i32, i32) {
    %c0_i32 = arith.constant 0 : i32
    %c0_i32_0 = arith.constant 0 : i32
    %c0_i32_1 = arith.constant 0 : i32
    return %c0_i32, %c0_i32_0 : i32, i32
  }
  func.func @transform_2(%arg0: i32) -> (i32, i32) {
    %c0_i32 = arith.constant 0 : i32
    %c0_i32_0 = arith.constant 0 : i32
    %c0_i32_1 = arith.constant 0 : i32
    return %c0_i32, %c0_i32_0 : i32, i32
  }
  func.func @transform_3(%arg0: i32) -> (i32, i32) {
    %c0_i32 = arith.constant 0 : i32
    %c0_i32_0 = arith.constant 0 : i32
    %c0_i32_1 = arith.constant 0 : i32
    return %c0_i32, %c0_i32_0 : i32, i32
  }
  func.func @transform_4(%arg0: i32) -> (i32, i32) {
    %c0_i32 = arith.constant 0 : i32
    %c0_i32_0 = arith.constant 0 : i32
    %c0_i32_1 = arith.constant 0 : i32
    return %c0_i32, %c0_i32_0 : i32, i32
  }
  func.func @transform_5(%arg0: i32) -> (i32, i32) {
    %c0_i32 = arith.constant 0 : i32
    %c0_i32_0 = arith.constant 0 : i32
    %c0_i32_1 = arith.constant 0 : i32
    return %c0_i32, %c0_i32_0 : i32, i32
  }
  func.func @transform_6(%arg0: i32) -> (i32, i32) {
    %c0_i32 = arith.constant 0 : i32
    %c0_i32_0 = arith.constant 0 : i32
    %c0_i32_1 = arith.constant 0 : i32
    return %c0_i32, %c0_i32_0 : i32, i32
  }
  func.func @transform_7(%arg0: i32) -> (i32, i32) {
    %c0_i32 = arith.constant 0 : i32
    %c0_i32_0 = arith.constant 0 : i32
    %c0_i32_1 = arith.constant 0 : i32
    return %c0_i32, %c0_i32_0 : i32, i32
  }
  func.func @transform_8(%arg0: i32) -> (i32, i32) {
    %c0_i32 = arith.constant 0 : i32
    %c0_i32_0 = arith.constant 0 : i32
    %c0_i32_1 = arith.constant 0 : i32
    return %c0_i32, %c0_i32_0 : i32, i32
  }
  func.func @transform_9(%arg0: i32) -> (i32, i32) {
    %c0_i32 = arith.constant 0 : i32
    %c0_i32_0 = arith.constant 0 : i32
    %c0_i32_1 = arith.constant 0 : i32
    return %c0_i32, %c0_i32_0 : i32, i32
  }
  func.func @transform_10(%arg0: i32) -> (i32, i32) {
    %c0_i32 = arith.constant 0 : i32
    %c0_i32_0 = arith.constant 0 : i32
    %c0_i32_1 = arith.constant 0 : i32
    return %c0_i32, %c0_i32_0 : i32, i32
  }
  func.func @transform_11(%arg0: i32) -> (i32, i32) {
    %c0_i32 = arith.constant 0 : i32
    %c0_i32_0 = arith.constant 0 : i32
    %c0_i32_1 = arith.constant 0 : i32
    return %c0_i32, %c0_i32_0 : i32, i32
  }
  func.func @transform_12(%arg0: i32) -> (i32, i32) {
    %c0_i32 = arith.constant 0 : i32
    %c0_i32_0 = arith.constant 0 : i32
    %c0_i32_1 = arith.constant 0 : i32
    return %c0_i32, %c0_i32_0 : i32, i32
  }
  func.func @transform_13(%arg0: i32) -> (i32, i32) {
    %c0_i32 = arith.constant 0 : i32
    %c0_i32_0 = arith.constant 0 : i32
    %c0_i32_1 = arith.constant 0 : i32
    return %c0_i32, %c0_i32_0 : i32, i32
  }
  func.func @transform_14(%arg0: i32) -> (i32, i32) {
    %c0_i32 = arith.constant 0 : i32
    %c0_i32_0 = arith.constant 0 : i32
    %c0_i32_1 = arith.constant 0 : i32
    return %c0_i32, %c0_i32_0 : i32, i32
  }
  func.func @transform_15(%arg0: i32) -> (i32, i32) {
    %c0_i32 = arith.constant 0 : i32
    %c0_i32_0 = arith.constant 0 : i32
    return %arg0, %c0_i32 : i32, i32
  }
  func.func @transform_16(%arg0: i32) -> (i32, i32) {
    %c0_i32 = arith.constant 0 : i32
    %c0_i32_0 = arith.constant 0 : i32
    return %arg0, %c0_i32 : i32, i32
  }
  func.func @transform_17(%arg0: i32) -> (i32, i32) {
    %c0_i32 = arith.constant 0 : i32
    %c0_i32_0 = arith.constant 0 : i32
    return %arg0, %c0_i32 : i32, i32
  }
  func.func @transform_18(%arg0: i32) -> (i32, i32) {
    %c0_i32 = arith.constant 0 : i32
    %c0_i32_0 = arith.constant 0 : i32
    return %arg0, %c0_i32 : i32, i32
  }
  func.func @transform_19(%arg0: i32) -> (i32, i32) {
    %c0_i32 = arith.constant 0 : i32
    %c0_i32_0 = arith.constant 0 : i32
    return %arg0, %c0_i32 : i32, i32
  }
}

module attributes {stable_mosaic.version = 14 : i64} {
  func.func @_finish_body(%arg0: i32, %arg1: memref<400x128xf32, #tpu.memory_space<vmem>>, %arg2: memref<400x1xf32, #tpu.memory_space<vmem>>, %arg3: memref<128x128xf32, #tpu.memory_space<vmem>>, %arg4: memref<1x128xf32, #tpu.memory_space<vmem>>, %arg5: memref<400x128xf32, #tpu.memory_space<vmem>>) attributes {dimension_semantics = [#tpu.dimension_semantics<arbitrary>], iteration_bounds = array<i64: 5>, scalar_prefetch = 0 : i64, scratch_operands = 0 : i64, tpu.core_type = #tpu.core_type<tc>, window_params = [{transform_indices = @transform_0, window_bounds = array<i64: 400, 128>}, {transform_indices = @transform_1, window_bounds = array<i64: 400, 1>}, {pipeline_mode = #tpu.pipeline_mode<synchronous>, transform_indices = @transform_2, window_bounds = array<i64: 128, 128>}, {pipeline_mode = #tpu.pipeline_mode<synchronous>, transform_indices = @transform_3, window_bounds = array<i64: 1, 128>}, {transform_indices = @transform_4, window_bounds = array<i64: 400, 128>}]} {
    %get3A = arith.constant 0 : index
    %get3A_0 = arith.constant 0 : index
    %get3A_1 = vector.load %arg1[%get3A, %get3A_0] : memref<400x128xf32, #tpu.memory_space<vmem>>, vector<400x128xf32>
    %get3A_2 = arith.constant 0 : index
    %get3A_3 = arith.constant 0 : index
    %get3A_4 = vector.load %arg2[%get3A_2, %get3A_3] : memref<400x1xf32, #tpu.memory_space<vmem>>, vector<400x1xf32>
    %add3A = arith.constant 9.99999997E-7 : f32
    %add3A_5 = vector.broadcast %add3A : f32 to vector<400x1xf32>
    %add3A_6 = arith.addf %get3A_4, %add3A_5 : vector<400x1xf32>
    %div3A = vector.broadcast %add3A_6 : vector<400x1xf32> to vector<400x128xf32>
    %div3A_7 = arith.divf %get3A_1, %div3A : vector<400x128xf32>
    %get3A_8 = arith.constant 0 : index
    %get3A_9 = arith.constant 0 : index
    %get3A_10 = vector.load %arg3[%get3A_8, %get3A_9] : memref<128x128xf32, #tpu.memory_space<vmem>>, vector<128x128xf32>
    %transpose3A = tpu.transpose %get3A_10, [1, 0] : vector<128x128xf32> -> vector<128x128xf32>
    %dot_general3A = arith.constant dense<0.000000e+00> : vector<400x128xf32>
    %dot_general3A_11 = tpu.matmul %div3A_7, %transpose3A, %dot_general3A {dimension_numbers = #tpu.dot_dimension_numbers<[1], [0], [0], [1], [0, 0, 1, 1], [], []>, transpose_lhs_hint = false} : vector<400x128xf32>, vector<128x128xf32>, vector<400x128xf32> -> vector<400x128xf32>
    %get3A_12 = arith.constant 0 : index
    %get3A_13 = arith.constant 0 : index
    %get3A_14 = vector.load %arg4[%get3A_12, %get3A_13] : memref<1x128xf32, #tpu.memory_space<vmem>>, vector<1x128xf32>
    %add3A_15 = vector.broadcast %get3A_14 : vector<1x128xf32> to vector<400x128xf32>
    %add3A_16 = arith.addf %dot_general3A_11, %add3A_15 : vector<400x128xf32>
    %tanh3A = math.tanh %add3A_16 : vector<400x128xf32>
    %swap3A = arith.constant 0 : index
    %swap3A_17 = arith.constant 0 : index
    %swap3A_18 = vector.load %arg5[%swap3A, %swap3A_17] : memref<400x128xf32, #tpu.memory_space<vmem>>, vector<400x128xf32>
    tpu.vector_store %arg5[%swap3A, %swap3A_17], %tanh3A {strides = array<i32>} : memref<400x128xf32, #tpu.memory_space<vmem>>, vector<400x128xf32>,
    return
  }
  func.func @transform_0(%arg0: i32) -> (i32, i32) {
    %c0_i32 = arith.constant 0 : i32
    %c0_i32_0 = arith.constant 0 : i32
    return %arg0, %c0_i32 : i32, i32
  }
  func.func @transform_1(%arg0: i32) -> (i32, i32) {
    %c0_i32 = arith.constant 0 : i32
    %c0_i32_0 = arith.constant 0 : i32
    return %arg0, %c0_i32 : i32, i32
  }
  func.func @transform_2(%arg0: i32) -> (i32, i32) {
    %c0_i32 = arith.constant 0 : i32
    %c0_i32_0 = arith.constant 0 : i32
    %c0_i32_1 = arith.constant 0 : i32
    return %c0_i32, %c0_i32_0 : i32, i32
  }
  func.func @transform_3(%arg0: i32) -> (i32, i32) {
    %c0_i32 = arith.constant 0 : i32
    %c0_i32_0 = arith.constant 0 : i32
    %c0_i32_1 = arith.constant 0 : i32
    return %c0_i32, %c0_i32_0 : i32, i32
  }
  func.func @transform_4(%arg0: i32) -> (i32, i32) {
    %c0_i32 = arith.constant 0 : i32
    %c0_i32_0 = arith.constant 0 : i32
    return %arg0, %c0_i32 : i32, i32
  }
}

module attributes {stable_mosaic.version = 14 : i64} {
  func.func @_finish_body(%arg0: i32, %arg1: memref<1000x128xf32, #tpu.memory_space<vmem>>, %arg2: memref<1000x1xf32, #tpu.memory_space<vmem>>, %arg3: memref<128x128xf32, #tpu.memory_space<vmem>>, %arg4: memref<1x128xf32, #tpu.memory_space<vmem>>, %arg5: memref<1000x128xf32, #tpu.memory_space<vmem>>) attributes {dimension_semantics = [#tpu.dimension_semantics<arbitrary>], iteration_bounds = array<i64: 8>, scalar_prefetch = 0 : i64, scratch_operands = 0 : i64, tpu.core_type = #tpu.core_type<tc>, window_params = [{transform_indices = @transform_0, window_bounds = array<i64: 1000, 128>}, {transform_indices = @transform_1, window_bounds = array<i64: 1000, 1>}, {pipeline_mode = #tpu.pipeline_mode<synchronous>, transform_indices = @transform_2, window_bounds = array<i64: 128, 128>}, {pipeline_mode = #tpu.pipeline_mode<synchronous>, transform_indices = @transform_3, window_bounds = array<i64: 1, 128>}, {transform_indices = @transform_4, window_bounds = array<i64: 1000, 128>}]} {
    %get3A = arith.constant 0 : index
    %get3A_0 = arith.constant 0 : index
    %get3A_1 = vector.load %arg1[%get3A, %get3A_0] : memref<1000x128xf32, #tpu.memory_space<vmem>>, vector<1000x128xf32>
    %get3A_2 = arith.constant 0 : index
    %get3A_3 = arith.constant 0 : index
    %get3A_4 = vector.load %arg2[%get3A_2, %get3A_3] : memref<1000x1xf32, #tpu.memory_space<vmem>>, vector<1000x1xf32>
    %add3A = arith.constant 9.99999997E-7 : f32
    %add3A_5 = vector.broadcast %add3A : f32 to vector<1000x1xf32>
    %add3A_6 = arith.addf %get3A_4, %add3A_5 : vector<1000x1xf32>
    %div3A = vector.broadcast %add3A_6 : vector<1000x1xf32> to vector<1000x128xf32>
    %div3A_7 = arith.divf %get3A_1, %div3A : vector<1000x128xf32>
    %get3A_8 = arith.constant 0 : index
    %get3A_9 = arith.constant 0 : index
    %get3A_10 = vector.load %arg3[%get3A_8, %get3A_9] : memref<128x128xf32, #tpu.memory_space<vmem>>, vector<128x128xf32>
    %transpose3A = tpu.transpose %get3A_10, [1, 0] : vector<128x128xf32> -> vector<128x128xf32>
    %dot_general3A = arith.constant dense<0.000000e+00> : vector<1000x128xf32>
    %dot_general3A_11 = tpu.matmul %div3A_7, %transpose3A, %dot_general3A {dimension_numbers = #tpu.dot_dimension_numbers<[1], [0], [0], [1], [0, 0, 1, 1], [], []>, transpose_lhs_hint = false} : vector<1000x128xf32>, vector<128x128xf32>, vector<1000x128xf32> -> vector<1000x128xf32>
    %get3A_12 = arith.constant 0 : index
    %get3A_13 = arith.constant 0 : index
    %get3A_14 = vector.load %arg4[%get3A_12, %get3A_13] : memref<1x128xf32, #tpu.memory_space<vmem>>, vector<1x128xf32>
    %add3A_15 = vector.broadcast %get3A_14 : vector<1x128xf32> to vector<1000x128xf32>
    %add3A_16 = arith.addf %dot_general3A_11, %add3A_15 : vector<1000x128xf32>
    %tanh3A = math.tanh %add3A_16 : vector<1000x128xf32>
    %swap3A = arith.constant 0 : index
    %swap3A_17 = arith.constant 0 : index
    %swap3A_18 = vector.load %arg5[%swap3A, %swap3A_17] : memref<1000x128xf32, #tpu.memory_space<vmem>>, vector<1000x128xf32>
    tpu.vector_store %arg5[%swap3A, %swap3A_17], %tanh3A {strides = array<i32>} : memref<1000x128xf32, #tpu.memory_space<vmem>>, vector<1000x128xf32>,
    return
  }
  func.func @transform_0(%arg0: i32) -> (i32, i32) {
    %c0_i32 = arith.constant 0 : i32
    %c0_i32_0 = arith.constant 0 : i32
    return %arg0, %c0_i32 : i32, i32
  }
  func.func @transform_1(%arg0: i32) -> (i32, i32) {
    %c0_i32 = arith.constant 0 : i32
    %c0_i32_0 = arith.constant 0 : i32
    return %arg0, %c0_i32 : i32, i32
  }
  func.func @transform_2(%arg0: i32) -> (i32, i32) {
    %c0_i32 = arith.constant 0 : i32
    %c0_i32_0 = arith.constant 0 : i32
    %c0_i32_1 = arith.constant 0 : i32
    return %c0_i32, %c0_i32_0 : i32, i32
  }
  func.func @transform_3(%arg0: i32) -> (i32, i32) {
    %c0_i32 = arith.constant 0 : i32
    %c0_i32_0 = arith.constant 0 : i32
    %c0_i32_1 = arith.constant 0 : i32
    return %c0_i32, %c0_i32_0 : i32, i32
  }
  func.func @transform_4(%arg0: i32) -> (i32, i32) {
    %c0_i32 = arith.constant 0 : i32
    %c0_i32_0 = arith.constant 0 : i32
    return %arg0, %c0_i32 : i32, i32
  }
}

</mosaic_0001>

<sc_bundles>
// kernel: kernel.6.cloned.1.call-start
scs
__scs_entry_jumppad:
0x0: {  	(pc) =	sbr.rel $0x88, $3  }
0x1: {  	(tag) =	ssettag $0x0;
	lr =	simm.s32 $0x1  }
0x2: {  	[smem:$0x3F8D] =	sst lr;
	_ =	strace $0xD0000000  }
0x3: {  	_ = 	snop  }
0x4: {  	_ = 	snop  }
0x5: {  	_ = 	snop  }
0x6: {  	_ = 	snop  }
0x7: {  	_ = 	snop  }
__scs_overlays_trampoline_lowered:
0x8: {  	[smem:$0x3F9C] =	sst s0  }
0x9: {  	[smem:$0x3F9D] =	sst s1  }
0xa: {  	[smem:$0x3F9E] =	sst s2  }
0xb: {  	[smem:$0x3F9F] =	sst s3  }
0xc: {  	[smem:$0x3FA0] =	sst s4  }
0xd: {  	[smem:$0x3FA1] =	sst s5  }
0xe: {  	[smem:$0x3FA2] =	sst s6  }
0xf: {  	[smem:$0x3FA3] =	sst s7  }
0x10: {  	[smem:$0x3FA4] =	sst s8  }
0x11: {  	[smem:$0x3FA5] =	sst s9;
	s0 =	simm.s32 @!p0 $0x0  }
0x12: {  	s1 =	sld [smem:$0x3F8B];
	s0 =	simm.s32 @p0 $0x1  }
0x13: {  	[smem:$0x3FA6] =	sst s0;
	s0 =	simm.s32 @!p1 $0x0  }
0x14: {  	s2 =	sld [smem:$0x3F8A];
	s0 =	simm.s32 @p1 $0x1  }
0x15: {  	[smem:$0x3FA7] =	sst s0;
	s0 =	simm.s32 @!p2 $0x0  }
0x16: {  	s3 =	sld [smem:$0x3FDB];
	s0 =	simm.s32 @p2 $0x1  }
0x17: {  	s4 =	simm.s32 $0x1BF5;
	[smem:$0x3FA9] =	sst s0  }
0x18: {  	s0 =	sld [smem:$0x3F8C];
	_ =	swait.ge [sflag:s4], $0x0  }
0x19: {  	s7 =	sld [smem:$0x3F8D]  }
0x1a: {  	s8 =	sadd.s32 $0xFFFFE003, lr  }
0x1b: {  	s9 =	sadd.s32 $0xFFFFFEF7, lr;
	s5 =	simm.s32 $0xFFFFFFFF;
	p2 =	slt.u32 s8, $0xFFFFF086  }
0x1c: {  	p1 =	slt.u32 s9, $0xF7A;
	s5 =	simm.s32 @!p2 $0x0  }
0x1d: {  	s5 =	simm.s32 @p1 $0x1;
	p0 =	seq.s32 s7, s2  }
0x1e: {  	s7 =	smul.u32 @!p0 $0xF7A, s2;
	p2 =	seq.s32 @!p0 s5, $0x0  }
0x1f: {  	s9 =	smul.u32 $0xF7A, s1;
	s8 =	simm.s32 @!p0 $0x1BF5;
	p2 =	por !p2, p0  }
0x20: {  	[sflag:s8] =	ssyncset.s32 @!p0 $0xFFFFF086;
	s6 =	sadd.s32 @!p0 s3, s7;
	s7 =	simm.s32 @!p0 $0x108  }
0x21: {  	s3 =	sadd.s32 s3, s9;
	s6 =	sadd.s32 @!p0 $0x88, s6;
	s7 =	simm.s32 @p2 $0x1082  }
0x22: {  	[simem:s7], [sflag:s8] =	dma.local @!p0 [hbm:s6], $0xF7A  }
0x23: {  	s9 =	sor.u32 $0xD0000000, s2;
	s6 =	simm.s32 $0x108;
	_ =	swait.ge @!p0 [sflag:s8], $0x0  }
0x24: {  	s3 =	sadd.s32 $0x88, s3;
	s6 =	simm.s32 @!p1 $0x1082;
	[sflag:s4] =	ssyncset.s32 $0xFFFFF086  }
0x25: {  	[simem:s6], [sflag:s4] =	dma.local [hbm:s3], $0xF7A  }
0x26: {  	[smem:$0x3F8D] =	sst s1;
	(tag) =	ssettag s2;
	_ =	strace s9  }
0x27: {  	s1 =	sld [smem:$0x3F9D]  }
0x28: {  	s2 =	sld [smem:$0x3F9E]  }
0x29: {  	s4 =	sld [smem:$0x3FA0]  }
0x2a: {  	p0 =	seq.s32 s5, $0x0;
	s5 =	sld [smem:$0x3FA1]  }
0x2b: {  	s6 =	sld [smem:$0x3FA2]  }
0x2c: {  	s7 =	sld [smem:$0x3FA3]  }
0x2d: {  	s3 =	simm.s32 $0x108;
	s8 =	sld [smem:$0x3FA4]  }
0x2e: {  	s3 =	simm.s32 @!p0 $0x1082;
	s9 =	sld [smem:$0x3FA5]  }
0x2f: {  	lr =	sadd.s32 s0, s3;
	s0 =	sld [smem:$0x3F9C]  }
0x30: {  	s3 =	sld [smem:$0x3F9F]  }
0x31: {  	[smem:$0x3FA8] =	sst s10  }
0x32: {  	s10 =	sld [smem:$0x3FA6];
	_ =	sdelay $0x3  }
0x33: {  	p0 =	seq.s32 s10, $0x1;
	s10 =	sld [smem:$0x3FA8];
	_ =	sdelay $0x3  }
0x34: {  	[smem:$0x3FA8] =	sst s10  }
0x35: {  	s10 =	sld [smem:$0x3FA7];
	_ =	sdelay $0x3  }
0x36: {  	p1 =	seq.s32 s10, $0x1;
	s10 =	sld [smem:$0x3FA8];
	_ =	sdelay $0x3  }
0x37: {  	[smem:$0x3FA8] =	sst s10  }
0x38: {  	s10 =	sld [smem:$0x3FA9]  }
0x39: {  	_ = 	snop;
	(pc) =	sbr.ind lr, $3  }
0x3a: {  	_ = 	snop  }
0x3b: {  	_ = 	snop  }
0x3c: {  	p2 =	seq.s32 s10, $0x1;
	s10 =	sld [smem:$0x3FA8]  }
0x3d: {  	_ =	shalt  }
0x3e: {  	_ =	shalt  }
0x3f: {  	_ =	shalt  }
0x40: {  	_ =	shalt  }
0x41: {  	_ =	shalt  }
0x42: {  	_ =	shalt  }
0x43: {  	_ =	shalt  }
0x44: {  	_ =	shalt  }
0x45: {  	_ =	shalt  }
0x46: {  	_ =	shalt  }
0x47: {  	_ =	shalt  }
0x48: {  	_ =	shalt  }
0x49: {  	_ =	shalt  }
0x4a: {  	_ =	shalt  }
0x4b: {  	_ =	shalt  }
0x4c: {  	_ =	shalt  }
0x4d: {  	_ =	shalt  }
0x4e: {  	_ =	shalt  }
0x4f: {  	_ =	shalt  }
0x50: {  	_ =	shalt  }
0x51: {  	_ =	shalt  }
0x52: {  	_ =	shalt  }
0x53: {  	_ =	shalt  }
0x54: {  	_ =	shalt  }
0x55: {  	_ =	shalt  }
0x56: {  	_ =	shalt  }
0x57: {  	_ =	shalt  }
0x58: {  	_ =	shalt  }
0x59: {  	_ =	shalt  }
0x5a: {  	_ =	shalt  }
0x5b: {  	_ =	shalt  }
0x5c: {  	_ =	shalt  }
0x5d: {  	_ =	shalt  }
0x5e: {  	_ =	shalt  }
0x5f: {  	_ =	shalt  }
0x60: {  	_ =	shalt  }
0x61: {  	_ =	shalt  }
0x62: {  	_ =	shalt  }
0x63: {  	_ =	shalt  }
0x64: {  	_ =	shalt  }
0x65: {  	_ =	shalt  }
0x66: {  	_ =	shalt  }
0x67: {  	_ =	shalt  }
0x68: {  	_ =	shalt  }
0x69: {  	_ =	shalt  }
0x6a: {  	_ =	shalt  }
0x6b: {  	_ =	shalt  }
0x6c: {  	_ =	shalt  }
0x6d: {  	_ =	shalt  }
0x6e: {  	_ =	shalt  }
0x6f: {  	_ =	shalt  }
0x70: {  	_ =	shalt  }
0x71: {  	_ =	shalt  }
0x72: {  	_ =	shalt  }
0x73: {  	_ =	shalt  }
0x74: {  	_ =	shalt  }
0x75: {  	_ =	shalt  }
0x76: {  	_ =	shalt  }
0x77: {  	_ =	shalt  }
0x78: {  	_ =	shalt  }
0x79: {  	_ =	shalt  }
0x7a: {  	_ =	shalt  }
0x7b: {  	_ =	shalt  }
0x7c: {  	_ =	shalt  }
0x7d: {  	_ =	shalt  }
0x7e: {  	_ =	shalt  }
0x7f: {  	_ =	shalt  }
0x80: {  	_ =	shalt  }
0x81: {  	_ =	shalt  }
0x82: {  	_ =	shalt  }
0x83: {  	_ =	shalt  }
0x84: {  	_ =	shalt  }
0x85: {  	_ =	shalt  }
0x86: {  	_ =	shalt  }
0x87: {  	_ =	shalt  }
.Lfunc_end0:
.L_simem_size_0:
called_computation.4_lowered:
.L_overlay_start_0:
0x88: {  	s2 =	sld [smem:$0x3FD9]  }
0x89: {  	s3 =	sld [smem:$0x3FFE];
	_ =	sdelay $0x1  }
0x8a: {  	s1 =	srdreg.scid  }
0x8b: {  	s0 =	sand.u32 $0x1, s1  }
0x8c: {  	s16 =	sshll.u32 s0, $0xA;
	s2 =	sadd.s32 s3, s2  }
0x8d: {  	s2 =	sadd.s32 s2, s16  }
0x8e: {  	[smem:$0x3FB4] =	sst s2  }
0x8f: {  	_ = 	snop  }
0x90: {  	(tm) =	ssettm $0x1  }
0x91: {  	s17 =	sld [smem:$0x3FFB];
	_ =	sdelay $0x3  }
0x92: {  	_ =	strace s17  }
0x93: {  	s2 =	sld [smem:$0x3FFC];
	_ =	sdelay $0x3  }
0x94: {  	_ =	strace s2  }
0x95: {  	s2 =	sld [smem:$0x3FFD];
	_ =	sdelay $0x3  }
0x96: {  	_ =	strace s2  }
0x97: {  	_ =	strace $0x8FFFFFFF  }
0x98: {  	s18 =	sld [smem:$0x3FDB];
	_ =	sdelay $0x1  }
0x99: {  	s19 =	simm.s32 $_scs_section_size  }
0x9a: {  	s4 =	simm.s32 $_size__tile_overlayer_lowered;
	s5 =	simm.s32 $_tile_overlayer_lowered  }
0x9b: {  	s22 =	simm.s32 $0x1BFF;
	s21 =	sshll.u32 s5, $0x1;
	s2 =	sadd.s32 s19, s18  }
0x9c: {  	s6 =	simm.s32 $0x0;
	s20 =	sshll.u32 s4, $0x1;
	s4 =	sadd.s32 s21, s2  }
0x9d: {  	[timem:s6], [sflag:s22] =	dma.local [hbm:s4], s20  }
0x9e: {  	_ =	swait.ge [sflag:s22], s20  }
0x9f: {  	s3 =	ssub.s32 $0x0, s20;
	[sflag:s22] =	ssyncset.done $0x0  }
0xa0: {  	[sflag:s22] =	ssyncadd.s32 s3;
	_ =	sdelay $0x1  }
0xa1: {  	s23 =	simm.s32 $0x1B8B  }
0xa2: {  	_ =	swait.ge [sflag:s23], $0x1  }
0xa3: {  	[sflag:s23] =	ssyncset.done $0x0  }
0xa4: {  	s25 =	simm.s32 $0x1B8E;
	s24 =	sld [smem:$0x3FFE];
	[sflag:s23] =	ssyncadd.s32 $0xFFFFFFFF  }
0xa5: {  	s26 =	simm.s32 $execute0_lowered;
	[smem:$0x3FD2] =	sst s25  }
0xa6: {  	s4 =	sshll.u32 s26, $0x1;
	_ =	strace $0x80000046;
	[dreg:$0x1] =	wrdreg $0xFFFFFFFF  }
0xa7: {  	s28 =	simm.s32 $_size_execute0_lowered;
	s2 =	sadd.s32 s2, s4;
	[dreg:$0x0] =	wrdreg $0x0  }
0xa8: {  	s4 =	sshll.u32 s28, $0x1;
	[dreg:$0x2] =	wrdreg s2  }
0xa9: {  	[dreg:$0x3] =	wrdreg s4  }
0xaa: {  	[dreg:$0x4] =	wrdreg $0xC0  }
0xab: {  	_ =	task [dreg:s6], $0x5FFFF  }
0xac: {  	[dreg:$0x1] =	wrdreg $0xFFFFFFFF  }
0xad: {  	[dreg:$0x0] =	wrdreg $0x60  }
0xae: {  	[dreg:$0x2] =	wrdreg s24  }
0xaf: {  	[dreg:$0x3] =	wrdreg $0x9  }
0xb0: {  	_ =	task.clear_ibuf [dreg:s6], $0x4FFFF;
	_ =	strace $0x90000046  }
0xb1: {  	s29 =	simm.s32 $0x9;
	_ =	strace $0x80000048  }
0xb2: {  	_ =	swait.ge [sflag:s29], $0x1  }
0xb3: {  	[sflag:s29] =	ssyncadd.s32 $0xFFFFFFFF  }
0xb4: {  	_ =	strace $0x90000048  }
0xb5: {  	_ =	sfence  }
0xb6: {  	s30 =	sld [smem:$0x0];
	_ =	sdelay $0x2  }
0xb7: {  	s31 =	sshll.u32 s1, $0xD;
	s1 =	sshrl.u32 s1, $0x2  }
0xb8: {  	s3 =	sand.u32 $0x4000, s31;
	s1 =	sadd.s32 s1, s30  }
0xb9: {  	s0 =	sor.u32 s3, s0;
	s1 =	sshll.u32 s1, $0x11  }
0xba: {  	s0 =	sor.u32 s1, s0  }
0xbb: {  	s0 =	sadd.s32 $0x8F2B, s0  }
0xbc: {  	[sflag:s0] =	ssyncadd.remote.s32 $0x1  }
0xbd: {  	_ =	sfence.sel $0xFFFF  }
0xbe: {  	[dreg:$0x0] =	wrdreg $0xFFFFFFFF;
	(pc) =	sbr.abs _section_cstart, $3  }
0xbf: {  	[dreg:$0x1] =	wrdreg $0xFFFFFFFF  }
0xc0: {  	_ =	task.clear_ibuf [dreg:s6], $0x2FFFF;
	_ =	strace $0x9FFFFFFF  }
0xc1: {  	(tm) =	ssettm $0x7FFFFFFF  }
tec
execute0_lowered:
.L_overlay_start_1:
0x0: {  	(tag) =	ssettag $0x1  }
0x1: {  	s1 =	rddreg [dreg:$0x0]  }
0x2: {  	s2 =	simm.s32 $0x0;
	s0 =	srdreg.scid;
	s12 =	stileid.u32  }
0x3: {  	s16 =	simm.s32 $0x4;
	s17 =	simm.s32 $0x100;
	s18 =	simm.s32 $0x50  }
0x4: {  	s19 =	simm.s32 $0x200;
	s20 =	simm.s32 $0x2A00;
	s21 =	simm.s32 $0x7A00  }
0x5: {  	s22 =	simm.s32 $0x1;
	s23 =	simm.s32 $0x2;
	s24 =	simm.s32 $0x3  }
0x6: {  	s25 =	simm.s32 $0x5200;
	s26 =	simm.s32 $0xA200;
	[smem:$0x7FF] =	sst s2  }
0x7: {  	s3 =	sadd.s32 $0x9E00, s1;
	s4 =	sadd.s32 $0x62000, s1;
	s5 =	sadd.s32 $0xB0400, s1  }
0x8: {  	s6 =	sadd.s32 $0x89200, s1;
	s8 =	sadd.s32 $0x13C00, s1;
	s0 =	sand.u32 $0x1, s0  }
0x9: {  	s9 =	sadd.s32 $0x3AE00, s1;
	s10 =	sadd.s32 $0x5B9600, s1;
	s7 =	ssub.s32 $0x2, s0  }
0xa: {  	s11 =	sadd.s32 $0xD7600, s1;
	s14 =	sshll.u32 s12, $0x1;
	s13 =	sshrl.u32 s7, $0x1  }
0xb: {  	s12 =	sadd.s32 $0xA9B600, s1;
	s0 =	sor.u32 s0, s14;
	s7 =	ssub.s32 s7, s13  }
0xc: {  	_ =	strace $0x80000047;
	s14 =	smul.u32 $0x2710, s0;
	s31 =	smax.u32 s7, $0x1  }
0xd: {  	vm0 =	vmmov $0x1;
	s13 =	sadd.s32 $0xF7D600, s1;
	s7 =	simm.s32 $0x0;
	[dreg:$0x2] =	wrdreg s31  }
.LBB2_1:
0xe: {  	[dreg:$0x3] =	wrdreg s7;
	s30 =	simm.s32 $0x0  }
.LBB2_2:
0xf: {  	s0 =	smul.u32 $0x50, s30;
	_ =	sdelay $0x1  }
0x10: {  	s29 =	sadd.s32 s14, s0  }
0x11: {  	s0 =	sshrl.u32 s29, $0x3  }
0x12: {  	s15 =	simm.s32 $0x0;
	s7 =	sadd.s32 s1, s0  }
0x13: {  	[tilespmem:s15], [sflag:$0x4] =	stream.linear.gather [hbm4b:s7+s15], $0x50, $0x38;
	[tilespmem:$0xCA00] =	vst v63  }
0x14: {  	_ =	swait.ge [sflag:s16], $0x50  }
0x15: {  	[sflag:s16] =	ssyncset.done $0x0  }
0x16: {  	s0 =	sadd.s32 s3, s0;
	[sflag:s16] =	ssyncadd.s32 $0xFFFFFFB0  }
0x17: {  	[tilespmem:s17], [sflag:$0x4] =	stream.linear.gather [hbm4b:s0+s15], $0x50, $0x38;
	[tilespmem:$0xCA00] =	vst v63  }
0x18: {  	_ =	swait.ge [sflag:s16], $0x50  }
0x19: {  	[sflag:s16] =	ssyncset.done $0x0  }
0x1a: {  	[sflag:s16] =	ssyncadd.s32 $0xFFFFFFB0  }
0x1b: {  	[tilespmem:s19], [sflag:$0x1] =	stream.indirect.gather [hbm4b:s4+s18], $0x80, s15, s18, $0xb8;
	[tilespmem:$0xCA00] =	vst v63  }
0x1c: {  	_ = 	snop  }
0x1d: {  	[tilespmem:s20], [sflag:$0x2] =	stream.indirect.gather [hbm4b:s9+s18], $0x80, s17, s18, $0xb8;
	[tilespmem:$0xCA00] =	vst v63  }
0x1e: {  	_ = 	snop  }
0x1f: {  	[tilespmem:s21], [sflag:$0x3] =	stream.indirect.gather [hbm4b:s6+s18], $0x80, s17, s18, $0xb8;
	[tilespmem:$0xCA00] =	vst v63  }
0x20: {  	_ =	swait.ge [sflag:s22], $0x2800  }
0x21: {  	[sflag:s22] =	ssyncset.done $0x0  }
0x22: {  	[sflag:s22] =	ssyncadd.s32 $0xFFFFD800  }
0x23: {  	_ =	swait.ge [sflag:s23], $0x2800  }
0x24: {  	[sflag:s23] =	ssyncset.done $0x0  }
0x25: {  	[sflag:s23] =	ssyncadd.s32 $0xFFFFD800  }
0x26: {  	_ =	swait.ge [sflag:s24], $0x2800  }
0x27: {  	[sflag:s24] =	ssyncset.done $0x0  }
0x28: {  	s0 =	simm.s32 $0x0;
	[sflag:s24] =	ssyncadd.s32 $0xFFFFD800  }
0x29: {  	v0 =	vld [tilespmem:s0+$0x200]  }
0x2a: {  	v1 =	vld [tilespmem:s0+$0x2A00]  }
0x2b: {  	v2 =	vld [tilespmem:s0+$0x210]  }
0x2c: {  	v3 =	vld [tilespmem:s0+$0x2A10]  }
0x2d: {  	v4 =	vld [tilespmem:s0+$0x220]  }
0x2e: {  	v5 =	vld [tilespmem:s0+$0x2A20]  }
0x2f: {  	v6 =	vld [tilespmem:s0+$0x230]  }
0x30: {  	v7 =	vld [tilespmem:s0+$0x2A30]  }
0x31: {  	v0 =	vmul.f32 v1, v0;
	v1 =	vmul.f32 v3, v2;
	v2 =	vld [tilespmem:s0+$0x240]  }
0x32: {  	v3 =	vld [tilespmem:s0+$0x2A40]  }
0x33: {  	v0 =	vadd.f32 v1, v0;
	v1 =	vmul.f32 v5, v4;
	v4 =	vld [tilespmem:s0+$0x250]  }
0x34: {  	v5 =	vld [tilespmem:s0+$0x2A50]  }
0x35: {  	v0 =	vadd.f32 v1, v0;
	v1 =	vmul.f32 v7, v6;
	v6 =	vld [tilespmem:s0+$0x260]  }
0x36: {  	v7 =	vld [tilespmem:s0+$0x2A60]  }
0x37: {  	v0 =	vadd.f32 v1, v0;
	v1 =	vmul.f32 v3, v2;
	v2 =	vld [tilespmem:s0+$0x270]  }
0x38: {  	v3 =	vld [tilespmem:s0+$0x2A70]  }
0x39: {  	v0 =	vadd.f32 v1, v0;
	v1 =	vmul.f32 v5, v4  }
0x3a: {  	v13 =	vld [tilespmem:s0+$0x7A00]  }
0x3b: {  	v16 =	vld [tilespmem:s0+$0x7A10];
	v0 =	vadd.f32 v1, v0;
	v1 =	vmul.f32 v7, v6  }
0x3c: {  	s31 =	simm.s32 $0x80;
	v19 =	vld [tilespmem:s0+$0x7A20]  }
0x3d: {  	v8 =	vld [tilespmem:s31+$0x220];
	v0 =	vadd.f32 v1, v0;
	v1 =	vmul.f32 v3, v2  }
0x3e: {  	v9 =	vld [tilespmem:s31+$0x2A20]  }
0x3f: {  	v10 =	vld [tilespmem:s31+$0x230];
	v0 =	vadd.f32 v1, v0  }
0x40: {  	v11 =	vld [tilespmem:s31+$0x2A30]  }
0x41: {  	v7 =	vld [tilespmem:s31+$0x2A10];
	(xrf2) =	vadd.scan.msk.f32 $0xffff, v0  }
0x42: {  	v2 =	vld [tilespmem:s31+$0x210]  }
0x43: {  	v1 =	vld [tilespmem:s31+$0x200]  }
0x44: {  	v0 =	vld [tilespmem:s31+$0x2A00]  }
0x45: {  	v12 =	vld [tilespmem:s31+$0x240]  }
0x46: {  	v14 =	vld [tilespmem:s31+$0x2A40]  }
0x47: {  	v15 =	vld [tilespmem:s31+$0x250]  }
0x48: {  	v17 =	vld [tilespmem:s31+$0x260]  }
0x49: {  	v18 =	vld [tilespmem:s0+$0x7A70];
	v0 =	vmul.f32 v0, v1;
	v1 =	vmul.f32 v7, v2  }
0x4a: {  	v10 =	vmul.f32 v11, v10;
	v11 =	vld [tilespmem:s31+$0x2A70]  }
0x4b: {  	v5 =	vld [tilespmem:s0+$0x7A30];
	v0 =	vadd.f32 v1, v0;
	v1 =	vmul.f32 v9, v8;
	v2, _, _ =	vpop (xrf2)  }
0x4c: {  	v7 =	vld [tilespmem:s31+$0x2A50];
	v2 =	vmul.f32 $1.442695020e+00, v2  }
0x4d: {  	v4 =	vld [tilespmem:s0+$0x7A60];
	v0 =	vadd.f32 v1, v0  }
0x4e: {  	v8 =	vld [tilespmem:s31+$0x2A60];
	v2 =	vbroadcast v2, $0xF  }
0x4f: {  	v12 =	vmul.f32 v14, v12;
	v6 =	vld [tilespmem:s0+$0x7A40];
	v10 =	vadd.f32 v10, v0  }
0x50: {  	v9 =	vld [tilespmem:s31+$0x270];
	(erf) = vpow2.f32 v2  }
0x51: {  	v3 =	vld [tilespmem:s0+$0x7A50];
	v10 =	vadd.f32 v12, v10;
	v12 =	vmul.f32 v7, v15  }
0x52: {  	v1 =	vld [tilespmem:s31+$0x7A00]  }
0x53: {  	v0 =	vld [tilespmem:s31+$0x7A20];
	v14 =	vmul.f32 v8, v17;
	v12 =	vadd.f32 v12, v10  }
0x54: {  	v8 =	vld [tilespmem:s31+$0x7A50]  }
0x55: {  	v7 =	vld [tilespmem:s31+$0x7A30];
	v12 =	vadd.f32 v14, v12;
	v14 =	vmul.f32 v11, v9  }
0x56: {  	v2 =	vld [tilespmem:s31+$0x7A10]  }
0x57: {  	v10 =	vld [tilespmem:s31+$0x7A40];
	v17 =	vadd.f32 v14, v12  }
0x58: {  	s7 =	simm.s32 $0x100;
	v9 =	vld [tilespmem:s31+$0x7A60]  }
0x59: {  	v11 =	vld [tilespmem:s7+$0x200];
	(xrf2) =	vadd.scan.msk.f32 $0xffff, v17;
	v14 =	vpop (erf)  }
0x5a: {  	v12 =	vld [tilespmem:s7+$0x2A00];
	v20 =	vnsel vm0, $0x0, v14;
	v15 =	vmul.f32 v14, v13;
	v18 =	vmul.f32 v18, v14  }
0x5b: {  	s15 =	simm.s32 $0x600;
	v13 =	vld [tilespmem:s7+$0x210];
	v17 =	vmul.f32 v14, v16;
	v16 =	vmul.f32 v14, v19;
	[tilespmem:s0+$0x5200] =	vst v20  }
.LBB2_3:
0x5c: {  	p0 =	sne.s32 s15, $0x9E00;
	v19 =	vld [tilespmem:s7+$0x2A10];
	v20 =	vmul.f32 v5, v14;
	v21 =	vmul.f32 v6, v14;
	[tilespmem:s0+$0xA270] =	vst v18;
	v5 =	vmovc v7;
	v6 =	vmov v10  }
0x5d: {  	v10 =	vmul.f32 v3, v14;
	v14 =	vmul.f32 v4, v14;
	v3 =	vmovc v8;
	v7 =	vld [tilespmem:s7+$0x220];
	[tilespmem:s0+$0xA200] =	vst v15;
	v4 =	vmov v9  }
0x5e: {  	v8 =	vld [tilespmem:s7+$0x2A20];
	[tilespmem:s0+$0xA210] =	vst v17  }
0x5f: {  	v9 =	vld [tilespmem:s7+$0x230];
	[tilespmem:s0+$0xA220] =	vst v16  }
0x60: {  	v15 =	vld [tilespmem:s7+$0x2A30];
	[tilespmem:s0+$0xA230] =	vst v20  }
0x61: {  	v17 =	vmul.f32 v12, v11;
	v12 =	vmul.f32 v19, v13;
	v13 =	vld [tilespmem:s7+$0x240];
	[tilespmem:s0+$0xA240] =	vst v21  }
0x62: {  	v16 =	vld [tilespmem:s7+$0x2A40];
	[tilespmem:s0+$0xA250] =	vst v10  }
0x63: {  	v10 =	vadd.f32 v12, v17;
	v7 =	vmul.f32 v8, v7;
	v8 =	vld [tilespmem:s7+$0x250];
	v11, _, _ =	vpop (xrf2);
	[tilespmem:s0+$0xA260] =	vst v14;
	s0 =	smov.u32 s31;
	s31 =	smov.u32 s7  }
0x64: {  	v12 =	vld [tilespmem:s31+$0x2A50];
	v11 =	vmul.f32 $1.442695020e+00, v11  }
0x65: {  	v7 =	vadd.f32 v7, v10;
	v9 =	vmul.f32 v15, v9;
	v10 =	vld [tilespmem:s31+$0x260]  }
0x66: {  	v14 =	vld [tilespmem:s31+$0x2A60];
	v11 =	vbroadcast v11, $0xF  }
0x67: {  	v7 =	vadd.f32 v9, v7;
	v9 =	vmul.f32 v16, v13;
	v13 =	vld [tilespmem:s31+$0x270]  }
0x68: {  	v15 =	vld [tilespmem:s31+$0x2A70];
	(erf) = vpow2.f32 v11  }
0x69: {  	v7 =	vadd.f32 v9, v7;
	v8 =	vmul.f32 v12, v8;
	v16 =	vld [tilespmem:s31+$0x7A00]  }
0x6a: {  	v19 =	vld [tilespmem:s31+$0x7A10]  }
0x6b: {  	v8 =	vadd.f32 v8, v7;
	v9 =	vmul.f32 v14, v10;
	v20 =	vld [tilespmem:s31+$0x7A20]  }
0x6c: {  	v7 =	vld [tilespmem:s31+$0x7A30]  }
0x6d: {  	v8 =	vadd.f32 v9, v8;
	v9 =	vmul.f32 v15, v13;
	v13 =	vld [tilespmem:s0+$0x7A70]  }
0x6e: {  	v10 =	vld [tilespmem:s31+$0x7A40]  }
.Ltmp0:
0x6f: {  	v12 =	vadd.f32 v9, v8;
	v8 =	vld [tilespmem:s31+$0x7A50];
	(pc) =	sbr.rel @p0 .LBB2_3-.Ltmp0, $4  }
0x70: {  	s7 =	sshra.s32 s15, $0x2;
	v9 =	vld [tilespmem:s31+$0x7A60]  }
0x71: {  	v11 =	vld [tilespmem:s7+$0x200];
	(xrf2) =	vadd.scan.msk.f32 $0xffff, v12;
	v14 =	vpop (erf)  }
0x72: {  	v12 =	vld [tilespmem:s7+$0x2A00];
	v17 =	vnsel vm0, $0x0, v14;
	v15 =	vmul.f32 v14, v1;
	v18 =	vmul.f32 v13, v14;
	v1 =	vmovc v16  }
0x73: {  	s15 =	sadd.s32 $0x200, s15;
	v16 =	vmul.f32 v14, v0;
	v0 =	vmovc v20;
	v13 =	vld [tilespmem:s7+$0x210];
	[tilespmem:s0+$0x5200] =	vst v17;
	v17 =	vmul.f32 v14, v2;
	v2 =	vmov v19  }
0x74: {  	v19 =	vld [tilespmem:s7+$0x2A10];
	[tilespmem:s0+$0xA270] =	vst v18  }
0x75: {  	v18 =	vld [tilespmem:s7+$0x220];
	[tilespmem:s0+$0xA200] =	vst v15  }
0x76: {  	v5 =	vmul.f32 v5, v14;
	v15 =	vld [tilespmem:s7+$0x2A20];
	[tilespmem:s0+$0xA210] =	vst v17  }
0x77: {  	v6 =	vmul.f32 v6, v14;
	v17 =	vld [tilespmem:s7+$0x230];
	[tilespmem:s0+$0xA220] =	vst v16  }
0x78: {  	v3 =	vmul.f32 v3, v14;
	v4 =	vmul.f32 v4, v14;
	v16 =	vld [tilespmem:s7+$0x2A30];
	[tilespmem:s0+$0xA230] =	vst v5  }
0x79: {  	v11 =	vmul.f32 v12, v11;
	v5 =	vld [tilespmem:s7+$0x240];
	[tilespmem:s0+$0xA240] =	vst v6;
	v30 =	vmul.f32 v19, v13  }
0x7a: {  	v6 =	vld [tilespmem:s7+$0x2A40];
	[tilespmem:s0+$0xA250] =	vst v3  }
0x7b: {  	v3 =	vld [tilespmem:s7+$0x250];
	v11 =	vadd.f32 v30, v11;
	v31 =	vmul.f32 v15, v18;
	[tilespmem:s0+$0xA260] =	vst v4  }
0x7c: {  	v4 =	vld [tilespmem:s7+$0x2A50]  }
0x7d: {  	v33 =	vld [tilespmem:s7+$0x260];
	v11 =	vadd.f32 v31, v11;
	v32 =	vmul.f32 v16, v17  }
0x7e: {  	v34 =	vld [tilespmem:s7+$0x2A60]  }
0x7f: {  	v35 =	vld [tilespmem:s7+$0x270];
	v11 =	vadd.f32 v32, v11;
	v5 =	vmul.f32 v6, v5  }
0x80: {  	v36 =	vld [tilespmem:s7+$0x2A70]  }
0x81: {  	v5 =	vadd.f32 v5, v11;
	v3 =	vmul.f32 v4, v3;
	_ =	sdelay $0x1  }
0x82: {  	v37 =	vmul.f32 v34, v33;
	v3 =	vadd.f32 v3, v5  }
0x83: {  	v38, _, _ =	vpop (xrf2)  }
0x84: {  	v39 =	vmul.f32 v36, v35;
	v5 =	vmul.f32 $1.442695020e+00, v38;
	v3 =	vadd.f32 v37, v3;
	_ =	sdelay $0x1  }
0x85: {  	v5 =	vbroadcast v5, $0xF;
	v3 =	vadd.f32 v39, v3;
	_ =	sdelay $0x1  }
0x86: {  	(erf) = vpow2.f32 v5;
	(xrf2) =	vadd.scan.msk.f32 $0xffff, v3;
	_ =	sdelay $0x3  }
0x87: {  	v40 =	vld [tilespmem:s7+$0x7A00]  }
0x88: {  	v42 =	vld [tilespmem:s31+$0x7A70]  }
0x89: {  	v41 =	vld [tilespmem:s7+$0x7A10]  }
0x8a: {  	v43 =	vld [tilespmem:s7+$0x7A20]  }
0x8b: {  	v44 =	vld [tilespmem:s7+$0x7A30]  }
0x8c: {  	v45 =	vld [tilespmem:s7+$0x7A40];
	v47 =	vpop (erf)  }
0x8d: {  	v46 =	vld [tilespmem:s7+$0x7A50];
	v49 =	vnsel vm0, $0x0, v47;
	v5 =	vmul.f32 v42, v47;
	v50, _, _ =	vpop (xrf2)  }
0x8e: {  	v48 =	vld [tilespmem:s7+$0x7A60];
	v1 =	vmul.f32 v47, v1;
	[tilespmem:s31+$0x5200] =	vst v49;
	v51 =	vmul.f32 $1.442695020e+00, v50  }
0x8f: {  	v2 =	vmul.f32 v47, v2;
	[tilespmem:s31+$0xA270] =	vst v5  }
0x90: {  	v0 =	vmul.f32 v47, v0;
	[tilespmem:s31+$0xA200] =	vst v1;
	v52 =	vbroadcast v51, $0xF  }
0x91: {  	v53 =	vmul.f32 v7, v47;
	[tilespmem:s31+$0xA210] =	vst v2  }
0x92: {  	v54 =	vmul.f32 v10, v47;
	[tilespmem:s31+$0xA220] =	vst v0;
	(erf) = vpow2.f32 v52  }
0x93: {  	v55 =	vmul.f32 v8, v47;
	[tilespmem:s31+$0xA230] =	vst v53  }
0x94: {  	v56 =	vmul.f32 v9, v47;
	[tilespmem:s31+$0xA240] =	vst v54  }
0x95: {  	[tilespmem:s31+$0xA250] =	vst v55  }
0x96: {  	[tilespmem:s31+$0xA260] =	vst v56  }
0x97: {  	v0 =	vld [tilespmem:s7+$0x7A70];
	_ =	sdelay $0x3  }
0x98: {  	v57 =	vpop (erf)  }
0x99: {  	v58 =	vnsel vm0, $0x0, v57;
	v0 =	vmul.f32 v0, v57  }
0x9a: {  	v3 =	vmul.f32 v57, v40;
	[tilespmem:s7+$0x5200] =	vst v58  }
0x9b: {  	v59 =	vmul.f32 v57, v41;
	[tilespmem:s7+$0xA270] =	vst v0  }
0x9c: {  	v60 =	vmul.f32 v57, v43;
	[tilespmem:s7+$0xA200] =	vst v3  }
0x9d: {  	v61 =	vmul.f32 v44, v57;
	[tilespmem:s7+$0xA210] =	vst v59  }
0x9e: {  	v62 =	vmul.f32 v45, v57;
	[tilespmem:s7+$0xA220] =	vst v60  }
0x9f: {  	v63 =	vmul.f32 v46, v57;
	[tilespmem:s7+$0xA230] =	vst v61  }
0xa0: {  	v1 =	vmul.f32 v48, v57;
	[tilespmem:s7+$0xA240] =	vst v62  }
0xa1: {  	s28 =	sshll.u32 s29, $0x4;
	[tilespmem:s7+$0xA250] =	vst v63  }
0xa2: {  	s29 =	simm.s32 $0x0;
	s31 =	sadd.s32 s10, s28;
	[tilespmem:s7+$0xA260] =	vst v1  }
0xa3: {  	[hbm4b:s31+s29] =	stream.linear.scatter [tilespmem:s25], [sflag:$0x4], $0x2800, $0x38;
	[tilespmem:$0xCA00] =	vst v63  }
0xa4: {  	s30 =	sadd.s32 $0x1, s30;
	_ =	swait.ge [sflag:s16], $0x2800  }
0xa5: {  	p0 =	sne.s32 s30, $0x7D;
	[sflag:s16] =	ssyncset.done $0x0  }
.Ltmp1:
0xa6: {  	s0 =	sadd.s32 s12, s28;
	[sflag:s16] =	ssyncadd.s32 $0xFFFFD800;
	(pc) =	sbr.rel @p0 .LBB2_2-.Ltmp1, $4  }
0xa7: {  	[hbm4b:s0+s29] =	stream.linear.scatter [tilespmem:s26], [sflag:$0x4], $0x2800, $0x38;
	[tilespmem:$0xCA00] =	vst v63  }
0xa8: {  	_ =	swait.ge [sflag:s16], $0x2800  }
0xa9: {  	[sflag:s16] =	ssyncset.done $0x0  }
0xaa: {  	[sflag:s16] =	ssyncadd.s32 $0xFFFFD800  }
0xab: {  	s30 =	simm.s32 $0x0  }
.LBB2_6:
0xac: {  	s0 =	smul.u32 $0x50, s30;
	_ =	sdelay $0x1  }
0xad: {  	s31 =	sadd.s32 s14, s0  }
0xae: {  	s0 =	sshrl.u32 s31, $0x3  }
0xaf: {  	s7 =	sadd.s32 s3, s0  }
0xb0: {  	[tilespmem:s29], [sflag:$0x4] =	stream.linear.gather [hbm4b:s7+s29], $0x50, $0x38;
	[tilespmem:$0xCA00] =	vst v63  }
0xb1: {  	_ =	swait.ge [sflag:s16], $0x50  }
0xb2: {  	[sflag:s16] =	ssyncset.done $0x0  }
0xb3: {  	s0 =	sadd.s32 s1, s0;
	[sflag:s16] =	ssyncadd.s32 $0xFFFFFFB0  }
0xb4: {  	[tilespmem:s17], [sflag:$0x4] =	stream.linear.gather [hbm4b:s0+s29], $0x50, $0x38;
	[tilespmem:$0xCA00] =	vst v63  }
0xb5: {  	_ =	swait.ge [sflag:s16], $0x50  }
0xb6: {  	[sflag:s16] =	ssyncset.done $0x0  }
0xb7: {  	[sflag:s16] =	ssyncadd.s32 $0xFFFFFFB0  }
0xb8: {  	[tilespmem:s19], [sflag:$0x1] =	stream.indirect.gather [hbm4b:s5+s18], $0x80, s29, s18, $0xb8;
	[tilespmem:$0xCA00] =	vst v63  }
0xb9: {  	_ = 	snop  }
0xba: {  	[tilespmem:s20], [sflag:$0x2] =	stream.indirect.gather [hbm4b:s9+s18], $0x80, s17, s18, $0xb8;
	[tilespmem:$0xCA00] =	vst v63  }
0xbb: {  	_ = 	snop  }
0xbc: {  	[tilespmem:s21], [sflag:$0x3] =	stream.indirect.gather [hbm4b:s8+s18], $0x80, s17, s18, $0xb8;
	[tilespmem:$0xCA00] =	vst v63  }
0xbd: {  	_ =	swait.ge [sflag:s22], $0x2800  }
0xbe: {  	[sflag:s22] =	ssyncset.done $0x0  }
0xbf: {  	[sflag:s22] =	ssyncadd.s32 $0xFFFFD800  }
0xc0: {  	_ =	swait.ge [sflag:s23], $0x2800  }
0xc1: {  	[sflag:s23] =	ssyncset.done $0x0  }
0xc2: {  	[sflag:s23] =	ssyncadd.s32 $0xFFFFD800  }
0xc3: {  	_ =	swait.ge [sflag:s24], $0x2800  }
0xc4: {  	[sflag:s24] =	ssyncset.done $0x0  }
0xc5: {  	s7 =	simm.s32 $0x0;
	[sflag:s24] =	ssyncadd.s32 $0xFFFFD800  }
0xc6: {  	v0 =	vld [tilespmem:s7+$0x200]  }
0xc7: {  	v1 =	vld [tilespmem:s7+$0x2A00]  }
0xc8: {  	v2 =	vld [tilespmem:s7+$0x210]  }
0xc9: {  	v3 =	vld [tilespmem:s7+$0x2A10]  }
0xca: {  	v4 =	vld [tilespmem:s7+$0x220]  }
0xcb: {  	v5 =	vld [tilespmem:s7+$0x2A20]  }
0xcc: {  	v6 =	vld [tilespmem:s7+$0x230]  }
0xcd: {  	v7 =	vld [tilespmem:s7+$0x2A30]  }
0xce: {  	v0 =	vmul.f32 v1, v0;
	v1 =	vmul.f32 v3, v2;
	v2 =	vld [tilespmem:s7+$0x240]  }
0xcf: {  	v3 =	vld [tilespmem:s7+$0x2A40]  }
0xd0: {  	v0 =	vadd.f32 v1, v0;
	v1 =	vmul.f32 v5, v4;
	v4 =	vld [tilespmem:s7+$0x250]  }
0xd1: {  	v5 =	vld [tilespmem:s7+$0x2A50]  }
0xd2: {  	v0 =	vadd.f32 v1, v0;
	v1 =	vmul.f32 v7, v6;
	v6 =	vld [tilespmem:s7+$0x260]  }
0xd3: {  	v7 =	vld [tilespmem:s7+$0x2A60]  }
0xd4: {  	v0 =	vadd.f32 v1, v0;
	v1 =	vmul.f32 v3, v2;
	v2 =	vld [tilespmem:s7+$0x270]  }
0xd5: {  	v3 =	vld [tilespmem:s7+$0x2A70]  }
0xd6: {  	v0 =	vadd.f32 v1, v0;
	v1 =	vmul.f32 v5, v4  }
0xd7: {  	v13 =	vld [tilespmem:s7+$0x7A00]  }
0xd8: {  	v16 =	vld [tilespmem:s7+$0x7A10];
	v0 =	vadd.f32 v1, v0;
	v1 =	vmul.f32 v7, v6  }
0xd9: {  	s0 =	simm.s32 $0x80;
	v19 =	vld [tilespmem:s7+$0x7A20]  }
0xda: {  	v8 =	vld [tilespmem:s0+$0x220];
	v0 =	vadd.f32 v1, v0;
	v1 =	vmul.f32 v3, v2  }
0xdb: {  	v9 =	vld [tilespmem:s0+$0x2A20]  }
0xdc: {  	v10 =	vld [tilespmem:s0+$0x230];
	v0 =	vadd.f32 v1, v0  }
0xdd: {  	v11 =	vld [tilespmem:s0+$0x2A30]  }
0xde: {  	v7 =	vld [tilespmem:s0+$0x2A10];
	(xrf2) =	vadd.scan.msk.f32 $0xffff, v0  }
0xdf: {  	v2 =	vld [tilespmem:s0+$0x210]  }
0xe0: {  	v1 =	vld [tilespmem:s0+$0x200]  }
0xe1: {  	v0 =	vld [tilespmem:s0+$0x2A00]  }
0xe2: {  	v12 =	vld [tilespmem:s0+$0x240]  }
0xe3: {  	v14 =	vld [tilespmem:s0+$0x2A40]  }
0xe4: {  	v15 =	vld [tilespmem:s0+$0x250]  }
0xe5: {  	v17 =	vld [tilespmem:s0+$0x260]  }
0xe6: {  	v18 =	vld [tilespmem:s7+$0x7A70];
	v0 =	vmul.f32 v0, v1;
	v1 =	vmul.f32 v7, v2  }
0xe7: {  	v10 =	vmul.f32 v11, v10;
	v11 =	vld [tilespmem:s0+$0x2A70]  }
0xe8: {  	v5 =	vld [tilespmem:s7+$0x7A30];
	v0 =	vadd.f32 v1, v0;
	v1 =	vmul.f32 v9, v8;
	v2, _, _ =	vpop (xrf2)  }
0xe9: {  	v7 =	vld [tilespmem:s0+$0x2A50];
	v2 =	vmul.f32 $1.442695020e+00, v2  }
0xea: {  	v4 =	vld [tilespmem:s7+$0x7A60];
	v0 =	vadd.f32 v1, v0  }
0xeb: {  	v8 =	vld [tilespmem:s0+$0x2A60];
	v2 =	vbroadcast v2, $0xF  }
0xec: {  	v12 =	vmul.f32 v14, v12;
	v6 =	vld [tilespmem:s7+$0x7A40];
	v10 =	vadd.f32 v10, v0  }
0xed: {  	v9 =	vld [tilespmem:s0+$0x270];
	(erf) = vpow2.f32 v2  }
0xee: {  	v3 =	vld [tilespmem:s7+$0x7A50];
	v10 =	vadd.f32 v12, v10;
	v12 =	vmul.f32 v7, v15  }
0xef: {  	v1 =	vld [tilespmem:s0+$0x7A00]  }
0xf0: {  	v0 =	vld [tilespmem:s0+$0x7A20];
	v14 =	vmul.f32 v8, v17;
	v12 =	vadd.f32 v12, v10  }
0xf1: {  	v8 =	vld [tilespmem:s0+$0x7A50]  }
0xf2: {  	v7 =	vld [tilespmem:s0+$0x7A30];
	v12 =	vadd.f32 v14, v12;
	v14 =	vmul.f32 v11, v9  }
0xf3: {  	v2 =	vld [tilespmem:s0+$0x7A10]  }
0xf4: {  	v10 =	vld [tilespmem:s0+$0x7A40];
	v17 =	vadd.f32 v14, v12  }
0xf5: {  	s15 =	simm.s32 $0x100;
	v9 =	vld [tilespmem:s0+$0x7A60]  }
0xf6: {  	v11 =	vld [tilespmem:s15+$0x200];
	(xrf2) =	vadd.scan.msk.f32 $0xffff, v17;
	v14 =	vpop (erf)  }
0xf7: {  	v12 =	vld [tilespmem:s15+$0x2A00];
	v20 =	vnsel vm0, $0x0, v14;
	v15 =	vmul.f32 v14, v13;
	v18 =	vmul.f32 v18, v14  }
0xf8: {  	s28 =	simm.s32 $0x600;
	v13 =	vld [tilespmem:s15+$0x210];
	v17 =	vmul.f32 v14, v16;
	v16 =	vmul.f32 v14, v19;
	[tilespmem:s7+$0x5200] =	vst v20  }
.LBB2_7:
0xf9: {  	p0 =	sne.s32 s28, $0x9E00;
	v19 =	vld [tilespmem:s15+$0x2A10];
	v20 =	vmul.f32 v5, v14;
	v21 =	vmul.f32 v6, v14;
	[tilespmem:s7+$0xA270] =	vst v18;
	v5 =	vmovc v7;
	v6 =	vmov v10  }
0xfa: {  	v10 =	vmul.f32 v3, v14;
	v14 =	vmul.f32 v4, v14;
	v3 =	vmovc v8;
	v7 =	vld [tilespmem:s15+$0x220];
	[tilespmem:s7+$0xA200] =	vst v15;
	v4 =	vmov v9  }
0xfb: {  	v8 =	vld [tilespmem:s15+$0x2A20];
	[tilespmem:s7+$0xA210] =	vst v17  }
0xfc: {  	v9 =	vld [tilespmem:s15+$0x230];
	[tilespmem:s7+$0xA220] =	vst v16  }
0xfd: {  	v15 =	vld [tilespmem:s15+$0x2A30];
	[tilespmem:s7+$0xA230] =	vst v20  }
0xfe: {  	v17 =	vmul.f32 v12, v11;
	v12 =	vmul.f32 v19, v13;
	v13 =	vld [tilespmem:s15+$0x240];
	[tilespmem:s7+$0xA240] =	vst v21  }
0xff: {  	v16 =	vld [tilespmem:s15+$0x2A40];
	[tilespmem:s7+$0xA250] =	vst v10  }
0x100: {  	v10 =	vadd.f32 v12, v17;
	v7 =	vmul.f32 v8, v7;
	v8 =	vld [tilespmem:s15+$0x250];
	v11, _, _ =	vpop (xrf2);
	[tilespmem:s7+$0xA260] =	vst v14;
	s7 =	smov.u32 s0;
	s0 =	smov.u32 s15  }
0x101: {  	v12 =	vld [tilespmem:s0+$0x2A50];
	v11 =	vmul.f32 $1.442695020e+00, v11  }
0x102: {  	v7 =	vadd.f32 v7, v10;
	v9 =	vmul.f32 v15, v9;
	v10 =	vld [tilespmem:s0+$0x260]  }
0x103: {  	v14 =	vld [tilespmem:s0+$0x2A60];
	v11 =	vbroadcast v11, $0xF  }
0x104: {  	v7 =	vadd.f32 v9, v7;
	v9 =	vmul.f32 v16, v13;
	v13 =	vld [tilespmem:s0+$0x270]  }
0x105: {  	v15 =	vld [tilespmem:s0+$0x2A70];
	(erf) = vpow2.f32 v11  }
0x106: {  	v7 =	vadd.f32 v9, v7;
	v8 =	vmul.f32 v12, v8;
	v16 =	vld [tilespmem:s0+$0x7A00]  }
0x107: {  	v19 =	vld [tilespmem:s0+$0x7A10]  }
0x108: {  	v8 =	vadd.f32 v8, v7;
	v9 =	vmul.f32 v14, v10;
	v20 =	vld [tilespmem:s0+$0x7A20]  }
0x109: {  	v7 =	vld [tilespmem:s0+$0x7A30]  }
0x10a: {  	v8 =	vadd.f32 v9, v8;
	v9 =	vmul.f32 v15, v13;
	v13 =	vld [tilespmem:s7+$0x7A70]  }
0x10b: {  	v10 =	vld [tilespmem:s0+$0x7A40]  }
.Ltmp2:
0x10c: {  	v12 =	vadd.f32 v9, v8;
	v8 =	vld [tilespmem:s0+$0x7A50];
	(pc) =	sbr.rel @p0 .LBB2_7-.Ltmp2, $4  }
0x10d: {  	s15 =	sshra.s32 s28, $0x2;
	v9 =	vld [tilespmem:s0+$0x7A60]  }
0x10e: {  	v11 =	vld [tilespmem:s15+$0x200];
	(xrf2) =	vadd.scan.msk.f32 $0xffff, v12;
	v14 =	vpop (erf)  }
0x10f: {  	v12 =	vld [tilespmem:s15+$0x2A00];
	v17 =	vnsel vm0, $0x0, v14;
	v15 =	vmul.f32 v14, v1;
	v18 =	vmul.f32 v13, v14;
	v1 =	vmovc v16  }
0x110: {  	s28 =	sadd.s32 $0x200, s28;
	v16 =	vmul.f32 v14, v0;
	v0 =	vmovc v20;
	v13 =	vld [tilespmem:s15+$0x210];
	[tilespmem:s7+$0x5200] =	vst v17;
	v17 =	vmul.f32 v14, v2;
	v2 =	vmov v19  }
0x111: {  	v19 =	vld [tilespmem:s15+$0x2A10];
	[tilespmem:s7+$0xA270] =	vst v18  }
0x112: {  	v18 =	vld [tilespmem:s15+$0x220];
	[tilespmem:s7+$0xA200] =	vst v15  }
0x113: {  	v5 =	vmul.f32 v5, v14;
	v15 =	vld [tilespmem:s15+$0x2A20];
	[tilespmem:s7+$0xA210] =	vst v17  }
0x114: {  	v6 =	vmul.f32 v6, v14;
	v17 =	vld [tilespmem:s15+$0x230];
	[tilespmem:s7+$0xA220] =	vst v16  }
0x115: {  	v3 =	vmul.f32 v3, v14;
	v4 =	vmul.f32 v4, v14;
	v16 =	vld [tilespmem:s15+$0x2A30];
	[tilespmem:s7+$0xA230] =	vst v5  }
0x116: {  	v11 =	vmul.f32 v12, v11;
	v5 =	vld [tilespmem:s15+$0x240];
	[tilespmem:s7+$0xA240] =	vst v6;
	v30 =	vmul.f32 v19, v13  }
0x117: {  	v6 =	vld [tilespmem:s15+$0x2A40];
	[tilespmem:s7+$0xA250] =	vst v3  }
0x118: {  	v3 =	vld [tilespmem:s15+$0x250];
	v11 =	vadd.f32 v30, v11;
	v31 =	vmul.f32 v15, v18;
	[tilespmem:s7+$0xA260] =	vst v4  }
0x119: {  	v4 =	vld [tilespmem:s15+$0x2A50]  }
0x11a: {  	v33 =	vld [tilespmem:s15+$0x260];
	v11 =	vadd.f32 v31, v11;
	v32 =	vmul.f32 v16, v17  }
0x11b: {  	v34 =	vld [tilespmem:s15+$0x2A60]  }
0x11c: {  	v35 =	vld [tilespmem:s15+$0x270];
	v11 =	vadd.f32 v32, v11;
	v5 =	vmul.f32 v6, v5  }
0x11d: {  	v36 =	vld [tilespmem:s15+$0x2A70]  }
0x11e: {  	v5 =	vadd.f32 v5, v11;
	v3 =	vmul.f32 v4, v3;
	_ =	sdelay $0x1  }
0x11f: {  	v37 =	vmul.f32 v34, v33;
	v3 =	vadd.f32 v3, v5  }
0x120: {  	v38, _, _ =	vpop (xrf2)  }
0x121: {  	v39 =	vmul.f32 v36, v35;
	v5 =	vmul.f32 $1.442695020e+00, v38;
	v3 =	vadd.f32 v37, v3;
	_ =	sdelay $0x1  }
0x122: {  	v5 =	vbroadcast v5, $0xF;
	v3 =	vadd.f32 v39, v3;
	_ =	sdelay $0x1  }
0x123: {  	(erf) = vpow2.f32 v5;
	(xrf2) =	vadd.scan.msk.f32 $0xffff, v3;
	_ =	sdelay $0x3  }
0x124: {  	v40 =	vld [tilespmem:s15+$0x7A00]  }
0x125: {  	v42 =	vld [tilespmem:s0+$0x7A70]  }
0x126: {  	v41 =	vld [tilespmem:s15+$0x7A10]  }
0x127: {  	v43 =	vld [tilespmem:s15+$0x7A20]  }
0x128: {  	v44 =	vld [tilespmem:s15+$0x7A30]  }
0x129: {  	v45 =	vld [tilespmem:s15+$0x7A40];
	v47 =	vpop (erf)  }
0x12a: {  	v46 =	vld [tilespmem:s15+$0x7A50];
	v49 =	vnsel vm0, $0x0, v47;
	v5 =	vmul.f32 v42, v47;
	v50, _, _ =	vpop (xrf2)  }
0x12b: {  	v48 =	vld [tilespmem:s15+$0x7A60];
	v1 =	vmul.f32 v47, v1;
	[tilespmem:s0+$0x5200] =	vst v49;
	v51 =	vmul.f32 $1.442695020e+00, v50  }
0x12c: {  	v2 =	vmul.f32 v47, v2;
	[tilespmem:s0+$0xA270] =	vst v5  }
0x12d: {  	v0 =	vmul.f32 v47, v0;
	[tilespmem:s0+$0xA200] =	vst v1;
	v52 =	vbroadcast v51, $0xF  }
0x12e: {  	v53 =	vmul.f32 v7, v47;
	[tilespmem:s0+$0xA210] =	vst v2  }
0x12f: {  	v54 =	vmul.f32 v10, v47;
	[tilespmem:s0+$0xA220] =	vst v0;
	(erf) = vpow2.f32 v52  }
0x130: {  	v55 =	vmul.f32 v8, v47;
	[tilespmem:s0+$0xA230] =	vst v53  }
0x131: {  	v56 =	vmul.f32 v9, v47;
	[tilespmem:s0+$0xA240] =	vst v54  }
0x132: {  	[tilespmem:s0+$0xA250] =	vst v55  }
0x133: {  	[tilespmem:s0+$0xA260] =	vst v56  }
0x134: {  	v0 =	vld [tilespmem:s15+$0x7A70];
	_ =	sdelay $0x3  }
0x135: {  	v57 =	vpop (erf)  }
0x136: {  	v58 =	vnsel vm0, $0x0, v57;
	v0 =	vmul.f32 v0, v57  }
0x137: {  	v3 =	vmul.f32 v57, v40;
	[tilespmem:s15+$0x5200] =	vst v58  }
0x138: {  	v59 =	vmul.f32 v57, v41;
	[tilespmem:s15+$0xA270] =	vst v0  }
0x139: {  	v60 =	vmul.f32 v57, v43;
	[tilespmem:s15+$0xA200] =	vst v3  }
0x13a: {  	v61 =	vmul.f32 v44, v57;
	[tilespmem:s15+$0xA210] =	vst v59  }
0x13b: {  	v62 =	vmul.f32 v45, v57;
	[tilespmem:s15+$0xA220] =	vst v60  }
0x13c: {  	v63 =	vmul.f32 v46, v57;
	[tilespmem:s15+$0xA230] =	vst v61  }
0x13d: {  	v1 =	vmul.f32 v48, v57;
	[tilespmem:s15+$0xA240] =	vst v62  }
0x13e: {  	s28 =	sshll.u32 s31, $0x4;
	[tilespmem:s15+$0xA250] =	vst v63  }
0x13f: {  	s31 =	sadd.s32 s11, s28;
	[tilespmem:s15+$0xA260] =	vst v1  }
0x140: {  	[hbm4b:s31+s2] =	stream.linear.scatter [tilespmem:s25], [sflag:$0x4], $0x2800, $0x38;
	[tilespmem:$0xCA00] =	vst v63  }
0x141: {  	s30 =	sadd.s32 $0x1, s30;
	_ =	swait.ge [sflag:s16], $0x2800  }
0x142: {  	p0 =	sne.s32 s30, $0x7D;
	[sflag:s16] =	ssyncset.done $0x0  }
.Ltmp3:
0x143: {  	s0 =	sadd.s32 s13, s28;
	[sflag:s16] =	ssyncadd.s32 $0xFFFFD800;
	(pc) =	sbr.rel @p0 .LBB2_6-.Ltmp3, $4  }
0x144: {  	[hbm4b:s0+s2] =	stream.linear.scatter [tilespmem:s26], [sflag:$0x4], $0x2800, $0x38;
	[tilespmem:$0xCA00] =	vst v63  }
0x145: {  	_ =	swait.ge [sflag:s16], $0x2800  }
0x146: {  	[sflag:s16] =	ssyncset.done $0x0  }
0x147: {  	[sflag:s16] =	ssyncadd.s32 $0xFFFFD800  }
0x148: {  	s7 =	rddreg [dreg:$0x3]  }
0x149: {  	s0 =	rddreg [dreg:$0x2];
	s7 =	sadd.s32 $0x1, s7  }
0x14a: {  	p0 =	sne.s32 s7, s0  }
.Ltmp4:
0x14b: {  	_ = 	snop;
	(pc) =	sbr.rel @p0 .LBB2_1-.Ltmp4, $1  }
0x14c: {  	_ =	sdelay $0x3  }
0x14d: {  	_ =	sfence.sel $0x180000  }
0x14e: {  	[bflag:$0x0] =	sbarrier.arrive $0xFFFF  }
0x14f: {  	_ =	strace $0x90000047  }
0x150: {  	s0 =	stileid.u32;
	[bflag:$0x2] =	sbarrier.arrive $0xFFFF  }
0x151: {  	p0 =	sne.s32 s0, $0x0;
	s0 =	rddreg [dreg:$0x1]  }
0x152: {  	s0 =	sadd.s32 @!p0 $0x100000, s0  }
0x153: {  	[sflag:s0] =	ssyncadd.tile.s32 @!p0 $0x1;
	_ =	shalt  }
.Lfunc_end2:
_tile_overlayer_lowered:
.L_overlay_start_2:
0x154: {  	(tag) =	ssettag $0x2  }
0x155: {  	s0 =	rddreg [dreg:$0x0];
	s2 =	stileid.u32  }
0x156: {  	s1 =	rddreg [dreg:$0x1];
	p0 =	sne.s32 s2, $0x0  }
0x157: {  	s3 =	rddreg [dreg:$0x2];
	[bflag:$0x3] =	sbarrier.arrive $0xFFFF;
	s2 =	simm.s32 @!p0 $0x1C04  }
0x158: {  	[timem:s3], [sflag:s2] =	dma.local @!p0 [hbm:s0], s1  }
0x159: {  	s0 =	simm.s32 @!p0 $0x4  }
0x15a: {  	_ =	swait.ge @!p0 [sflag:s0], s1  }
0x15b: {  	s1 =	ssub.s32 @!p0 $0x0, s1;
	[sflag:s0] =	ssyncset.done @!p0 $0x0  }
0x15c: {  	[sflag:s0] =	ssyncadd.s32 @!p0 s1  }
0x15d: {  	[bflag:$0x3] =	sbarrier.arrive $0xFFFF  }
0x15e: {  	_ =	shalt  }

// kernel: scatter_offload_async_start.1
scs
__scs_entry_jumppad:
0x0: {  	(pc) =	sbr.rel $0x88, $3  }
0x1: {  	(tag) =	ssettag $0x0;
	lr =	simm.s32 $0x1  }
0x2: {  	[smem:$0x3F8D] =	sst lr;
	_ =	strace $0xD0000000  }
0x3: {  	_ = 	snop  }
0x4: {  	_ = 	snop  }
0x5: {  	_ = 	snop  }
0x6: {  	_ = 	snop  }
0x7: {  	_ = 	snop  }
__scs_overlays_trampoline_lowered:
0x8: {  	[smem:$0x3F9C] =	sst s0  }
0x9: {  	[smem:$0x3F9D] =	sst s1  }
0xa: {  	[smem:$0x3F9E] =	sst s2  }
0xb: {  	[smem:$0x3F9F] =	sst s3  }
0xc: {  	[smem:$0x3FA0] =	sst s4  }
0xd: {  	[smem:$0x3FA1] =	sst s5  }
0xe: {  	[smem:$0x3FA2] =	sst s6  }
0xf: {  	[smem:$0x3FA3] =	sst s7  }
0x10: {  	[smem:$0x3FA4] =	sst s8  }
0x11: {  	[smem:$0x3FA5] =	sst s9;
	s0 =	simm.s32 @!p0 $0x0  }
0x12: {  	s1 =	sld [smem:$0x3F8B];
	s0 =	simm.s32 @p0 $0x1  }
0x13: {  	[smem:$0x3FA6] =	sst s0;
	s0 =	simm.s32 @!p1 $0x0  }
0x14: {  	s2 =	sld [smem:$0x3F8A];
	s0 =	simm.s32 @p1 $0x1  }
0x15: {  	[smem:$0x3FA7] =	sst s0;
	s0 =	simm.s32 @!p2 $0x0  }
0x16: {  	s3 =	sld [smem:$0x3FDB];
	s0 =	simm.s32 @p2 $0x1  }
0x17: {  	s4 =	simm.s32 $0x1BF5;
	[smem:$0x3FA9] =	sst s0  }
0x18: {  	s0 =	sld [smem:$0x3F8C];
	_ =	swait.ge [sflag:s4], $0x0  }
0x19: {  	s7 =	sld [smem:$0x3F8D]  }
0x1a: {  	s8 =	sadd.s32 $0xFFFFE003, lr  }
0x1b: {  	s9 =	sadd.s32 $0xFFFFFEF7, lr;
	s5 =	simm.s32 $0xFFFFFFFF;
	p2 =	slt.u32 s8, $0xFFFFF086  }
0x1c: {  	p1 =	slt.u32 s9, $0xF7A;
	s5 =	simm.s32 @!p2 $0x0  }
0x1d: {  	s5 =	simm.s32 @p1 $0x1;
	p0 =	seq.s32 s7, s2  }
0x1e: {  	s7 =	smul.u32 @!p0 $0xF7A, s2;
	p2 =	seq.s32 @!p0 s5, $0x0  }
0x1f: {  	s9 =	smul.u32 $0xF7A, s1;
	s8 =	simm.s32 @!p0 $0x1BF5;
	p2 =	por !p2, p0  }
0x20: {  	[sflag:s8] =	ssyncset.s32 @!p0 $0xFFFFF086;
	s6 =	sadd.s32 @!p0 s3, s7;
	s7 =	simm.s32 @!p0 $0x108  }
0x21: {  	s3 =	sadd.s32 s3, s9;
	s6 =	sadd.s32 @!p0 $0x88, s6;
	s7 =	simm.s32 @p2 $0x1082  }
0x22: {  	[simem:s7], [sflag:s8] =	dma.local @!p0 [hbm:s6], $0xF7A  }
0x23: {  	s9 =	sor.u32 $0xD0000000, s2;
	s6 =	simm.s32 $0x108;
	_ =	swait.ge @!p0 [sflag:s8], $0x0  }
0x24: {  	s3 =	sadd.s32 $0x88, s3;
	s6 =	simm.s32 @!p1 $0x1082;
	[sflag:s4] =	ssyncset.s32 $0xFFFFF086  }
0x25: {  	[simem:s6], [sflag:s4] =	dma.local [hbm:s3], $0xF7A  }
0x26: {  	[smem:$0x3F8D] =	sst s1;
	(tag) =	ssettag s2;
	_ =	strace s9  }
0x27: {  	s1 =	sld [smem:$0x3F9D]  }
0x28: {  	s2 =	sld [smem:$0x3F9E]  }
0x29: {  	s4 =	sld [smem:$0x3FA0]  }
0x2a: {  	p0 =	seq.s32 s5, $0x0;
	s5 =	sld [smem:$0x3FA1]  }
0x2b: {  	s6 =	sld [smem:$0x3FA2]  }
0x2c: {  	s7 =	sld [smem:$0x3FA3]  }
0x2d: {  	s3 =	simm.s32 $0x108;
	s8 =	sld [smem:$0x3FA4]  }
0x2e: {  	s3 =	simm.s32 @!p0 $0x1082;
	s9 =	sld [smem:$0x3FA5]  }
0x2f: {  	lr =	sadd.s32 s0, s3;
	s0 =	sld [smem:$0x3F9C]  }
0x30: {  	s3 =	sld [smem:$0x3F9F]  }
0x31: {  	[smem:$0x3FA8] =	sst s10  }
0x32: {  	s10 =	sld [smem:$0x3FA6];
	_ =	sdelay $0x3  }
0x33: {  	p0 =	seq.s32 s10, $0x1;
	s10 =	sld [smem:$0x3FA8];
	_ =	sdelay $0x3  }
0x34: {  	[smem:$0x3FA8] =	sst s10  }
0x35: {  	s10 =	sld [smem:$0x3FA7];
	_ =	sdelay $0x3  }
0x36: {  	p1 =	seq.s32 s10, $0x1;
	s10 =	sld [smem:$0x3FA8];
	_ =	sdelay $0x3  }
0x37: {  	[smem:$0x3FA8] =	sst s10  }
0x38: {  	s10 =	sld [smem:$0x3FA9]  }
0x39: {  	_ = 	snop;
	(pc) =	sbr.ind lr, $3  }
0x3a: {  	_ = 	snop  }
0x3b: {  	_ = 	snop  }
0x3c: {  	p2 =	seq.s32 s10, $0x1;
	s10 =	sld [smem:$0x3FA8]  }
0x3d: {  	_ =	shalt  }
0x3e: {  	_ =	shalt  }
0x3f: {  	_ =	shalt  }
0x40: {  	_ =	shalt  }
0x41: {  	_ =	shalt  }
0x42: {  	_ =	shalt  }
0x43: {  	_ =	shalt  }
0x44: {  	_ =	shalt  }
0x45: {  	_ =	shalt  }
0x46: {  	_ =	shalt  }
0x47: {  	_ =	shalt  }
0x48: {  	_ =	shalt  }
0x49: {  	_ =	shalt  }
0x4a: {  	_ =	shalt  }
0x4b: {  	_ =	shalt  }
0x4c: {  	_ =	shalt  }
0x4d: {  	_ =	shalt  }
0x4e: {  	_ =	shalt  }
0x4f: {  	_ =	shalt  }
0x50: {  	_ =	shalt  }
0x51: {  	_ =	shalt  }
0x52: {  	_ =	shalt  }
0x53: {  	_ =	shalt  }
0x54: {  	_ =	shalt  }
0x55: {  	_ =	shalt  }
0x56: {  	_ =	shalt  }
0x57: {  	_ =	shalt  }
0x58: {  	_ =	shalt  }
0x59: {  	_ =	shalt  }
0x5a: {  	_ =	shalt  }
0x5b: {  	_ =	shalt  }
0x5c: {  	_ =	shalt  }
0x5d: {  	_ =	shalt  }
0x5e: {  	_ =	shalt  }
0x5f: {  	_ =	shalt  }
0x60: {  	_ =	shalt  }
0x61: {  	_ =	shalt  }
0x62: {  	_ =	shalt  }
0x63: {  	_ =	shalt  }
0x64: {  	_ =	shalt  }
0x65: {  	_ =	shalt  }
0x66: {  	_ =	shalt  }
0x67: {  	_ =	shalt  }
0x68: {  	_ =	shalt  }
0x69: {  	_ =	shalt  }
0x6a: {  	_ =	shalt  }
0x6b: {  	_ =	shalt  }
0x6c: {  	_ =	shalt  }
0x6d: {  	_ =	shalt  }
0x6e: {  	_ =	shalt  }
0x6f: {  	_ =	shalt  }
0x70: {  	_ =	shalt  }
0x71: {  	_ =	shalt  }
0x72: {  	_ =	shalt  }
0x73: {  	_ =	shalt  }
0x74: {  	_ =	shalt  }
0x75: {  	_ =	shalt  }
0x76: {  	_ =	shalt  }
0x77: {  	_ =	shalt  }
0x78: {  	_ =	shalt  }
0x79: {  	_ =	shalt  }
0x7a: {  	_ =	shalt  }
0x7b: {  	_ =	shalt  }
0x7c: {  	_ =	shalt  }
0x7d: {  	_ =	shalt  }
0x7e: {  	_ =	shalt  }
0x7f: {  	_ =	shalt  }
0x80: {  	_ =	shalt  }
0x81: {  	_ =	shalt  }
0x82: {  	_ =	shalt  }
0x83: {  	_ =	shalt  }
0x84: {  	_ =	shalt  }
0x85: {  	_ =	shalt  }
0x86: {  	_ =	shalt  }
0x87: {  	_ =	shalt  }
.Lfunc_end0:
.L_simem_size_0:
called_computation.1_lowered:
.L_overlay_start_0:
0x88: {  	s2 =	sld [smem:$0x3FD9]  }
0x89: {  	s3 =	sld [smem:$0x3FFE];
	_ =	sdelay $0x1  }
0x8a: {  	s1 =	srdreg.scid  }
0x8b: {  	s0 =	sand.u32 $0x1, s1  }
0x8c: {  	s17 =	sshll.u32 s0, $0xA;
	s2 =	sadd.s32 s3, s2  }
0x8d: {  	s2 =	sadd.s32 s2, s17  }
0x8e: {  	[smem:$0x3FB4] =	sst s2  }
0x8f: {  	_ = 	snop  }
0x90: {  	(tm) =	ssettm $0x1  }
0x91: {  	s18 =	sld [smem:$0x3FFB];
	_ =	sdelay $0x3  }
0x92: {  	_ =	strace s18  }
0x93: {  	s2 =	sld [smem:$0x3FFC];
	_ =	sdelay $0x3  }
0x94: {  	_ =	strace s2  }
0x95: {  	s2 =	sld [smem:$0x3FFD];
	_ =	sdelay $0x3  }
0x96: {  	_ =	strace s2  }
0x97: {  	_ =	strace $0x8FFFFFFF  }
0x98: {  	s19 =	sld [smem:$0x3FDB];
	_ =	sdelay $0x1  }
0x99: {  	s20 =	simm.s32 $_scs_section_size  }
0x9a: {  	s4 =	simm.s32 $_size__tile_overlayer_lowered;
	s5 =	simm.s32 $_tile_overlayer_lowered  }
0x9b: {  	s6 =	simm.s32 $0x1BFF;
	s21 =	sshll.u32 s5, $0x1;
	s3 =	sadd.s32 s20, s19  }
0x9c: {  	s22 =	simm.s32 $0x0;
	s4 =	sshll.u32 s4, $0x1;
	s5 =	sadd.s32 s21, s3  }
0x9d: {  	[timem:s22], [sflag:s6] =	dma.local [hbm:s5], s4  }
0x9e: {  	_ =	swait.ge [sflag:s6], s4  }
0x9f: {  	s4 =	ssub.s32 $0x0, s4;
	[sflag:s6] =	ssyncset.done $0x0  }
0xa0: {  	[sflag:s6] =	ssyncadd.s32 s4;
	_ =	sdelay $0x1  }
0xa1: {  	s23 =	simm.s32 $0x1B8B  }
0xa2: {  	_ =	swait.ge [sflag:s23], $0x1  }
0xa3: {  	[sflag:s23] =	ssyncset.done $0x0  }
0xa4: {  	[sflag:s23] =	ssyncadd.s32 $0xFFFFFFFF  }
0xa5: {  	s4 =	sld [smem:$0x0]  }
0xa6: {  	s5 =	sand.u32 $0xFFFFFFFE, s1  }
0xa7: {  	p0 =	sne.s32 s1, s5  }
0xa8: {  	s5 =	sshll.u32 @p0 s5, $0xE  }
0xa9: {  	s5 =	sadd.s32 @p0 $0x11B8D, s5;
	s6 =	sshll.u32 @p0 s4, $0x11  }
0xaa: {  	s5 =	sor.u32 @p0 s6, s5  }
0xab: {  	[sflag:s5] =	ssyncadd.remote.s32 @p0 $0x1;
	_ =	sdelay $0x1  }
0xac: {  	s5 =	simm.s32 @p0 $0x1B8D  }
0xad: {  	_ =	swait.eq @p0 [sflag:s5], $0x1  }
0xae: {  	[sflag:s5] =	ssyncadd.s32 @p0 $0xFFFFFFFF  }
0xaf: {  	s6 =	sshll.u32 @!p0 s1, $0xE  }
0xb0: {  	s6 =	sor.u32 @!p0 $0x4000, s6;
	s5 =	simm.s32 @!p0 $0x1B8D  }
0xb1: {  	s7 =	sshll.u32 @!p0 s4, $0x11;
	s6 =	sadd.s32 @!p0 $0x11B8D, s6;
	_ =	swait.eq @!p0 [sflag:s5], $0x1  }
0xb2: {  	[sflag:s5] =	ssyncadd.s32 @!p0 $0xFFFFFFFF;
	s5 =	sor.u32 @!p0 s7, s6  }
0xb3: {  	s25 =	simm.s32 $0x1B8E;
	s24 =	sld [smem:$0x3FFE];
	[sflag:s5] =	ssyncadd.remote.s32 @!p0 $0x1  }
0xb4: {  	s26 =	simm.s32 $execute0_lowered;
	[smem:$0x3FD2] =	sst s25  }
0xb5: {  	s6 =	sshll.u32 s26, $0x1;
	_ =	strace $0x8000004F;
	[dreg:$0x1] =	wrdreg $0xFFFFFFFF  }
0xb6: {  	s28 =	simm.s32 $_size_execute0_lowered;
	s3 =	sadd.s32 s3, s6;
	[dreg:$0x0] =	wrdreg $0x0  }
0xb7: {  	s6 =	sshll.u32 s28, $0x1;
	[dreg:$0x2] =	wrdreg s3  }
0xb8: {  	[dreg:$0x3] =	wrdreg s6  }
0xb9: {  	[dreg:$0x4] =	wrdreg $0xC0  }
0xba: {  	_ =	task [dreg:s22], $0x5FFFF  }
0xbb: {  	[dreg:$0x1] =	wrdreg $0xFFFFFFFF  }
0xbc: {  	[dreg:$0x0] =	wrdreg $0x60  }
0xbd: {  	[dreg:$0x2] =	wrdreg s24  }
0xbe: {  	[dreg:$0x3] =	wrdreg s1  }
0xbf: {  	[dreg:$0x4] =	wrdreg s4  }
0xc0: {  	[dreg:$0x5] =	wrdreg $0xA  }
0xc1: {  	_ =	task.clear_ibuf [dreg:s22], $0x6FFFF;
	_ =	strace $0x9000004F  }
0xc2: {  	s29 =	simm.s32 $0xA;
	_ =	strace $0x80000051  }
0xc3: {  	_ =	swait.ge [sflag:s29], $0x1  }
0xc4: {  	[sflag:s29] =	ssyncadd.s32 $0xFFFFFFFF  }
0xc5: {  	_ =	strace $0x90000051  }
0xc6: {  	_ =	sfence  }
0xc7: {  	s30 =	sld [smem:$0x0];
	_ =	sdelay $0x2  }
0xc8: {  	s31 =	sshll.u32 s1, $0xD;
	s1 =	sshrl.u32 s1, $0x2  }
0xc9: {  	s4 =	sand.u32 $0x4000, s31;
	s1 =	sadd.s32 s1, s30  }
0xca: {  	s0 =	sor.u32 s4, s0;
	s1 =	sshll.u32 s1, $0x11  }
0xcb: {  	s0 =	sor.u32 s1, s0  }
0xcc: {  	s0 =	sadd.s32 $0x8F2B, s0  }
0xcd: {  	[sflag:s0] =	ssyncadd.remote.s32 $0x1  }
0xce: {  	_ =	sfence.sel $0xFFFF  }
0xcf: {  	[dreg:$0x0] =	wrdreg $0xFFFFFFFF;
	(pc) =	sbr.abs _section_cstart, $3  }
0xd0: {  	[dreg:$0x1] =	wrdreg $0xFFFFFFFF  }
0xd1: {  	_ =	task.clear_ibuf [dreg:s22], $0x2FFFF;
	_ =	strace $0x9FFFFFFF  }
0xd2: {  	(tm) =	ssettm $0x7FFFFFFF  }
0xd3: {  	_ =	shalt  }
tec
execute0_lowered:
.L_overlay_start_1:
0x0: {  	(tag) =	ssettag $0x1  }
0x1: {  	s2 =	rddreg [dreg:$0x0]  }
0x2: {  	s3 =	rddreg [dreg:$0x1];
	_ =	strace $0x80000050;
	s0 =	simm.s32 $0x1  }
0x3: {  	v0 =	vimm.s32 $0x0;
	[sflag:s0] =	ssyncpa.u1 $0x0;
	s0 =	simm.s32 $0x108  }
0x4: {  	[tilespmem:s0+$0x70] =	vst v0  }
0x5: {  	[tilespmem:s0+$0x60] =	vst v0  }
0x6: {  	[tilespmem:s0+$0x50] =	vst v0  }
0x7: {  	[tilespmem:s0+$0x40] =	vst v0  }
0x8: {  	s1 =	sadd.s32 $0x27A00, s2;
	[tilespmem:s0+$0x30] =	vst v0  }
0x9: {  	s15 =	sadd.s32 $0x145F600, s2;
	s6 =	sadd.s32 $0xA9B600, s2;
	[tilespmem:s0+$0x20] =	vst v0  }
0xa: {  	s14 =	sadd.s32 $0x1469400, s2;
	s5 =	sand.u32 $0x1, s3;
	s3 =	simm.s32 $0x40;
	[tilespmem:s0+$0x10] =	vst v0  }
.LBB2_1:
0xb: {  	s3 =	sadd.s32 $0x40, s3;
	[tilespmem:s0+$0x0] =	vst v0;
	s0 =	sadd.s32 $0x80, s0  }
0xc: {  	p0 =	slt.u32 s3, $0x3C40;
	[tilespmem:s0+$0x70] =	vst v0  }
0xd: {  	[tilespmem:s0+$0x60] =	vst v0  }
.Ltmp0:
0xe: {  	[tilespmem:s0+$0x50] =	vst v0;
	(pc) =	sbr.rel @p0 .LBB2_1-.Ltmp0, $4  }
0xf: {  	[tilespmem:s0+$0x40] =	vst v0  }
0x10: {  	[tilespmem:s0+$0x30] =	vst v0  }
0x11: {  	[tilespmem:s0+$0x20] =	vst v0  }
0x12: {  	[tilespmem:s0+$0x10] =	vst v0  }
0x13: {  	s9 =	stileid.u32  }
0x14: {  	s2 =	smul.u32 $0x29, s9  }
0x15: {  	s3 =	smin.u32 s9, $0xB  }
0x16: {  	s2 =	sadd.s32 s3, s2  }
0x17: {  	p0 =	slt.u32 s9, $0xB;
	s7 =	smul.u32 $0xF0, s2;
	s2 =	simm.s32 $0x2760  }
0x18: {  	s2 =	simm.s32 @!p0 $0x2670  }
0x19: {  	s2 =	sadd.s32 s2, s7  }
0x1a: {  	s8 =	smin.u32 s2, $0x27100  }
0x1b: {  	s2 =	ssub.s32 s8, s7  }
0x1c: {  	p0 =	sgt.s32 s2, $0x0  }
0x1d: {  	s29 =	simm.s32 $0x2;
	s10 =	simm.s32 $0x9;
	s2 =	simm.s32 @!p0 $0x0  }
0x1e: {  	s4 =	simm.s32 $0xA;
	s11 =	simm.s32 $0xB;
	s28 =	smulhi.u32 $0x88888889, s2  }
0x1f: {  	[dreg:$0x4] =	wrdreg s5;
	s31 =	smul.u32 $0x4E20, s5;
	s12 =	simm.s32 $0x1  }
0x20: {  	s22 =	simm.s32 $0x0;
	s18 =	simm.s32 $0xC;
	s30 =	sshrl.u32 s28, $0x7  }
0x21: {  	s20 =	simm.s32 $0x0;
	s21 =	simm.s32 $0x0;
	s3 =	smul.u32 $0xF0, s30  }
.Ltmp1:
0x22: {  	[tilespmem:s0+$0x0] =	vst v0;
	v0 =	vimm.s32 $0xFFFFFFFF;
	[sflag:s29] =	ssyncpa.u1 $0x0;
	s16 =	sshll.u32 s9, $0x8;
	(pc) =	sbr.rel .LBB2_3-.Ltmp1, $4  }
0x23: {  	[tilespmem:$0xF208] =	vst v0;
	[sflag:s10] =	ssyncpa.u1 $0x0;
	p0 =	sne.s32 s2, s3;
	s2 =	simm.s32 $0x1  }
0x24: {  	s14 =	sadd.s32 s31, s14;
	[sflag:s4] =	ssyncpa.u1 $0x0;
	s2 =	simm.s32 @!p0 $0x0  }
0x25: {  	s15 =	sadd.s32 s31, s15;
	[sflag:s11] =	ssyncpa.u1 $0x0;
	s13 =	sadd.s32 s2, s30  }
0x26: {  	v0 =	vlaneseq.u32;
	s19 =	smov.u32 s7;
	p0 =	por $0x0, $0x0;
	s17 =	sadd.s32 $0x1, s13  }
.LBB2_18:
0x27: {  	s0 =	sshrl.u32 s31, $0x2  }
.LBB2_20:
0x28: {  	_ =	swait.ge [sflag:s18], s0  }
0x29: {  	s31 =	ssub.s32 $0x0, s0;
	v1 =	vmov s24;
	vm0 =	veq.s32 v0, $0x0;
	[sflag:s18] =	ssyncset.done $0x0  }
0x2a: {  	vm15 =	veq.s32 v0, $0x2;
	v1 =	vsel vm0, s30, v1;
	[sflag:s18] =	ssyncadd.s32 s31  }
0x2b: {  	v1 =	vsel vm15, s22, v1;
	[sflag:s18] =	ssyncpa.u1 $0x1  }
0x2c: {  	[tilespmem:$0xF208] =	vst v1  }
.LBB2_21:
0x2d: {  	s0 =	sadd.s32 $0xF0, s19  }
0x2e: {  	s2 =	smov.u32 s7;
	p1 =	slt.s32 s0, s8  }
0x2f: {  	s2 =	smov.u32 @p1 s0;
	p1 =	sne.s32 s21, s17  }
.Ltmp2:
0x30: {  	_ = 	snop;
	(pc) =	sbr.rel @!p1 .LBB2_22-.Ltmp2, $3  }
0x31: {  	_ =	sdelay $0x1  }
0x32: {  	s22 =	smov.u32 s20;
	s31 =	sadd.s32 $0x1, s21;
	s20 =	smov.u32 s19  }
0x33: {  	p0 =	por !p0, !p0;
	s21 =	smov.u32 s31;
	s19 =	smov.u32 s2  }
.LBB2_3:
0x34: {  	p1 =	sge.u32 s21, s13  }
0x35: {  	s0 =	smulhi.u32 @!p1 $0xAAAAAAAB, s21  }
0x36: {  	s2 =	smov.u32 s19;
	p2 =	sgt.s32 @!p1 s19, $0x27010  }
0x37: {  	s3 =	sshra.s32 @!p1 s19, $0x1F;
	p2 =	por !p2, p1;
	s0 =	sshrl.u32 @!p1 s0, $0x1  }
0x38: {  	s3 =	sand.u32 @!p1 s3, s19;
	s2 =	simm.s32 @p2 $0x27010;
	s0 =	smul.u32 @!p1 $0x3, s0  }
0x39: {  	s2 =	ssub.s32 @!p1 s2, s3  }
0x3a: {  	s2 =	sadd.s32 @!p1 $0xFFFD8FF0, s2;
	s0 =	ssub.s32 @!p1 s21, s0  }
0x3b: {  	s3 =	sshll.u32 @!p1 s2, $0x2;
	p2 =	sgt.s32 @!p1 s2, $0xEF;
	s0 =	smul.u32 @!p1 $0x3C0, s0  }
0x3c: {  	s4 =	sand.u32 @!p1 $0x7, s19;
	s2 =	ssub.s32 @!p1 $0x3C0, s3;
	p2 =	por !p2, p1  }
0x3d: {  	s3 =	sshrl.u32 @!p1 s19, $0x3;
	s2 =	sshrl.u32 @!p1 s2, $0x2;
	s0 =	sshrl.u32 @!p1 s0, $0x2  }
0x3e: {  	s3 =	sadd.s32 @!p1 s3, s14;
	s2 =	simm.s32 @!p2 $0x0;
	s0 =	sadd.s32 @!p1 $0x10248, s0  }
0x3f: {  	[tilespmem:s0], [sflag:$0xA] =	stream.linear.gather @!p1 [hbm4b:s3+s4], s2, $0x38;
	[tilespmem:$0x1F6F8] =	vst v63  }
0x40: {  	s0 =	sadd.s32 $0xFFFFFFFF, s21  }
0x41: {  	p1 =	sge.u32 s0, s13  }
0x42: {  	p2 =	sgt.s32 @!p1 s20, $0x27010  }
0x43: {  	s2 =	smov.u32 s20;
	s3 =	sshra.s32 @!p1 s20, $0x1F;
	p2 =	por !p2, p1  }
0x44: {  	s3 =	sand.u32 @!p1 s3, s20;
	s2 =	simm.s32 @p2 $0x27010  }
0x45: {  	s2 =	ssub.s32 @!p1 s2, s3  }
0x46: {  	s2 =	sadd.s32 @!p1 $0xFFFD8FF0, s2  }
0x47: {  	s4 =	sand.u32 @!p1 $0x1, s0;
	s3 =	sshll.u32 @!p1 s2, $0x2  }
0x48: {  	p2 =	sgt.s32 @!p1 s2, $0xEF;
	s2 =	ssub.s32 @!p1 $0x3C0, s3;
	s3 =	smulhi.u32 @!p1 $0xAAAAAAAB, s0  }
0x49: {  	s23 =	smul.u32 @!p1 $0x3C0, s4;
	p2 =	por !p2, p1;
	s2 =	sshrl.u32 @!p1 s2, $0x2  }
0x4a: {  	s5 =	simm.s32 @!p1 $0xA;
	s2 =	simm.s32 @!p2 $0x0;
	s3 =	sshrl.u32 @!p1 s3, $0x1  }
0x4b: {  	s23 =	sshrl.u32 @!p1 s23, $0x2;
	_ =	swait.ge @!p1 [sflag:s5], s2;
	s3 =	smul.u32 @!p1 $0x3, s3  }
0x4c: {  	s23 =	sadd.s32 @!p1 $0x10518, s23;
	s24 =	ssub.s32 @!p1 $0x0, s2;
	[sflag:s5] =	ssyncset.done @!p1 $0x0  }
0x4d: {  	[sflag:s5] =	ssyncadd.s32 @!p1 s24;
	s5 =	sshrl.u32 @!p1 s20, $0x3;
	s0 =	ssub.s32 @!p1 s0, s3  }
0x4e: {  	s24 =	sand.u32 @!p1 $0x7, s20;
	s5 =	sadd.s32 @!p1 s5, s15;
	s0 =	smul.u32 @!p1 $0x3C0, s0  }
0x4f: {  	[tilespmem:s23], [sflag:$0xB] =	stream.linear.gather @!p1 [hbm4b:s5+s24], s2, $0x38;
	[tilespmem:$0x1F6F8] =	vst v63  }
0x50: {  	s3 =	ssub.s32 @!p1 $0x27100, s20;
	s2 =	smul.u32 @!p1 $0x1E000, s4  }
0x51: {  	p2 =	slt.s32 @!p1 s3, $0xF0  }
0x52: {  	p2 =	por !p2, p1;
	s0 =	sshrl.u32 @!p1 s0, $0x2;
	s2 =	sshrl.u32 @!p1 s2, $0x2  }
0x53: {  	s3 =	simm.s32 @p2 $0xF0;
	s0 =	sadd.s32 @!p1 $0x10248, s0;
	s2 =	sor.u32 @!p1 $0x106F8, s2  }
0x54: {  	[tilespmem:s2], [sflag:$0x9] =	stream.indirect.gather @!p1 [hbm4b:s6+s3], $0x80, s0, s3, $0xb8;
	[tilespmem:$0x1F6F8] =	vst v63  }
0x55: {  	p1 =	slt.u32 s21, $0x2  }
.Ltmp3:
0x56: {  	_ = 	snop;
	(pc) =	sbr.rel @p1 .LBB2_21-.Ltmp3, $1  }
0x57: {  	_ =	sdelay $0x3  }
0x58: {  	p1 =	sgt.s32 s22, $0x27010  }
0x59: {  	s0 =	smov.u32 s22;
	s2 =	sshra.s32 s22, $0x1F;
	s3 =	ssub.s32 $0x27100, s22  }
0x5a: {  	s0 =	simm.s32 @!p1 $0x27010;
	s2 =	sand.u32 s2, s22;
	p1 =	slt.s32 s3, $0xF0  }
0x5b: {  	s0 =	ssub.s32 s0, s2;
	s3 =	simm.s32 @!p1 $0xF0  }
0x5c: {  	s0 =	sadd.s32 $0xFFFD8FF0, s0;
	s25 =	sshll.u32 s3, $0x7  }
0x5d: {  	s26 =	sshll.u32 s0, $0x2;
	s2 =	sand.u32 $0x3FFFFF80, s25  }
0x5e: {  	p1 =	sgt.s32 s0, $0xEF;
	s29 =	ssub.s32 $0x3C0, s26;
	_ =	swait.ge [sflag:s10], s2  }
0x5f: {  	s2 =	ssub.s32 $0x0, s2;
	[sflag:s10] =	ssyncset.done $0x0;
	s0 =	sshrl.u32 s29, $0x2  }
0x60: {  	[sflag:s10] =	ssyncadd.s32 s2;
	s0 =	simm.s32 @p1 $0x0  }
0x61: {  	_ =	swait.ge [sflag:s11], s0  }
0x62: {  	s0 =	ssub.s32 $0x0, s0;
	[sflag:s11] =	ssyncset.done $0x0  }
0x63: {  	[sflag:s11] =	ssyncadd.s32 s0  }
0x64: {  	v1 =	vld [tilespmem:$0xF208];
	_ =	sdelay $0x4  }
0x65: {  	(v2sf) =	vpush v1, $0x0  }
0x66: {  	(v2sf) =	vpush v1, $0x1  }
0x67: {  	(v2sf) =	vpush v1, $0x2;
	_ =	sdelay $0x3  }
0x68: {  	s0 =	sadd.s32 $0xF0, s22  }
0x69: {  	s2 =	ssub.s32 $0x4E200, s22;
	p1 =	slt.s32 s8, s0  }
0x6a: {  	s0 =	smov.u32 @p1 s8;
	p1 =	sgt.s32 s2, $0x0  }
0x6b: {  	s26 =	ssub.s32 s0, s22;
	s2 =	simm.s32 @!p1 $0x0  }
0x6c: {  	p1 =	slt.s32 s2, s26  }
0x6d: {  	s26 =	smov.u32 @p1 s2  }
0x6e: {  	s25 =	simm.s32 $0x1;
	p1 =	slt.s32 s26, $0x1  }
.Ltmp4:
0x6f: {  	s25 =	simm.s32 @!p0 $0x0;
	(pc) =	sbr.rel @p1 .LBB2_8-.Ltmp4, $4  }
0x70: {  	s31 =	smul.u32 $0x3C0, s25  }
0x71: {  	s28 =	spop (v2sf)  }
0x72: {  	s0 =	sshrl.u32 s31, $0x2;
	s30 =	spop (v2sf)  }
0x73: {  	s23 =	sadd.s32 $0x10518, s0;
	s22 =	spop (v2sf)  }
0x74: {  	s0 =	smin.u32 s26, $0x10  }
0x75: {  	v1 =	vmov s0  }
0x76: {  	p2 =	sgt.s32 s26, $0x10;
	vm1 =	vgt.u32 v1, v0  }
.Ltmp5:
0x77: {  	_ = 	snop;
	(pc) =	sbr.rel @!p2 .LBB2_7-.Ltmp5, $2  }
0x78: {  	_ =	sdelay $0x2  }
0x79: {  	s4 =	simm.s32 $0x10;
	s24 =	sadd.s32 $0xFFFFFFF0, s26;
	s0 =	smov.u32 s23;
	vm0 =	vmmov vm1  }
.LBB2_6:
0x7a: {  	s2 =	smin.u32 s24, $0x10;
	s4 =	sadd.s32 $0x10, s4;
	v1 =	vld.msk [tilespmem:s0+$0x0 ss:$0x1], vm1  }
0x7b: {  	v2 =	vmov s2;
	p2 =	slt.s32 s4, s26  }
0x7c: {  	vm1 =	vgt.u32 v2, v0  }
.Ltmp6:
0x7d: {  	(pc) =	sbr.rel @p2 .LBB2_6-.Ltmp6, $3  }
0x7e: {  	_ =	sdelay $0x1  }
0x7f: {  	v1 =	vshll.u32 v1, $0x4  }
0x80: {  	s24 =	sadd.s32 $0xFFFFFFF0, s24;
	[tilespmem:s0+$0x0] =	vst.msk vm0, v1;
	s0 =	sadd.s32 $0x10, s0;
	vm0 =	vmmov vm1  }
.LBB2_7:
0x81: {  	_ =	sdelay $0x4  }
0x82: {  	v1 =	vld.msk [tilespmem:s0+$0x0 ss:$0x1], vm1;
	_ =	sdelay $0x4  }
0x83: {  	v1 =	vshll.u32 v1, $0x4  }
0x84: {  	[tilespmem:s0+$0x0] =	vst.msk vm0, v1  }
.LBB2_8:
0x85: {  	s0 =	sand.u32 $0x1, s21  }
0x86: {  	s0 =	smul.u32 $0xF0, s0  }
0x87: {  	p2 =	sne.s32 s30, $0xFFFFFFFF  }
0x88: {  	v1 =	vld.msk @!p2 [tilespmem:s0+$0x10518], $0x1;
	_ =	sdelay $0x4  }
0x89: {  	(v2sf) =	vpush @!p2 v1, $0x0;
	_ =	sdelay $0xc  }
.Ltmp7:
0x8a: {  	_ = 	snop;
	(pc) =	sbr.rel @p1 .LBB2_19-.Ltmp7, $4  }
0x8b: {  	_ = 	snop  }
0x8c: {  	s29 =	spop @!p2 (v2sf)  }
0x8d: {  	s22 =	simm.s32 @!p2 $0x0;
	s24 =	smov.u32 s29  }
0x8e: {  	[sflag:s18] =	ssyncpa.u1 $0x0;
	s29 =	smov.u32 @p2 s28;
	s24 =	smov.u32 @p2 s30  }
0x8f: {  	v1 =	vld.msk [tilespmem:s23+$0x0], $0x1;
	_ =	sdelay $0x4  }
0x90: {  	(v2sf) =	vpush v1, $0x0;
	_ =	sdelay $0xe  }
0x91: {  	s2 =	smul.u32 $0x1E000, s25;
	s0 =	spop (v2sf)  }
0x92: {  	s26 =	ssub.s32 $0x0, s26;
	p1 =	seq.s32 s29, s0  }
0x93: {  	s30 =	sadd.s32 $0x1, s26;
	s2 =	sshrl.u32 s2, $0x2;
	p2 =	sgt.s32 @!p1 s29, $0x0  }
0x94: {  	s25 =	sor.u32 $0x10738, s2;
	s2 =	smov.u32 s29;
	p2 =	por !p2, p1  }
0x95: {  	s2 =	simm.s32 @p2 $0x0;
	p2 =	seq.s32 s30, $0x0  }
.Ltmp8:
0x96: {  	_ = 	snop;
	(pc) =	sbr.rel @p2 .LBB2_11-.Ltmp8, $4  }
0x97: {  	_ = 	snop  }
0x98: {  	s28 =	simm.s32 $0x0;
	s31 =	sadd.s32 $0x1, s23;
	s2 =	smin.u32 @!p1 s2, $0x7D70  }
0x99: {  	s4 =	simm.s32 @!p1 $0x1;
	s5 =	simm.s32 @!p1 $0x7988;
	s3 =	sand.u32 @!p1 $0x7FF8, s2  }
0x9a: {  	s4 =	smov.u32 @p1 s28;
	s2 =	sand.u32 @!p1 $0x7, s2;
	s3 =	sadd.s32 @!p1 s1, s3  }
.LBB2_10:
0x9b: {  	s9 =	smov.u32 s4  }
0x9c: {  	[tilespmem:s5], [sflag:$0x2] =	stream.linear.gather @!p1 [hbm4b:s3+s2], $0x80, $0x38;
	[tilespmem:$0x1F6F8] =	vst v63  }
0x9d: {  	s30 =	sadd.s32 $0x1, s30;
	s2 =	smov.u32 s0;
	v1 =	vld.msk [tilespmem:s31+$0x0], $0x1  }
0x9e: {  	p2 =	seq.s32 s30, $0x0;
	_ =	sdelay $0x3  }
0x9f: {  	(v2sf) =	vpush v1, $0x0;
	_ =	sdelay $0xe  }
0xa0: {  	s0 =	spop (v2sf)  }
0xa1: {  	p1 =	seq.s32 s2, s0  }
0xa2: {  	p3 =	sgt.s32 @!p1 s2, $0x0;
	s3 =	sshll.u32 @!p1 s4, $0x9;
	s4 =	sadd.s32 @!p1 $0x1, s4  }
.Ltmp9:
0xa3: {  	p3 =	por !p3, p1;
	s3 =	sshra.s32 @!p1 s3, $0x2;
	(pc) =	sbr.rel @!p2 .LBB2_10-.Ltmp9, $4  }
0xa4: {  	s4 =	smov.u32 @p1 s9;
	s2 =	simm.s32 @p3 $0x0;
	s5 =	sadd.s32 @!p1 $0x7988, s3  }
0xa5: {  	s2 =	smin.u32 @!p1 s2, $0x7D70  }
0xa6: {  	s3 =	sand.u32 @!p1 $0x7FF8, s2;
	s2 =	sand.u32 @!p1 $0x7, s2  }
0xa7: {  	s31 =	sadd.s32 $0x1, s31;
	s3 =	sadd.s32 @!p1 s1, s3  }
.LBB2_11:
0xa8: {  	[tilespmem:s5], [sflag:$0x2] =	stream.linear.gather @!p1 [hbm4b:s3+s2], $0x80, $0x38;
	[tilespmem:$0x1F6F8] =	vst v63  }
.Ltmp10:
0xa9: {  	s0 =	sshll.u32 s4, $0x7;
	(pc) =	sbr.rel .LBB2_12-.Ltmp10, $4  }
0xaa: {  	s30 =	simm.s32 $0x2;
	s0 =	sand.u32 $0x3FFFFF80, s0  }
0xab: {  	_ =	swait.ge [sflag:s30], s0  }
0xac: {  	s0 =	ssub.s32 $0x0, s0;
	[sflag:s30] =	ssyncset.done $0x0  }
0xad: {  	s31 =	simm.s32 $0x0;
	[sflag:s30] =	ssyncadd.s32 s0  }
.LBB2_13:
0xae: {  	v1 =	vld [tilespmem:s25+$0xFFFFFFC0];
	_ =	sdelay $0x3  }
0xaf: {  	s0 =	sshra.s32 s0, $0x2  }
0xb0: {  	[tilespmem:s0+$0x108] =	vst.add.f32.msk $0xffff, v1  }
0xb1: {  	v1 =	vld [tilespmem:s25+$0xFFFFFFD0];
	_ =	sdelay $0x4  }
0xb2: {  	[tilespmem:s0+$0x118] =	vst.add.f32.msk $0xffff, v1  }
0xb3: {  	v1 =	vld [tilespmem:s25+$0xFFFFFFE0];
	_ =	sdelay $0x4  }
0xb4: {  	[tilespmem:s0+$0x128] =	vst.add.f32.msk $0xffff, v1  }
0xb5: {  	v1 =	vld [tilespmem:s25+$0xFFFFFFF0];
	_ =	sdelay $0x4  }
0xb6: {  	[tilespmem:s0+$0x138] =	vst.add.f32.msk $0xffff, v1  }
0xb7: {  	v1 =	vld [tilespmem:s25+$0x0];
	_ =	sdelay $0x4  }
0xb8: {  	[tilespmem:s0+$0x148] =	vst.add.f32.msk $0xffff, v1  }
0xb9: {  	v1 =	vld [tilespmem:s25+$0x10];
	_ =	sdelay $0x4  }
0xba: {  	[tilespmem:s0+$0x158] =	vst.add.f32.msk $0xffff, v1  }
0xbb: {  	v1 =	vld [tilespmem:s25+$0x20];
	_ =	sdelay $0x4  }
0xbc: {  	[tilespmem:s0+$0x168] =	vst.add.f32.msk $0xffff, v1  }
0xbd: {  	v1 =	vld [tilespmem:s25+$0x30];
	_ =	sdelay $0x4  }
0xbe: {  	[tilespmem:s0+$0x178] =	vst.add.f32.msk $0xffff, v1  }
.LBB2_17:
0xbf: {  	s26 =	sadd.s32 $0x1, s26  }
0xc0: {  	p1 =	seq.s32 s26, $0x0  }
.Ltmp11:
0xc1: {  	_ = 	snop;
	(pc) =	sbr.rel @p1 .LBB2_18-.Ltmp11, $2  }
0xc2: {  	_ =	sdelay $0x2  }
0xc3: {  	s23 =	sadd.s32 $0x1, s23;
	s25 =	sadd.s32 $0x80, s25;
	s29 =	smov.u32 s30  }
.LBB2_12:
0xc4: {  	v1 =	vld.msk [tilespmem:s23+$0x0], $0x1;
	_ =	sdelay $0x4  }
0xc5: {  	(v2sf) =	vpush v1, $0x0;
	_ =	sdelay $0xe  }
0xc6: {  	s30 =	spop (v2sf)  }
0xc7: {  	p1 =	sne.s32 s29, s30  }
.Ltmp12:
0xc8: {  	_ = 	snop;
	(pc) =	sbr.rel @!p1 .LBB2_13-.Ltmp12, $2  }
0xc9: {  	_ =	sdelay $0x2  }
0xca: {  	s0 =	sshll.u32 s22, $0x9  }
0xcb: {  	p1 =	seq.s32 s29, s24  }
.Ltmp13:
0xcc: {  	_ = 	snop;
	(pc) =	sbr.rel @!p1 .LBB2_15-.Ltmp13, $1  }
0xcd: {  	_ =	sdelay $0x3  }
0xce: {  	s0 =	sshra.s32 s0, $0x2  }
.Ltmp14:
0xcf: {  	s0 =	sadd.s32 $0x108, s0;
	(pc) =	sbr.rel .LBB2_16-.Ltmp14, $4  }
0xd0: {  	[spmem:s16] =	stream.linear.scatter [tilespmem:s0], [sflag:$0x1], $0x80, $0x38;
	[tilespmem:$0x1F6F8] =	vst v63  }
0xd1: {  	_ =	swait.ge [sflag:s12], $0x80  }
0xd2: {  	[sflag:s12] =	ssyncset.done $0x0  }
0xd3: {  	[sflag:s12] =	ssyncadd.s32 $0xFFFFFF80  }
.LBB2_15:
0xd4: {  	s2 =	sshll.u32 s28, $0x9  }
0xd5: {  	s2 =	sshra.s32 s2, $0x2  }
0xd6: {  	v1 =	vld [tilespmem:s2+$0x7988];
	_ =	sdelay $0x3  }
0xd7: {  	s0 =	sshra.s32 s0, $0x2  }
0xd8: {  	[tilespmem:s0+$0x108] =	vst.add.f32.msk $0xffff, v1  }
0xd9: {  	v1 =	vld [tilespmem:s2+$0x7998];
	_ =	sdelay $0x4  }
0xda: {  	[tilespmem:s0+$0x118] =	vst.add.f32.msk $0xffff, v1  }
0xdb: {  	v1 =	vld [tilespmem:s2+$0x79A8];
	_ =	sdelay $0x4  }
0xdc: {  	[tilespmem:s0+$0x128] =	vst.add.f32.msk $0xffff, v1  }
0xdd: {  	v1 =	vld [tilespmem:s2+$0x79B8];
	_ =	sdelay $0x4  }
0xde: {  	[tilespmem:s0+$0x138] =	vst.add.f32.msk $0xffff, v1  }
0xdf: {  	v1 =	vld [tilespmem:s2+$0x79C8];
	_ =	sdelay $0x4  }
0xe0: {  	[tilespmem:s0+$0x148] =	vst.add.f32.msk $0xffff, v1  }
0xe1: {  	v1 =	vld [tilespmem:s2+$0x79D8];
	_ =	sdelay $0x4  }
0xe2: {  	[tilespmem:s0+$0x158] =	vst.add.f32.msk $0xffff, v1  }
0xe3: {  	v1 =	vld [tilespmem:s2+$0x79E8];
	_ =	sdelay $0x4  }
0xe4: {  	[tilespmem:s0+$0x168] =	vst.add.f32.msk $0xffff, v1  }
0xe5: {  	v1 =	vld [tilespmem:s2+$0x79F8];
	_ =	sdelay $0x2  }
0xe6: {  	p1 =	sgt.u32 s29, $0x7D70  }
0xe7: {  	s2 =	sand.u32 @!p1 $0x7FF8, s29  }
0xe8: {  	s3 =	sadd.s32 $0x108, s0;
	[tilespmem:s0+$0x178] =	vst.add.f32.msk $0xffff, v1;
	s0 =	sadd.s32 @!p1 s1, s2;
	s2 =	sand.u32 @!p1 $0x7, s29  }
0xe9: {  	[hbm4b:s0+s2] =	stream.linear.scatter @!p1 [tilespmem:s3], [sflag:$0xC], $0x80, $0x38;
	[tilespmem:$0x1F6F8] =	vst v63  }
0xea: {  	s0 =	simm.s32 $0x0  }
0xeb: {  	s0 =	simm.s32 @!p1 $0x200  }
0xec: {  	s31 =	sadd.s32 s0, s31  }
.LBB2_16:
0xed: {  	s0 =	sadd.s32 $0x1, s22  }
0xee: {  	s2 =	smulhi.u32 $0x88888889, s0;
	_ =	sdelay $0x1  }
0xef: {  	v1 =	vld [tilespmem:s25+$0xFFFFFFC0];
	s2 =	sshrl.u32 s2, $0x7  }
0xf0: {  	s2 =	smul.u32 $0xF0, s2;
	_ =	sdelay $0x1  }
0xf1: {  	s22 =	ssub.s32 s0, s2  }
0xf2: {  	s0 =	sshll.u32 s22, $0x7  }
0xf3: {  	[tilespmem:s0+$0x108] =	vst v1  }
0xf4: {  	v1 =	vld [tilespmem:s25+$0xFFFFFFD0];
	_ =	sdelay $0x4  }
0xf5: {  	[tilespmem:s0+$0x118] =	vst v1  }
0xf6: {  	v1 =	vld [tilespmem:s25+$0xFFFFFFE0];
	_ =	sdelay $0x4  }
0xf7: {  	[tilespmem:s0+$0x128] =	vst v1  }
0xf8: {  	v1 =	vld [tilespmem:s25+$0xFFFFFFF0];
	_ =	sdelay $0x4  }
0xf9: {  	[tilespmem:s0+$0x138] =	vst v1  }
0xfa: {  	v1 =	vld [tilespmem:s25+$0x0];
	_ =	sdelay $0x4  }
0xfb: {  	[tilespmem:s0+$0x148] =	vst v1  }
0xfc: {  	v1 =	vld [tilespmem:s25+$0x10];
	_ =	sdelay $0x4  }
0xfd: {  	[tilespmem:s0+$0x158] =	vst v1  }
0xfe: {  	v1 =	vld [tilespmem:s25+$0x20];
	_ =	sdelay $0x4  }
0xff: {  	[tilespmem:s0+$0x168] =	vst v1  }
0x100: {  	v1 =	vld [tilespmem:s25+$0x30]  }
.Ltmp15:
0x101: {  	_ = 	snop;
	(pc) =	sbr.rel .LBB2_17-.Ltmp15, $2  }
0x102: {  	_ =	sdelay $0x2  }
0x103: {  	s28 =	sadd.s32 $0x1, s28;
	[tilespmem:s0+$0x178] =	vst v1  }
.LBB2_19:
.Ltmp16:
0x104: {  	(pc) =	sbr.rel .LBB2_20-.Ltmp16, $4  }
0x105: {  	_ = 	snop  }
0x106: {  	s0 =	simm.s32 $0x2  }
0x107: {  	_ =	swait.ge [sflag:s0], $0x0  }
0x108: {  	s30 =	smov.u32 s29;
	[sflag:s0] =	ssyncset.done $0x0;
	s0 =	simm.s32 $0x0  }
.LBB2_22:
0x109: {  	_ =	sfence.sel $0x180000  }
0x10a: {  	s0 =	simm.s32 $0x9;
	[bflag:$0x0] =	sbarrier.arrive $0xFFFF  }
0x10b: {  	s24 =	simm.s32 $0xA;
	[sflag:s0] =	ssyncpa.u1 $0x1  }
0x10c: {  	s25 =	simm.s32 $0xB;
	[sflag:s24] =	ssyncpa.u1 $0x1  }
0x10d: {  	s26 =	simm.s32 $0x2;
	[sflag:s25] =	ssyncpa.u1 $0x1  }
0x10e: {  	[sflag:s26] =	ssyncpa.u1 $0x1  }
0x10f: {  	v0 =	vld [tilespmem:$0xF208];
	_ =	sdelay $0x4  }
0x110: {  	(v2sf) =	vpush v0, $0x0  }
0x111: {  	(v2sf) =	vpush v0, $0x1;
	_ =	sdelay $0x1  }
0x112: {  	(v2sf) =	vpush v0, $0x2;
	_ =	sdelay $0xb  }
0x113: {  	s0 =	spop (v2sf)  }
0x114: {  	s2 =	spop (v2sf)  }
0x115: {  	s3 =	smov.u32 s0;
	p0 =	sne.s32 s0, s2  }
0x116: {  	s4 =	spop (v2sf);
	s3 =	simm.s32 @!p0 $0xFFFFFFFF  }
0x117: {  	v2 =	vimm.s32 $0x1;
	v3 =	vlaneseq.u32;
	p0 =	seq.s32 s4, $0xFFFFFFFF;
	v1 =	vmov s3  }
0x118: {  	s16 =	stileid.u32;
	v0 =	vperm.xlane v0, v2;
	p1 =	sne.s32 @!p0 s0, s2;
	v1 =	vperm.xlane v1, v3  }
0x119: {  	vm0 =	vcmask $0x3F04;
	s6 =	simm.s32 $0xF208;
	s0 =	simm.s32 @!p0 $0x1;
	p1 =	por !p1, p0  }
0x11a: {  	s3 =	sshll.u32 s16, $0x1;
	s2 =	sshll.u32 @!p0 s4, $0x9;
	s0 =	simm.s32 @p1 $0x0;
	v0 =	vsel vm0, v1, v0  }
0x11b: {  	s5 =	sor.u32 $0x1000, s3;
	s2 =	sshra.s32 @!p0 s2, $0x2;
	s0 =	sor.u32 @!p0 s0, s3;
	[tilespmem:$0xF208] =	vst v0  }
0x11c: {  	[spmem:s5] =	stream.linear.scatter [tilespmem:s6], [sflag:$0x1], $0x2, $0x38;
	[tilespmem:$0x1F6F8] =	vst v63  }
0x11d: {  	s2 =	sadd.s32 @!p0 $0x108, s2;
	s0 =	sshll.u32 @!p0 s0, $0x7  }
0x11e: {  	[spmem:s0] =	stream.linear.scatter @!p0 [tilespmem:s2], [sflag:$0x1], $0x80, $0x38;
	[tilespmem:$0x1F6F8] =	vst v63  }
0x11f: {  	s0 =	simm.s32 @!p0 $0x82  }
0x120: {  	s28 =	simm.s32 $0x1;
	s0 =	simm.s32 @p0 $0x2  }
0x121: {  	_ =	swait.ge [sflag:s28], s0  }
0x122: {  	s0 =	ssub.s32 $0x0, s0;
	[sflag:s28] =	ssyncset.done $0x0  }
0x123: {  	p0 =	sne.s32 s16, $0x0;
	[sflag:s28] =	ssyncadd.s32 s0  }
.Ltmp17:
0x124: {  	_ =	sfence.stream.spmem;
	(pc) =	sbr.rel @p0 .LBB2_39-.Ltmp17, $4  }
0x125: {  	s29 =	simm.s32 $0x3;
	[bflag:$0x0] =	sbarrier.arrive $0xFFFF  }
0x126: {  	s30 =	simm.s32 $0x4;
	[sflag:s29] =	ssyncpa.u1 $0x1  }
0x127: {  	s31 =	simm.s32 $0x3C;
	[sflag:s30] =	ssyncpa.u1 $0x1  }
0x128: {  	s15 =	rddreg [dreg:$0x4];
	[sflag:s31] =	ssyncpa.u1 $0x1  }
0x129: {  	_ =	sfence.stream.spmem;
	s0 =	simm.s32 $0x5  }
0x12a: {  	s2 =	simm.s32 $0x1000;
	s3 =	simm.s32 $0xF218;
	[sflag:s0] =	ssyncpa.u1 $0x0  }
0x12b: {  	[tilespmem:s3], [sflag:$0x5] =	stream.linear.gather [spmem:s2], $0x20, $0x38;
	[tilespmem:$0x1F6F8] =	vst v63  }
0x12c: {  	s26 =	simm.s32 $0x0;
	s28 =	simm.s32 $0xF238  }
0x12d: {  	[tilespmem:s28], [sflag:$0x5] =	stream.linear.gather [spmem:s26], $0x1000, $0x38;
	[tilespmem:$0x1F6F8] =	vst v63  }
0x12e: {  	_ =	swait.ge [sflag:s0], $0x1020  }
0x12f: {  	[sflag:s0] =	ssyncset.done $0x0  }
0x130: {  	s29 =	simm.s32 $0x0;
	[sflag:s0] =	ssyncadd.s32 $0xFFFFEFE0  }
0x131: {  	v0 =	vld.msk [tilespmem:s29+$0xF218], $0x1;
	_ =	sdelay $0x1  }
0x132: {  	s30 =	simm.s32 $0x1  }
0x133: {  	v1 =	vld.msk [tilespmem:s30+$0xF218], $0x1;
	_ =	sdelay $0x1  }
0x134: {  	(v2sf) =	vpush v0, $0x0;
	_ =	sdelay $0x2  }
0x135: {  	(v2sf) =	vpush v1, $0x0;
	_ =	sdelay $0x2  }
0x136: {  	s31 =	simm.s32 $0x2  }
0x137: {  	v0 =	vld.msk [tilespmem:s31+$0xF218], $0x1;
	_ =	sdelay $0x2  }
0x138: {  	s4 =	simm.s32 $0xFFFFFFFF;
	s5 =	simm.s32 $0xFFFFFFFF;
	s0 =	simm.s32 $0xC  }
.LBB2_24:
0x139: {  	s2 =	smov.u32 s5;
	s3 =	smov.u32 s4  }
0x13a: {  	s4 =	sshra.s32 s0, $0x2;
	p1 =	sne.s32 s0, $0x7C;
	s0 =	sadd.s32 $0x4, s0;
	(v2sf) =	vpush v0, $0x0  }
0x13b: {  	v0 =	vld.msk [tilespmem:s4+$0xF218], $0x1  }
.Ltmp18:
0x13c: {  	(pc) =	sbr.rel @p1 .LBB2_24-.Ltmp18, $4  }
0x13d: {  	s5 =	spop (v2sf)  }
0x13e: {  	p2 =	sne.s32 s3, $0xFFFFFFFF;
	s4 =	smov.u32 s5  }
0x13f: {  	p3 =	seq.s32 s5, $0xFFFFFFFF;
	s4 =	smov.u32 @p2 s3  }
0x140: {  	s5 =	smov.u32 @p3 s2;
	s4 =	smov.u32 @p3 s3  }
0x141: {  	(v2sf) =	vpush v0, $0x0;
	_ =	sdelay $0x8  }
0x142: {  	s0 =	spop (v2sf)  }
0x143: {  	p1 =	sne.s32 s4, $0xFFFFFFFF;
	s2 =	smov.u32 s0  }
0x144: {  	s9 =	simm.s32 $0x6;
	p2 =	seq.s32 s0, $0xFFFFFFFF;
	s2 =	smov.u32 @p1 s4  }
0x145: {  	s6 =	simm.s32 $0x0;
	s2 =	smov.u32 @p2 s4;
	s3 =	spop (v2sf)  }
0x146: {  	s0 =	smov.u32 @p2 s5;
	p1 =	sne.s32 s2, $0xFFFFFFFF;
	s4 =	smov.u32 s3  }
.Ltmp19:
0x147: {  	p2 =	seq.s32 s3, $0xFFFFFFFF;
	s4 =	smov.u32 @p1 s2;
	(pc) =	sbr.rel .LBB2_26-.Ltmp19, $4  }
0x148: {  	s10 =	simm.s32 $0xF188;
	s4 =	smov.u32 @p2 s2;
	s7 =	spop (v2sf)  }
0x149: {  	s11 =	simm.s32 $0x0;
	p1 =	sne.s32 s4, $0xFFFFFFFF;
	s8 =	smov.u32 s7  }
0x14a: {  	s3 =	smov.u32 @p2 s0;
	p2 =	seq.s32 s7, $0xFFFFFFFF;
	s8 =	smov.u32 @p1 s4  }
0x14b: {  	[sflag:s9] =	ssyncpa.u1 $0x0;
	s7 =	smov.u32 @p2 s3;
	s8 =	smov.u32 @p2 s4  }
.LBB2_32:
0x14c: {  	p1 =	sgt.u32 s12, $0x7D70  }
0x14d: {  	p2 =	seq.s32 @!p1 s12, s8  }
0x14e: {  	p1 =	por p1, p2  }
0x14f: {  	p2 =	sne.s32 @!p1 s12, s7  }
0x150: {  	p1 =	por p1, !p2  }
0x151: {  	s0 =	sshll.u32 @p1 s11, $0x9  }
0x152: {  	s0 =	sand.u32 @!p1 $0x7FF8, s12  }
0x153: {  	s2 =	sand.u32 @!p1 $0x7, s12;
	s0 =	sadd.s32 @!p1 s1, s0  }
0x154: {  	[tilespmem:s10], [sflag:$0x6] =	stream.linear.gather @!p1 [hbm4b:s0+s2], $0x80, $0x38;
	[tilespmem:$0x1F6F8] =	vst v63  }
0x155: {  	_ =	swait.ge @!p1 [sflag:s9], $0x80  }
0x156: {  	[sflag:s9] =	ssyncset.done @!p1 $0x0  }
0x157: {  	[sflag:s9] =	ssyncadd.s32 @!p1 $0xFFFFFF80  }
0x158: {  	v1 =	vld @!p1 [tilespmem:$0xF188];
	_ =	sdelay $0x2  }
0x159: {  	s0 =	sshll.u32 @!p1 s11, $0x9  }
0x15a: {  	s2 =	sshrl.u32 @!p1 s0, $0x2  }
0x15b: {  	[tilespmem:s2+$0xF238] =	vst.add.f32.msk @!p1 $0xffff, v1  }
0x15c: {  	v1 =	vld @!p1 [tilespmem:$0xF198];
	_ =	sdelay $0x4  }
0x15d: {  	[tilespmem:s2+$0xF248] =	vst.add.f32.msk @!p1 $0xffff, v1  }
0x15e: {  	v1 =	vld @!p1 [tilespmem:$0xF1A8];
	_ =	sdelay $0x4  }
0x15f: {  	[tilespmem:s2+$0xF258] =	vst.add.f32.msk @!p1 $0xffff, v1  }
0x160: {  	v1 =	vld @!p1 [tilespmem:$0xF1B8];
	_ =	sdelay $0x4  }
0x161: {  	[tilespmem:s2+$0xF268] =	vst.add.f32.msk @!p1 $0xffff, v1  }
0x162: {  	v1 =	vld @!p1 [tilespmem:$0xF1C8];
	_ =	sdelay $0x4  }
0x163: {  	[tilespmem:s2+$0xF278] =	vst.add.f32.msk @!p1 $0xffff, v1  }
0x164: {  	v1 =	vld @!p1 [tilespmem:$0xF1D8];
	_ =	sdelay $0x4  }
0x165: {  	[tilespmem:s2+$0xF288] =	vst.add.f32.msk @!p1 $0xffff, v1  }
0x166: {  	v1 =	vld @!p1 [tilespmem:$0xF1E8];
	_ =	sdelay $0x4  }
0x167: {  	[tilespmem:s2+$0xF298] =	vst.add.f32.msk @!p1 $0xffff, v1  }
0x168: {  	v1 =	vld @!p1 [tilespmem:$0xF1F8];
	_ =	sdelay $0x4  }
0x169: {  	[tilespmem:s2+$0xF2A8] =	vst.add.f32.msk @!p1 $0xffff, v1  }
0x16a: {  	s0 =	sshrl.u32 s0, $0x2;
	[tilespmem:s6+$0xF218] =	vst.msk $0x1, v0  }
0x16b: {  	v0 =	vld [tilespmem:s0+$0xF238];
	_ =	sdelay $0x2  }
0x16c: {  	s31 =	sshll.u32 s6, $0x9  }
0x16d: {  	s2 =	sshra.s32 s31, $0x2  }
0x16e: {  	[tilespmem:s2+$0xF238] =	vst v0  }
0x16f: {  	v0 =	vld [tilespmem:s0+$0xF248];
	_ =	sdelay $0x4  }
0x170: {  	[tilespmem:s2+$0xF248] =	vst v0  }
0x171: {  	v0 =	vld [tilespmem:s0+$0xF258];
	_ =	sdelay $0x4  }
0x172: {  	[tilespmem:s2+$0xF258] =	vst v0  }
0x173: {  	v0 =	vld [tilespmem:s0+$0xF268];
	_ =	sdelay $0x4  }
0x174: {  	[tilespmem:s2+$0xF268] =	vst v0  }
0x175: {  	v0 =	vld [tilespmem:s0+$0xF278];
	_ =	sdelay $0x4  }
0x176: {  	[tilespmem:s2+$0xF278] =	vst v0  }
0x177: {  	v0 =	vld [tilespmem:s0+$0xF288];
	_ =	sdelay $0x4  }
0x178: {  	[tilespmem:s2+$0xF288] =	vst v0  }
0x179: {  	v0 =	vld [tilespmem:s0+$0xF298];
	_ =	sdelay $0x4  }
0x17a: {  	[tilespmem:s2+$0xF298] =	vst v0  }
0x17b: {  	v0 =	vld [tilespmem:s0+$0xF2A8];
	_ =	sdelay $0x4  }
0x17c: {  	s6 =	sadd.s32 $0x1, s6;
	[tilespmem:s2+$0xF2A8] =	vst v0  }
.LBB2_33:
0x17d: {  	s11 =	sadd.s32 $0x1, s11  }
0x17e: {  	p1 =	sne.s32 s11, $0x20  }
.Ltmp20:
0x17f: {  	_ = 	snop;
	(pc) =	sbr.rel @!p1 .LBB2_34-.Ltmp20, $1  }
0x180: {  	_ =	sdelay $0x3  }
.LBB2_26:
0x181: {  	v0 =	vld.msk [tilespmem:s11+$0xF218], $0x1;
	_ =	sdelay $0x4  }
0x182: {  	(v2sf) =	vpush v0, $0x0;
	_ =	sdelay $0xe  }
0x183: {  	s12 =	spop (v2sf)  }
0x184: {  	p1 =	seq.s32 s12, $0xFFFFFFFF  }
.Ltmp21:
0x185: {  	_ = 	snop;
	(pc) =	sbr.rel @p1 .LBB2_33-.Ltmp21, $1  }
0x186: {  	_ =	sdelay $0x3  }
0x187: {  	p1 =	slt.s32 s6, $0x1  }
.Ltmp22:
0x188: {  	_ = 	snop;
	(pc) =	sbr.rel @p1 .LBB2_32-.Ltmp22, $1  }
0x189: {  	_ =	sdelay $0x3  }
0x18a: {  	s13 =	simm.s32 $0xF218;
	p1 =	por $0x0, $0x0  }
0x18b: {  	v1 =	vld.msk @!p1 [tilespmem:s13+$0x0], $0x1;
	_ =	sdelay $0x4  }
0x18c: {  	(v2sf) =	vpush @!p1 v1, $0x0;
	_ =	sdelay $0xd  }
0x18d: {  	p3 =	sne.s32 s6, $0x1  }
.Ltmp23:
0x18e: {  	s0 =	spop @!p1 (v2sf);
	(pc) =	sbr.rel @!p3 .LBB2_30-.Ltmp23, $4  }
0x18f: {  	p2 =	seq.s32 @!p1 s12, s0  }
0x190: {  	s14 =	simm.s32 $0x0;
	p2 =	por !p2, p1  }
0x191: {  	s2 =	simm.s32 $0xFFFFFFFF;
	s14 =	simm.s32 @p2 $0xFFFFFFFF  }
0x192: {  	s0 =	simm.s32 $0x1;
	s14 =	smov.u32 @p1 s2  }
.LBB2_29:
0x193: {  	s2 =	smov.u32 s14;
	p1 =	sne.s32 s14, $0xFFFFFFFF  }
0x194: {  	s13 =	sadd.s32 $0x1, s13;
	s14 =	smov.u32 s0;
	s0 =	sadd.s32 $0x1, s0  }
0x195: {  	p2 =	sne.s32 s6, s0;
	v1 =	vld.msk @!p1 [tilespmem:s13+$0x0], $0x1;
	_ =	sdelay $0x4  }
0x196: {  	(v2sf) =	vpush @!p1 v1, $0x0;
	_ =	sdelay $0xe  }
.Ltmp24:
0x197: {  	s3 =	spop @!p1 (v2sf);
	(pc) =	sbr.rel @p2 .LBB2_29-.Ltmp24, $4  }
0x198: {  	p3 =	seq.s32 @!p1 s12, s3  }
0x199: {  	p3 =	por !p3, p1  }
0x19a: {  	s14 =	simm.s32 @p3 $0xFFFFFFFF  }
0x19b: {  	s14 =	smov.u32 @p1 s2  }
.LBB2_30:
0x19c: {  	p1 =	seq.s32 s14, $0xFFFFFFFF  }
.Ltmp25:
0x19d: {  	_ = 	snop;
	(pc) =	sbr.rel @p1 .LBB2_32-.Ltmp25, $1  }
0x19e: {  	_ =	sdelay $0x3  }
0x19f: {  	s0 =	sshll.u32 s11, $0x7  }
0x1a0: {  	s0 =	sand.u32 $0x3FFFFF80, s0  }
0x1a1: {  	v0 =	vld [tilespmem:s0+$0xF238];
	_ =	sdelay $0x2  }
0x1a2: {  	s2 =	sshll.u32 s14, $0x9  }
0x1a3: {  	s2 =	sshra.s32 s2, $0x2  }
0x1a4: {  	[tilespmem:s2+$0xF238] =	vst.add.f32.msk $0xffff, v0  }
0x1a5: {  	v0 =	vld [tilespmem:s0+$0xF248];
	_ =	sdelay $0x4  }
0x1a6: {  	[tilespmem:s2+$0xF248] =	vst.add.f32.msk $0xffff, v0  }
0x1a7: {  	v0 =	vld [tilespmem:s0+$0xF258];
	_ =	sdelay $0x4  }
0x1a8: {  	[tilespmem:s2+$0xF258] =	vst.add.f32.msk $0xffff, v0  }
0x1a9: {  	v0 =	vld [tilespmem:s0+$0xF268];
	_ =	sdelay $0x4  }
0x1aa: {  	[tilespmem:s2+$0xF268] =	vst.add.f32.msk $0xffff, v0  }
0x1ab: {  	v0 =	vld [tilespmem:s0+$0xF278];
	_ =	sdelay $0x4  }
0x1ac: {  	[tilespmem:s2+$0xF278] =	vst.add.f32.msk $0xffff, v0  }
0x1ad: {  	v0 =	vld [tilespmem:s0+$0xF288];
	_ =	sdelay $0x4  }
0x1ae: {  	[tilespmem:s2+$0xF288] =	vst.add.f32.msk $0xffff, v0  }
0x1af: {  	v0 =	vld [tilespmem:s0+$0xF298];
	_ =	sdelay $0x4  }
0x1b0: {  	[tilespmem:s2+$0xF298] =	vst.add.f32.msk $0xffff, v0  }
0x1b1: {  	v0 =	vld [tilespmem:s0+$0xF2A8]  }
.Ltmp26:
0x1b2: {  	_ = 	snop;
	(pc) =	sbr.rel .LBB2_33-.Ltmp26, $2  }
0x1b3: {  	_ =	sdelay $0x2  }
0x1b4: {  	[tilespmem:s2+$0xF2A8] =	vst.add.f32.msk $0xffff, v0  }
.LBB2_34:
0x1b5: {  	s0 =	simm.s32 $0x6;
	p1 =	seq.s32 s6, $0x0  }
0x1b6: {  	[sflag:s0] =	ssyncpa.u1 $0x1;
	v0 =	vimm.s32 @p1 $0xFFFFFFFF  }
0x1b7: {  	s9 =	sadd.s32 $0xFFFFFFFF, s6;
	[tilespmem:$0x10238] =	vst @p1 v0  }
0x1b8: {  	v0 =	vld.msk @!p1 [tilespmem:s9+$0xF218], $0x1;
	_ =	sdelay $0x1  }
0x1b9: {  	v1 =	vld.msk @!p1 [tilespmem:$0xF218], $0x1;
	_ =	sdelay $0x2  }
0x1ba: {  	p2 =	seq.s32 @!p1 s9, $0x0;
	v0 =	vbroadcast @!p1 v0, $0x0  }
0x1bb: {  	vm0 =	vmmov @!p1 $0x1;
	p2 =	por !p2, p1  }
0x1bc: {  	v1 =	vnsel @!p1 vm0, $0xFFFFFFFF, v1;
	vm0 =	vcmask @!p1 $0x308;
	v0 =	vpsel !p2, $0xFFFFFFFF, v0  }
0x1bd: {  	p2 =	sne.s32 @!p1 s8, s7;
	v0 =	vsel @!p1 vm0, v1, v0  }
0x1be: {  	s0 =	simm.s32 @!p1 $0xF238;
	s2 =	simm.s32 @!p1 $0x0;
	p3 =	por !p2, p1;
	[tilespmem:$0x10238] =	vst @!p1 v0  }
0x1bf: {  	[spmem:s2] =	stream.linear.scatter @!p1 [tilespmem:s0], [sflag:$0x1], $0x80, $0x38;
	[tilespmem:$0x1F6F8] =	vst v63  }
0x1c0: {  	s0 =	sshll.u32 @!p3 s9, $0x9  }
0x1c1: {  	s0 =	sshra.s32 @!p3 s0, $0x2  }
0x1c2: {  	s2 =	simm.s32 @!p3 $0x80;
	s0 =	sadd.s32 @!p3 $0xF238, s0  }
0x1c3: {  	[spmem:s2] =	stream.linear.scatter @!p3 [tilespmem:s0], [sflag:$0x1], $0x80, $0x38;
	[tilespmem:$0x1F6F8] =	vst v63  }
0x1c4: {  	s0 =	simm.s32 @!p3 $0x1  }
0x1c5: {  	_ =	swait.ge @!p3 [sflag:s0], $0x100  }
0x1c6: {  	p1 =	por p2, p1;
	[sflag:s0] =	ssyncset.done @!p3 $0x0  }
0x1c7: {  	[sflag:s0] =	ssyncadd.s32 @!p3 $0xFFFFFF00;
	s0 =	simm.s32 @!p1 $0x1  }
0x1c8: {  	_ =	swait.ge @!p1 [sflag:s0], $0x80  }
0x1c9: {  	s29 =	simm.s32 $0x10238;
	[sflag:s0] =	ssyncset.done @!p1 $0x0  }
0x1ca: {  	s30 =	simm.s32 $0x1000;
	s31 =	simm.s32 $0x1;
	[sflag:s0] =	ssyncadd.s32 @!p1 $0xFFFFFF80  }
0x1cb: {  	[spmem:s30] =	stream.linear.scatter [tilespmem:s29], [sflag:$0x1], $0x10, $0x38;
	[tilespmem:$0x1F6F8] =	vst v63  }
0x1cc: {  	_ =	swait.ge [sflag:s31], $0x10  }
0x1cd: {  	[sflag:s31] =	ssyncset.done $0x0  }
0x1ce: {  	p1 =	seq.s32 s15, $0x0;
	s8 =	rddreg [dreg:$0x1];
	[sflag:s31] =	ssyncadd.s32 $0xFFFFFFF0  }
0x1cf: {  	s2 =	sshll.u32 @p1 s8, $0xE;
	s7 =	rddreg [dreg:$0x2]  }
0x1d0: {  	s0 =	sadd.s32 @p1 $0x15C3C, s2;
	s2 =	sshll.u32 @p1 s7, $0x11  }
0x1d1: {  	_ =	sfence.stream.spmem;
	s0 =	sor.u32 @p1 s2, s0  }
0x1d2: {  	[sflag:s0] =	ssyncadd.remote.s32 @p1 $0x1;
	s0 =	simm.s32 @p1 $0x4  }
0x1d3: {  	s3 =	simm.s32 @!p1 $0x3C;
	s2 =	sand.u32 $0xFFFFFFFE, s8;
	_ =	swait.ge @p1 [sflag:s0], $0x22  }
0x1d4: {  	s4 =	simm.s32 @!p1 $0x0;
	s2 =	sadd.s32 @!p1 $0x4, s2;
	[sflag:s0] =	ssyncset.done @p1 $0x0  }
0x1d5: {  	s5 =	simm.s32 @!p1 $0x100;
	[sflag:s0] =	ssyncadd.s32 @p1 $0xFFFFFFDE;
	s0 =	sshll.u32 @!p1 s2, $0x1A  }
0x1d6: {  	s2 =	sshll.u32 @!p1 s2, $0xD;
	s0 =	sor.u32 @!p1 s0, s7;
	_ =	swait.eq @!p1 [sflag:s3], $0x1  }
0x1d7: {  	s2 =	sor.u32 @!p1 $0x1C04, s2;
	s3 =	simm.s32 @!p1 $0x1C03;
	s0 =	sor.u32 @!p1 $0x80004000, s0  }
0x1d8: {  	[spmem:s5], [sflag:s2] =	dma.general @!p1 [spmem:s4], [sflag:s3], length:$0x20, [dreg:$0x0], stride_count:$0x0, ici_dest:s0, dma_misc:DstOpCode:WRITE  }
0x1d9: {  	p2 =	slt.s32 s9, $0x2;
	s4 =	simm.s32 @!p1 $0x200;
	s5 =	simm.s32 @!p1 $0x202  }
0x1da: {  	[spmem:s5], [sflag:s2] =	dma.general @!p1 [spmem:s4], [sflag:s3], length:$0x2, [dreg:$0x0], stride_count:$0x0, ici_dest:s0, dma_misc:DstOpCode:WRITE  }
.Ltmp27:
0x1db: {  	s0 =	simm.s32 @!p1 $0x3;
	(pc) =	sbr.rel @p2 .LBB2_38-.Ltmp27, $4  }
0x1dc: {  	s2 =	sshll.u32 @!p1 s8, $0xE;
	_ =	swait.ge @!p1 [sflag:s0], $0x22  }
0x1dd: {  	s3 =	sshll.u32 @!p1 s7, $0x11;
	s2 =	sadd.s32 @!p1 $0x11C3C, s2;
	[sflag:s0] =	ssyncset.done @!p1 $0x0  }
0x1de: {  	[sflag:s0] =	ssyncadd.s32 @!p1 $0xFFFFFFDE;
	s0 =	sor.u32 @!p1 s3, s2  }
0x1df: {  	[sflag:s0] =	ssyncadd.remote.s32 @!p1 $0xFFFFFFFF;
	s0 =	simm.s32 $0x0  }
0x1e0: {  	s0 =	simm.s32 $0xF219  }
0x1e1: {  	v0 =	vld.msk [tilespmem:s0+$0x0], $0x1;
	_ =	sdelay $0x4  }
0x1e2: {  	(v2sf) =	vpush v0, $0x0;
	_ =	sdelay $0xb  }
0x1e3: {  	s31 =	sadd.s32 $0xFFFFFFFE, s6  }
0x1e4: {  	s0 =	sadd.s32 $0xFFFFFFFF, s31  }
0x1e5: {  	p2 =	sne.s32 s0, $0x0  }
.Ltmp28:
0x1e6: {  	s2 =	spop (v2sf);
	(pc) =	sbr.rel @!p2 .LBB2_37-.Ltmp28, $4  }
0x1e7: {  	s4 =	simm.s32 $0xF2B8;
	s7 =	simm.s32 $0x0;
	p1 =	sgt.u32 s2, $0x7D70  }
0x1e8: {  	s5 =	simm.s32 $0x0;
	s6 =	simm.s32 $0xF21A;
	s3 =	sand.u32 @!p1 $0x7FF8, s2  }
0x1e9: {  	s2 =	sand.u32 @!p1 $0x7, s2;
	s7 =	simm.s32 @!p1 $0x200;
	s3 =	sadd.s32 @!p1 s1, s3  }
0x1ea: {  	[hbm4b:s3+s2] =	stream.linear.scatter @!p1 [tilespmem:s4], [sflag:$0x5], $0x80, $0x38;
	[tilespmem:$0x1F6F8] =	vst v63  }
.LBB2_36:
0x1eb: {  	v0 =	vld.msk [tilespmem:s6+$0x0], $0x1;
	s0 =	sadd.s32 $0xFFFFFFFF, s0;
	s5 =	sadd.s32 s5, s7  }
0x1ec: {  	p1 =	sne.s32 s0, $0x0;
	_ =	sdelay $0x3  }
0x1ed: {  	(v2sf) =	vpush v0, $0x0;
	_ =	sdelay $0xe  }
.Ltmp29:
0x1ee: {  	s2 =	spop (v2sf);
	(pc) =	sbr.rel @p1 .LBB2_36-.Ltmp29, $4  }
0x1ef: {  	s7 =	simm.s32 $0x0;
	p2 =	sgt.u32 s2, $0x7D70  }
0x1f0: {  	s4 =	sadd.s32 $0x80, s4;
	s7 =	simm.s32 @!p2 $0x200;
	s3 =	sand.u32 @!p2 $0x7FF8, s2  }
0x1f1: {  	s6 =	sadd.s32 $0x1, s6;
	s2 =	sand.u32 @!p2 $0x7, s2;
	s3 =	sadd.s32 @!p2 s1, s3  }
0x1f2: {  	[hbm4b:s3+s2] =	stream.linear.scatter @!p2 [tilespmem:s4], [sflag:$0x5], $0x80, $0x38;
	[tilespmem:$0x1F6F8] =	vst v63  }
.LBB2_37:
0x1f3: {  	s0 =	sadd.s32 s5, s7  }
0x1f4: {  	s0 =	sshrl.u32 s0, $0x2  }
.LBB2_38:
0x1f5: {  	s2 =	simm.s32 $0x5  }
0x1f6: {  	_ =	swait.ge [sflag:s2], s0  }
0x1f7: {  	s31 =	ssub.s32 $0x0, s0;
	[sflag:s2] =	ssyncset.done $0x0  }
0x1f8: {  	[sflag:s2] =	ssyncadd.s32 s31  }
0x1f9: {  	[sflag:s2] =	ssyncpa.u1 $0x1  }
.LBB2_39:
0x1fa: {  	s0 =	sor.u32 s15, s16  }
0x1fb: {  	p1 =	sne.s32 s0, $0x0  }
.Ltmp30:
0x1fc: {  	_ = 	snop;
	(pc) =	sbr.rel @p1 .LBB2_54-.Ltmp30, $3  }
0x1fd: {  	_ =	sdelay $0x1  }
0x1fe: {  	[bflag:$0x0] =	sbarrier.arrive $0xFFFF  }
0x1ff: {  	_ =	sfence  }
0x200: {  	s0 =	simm.s32 $0x7  }
0x201: {  	s2 =	simm.s32 $0x1000;
	s3 =	simm.s32 $0xF218;
	[sflag:s0] =	ssyncpa.u1 $0x0  }
0x202: {  	[tilespmem:s3], [sflag:$0x7] =	stream.linear.gather [spmem:s2], $0x20, $0x38;
	[tilespmem:$0x1F6F8] =	vst v63  }
0x203: {  	s30 =	simm.s32 $0xF238;
	s2 =	simm.s32 $0x0  }
0x204: {  	[tilespmem:s30], [sflag:$0x7] =	stream.linear.gather [spmem:s2], $0x1000, $0x38;
	[tilespmem:$0x1F6F8] =	vst v63  }
.Ltmp31:
0x205: {  	_ = 	snop;
	(pc) =	sbr.rel .LBB2_41-.Ltmp31, $4  }
0x206: {  	_ =	swait.ge [sflag:s0], $0x1020  }
0x207: {  	[sflag:s0] =	ssyncset.done $0x0  }
0x208: {  	s31 =	simm.s32 $0x8;
	[sflag:s0] =	ssyncadd.s32 $0xFFFFEFE0  }
0x209: {  	s3 =	simm.s32 $0x0;
	[sflag:s31] =	ssyncpa.u1 $0x0  }
.LBB2_47:
0x20a: {  	p1 =	slt.u32 s4, $0x7D71  }
0x20b: {  	s0 =	sand.u32 @p1 $0x7FF8, s4  }
0x20c: {  	s4 =	sand.u32 @p1 $0x7, s4;
	s5 =	simm.s32 @p1 $0xF188;
	s0 =	sadd.s32 @p1 s1, s0  }
0x20d: {  	[tilespmem:s5], [sflag:$0x8] =	stream.linear.gather @p1 [hbm4b:s0+s4], $0x80, $0x38;
	[tilespmem:$0x1F6F8] =	vst v63  }
0x20e: {  	s0 =	simm.s32 @p1 $0x8  }
0x20f: {  	_ =	swait.ge @p1 [sflag:s0], $0x80  }
0x210: {  	[sflag:s0] =	ssyncset.done @p1 $0x0  }
0x211: {  	[sflag:s0] =	ssyncadd.s32 @p1 $0xFFFFFF80  }
0x212: {  	v1 =	vld @p1 [tilespmem:$0xF188];
	_ =	sdelay $0x2  }
0x213: {  	s0 =	sshll.u32 @p1 s3, $0x9  }
0x214: {  	s4 =	sshrl.u32 @p1 s0, $0x2  }
0x215: {  	[tilespmem:s4+$0xF238] =	vst.add.f32.msk @p1 $0xffff, v1  }
0x216: {  	v1 =	vld @p1 [tilespmem:$0xF198];
	_ =	sdelay $0x4  }
0x217: {  	[tilespmem:s4+$0xF248] =	vst.add.f32.msk @p1 $0xffff, v1  }
0x218: {  	v1 =	vld @p1 [tilespmem:$0xF1A8];
	_ =	sdelay $0x4  }
0x219: {  	[tilespmem:s4+$0xF258] =	vst.add.f32.msk @p1 $0xffff, v1  }
0x21a: {  	v1 =	vld @p1 [tilespmem:$0xF1B8];
	_ =	sdelay $0x4  }
0x21b: {  	[tilespmem:s4+$0xF268] =	vst.add.f32.msk @p1 $0xffff, v1  }
0x21c: {  	v1 =	vld @p1 [tilespmem:$0xF1C8];
	_ =	sdelay $0x4  }
0x21d: {  	[tilespmem:s4+$0xF278] =	vst.add.f32.msk @p1 $0xffff, v1  }
0x21e: {  	v1 =	vld @p1 [tilespmem:$0xF1D8];
	_ =	sdelay $0x4  }
0x21f: {  	[tilespmem:s4+$0xF288] =	vst.add.f32.msk @p1 $0xffff, v1  }
0x220: {  	v1 =	vld @p1 [tilespmem:$0xF1E8];
	_ =	sdelay $0x4  }
0x221: {  	[tilespmem:s4+$0xF298] =	vst.add.f32.msk @p1 $0xffff, v1  }
0x222: {  	v1 =	vld @p1 [tilespmem:$0xF1F8];
	_ =	sdelay $0x3  }
0x223: {  	s5 =	sshll.u32 @!p1 s3, $0x9  }
0x224: {  	s5 =	smov.u32 @p1 s0;
	[tilespmem:s4+$0xF2A8] =	vst.add.f32.msk @p1 $0xffff, v1  }
0x225: {  	s0 =	sshrl.u32 s5, $0x2;
	[tilespmem:s2+$0xF218] =	vst.msk $0x1, v0  }
0x226: {  	v0 =	vld [tilespmem:s0+$0xF238];
	_ =	sdelay $0x2  }
0x227: {  	s31 =	sshll.u32 s2, $0x9  }
0x228: {  	s4 =	sshra.s32 s31, $0x2  }
0x229: {  	[tilespmem:s4+$0xF238] =	vst v0  }
0x22a: {  	v0 =	vld [tilespmem:s0+$0xF248];
	_ =	sdelay $0x4  }
0x22b: {  	[tilespmem:s4+$0xF248] =	vst v0  }
0x22c: {  	v0 =	vld [tilespmem:s0+$0xF258];
	_ =	sdelay $0x4  }
0x22d: {  	[tilespmem:s4+$0xF258] =	vst v0  }
0x22e: {  	v0 =	vld [tilespmem:s0+$0xF268];
	_ =	sdelay $0x4  }
0x22f: {  	[tilespmem:s4+$0xF268] =	vst v0  }
0x230: {  	v0 =	vld [tilespmem:s0+$0xF278];
	_ =	sdelay $0x4  }
0x231: {  	[tilespmem:s4+$0xF278] =	vst v0  }
0x232: {  	v0 =	vld [tilespmem:s0+$0xF288];
	_ =	sdelay $0x4  }
0x233: {  	[tilespmem:s4+$0xF288] =	vst v0  }
0x234: {  	v0 =	vld [tilespmem:s0+$0xF298];
	_ =	sdelay $0x4  }
0x235: {  	[tilespmem:s4+$0xF298] =	vst v0  }
0x236: {  	v0 =	vld [tilespmem:s0+$0xF2A8];
	_ =	sdelay $0x4  }
0x237: {  	s2 =	sadd.s32 $0x1, s2;
	[tilespmem:s4+$0xF2A8] =	vst v0  }
.LBB2_48:
0x238: {  	s3 =	sadd.s32 $0x1, s3  }
0x239: {  	p1 =	sne.s32 s3, $0x20  }
.Ltmp32:
0x23a: {  	_ = 	snop;
	(pc) =	sbr.rel @!p1 .LBB2_49-.Ltmp32, $1  }
0x23b: {  	_ =	sdelay $0x3  }
.LBB2_41:
0x23c: {  	v0 =	vld.msk [tilespmem:s3+$0xF218], $0x1;
	_ =	sdelay $0x4  }
0x23d: {  	(v2sf) =	vpush v0, $0x0;
	_ =	sdelay $0xe  }
0x23e: {  	s4 =	spop (v2sf)  }
0x23f: {  	p1 =	seq.s32 s4, $0xFFFFFFFF  }
.Ltmp33:
0x240: {  	_ = 	snop;
	(pc) =	sbr.rel @p1 .LBB2_48-.Ltmp33, $1  }
0x241: {  	_ =	sdelay $0x3  }
0x242: {  	p1 =	slt.s32 s2, $0x1  }
.Ltmp34:
0x243: {  	_ = 	snop;
	(pc) =	sbr.rel @p1 .LBB2_47-.Ltmp34, $1  }
0x244: {  	_ =	sdelay $0x3  }
0x245: {  	s5 =	simm.s32 $0xF218;
	p1 =	por $0x0, $0x0  }
0x246: {  	v1 =	vld.msk @!p1 [tilespmem:s5+$0x0], $0x1;
	_ =	sdelay $0x4  }
0x247: {  	(v2sf) =	vpush @!p1 v1, $0x0;
	_ =	sdelay $0xd  }
0x248: {  	p3 =	sne.s32 s2, $0x1  }
.Ltmp35:
0x249: {  	s0 =	spop @!p1 (v2sf);
	(pc) =	sbr.rel @!p3 .LBB2_45-.Ltmp35, $4  }
0x24a: {  	p2 =	seq.s32 @!p1 s4, s0  }
0x24b: {  	s6 =	simm.s32 $0x0;
	p2 =	por !p2, p1  }
0x24c: {  	s7 =	simm.s32 $0xFFFFFFFF;
	s6 =	simm.s32 @p2 $0xFFFFFFFF  }
0x24d: {  	s0 =	simm.s32 $0x1;
	s6 =	smov.u32 @p1 s7  }
.LBB2_44:
0x24e: {  	s7 =	smov.u32 s6;
	p1 =	sne.s32 s6, $0xFFFFFFFF  }
0x24f: {  	s5 =	sadd.s32 $0x1, s5;
	s6 =	smov.u32 s0;
	s0 =	sadd.s32 $0x1, s0  }
0x250: {  	p2 =	sne.s32 s2, s0;
	v1 =	vld.msk @!p1 [tilespmem:s5+$0x0], $0x1;
	_ =	sdelay $0x4  }
0x251: {  	(v2sf) =	vpush @!p1 v1, $0x0;
	_ =	sdelay $0xe  }
.Ltmp36:
0x252: {  	s8 =	spop @!p1 (v2sf);
	(pc) =	sbr.rel @p2 .LBB2_44-.Ltmp36, $4  }
0x253: {  	p3 =	seq.s32 @!p1 s4, s8  }
0x254: {  	p3 =	por !p3, p1  }
0x255: {  	s6 =	simm.s32 @p3 $0xFFFFFFFF  }
0x256: {  	s6 =	smov.u32 @p1 s7  }
.LBB2_45:
0x257: {  	p1 =	seq.s32 s6, $0xFFFFFFFF  }
.Ltmp37:
0x258: {  	_ = 	snop;
	(pc) =	sbr.rel @p1 .LBB2_47-.Ltmp37, $1  }
0x259: {  	_ =	sdelay $0x3  }
0x25a: {  	s0 =	sshll.u32 s3, $0x7  }
0x25b: {  	s0 =	sand.u32 $0x3FFFFF80, s0  }
0x25c: {  	v0 =	vld [tilespmem:s0+$0xF238];
	_ =	sdelay $0x2  }
0x25d: {  	s4 =	sshll.u32 s6, $0x9  }
0x25e: {  	s4 =	sshra.s32 s4, $0x2  }
0x25f: {  	[tilespmem:s4+$0xF238] =	vst.add.f32.msk $0xffff, v0  }
0x260: {  	v0 =	vld [tilespmem:s0+$0xF248];
	_ =	sdelay $0x4  }
0x261: {  	[tilespmem:s4+$0xF248] =	vst.add.f32.msk $0xffff, v0  }
0x262: {  	v0 =	vld [tilespmem:s0+$0xF258];
	_ =	sdelay $0x4  }
0x263: {  	[tilespmem:s4+$0xF258] =	vst.add.f32.msk $0xffff, v0  }
0x264: {  	v0 =	vld [tilespmem:s0+$0xF268];
	_ =	sdelay $0x4  }
0x265: {  	[tilespmem:s4+$0xF268] =	vst.add.f32.msk $0xffff, v0  }
0x266: {  	v0 =	vld [tilespmem:s0+$0xF278];
	_ =	sdelay $0x4  }
0x267: {  	[tilespmem:s4+$0xF278] =	vst.add.f32.msk $0xffff, v0  }
0x268: {  	v0 =	vld [tilespmem:s0+$0xF288];
	_ =	sdelay $0x4  }
0x269: {  	[tilespmem:s4+$0xF288] =	vst.add.f32.msk $0xffff, v0  }
0x26a: {  	v0 =	vld [tilespmem:s0+$0xF298];
	_ =	sdelay $0x4  }
0x26b: {  	[tilespmem:s4+$0xF298] =	vst.add.f32.msk $0xffff, v0  }
0x26c: {  	v0 =	vld [tilespmem:s0+$0xF2A8]  }
.Ltmp38:
0x26d: {  	_ = 	snop;
	(pc) =	sbr.rel .LBB2_48-.Ltmp38, $2  }
0x26e: {  	_ =	sdelay $0x2  }
0x26f: {  	[tilespmem:s4+$0xF2A8] =	vst.add.f32.msk $0xffff, v0  }
.LBB2_49:
0x270: {  	p1 =	slt.s32 s2, $0x1  }
.Ltmp39:
0x271: {  	_ = 	snop;
	(pc) =	sbr.rel @p1 .LBB2_53-.Ltmp39, $3  }
0x272: {  	_ =	sdelay $0x1  }
0x273: {  	s0 =	simm.s32 $0x8  }
0x274: {  	s3 =	simm.s32 $0x0;
	[sflag:s0] =	ssyncpa.u1 $0x1  }
0x275: {  	s0 =	simm.s32 $0xF218  }
0x276: {  	v0 =	vld.msk [tilespmem:s0+$0x0], $0x1;
	_ =	sdelay $0x4  }
0x277: {  	(v2sf) =	vpush v0, $0x0;
	_ =	sdelay $0xe  }
0x278: {  	s0 =	sadd.s32 $0xFFFFFFFF, s2;
	s5 =	spop (v2sf)  }
0x279: {  	p2 =	sne.s32 s0, $0x0;
	p1 =	sgt.u32 s5, $0x7D70  }
.Ltmp40:
0x27a: {  	s6 =	sand.u32 @!p1 $0x7FF8, s5;
	(pc) =	sbr.rel @!p2 .LBB2_52-.Ltmp40, $4  }
0x27b: {  	s4 =	simm.s32 $0xF238;
	s5 =	sand.u32 @!p1 $0x7, s5;
	s2 =	sadd.s32 @!p1 s1, s6  }
0x27c: {  	[hbm4b:s2+s5] =	stream.linear.scatter @!p1 [tilespmem:s4], [sflag:$0x7], $0x80, $0x38;
	[tilespmem:$0x1F6F8] =	vst v63  }
0x27d: {  	s5 =	simm.s32 $0x0  }
0x27e: {  	s2 =	simm.s32 $0xF219;
	s5 =	simm.s32 @!p1 $0x200  }
.LBB2_51:
0x27f: {  	v0 =	vld.msk [tilespmem:s2+$0x0], $0x1;
	s0 =	sadd.s32 $0xFFFFFFFF, s0;
	s3 =	sadd.s32 s3, s5  }
0x280: {  	p1 =	sne.s32 s0, $0x0;
	_ =	sdelay $0x3  }
0x281: {  	(v2sf) =	vpush v0, $0x0;
	_ =	sdelay $0xe  }
.Ltmp41:
0x282: {  	s6 =	spop (v2sf);
	(pc) =	sbr.rel @p1 .LBB2_51-.Ltmp41, $4  }
0x283: {  	s5 =	simm.s32 $0x0;
	p2 =	sgt.u32 s6, $0x7D70  }
0x284: {  	s4 =	sadd.s32 $0x80, s4;
	s5 =	simm.s32 @!p2 $0x200;
	s7 =	sand.u32 @!p2 $0x7FF8, s6  }
0x285: {  	s2 =	sadd.s32 $0x1, s2;
	s6 =	sand.u32 @!p2 $0x7, s6;
	s7 =	sadd.s32 @!p2 s1, s7  }
0x286: {  	[hbm4b:s7+s6] =	stream.linear.scatter @!p2 [tilespmem:s4], [sflag:$0x7], $0x80, $0x38;
	[tilespmem:$0x1F6F8] =	vst v63  }
.LBB2_52:
0x287: {  	s0 =	sadd.s32 s3, s5  }
0x288: {  	s3 =	sshrl.u32 s0, $0x2  }
.LBB2_53:
0x289: {  	s0 =	simm.s32 $0x7  }
0x28a: {  	_ =	swait.ge [sflag:s0], s3  }
0x28b: {  	s1 =	ssub.s32 $0x0, s3;
	[sflag:s0] =	ssyncset.done $0x0  }
0x28c: {  	[sflag:s0] =	ssyncadd.s32 s1  }
0x28d: {  	[sflag:s0] =	ssyncpa.u1 $0x1  }
.LBB2_54:
0x28e: {  	_ =	sfence;
	s0 =	simm.s32 $0x1  }
0x28f: {  	[sflag:s0] =	ssyncpa.u1 $0x1  }
0x290: {  	_ =	strace $0x90000050  }
0x291: {  	[bflag:$0x2] =	sbarrier.arrive $0xFFFF  }
0x292: {  	s0 =	rddreg [dreg:$0x3]  }
0x293: {  	s0 =	sadd.s32 @!p0 $0x100000, s0  }
0x294: {  	[sflag:s0] =	ssyncadd.tile.s32 @!p0 $0x1;
	_ =	shalt  }
.Lfunc_end2:
_tile_overlayer_lowered:
.L_overlay_start_2:
0x295: {  	(tag) =	ssettag $0x2  }
0x296: {  	s0 =	rddreg [dreg:$0x0];
	s2 =	stileid.u32  }
0x297: {  	s1 =	rddreg [dreg:$0x1];
	p0 =	sne.s32 s2, $0x0  }
0x298: {  	s3 =	rddreg [dreg:$0x2];
	[bflag:$0x3] =	sbarrier.arrive $0xFFFF;
	s2 =	simm.s32 @!p0 $0x1C01  }
0x299: {  	[timem:s3], [sflag:s2] =	dma.local @!p0 [hbm:s0], s1  }
0x29a: {  	s0 =	simm.s32 @!p0 $0x1  }
0x29b: {  	_ =	swait.ge @!p0 [sflag:s0], s1  }
0x29c: {  	s1 =	ssub.s32 @!p0 $0x0, s1;
	[sflag:s0] =	ssyncset.done @!p0 $0x0  }
0x29d: {  	[sflag:s0] =	ssyncadd.s32 @!p0 s1  }
0x29e: {  	[bflag:$0x3] =	sbarrier.arrive $0xFFFF  }
0x29f: {  	_ =	shalt  }

// kernel: scatter_offload_async_start.2
scs
__scs_entry_jumppad:
0x0: {  	(pc) =	sbr.rel $0x88, $3  }
0x1: {  	(tag) =	ssettag $0x0;
	lr =	simm.s32 $0x1  }
0x2: {  	[smem:$0x3F8D] =	sst lr;
	_ =	strace $0xD0000000  }
0x3: {  	_ = 	snop  }
0x4: {  	_ = 	snop  }
0x5: {  	_ = 	snop  }
0x6: {  	_ = 	snop  }
0x7: {  	_ = 	snop  }
__scs_overlays_trampoline_lowered:
0x8: {  	[smem:$0x3F9C] =	sst s0  }
0x9: {  	[smem:$0x3F9D] =	sst s1  }
0xa: {  	[smem:$0x3F9E] =	sst s2  }
0xb: {  	[smem:$0x3F9F] =	sst s3  }
0xc: {  	[smem:$0x3FA0] =	sst s4  }
0xd: {  	[smem:$0x3FA1] =	sst s5  }
0xe: {  	[smem:$0x3FA2] =	sst s6  }
0xf: {  	[smem:$0x3FA3] =	sst s7  }
0x10: {  	[smem:$0x3FA4] =	sst s8  }
0x11: {  	[smem:$0x3FA5] =	sst s9;
	s0 =	simm.s32 @!p0 $0x0  }
0x12: {  	s1 =	sld [smem:$0x3F8B];
	s0 =	simm.s32 @p0 $0x1  }
0x13: {  	[smem:$0x3FA6] =	sst s0;
	s0 =	simm.s32 @!p1 $0x0  }
0x14: {  	s2 =	sld [smem:$0x3F8A];
	s0 =	simm.s32 @p1 $0x1  }
0x15: {  	[smem:$0x3FA7] =	sst s0;
	s0 =	simm.s32 @!p2 $0x0  }
0x16: {  	s3 =	sld [smem:$0x3FDB];
	s0 =	simm.s32 @p2 $0x1  }
0x17: {  	s4 =	simm.s32 $0x1BF5;
	[smem:$0x3FA9] =	sst s0  }
0x18: {  	s0 =	sld [smem:$0x3F8C];
	_ =	swait.ge [sflag:s4], $0x0  }
0x19: {  	s7 =	sld [smem:$0x3F8D]  }
0x1a: {  	s8 =	sadd.s32 $0xFFFFE003, lr  }
0x1b: {  	s9 =	sadd.s32 $0xFFFFFEF7, lr;
	s5 =	simm.s32 $0xFFFFFFFF;
	p2 =	slt.u32 s8, $0xFFFFF086  }
0x1c: {  	p1 =	slt.u32 s9, $0xF7A;
	s5 =	simm.s32 @!p2 $0x0  }
0x1d: {  	s5 =	simm.s32 @p1 $0x1;
	p0 =	seq.s32 s7, s2  }
0x1e: {  	s7 =	smul.u32 @!p0 $0xF7A, s2;
	p2 =	seq.s32 @!p0 s5, $0x0  }
0x1f: {  	s9 =	smul.u32 $0xF7A, s1;
	s8 =	simm.s32 @!p0 $0x1BF5;
	p2 =	por !p2, p0  }
0x20: {  	[sflag:s8] =	ssyncset.s32 @!p0 $0xFFFFF086;
	s6 =	sadd.s32 @!p0 s3, s7;
	s7 =	simm.s32 @!p0 $0x108  }
0x21: {  	s3 =	sadd.s32 s3, s9;
	s6 =	sadd.s32 @!p0 $0x88, s6;
	s7 =	simm.s32 @p2 $0x1082  }
0x22: {  	[simem:s7], [sflag:s8] =	dma.local @!p0 [hbm:s6], $0xF7A  }
0x23: {  	s9 =	sor.u32 $0xD0000000, s2;
	s6 =	simm.s32 $0x108;
	_ =	swait.ge @!p0 [sflag:s8], $0x0  }
0x24: {  	s3 =	sadd.s32 $0x88, s3;
	s6 =	simm.s32 @!p1 $0x1082;
	[sflag:s4] =	ssyncset.s32 $0xFFFFF086  }
0x25: {  	[simem:s6], [sflag:s4] =	dma.local [hbm:s3], $0xF7A  }
0x26: {  	[smem:$0x3F8D] =	sst s1;
	(tag) =	ssettag s2;
	_ =	strace s9  }
0x27: {  	s1 =	sld [smem:$0x3F9D]  }
0x28: {  	s2 =	sld [smem:$0x3F9E]  }
0x29: {  	s4 =	sld [smem:$0x3FA0]  }
0x2a: {  	p0 =	seq.s32 s5, $0x0;
	s5 =	sld [smem:$0x3FA1]  }
0x2b: {  	s6 =	sld [smem:$0x3FA2]  }
0x2c: {  	s7 =	sld [smem:$0x3FA3]  }
0x2d: {  	s3 =	simm.s32 $0x108;
	s8 =	sld [smem:$0x3FA4]  }
0x2e: {  	s3 =	simm.s32 @!p0 $0x1082;
	s9 =	sld [smem:$0x3FA5]  }
0x2f: {  	lr =	sadd.s32 s0, s3;
	s0 =	sld [smem:$0x3F9C]  }
0x30: {  	s3 =	sld [smem:$0x3F9F]  }
0x31: {  	[smem:$0x3FA8] =	sst s10  }
0x32: {  	s10 =	sld [smem:$0x3FA6];
	_ =	sdelay $0x3  }
0x33: {  	p0 =	seq.s32 s10, $0x1;
	s10 =	sld [smem:$0x3FA8];
	_ =	sdelay $0x3  }
0x34: {  	[smem:$0x3FA8] =	sst s10  }
0x35: {  	s10 =	sld [smem:$0x3FA7];
	_ =	sdelay $0x3  }
0x36: {  	p1 =	seq.s32 s10, $0x1;
	s10 =	sld [smem:$0x3FA8];
	_ =	sdelay $0x3  }
0x37: {  	[smem:$0x3FA8] =	sst s10  }
0x38: {  	s10 =	sld [smem:$0x3FA9]  }
0x39: {  	_ = 	snop;
	(pc) =	sbr.ind lr, $3  }
0x3a: {  	_ = 	snop  }
0x3b: {  	_ = 	snop  }
0x3c: {  	p2 =	seq.s32 s10, $0x1;
	s10 =	sld [smem:$0x3FA8]  }
0x3d: {  	_ =	shalt  }
0x3e: {  	_ =	shalt  }
0x3f: {  	_ =	shalt  }
0x40: {  	_ =	shalt  }
0x41: {  	_ =	shalt  }
0x42: {  	_ =	shalt  }
0x43: {  	_ =	shalt  }
0x44: {  	_ =	shalt  }
0x45: {  	_ =	shalt  }
0x46: {  	_ =	shalt  }
0x47: {  	_ =	shalt  }
0x48: {  	_ =	shalt  }
0x49: {  	_ =	shalt  }
0x4a: {  	_ =	shalt  }
0x4b: {  	_ =	shalt  }
0x4c: {  	_ =	shalt  }
0x4d: {  	_ =	shalt  }
0x4e: {  	_ =	shalt  }
0x4f: {  	_ =	shalt  }
0x50: {  	_ =	shalt  }
0x51: {  	_ =	shalt  }
0x52: {  	_ =	shalt  }
0x53: {  	_ =	shalt  }
0x54: {  	_ =	shalt  }
0x55: {  	_ =	shalt  }
0x56: {  	_ =	shalt  }
0x57: {  	_ =	shalt  }
0x58: {  	_ =	shalt  }
0x59: {  	_ =	shalt  }
0x5a: {  	_ =	shalt  }
0x5b: {  	_ =	shalt  }
0x5c: {  	_ =	shalt  }
0x5d: {  	_ =	shalt  }
0x5e: {  	_ =	shalt  }
0x5f: {  	_ =	shalt  }
0x60: {  	_ =	shalt  }
0x61: {  	_ =	shalt  }
0x62: {  	_ =	shalt  }
0x63: {  	_ =	shalt  }
0x64: {  	_ =	shalt  }
0x65: {  	_ =	shalt  }
0x66: {  	_ =	shalt  }
0x67: {  	_ =	shalt  }
0x68: {  	_ =	shalt  }
0x69: {  	_ =	shalt  }
0x6a: {  	_ =	shalt  }
0x6b: {  	_ =	shalt  }
0x6c: {  	_ =	shalt  }
0x6d: {  	_ =	shalt  }
0x6e: {  	_ =	shalt  }
0x6f: {  	_ =	shalt  }
0x70: {  	_ =	shalt  }
0x71: {  	_ =	shalt  }
0x72: {  	_ =	shalt  }
0x73: {  	_ =	shalt  }
0x74: {  	_ =	shalt  }
0x75: {  	_ =	shalt  }
0x76: {  	_ =	shalt  }
0x77: {  	_ =	shalt  }
0x78: {  	_ =	shalt  }
0x79: {  	_ =	shalt  }
0x7a: {  	_ =	shalt  }
0x7b: {  	_ =	shalt  }
0x7c: {  	_ =	shalt  }
0x7d: {  	_ =	shalt  }
0x7e: {  	_ =	shalt  }
0x7f: {  	_ =	shalt  }
0x80: {  	_ =	shalt  }
0x81: {  	_ =	shalt  }
0x82: {  	_ =	shalt  }
0x83: {  	_ =	shalt  }
0x84: {  	_ =	shalt  }
0x85: {  	_ =	shalt  }
0x86: {  	_ =	shalt  }
0x87: {  	_ =	shalt  }
.Lfunc_end0:
.L_simem_size_0:
called_computation.2_lowered:
.L_overlay_start_0:
0x88: {  	s0 =	sld [smem:$0x3FD9]  }
0x89: {  	s1 =	sld [smem:$0x3FFE];
	_ =	sdelay $0x3  }
0x8a: {  	s0 =	sadd.s32 s1, s0  }
0x8b: {  	[smem:$0x3FB4] =	sst s0  }
0x8c: {  	_ = 	snop  }
0x8d: {  	s0 =	sld [smem:$0x3FD0];
	_ =	sdelay $0x2  }
0x8e: {  	s13 =	simm.s32 $0xD;
	s2 =	simm.s32 $0x10  }
0x8f: {  	[smem:s2], [sflag:s13] =	dma.local [hbm:s0], $0x1  }
0x90: {  	_ =	swait.eq [sflag:s13], $0x1  }
0x91: {  	[sflag:s13] =	ssyncset.done $0x0  }
0x92: {  	[sflag:s13] =	ssyncadd.s32 $0xFFFFFFFF  }
0x93: {  	s14 =	sld [smem:$0x11];
	(tm) =	ssettm $0x1  }
0x94: {  	s15 =	sld [smem:$0x3FFB];
	_ =	sdelay $0x3  }
0x95: {  	_ =	strace s15  }
0x96: {  	s1 =	sld [smem:$0x3FFC];
	_ =	sdelay $0x3  }
0x97: {  	_ =	strace s1  }
0x98: {  	s1 =	sld [smem:$0x3FFD];
	_ =	sdelay $0x3  }
0x99: {  	_ =	strace s1  }
0x9a: {  	_ =	strace $0x8FFFFFFF  }
0x9b: {  	s16 =	sld [smem:$0x3FDB];
	_ =	sdelay $0x1  }
0x9c: {  	s17 =	simm.s32 $_scs_section_size  }
0x9d: {  	s3 =	simm.s32 $_size__tile_overlayer_lowered;
	s4 =	simm.s32 $_tile_overlayer_lowered  }
0x9e: {  	s20 =	simm.s32 $0x1BFF;
	s19 =	sshll.u32 s4, $0x1;
	s1 =	sadd.s32 s17, s16  }
0x9f: {  	s5 =	simm.s32 $0x0;
	s18 =	sshll.u32 s3, $0x1;
	s3 =	sadd.s32 s19, s1  }
0xa0: {  	[timem:s5], [sflag:s20] =	dma.local [hbm:s3], s18  }
0xa1: {  	_ =	swait.ge [sflag:s20], s18  }
0xa2: {  	s2 =	ssub.s32 $0x0, s18;
	[sflag:s20] =	ssyncset.done $0x0  }
0xa3: {  	[sflag:s20] =	ssyncadd.s32 s2;
	_ =	sdelay $0x1  }
0xa4: {  	s21 =	simm.s32 $0x1B8B  }
0xa5: {  	_ =	swait.ge [sflag:s21], $0x1  }
0xa6: {  	[sflag:s21] =	ssyncset.done $0x0  }
0xa7: {  	s23 =	simm.s32 $0x1B8E;
	s22 =	sld [smem:$0x3FFE];
	[sflag:s21] =	ssyncadd.s32 $0xFFFFFFFF  }
0xa8: {  	s24 =	simm.s32 $execute0_lowered;
	[smem:$0x3FD2] =	sst s23  }
0xa9: {  	s3 =	sshll.u32 s24, $0x1;
	_ =	strace $0x8000004C;
	[dreg:$0x1] =	wrdreg $0xFFFFFFFF  }
0xaa: {  	s25 =	simm.s32 $_size_execute0_lowered;
	s1 =	sadd.s32 s1, s3;
	[dreg:$0x0] =	wrdreg $0x0  }
0xab: {  	s3 =	sshll.u32 s25, $0x1;
	[dreg:$0x2] =	wrdreg s1  }
0xac: {  	[dreg:$0x3] =	wrdreg s3  }
0xad: {  	[dreg:$0x4] =	wrdreg $0xC0  }
0xae: {  	_ =	task [dreg:s5], $0x5FFFF  }
0xaf: {  	[dreg:$0x1] =	wrdreg $0xFFFFFFFF  }
0xb0: {  	[dreg:$0x0] =	wrdreg $0x60  }
0xb1: {  	[dreg:$0x2] =	wrdreg s14  }
0xb2: {  	[dreg:$0x3] =	wrdreg s22  }
0xb3: {  	[dreg:$0x4] =	wrdreg $0xB  }
0xb4: {  	_ =	task.clear_ibuf [dreg:s5], $0x5FFFF;
	_ =	strace $0x9000004C  }
0xb5: {  	s26 =	simm.s32 $0xB;
	_ =	strace $0x8000004E  }
0xb6: {  	_ =	swait.ge [sflag:s26], $0x1  }
0xb7: {  	[sflag:s26] =	ssyncadd.s32 $0xFFFFFFFF  }
0xb8: {  	_ =	strace $0x9000004E  }
0xb9: {  	_ =	sfence  }
0xba: {  	s28 =	sld [smem:$0x0];
	_ =	sdelay $0x1  }
0xbb: {  	s29 =	srdreg.scid  }
0xbc: {  	s30 =	sshll.u32 s29, $0xD;
	s31 =	sshrl.u32 s29, $0x2  }
0xbd: {  	s2 =	sand.u32 $0x4000, s30;
	s1 =	sand.u32 $0x1, s29;
	s0 =	sadd.s32 s31, s28  }
0xbe: {  	s1 =	sor.u32 s2, s1;
	s0 =	sshll.u32 s0, $0x11  }
0xbf: {  	s0 =	sor.u32 s0, s1  }
0xc0: {  	s0 =	sadd.s32 $0x8F2B, s0  }
0xc1: {  	[sflag:s0] =	ssyncadd.remote.s32 $0x1  }
0xc2: {  	_ =	sfence.sel $0xFFFF  }
0xc3: {  	[dreg:$0x0] =	wrdreg $0xFFFFFFFF;
	(pc) =	sbr.abs _section_cstart, $3  }
0xc4: {  	[dreg:$0x1] =	wrdreg $0xFFFFFFFF  }
0xc5: {  	_ =	task.clear_ibuf [dreg:s5], $0x2FFFF;
	_ =	strace $0x9FFFFFFF  }
0xc6: {  	(tm) =	ssettm $0x7FFFFFFF  }
0xc7: {  	_ =	shalt  }
tec
execute0_lowered:
.L_overlay_start_1:
0x0: {  	(tag) =	ssettag $0x1  }
0x1: {  	s1 =	rddreg [dreg:$0x0]  }
0x2: {  	s0 =	rddreg [dreg:$0x1];
	_ =	strace $0x8000004D;
	s15 =	stileid.u32  }
0x3: {  	s2 =	simm.s32 $0x1;
	s4 =	smin.u32 s15, $0x8;
	s3 =	sshll.u32 s15, $0x1  }
0x4: {  	v1 =	vimm.s32 $0xFFFFFFFF;
	[sflag:s2] =	ssyncpa.u1 $0x0;
	s4 =	sadd.s32 s4, s3  }
0x5: {  	s5 =	simm.s32 $0x5DC0;
	p0 =	slt.u32 s15, $0x8;
	[tilespmem:$0x10] =	vst v1;
	s4 =	smul.u32 $0x1F40, s4  }
0x6: {  	v0 =	vimm.f32 $0.0e+00;
	[tilespmem:$0x20] =	vst v1;
	s5 =	simm.s32 @!p0 $0x3E80  }
0x7: {  	[tilespmem:$0x30] =	vst v0;
	s5 =	sadd.s32 s5, s4  }
0x8: {  	[tilespmem:$0x40] =	vst v0;
	s5 =	smin.u32 s5, $0x4E200  }
0x9: {  	s7 =	simm.s32 $0x2;
	[tilespmem:$0x50] =	vst v0;
	s9 =	ssub.s32 s5, s4  }
0xa: {  	s8 =	simm.s32 $0x8;
	s31 =	simm.s32 $0x9;
	[tilespmem:$0x60] =	vst v1;
	p0 =	sgt.s32 s9, $0x0  }
0xb: {  	s16 =	simm.s32 $0x0;
	s17 =	simm.s32 $0xF0;
	[tilespmem:$0x70] =	vst v1;
	s9 =	simm.s32 @!p0 $0x0  }
0xc: {  	s18 =	simm.s32 $0xFFFFFFFF;
	s19 =	simm.s32 $0xFFFFC280;
	[tilespmem:$0x80] =	vst v1;
	s6 =	smulhi.u32 $0x10624DD3, s9  }
0xd: {  	s20 =	simm.s32 $0xFFFFFFFE;
	s21 =	simm.s32 $0xF;
	s25 =	simm.s32 $0x0;
	v1 =	vimm.s32 $0x0;
	[tilespmem:$0xB0] =	vst v0  }
0xe: {  	s24 =	simm.s32 $0x0;
	s15 =	sshllo.u32 s15, $0x1;
	[tilespmem:$0x90] =	vst v1;
	s10 =	sshrl.u32 s6, $0x9  }
0xf: {  	[tilespmem:$0xA0] =	vst v1;
	[sflag:s7] =	ssyncpa.u1 $0x0;
	s7 =	simm.s32 $0x7;
	s11 =	smul.u32 $0x1F40, s10  }
.Ltmp0:
0x10: {  	s13 =	sor.u32 $0x80, s3;
	[sflag:s7] =	ssyncpa.u1 $0x0;
	(pc) =	sbr.rel .LBB2_1-.Ltmp0, $4  }
0x11: {  	s14 =	sor.u32 $0x81, s3;
	[sflag:s8] =	ssyncpa.u1 $0x0;
	p0 =	sne.s32 s9, s11  }
0x12: {  	s23 =	smov.u32 s4;
	[sflag:s31] =	ssyncpa.u1 $0x0;
	s2 =	simm.s32 @!p0 $0x0  }
0x13: {  	vm0 =	vmmov $0xffff;
	v2 =	vlaneseq.u32;
	s6 =	sadd.s32 $0x13C00, s0;
	s9 =	sadd.s32 $0x1DA00, s0;
	s10 =	sadd.s32 s2, s10  }
0x14: {  	vm1 =	vmxor vm1, vm1;
	vm2 =	vmmov $0x1;
	vm3 =	vcmask $0x3F3C;
	p0 =	por $0x0, $0x0;
	s11 =	sadd.s32 $0x1, s10;
	s12 =	sadd.s32 $0x2, s10  }
.LBB2_9:
0x15: {  	p1 =	slt.u32 s24, $0x3  }
0x16: {  	s0 =	simm.s32 @!p1 $0x2  }
0x17: {  	_ =	swait.ge @!p1 [sflag:s0], $0x1F40  }
0x18: {  	[sflag:s0] =	ssyncset.done @!p1 $0x0  }
0x19: {  	[sflag:s0] =	ssyncadd.s32 @!p1 $0xFFFFE0C0;
	s0 =	simm.s32 @!p1 $0x9  }
0x1a: {  	_ =	swait.ge @!p1 [sflag:s0], $0x10  }
0x1b: {  	[sflag:s0] =	ssyncset.done @!p1 $0x0  }
0x1c: {  	[sflag:s0] =	ssyncadd.s32 @!p1 $0xFFFFFFF0;
	p1 =	sne.s32 s24, s12  }
.Ltmp1:
0x1d: {  	s2 =	sadd.s32 $0x1F40, s23;
	(pc) =	sbr.rel @!p1 .LBB2_10-.Ltmp1, $4  }
0x1e: {  	s22 =	smov.u32 s4;
	s31 =	sadd.s32 $0x1, s24;
	s17 =	sadd.s32 $0x1F40, s17  }
0x1f: {  	s18 =	sadd.s32 $0x1, s18;
	s25 =	smov.u32 s23;
	p2 =	slt.s32 s2, s5  }
0x20: {  	p0 =	por !p0, !p0;
	s19 =	sadd.s32 $0x1F40, s19;
	s22 =	smov.u32 @p2 s2  }
0x21: {  	s20 =	sadd.s32 $0x1, s20;
	s23 =	smov.u32 s22;
	s24 =	smov.u32 s31  }
.LBB2_1:
0x22: {  	p1 =	sge.u32 s24, s10  }
0x23: {  	s0 =	smulhi.u32 @!p1 $0xAAAAAAAB, s24;
	_ =	sdelay $0x1  }
0x24: {  	s0 =	sshrl.u32 @!p1 s0, $0x1  }
0x25: {  	s0 =	smul.u32 @!p1 $0x3, s0;
	_ =	sdelay $0x1  }
0x26: {  	s0 =	ssub.s32 @!p1 s24, s0  }
0x27: {  	s0 =	smul.u32 @!p1 $0x7D00, s0;
	_ =	sdelay $0x1  }
0x28: {  	s2 =	sshrl.u32 @!p1 s23, $0x3;
	s0 =	sshrl.u32 @!p1 s0, $0x2  }
0x29: {  	s22 =	sand.u32 @!p1 $0x7, s23;
	s2 =	sadd.s32 @!p1 s6, s2;
	s0 =	sadd.s32 @!p1 $0x100, s0  }
0x2a: {  	[tilespmem:s0], [sflag:$0x7] =	stream.linear.gather @!p1 [hbm4b:s2+s22], $0x1F40, $0x38;
	[tilespmem:$0x11A60] =	vst v63  }
0x2b: {  	s0 =	sadd.s32 $0xFFFFFFFF, s24  }
0x2c: {  	p1 =	sge.u32 s0, s10  }
.Ltmp2:
0x2d: {  	_ = 	snop;
	(pc) =	sbr.rel @p1 .LBB2_5-.Ltmp2, $1  }
0x2e: {  	_ =	sdelay $0x3  }
0x2f: {  	s2 =	smulhi.u32 $0xAAAAAAAB, s0;
	_ =	sdelay $0x1  }
0x30: {  	s2 =	sshrl.u32 s2, $0x1  }
0x31: {  	s2 =	smul.u32 $0x3, s2;
	_ =	sdelay $0x1  }
0x32: {  	s2 =	ssub.s32 s0, s2  }
0x33: {  	s2 =	smul.u32 $0x7D00, s2  }
0x34: {  	_ =	swait.ge [sflag:s7], $0x1F40  }
0x35: {  	[sflag:s7] =	ssyncset.done $0x0;
	s2 =	sshrl.u32 s2, $0x2  }
0x36: {  	[sflag:s7] =	ssyncadd.s32 $0xFFFFE0C0;
	(ifvalue) =	ssetifvalue $0xFFFFFFFF;
	v3 =	vld.msk [tilespmem:s2+$0x100 ss:$0x1], $0xffff;
	_ =	sdelay $0x2  }
0x37: {  	s30 =	smulhi.u32 $0xAAAAAAAB, s18;
	p1 =	sne.s32 s24, $0x1  }
0x38: {  	v4 =	vimm.s32 @!p1 $0x0  }
0x39: {  	s2 =	sshrl.u32 s30, $0x1;
	v4 =	vperm.xlane @!p1 v3, v4  }
0x3a: {  	s22 =	sshll.u32 s24, $0x4;
	s2 =	smul.u32 $0xFFFE8900, s2;
	vm4 =	vlt.u32 v3, $0x2000  }
0x3b: {  	s22 =	sand.u32 $0x10, s22;
	v3 =	vnsel vm4, $0xFFFFFFFE, v3;
	vm4 =	vlt.u32 @!p1 v4, $0x2000  }
0x3c: {  	s2 =	sshra.s32 s2, $0x2;
	[tilespmem:s22+$0x60] =	vst v3;
	v3 =	vnsel @!p1 vm4, $0xFFFFFFFE, v4  }
0x3d: {  	s28 =	sadd.s32 s2, s17;
	[tilespmem:$0x80] =	vst @!p1 v3  }
0x3e: {  	v3 =	vld.msk [tilespmem:s28+$0x0 ss:$0x1], $0xffff;
	_ =	sdelay $0x4  }
0x3f: {  	(xrf1) =	vunique.msk.u32 $0xffff, v3;
	_ =	sdelay $0xd  }
0x40: {  	v4 =	vimm.s32 $0xFFFFFFFF;
	v5, _, _ =	vpop (xrf1)  }
0x41: {  	vm5 =	vne.s32 v3, v4;
	vm4 =	veq.s32 v5, v2  }
0x42: {  	vm6 =	vlt.u32 v3, $0x2000;
	vm4 =	vmand vm5, vm4  }
0x43: {  	vm4 =	vmand vm6, vm4  }
0x44: {  	v4 =	vnsel vm4, $0xFFFFFFFF, v3  }
0x45: {  	s31 =	sand.u32 $0x1, s0  }
0x46: {  	s0 =	simm.s32 $0x1F40;
	p1 =	seq.s32 s31, $0x1  }
0x47: {  	s0 =	simm.s32 @!p1 $0x0  }
0x48: {  	s26 =	sadd.s32 $0x7DF0, s0;
	(ifvalue) =	ssetifvalue $0xFFFFFFFF  }
0x49: {  	v3 =	vperm.xlane v3, v1;
	[tilespmem:s26], [sflag:$0x8] =	stream.indirect_vreg.gather [hbm4b:s1+s16], $0x1, v4, vm0, $0x4038;
	v4 =	vnsel vm6, $0xFFFFFFFE, v4;
	[tilespmem:$0x11A60] =	vst v63  }
0x4a: {  	s2 =	simm.s32 $0x0;
	s22 =	sadd.s32 $0xFFFFFFF0, s28;
	[tilespmem:s28+$0x0] =	vst v4  }
.LBB2_3:
0x4b: {  	v4 =	vld.msk [tilespmem:s22+$0x0 ss:$0x1], $0xffff;
	s2 =	sadd.s32 $0x10, s2;
	v5 =	vmov v3;
	s28 =	smov.u32 s22  }
0x4c: {  	p1 =	slt.u32 s2, $0x1F30;
	_ =	sdelay $0x4  }
0x4d: {  	v3 =	vperm.xlane v4, v1;
	(xrf1) =	vunique.msk.u32 $0xffff, v4;
	_ =	sdelay $0xd  }
0x4e: {  	v6, _, _ =	vpop (xrf1)  }
0x4f: {  	vm5 =	vne.s32 v4, v5;
	vm4 =	veq.s32 v6, v2  }
0x50: {  	vm6 =	vlt.u32 v4, $0x2000;
	vm4 =	vmand vm5, vm4  }
0x51: {  	vm4 =	vmand vm6, vm4  }
0x52: {  	v4 =	vnsel vm4, $0xFFFFFFFF, v4  }
.Ltmp3:
0x53: {  	v5 =	vnsel vm6, $0xFFFFFFFE, v4;
	(pc) =	sbr.rel @p1 .LBB2_3-.Ltmp3, $3  }
0x54: {  	_ =	sdelay $0x1  }
0x55: {  	s22 =	sadd.s32 $0xFFFFFFF0, s22;
	s26 =	sadd.s32 $0xFFFFFFF0, s26;
	(ifvalue) =	ssetifvalue $0xFFFFFFFF  }
0x56: {  	[tilespmem:s26], [sflag:$0x8] =	stream.indirect_vreg.gather [hbm4b:s1+s16], $0x1, v4, vm0, $0x4038;
	[tilespmem:s28+$0x0] =	vst v5  }
0x57: {  	s2 =	sshrl.u32 s25, $0x3  }
0x58: {  	s0 =	sadd.s32 $0x9D40, s0;
	s2 =	sadd.s32 s9, s2  }
0x59: {  	[tilespmem:s0], [sflag:$0x8] =	stream.linear.gather [hbm:s2], $0x1F40, $0x38;
	[tilespmem:$0x11A60] =	vst v63  }
.LBB2_5:
0x5a: {  	p1 =	slt.u32 s24, $0x2  }
0x5b: {  	p2 =	sge.u32 @!p1 s24, s12  }
0x5c: {  	p1 =	por p1, p2  }
.Ltmp4:
0x5d: {  	_ = 	snop;
	(pc) =	sbr.rel @p1 .LBB2_9-.Ltmp4, $1  }
0x5e: {  	_ =	sdelay $0x3  }
0x5f: {  	s0 =	sadd.s32 $0xFFFFFFFE, s24  }
0x60: {  	s2 =	smulhi.u32 $0xAAAAAAAB, s0;
	_ =	sdelay $0x1  }
0x61: {  	s2 =	sshrl.u32 s2, $0x1  }
0x62: {  	s2 =	smul.u32 $0x3, s2;
	_ =	sdelay $0x1  }
0x63: {  	s0 =	ssub.s32 s0, s2  }
0x64: {  	_ =	swait.ge [sflag:s8], $0x3E80;
	s0 =	smul.u32 $0x1F40, s0  }
0x65: {  	p1 =	sne.s32 s24, s11;
	[sflag:s8] =	ssyncset.done $0x0  }
0x66: {  	[sflag:s8] =	ssyncadd.s32 $0xFFFFC180;
	s2 =	sadd.s32 @!p1 $0x203F, s0  }
0x67: {  	[spmem:s14] =	stream.linear.scatter @!p1 [tilespmem:s2], [sflag:$0x1], $0x1, $0x38;
	[tilespmem:$0x11A60] =	vst v63  }
0x68: {  	s2 =	simm.s32 @!p1 $0x1  }
0x69: {  	_ =	swait.ge @!p1 [sflag:s2], $0x1  }
0x6a: {  	s22 =	sshll.u32 s24, $0x4;
	[sflag:s2] =	ssyncset.done @!p1 $0x0  }
0x6b: {  	s25 =	sand.u32 $0x10, s22;
	[sflag:s2] =	ssyncadd.s32 @!p1 $0xFFFFFFFF  }
0x6c: {  	s2 =	sxor.u32 $0x10, s25;
	v4 =	vld [tilespmem:s25+$0x10]  }
0x6d: {  	v5 =	vld [tilespmem:s2+$0x60]  }
0x6e: {  	v3 =	vld [tilespmem:$0x80];
	_ =	sdelay $0x2  }
0x6f: {  	(v2sf) =	vpush v4, $0x0  }
0x70: {  	(v2sf) =	vpush v5, $0x0  }
0x71: {  	(v2sf) =	vpush v3, $0x0;
	_ =	sdelay $0xc  }
0x72: {  	s22 =	spop (v2sf)  }
0x73: {  	s26 =	spop (v2sf)  }
0x74: {  	s28 =	spop (v2sf)  }
0x75: {  	p2 =	seq.s32 s22, s26;
	p3 =	seq.s32 s28, s22  }
0x76: {  	p3 =	por p2, p3  }
0x77: {  	s26 =	sand.u32 $0x1, s24;
	v4 =	vpsel p3, $0xFFFFFFFF, v4  }
0x78: {  	s29 =	smul.u32 $0x1F40, s26;
	[tilespmem:s25+$0x10] =	vst.msk $0x1, v4  }
0x79: {  	v4 =	vld [tilespmem:$0x30]  }
0x7a: {  	v5 =	vld [tilespmem:s29+$0x9D40]  }
0x7b: {  	v6 =	vld [tilespmem:s25+$0x40];
	_ =	sdelay $0x3  }
0x7c: {  	vm4 =	vmmov vm1;
	v5 =	vadd.f32 v5, v4  }
0x7d: {  	vm5 =	vmmov vm2;
	vm4 =	vmmov @p2 vm2;
	s22 =	sshll.u32 s26, $0x4;
	v4 =	vadd.f32 v6, v4  }
0x7e: {  	s26 =	sor.u32 $0x11A40, s22;
	vm5 =	vmmov @p3 vm1;
	[tilespmem:s29+$0x9D40] =	vst.msk vm4, v5  }
0x7f: {  	[tilespmem:s26+$0x0] =	vst.msk vm5, v4  }
0x80: {  	v4 =	vld [tilespmem:s29+$0x7DF0];
	_ =	sdelay $0x3  }
0x81: {  	v5 =	vimm.f32 $0.0e+00  }
0x82: {  	v4 =	vshift.insert v4, v5, s21  }
0x83: {  	s22 =	sor.u32 $0x40, s2  }
0x84: {  	[tilespmem:s22+$0x0] =	vst.msk $0x1, v4  }
0x85: {  	[tilespmem:s29+$0x7DFF] =	vst.msk $0x1, v5  }
0x86: {  	v4 =	vld [tilespmem:s0+$0x2030];
	_ =	sdelay $0x1  }
0x87: {  	s22 =	smulhi.u32 $0xAAAAAAAB, s20;
	s0 =	simm.s32 $0x1  }
0x88: {  	s0 =	simm.s32 @!p0 $0x0  }
0x89: {  	s22 =	sshrl.u32 s22, $0x1;
	s0 =	smul.u32 $0x7D00, s0  }
0x8a: {  	s22 =	smul.u32 $0xFFFE8900, s22;
	v4 =	vshift.insert v4, v1, s21  }
0x8b: {  	s0 =	sshrl.u32 s0, $0x2  }
0x8c: {  	s22 =	sshra.s32 s22, $0x2;
	s30 =	sadd.s32 $0x9D40, s0;
	[tilespmem:s2+$0x10] =	vst.msk $0x1, v4  }
0x8d: {  	s22 =	sadd.s32 s22, s19;
	v6 =	vld [tilespmem:s30+$0x0]  }
0x8e: {  	v7 =	vld [tilespmem:s22+$0x0];
	_ =	sdelay $0x3  }
0x8f: {  	v5 =	vadd.f32 v6, v5  }
0x90: {  	vm4 =	vne.s32 v7, $0xFFFFFFFF  }
0x91: {  	(xrf2) =	vadd.seg.scan.f32 vm4, v5;
	_ =	sdelay $0x3  }
0x92: {  	s31 =	sadd.s32 $0x5EC0, s0;
	v5 =	vperm.xlane v4, v1  }
0x93: {  	v6 =	vld [tilespmem:s31+$0x0]  }
0x94: {  	vm5 =	veq.s32 v7, v3;
	vm6 =	veq.s32 v7, v5  }
0x95: {  	vm7 =	vgt.u32 v7, $0xFFFFFFFD;
	vm6 =	vmor vm6, vm5  }
0x96: {  	vm6 =	vmor vm6, vm7  }
0x97: {  	v9 =	vld [tilespmem:$0xA0];
	v7 =	vsel vm6, $0xFFFFFFFF, v7  }
0x98: {  	v10 =	vld [tilespmem:$0x90];
	v6 =	vsel vm5, $0x0, v6;
	v8, _, _ =	vpop (xrf2)  }
0x99: {  	v6 =	vadd.f32 v8, v6  }
0x9a: {  	s0 =	sadd.s32 $0xDBC0, s0  }
0x9b: {  	vm4 =	vmand vm4, vm3;
	[tilespmem:s0+$0x0] =	vst v6;
	(ifvalue) =	ssetifvalue $0xFFFFFFFF  }
0x9c: {  	vm6 =	veq.s32 v9, $0x1;
	[hbm4b:s1+s16] =	stream.indirect_vreg.scatter [tilespmem:s0], [sflag:$0x2], $0x1, v7, vm0, $0x4038;
	v7 =	vsel vm4, $0x0, v8;
	[tilespmem:$0x11A60] =	vst v63  }
0x9d: {  	s2 =	simm.s32 $0x0;
	s22 =	sadd.s32 $0x10, s22;
	vm4 =	vmor vm6, vm5;
	v6 =	vsel vm5, v8, v10;
	v7 =	vshift.insert v7, v0, s21  }
.LBB2_7:
0x9e: {  	v8 =	vld [tilespmem:s22+$0x0];
	s30 =	sadd.s32 $0x10, s30  }
0x9f: {  	s31 =	sadd.s32 $0x10, s31;
	v9 =	vld [tilespmem:s30+$0x0]  }
0xa0: {  	s2 =	sadd.s32 $0x10, s2;
	v10 =	vld [tilespmem:s31+$0x0]  }
0xa1: {  	p2 =	slt.u32 s2, $0x1F30;
	_ =	sdelay $0x2  }
0xa2: {  	v7 =	vadd.f32 v9, v7  }
0xa3: {  	vm5 =	vne.s32 v8, $0xFFFFFFFF  }
0xa4: {  	vm6 =	vmand vm5, vm3;
	(xrf2) =	vadd.seg.scan.f32 vm5, v7;
	_ =	sdelay $0x5  }
0xa5: {  	vm7 =	veq.s32 v8, v5;
	vm5 =	veq.s32 v8, v3  }
0xa6: {  	vm8 =	vgt.u32 v8, $0xFFFFFFFD;
	vm4 =	vmor vm4, vm5;
	vm7 =	vmor vm7, vm5  }
0xa7: {  	vm7 =	vmor vm7, vm8  }
0xa8: {  	v8 =	vsel vm7, $0xFFFFFFFF, v8  }
.Ltmp5:
0xa9: {  	v7 =	vsel vm5, $0x0, v10;
	v9, _, _ =	vpop (xrf2);
	(pc) =	sbr.rel @p2 .LBB2_7-.Ltmp5, $4  }
0xaa: {  	v6 =	vsel vm5, v9, v6;
	v10 =	vadd.f32 v9, v7;
	v7 =	vsel vm6, $0x0, v9  }
0xab: {  	s0 =	sadd.s32 $0x10, s0;
	v7 =	vshift.insert v7, v0, s21  }
0xac: {  	s22 =	sadd.s32 $0x10, s22;
	[tilespmem:s0+$0x0] =	vst v10;
	(ifvalue) =	ssetifvalue $0xFFFFFFFF  }
0xad: {  	[hbm4b:s1+s16] =	stream.indirect_vreg.scatter [tilespmem:s0], [sflag:$0x2], $0x1, v8, vm0, $0x4038;
	[tilespmem:$0x11A60] =	vst v63  }
0xae: {  	v3 =	vld [tilespmem:s29+$0xFAF0];
	_ =	sdelay $0x4  }
0xaf: {  	v3 =	vshift.insert v3, v0, s21  }
0xb0: {  	s0 =	simm.s32 $0x30  }
0xb1: {  	[tilespmem:s0+$0x0] =	vst.msk $0x1, v3  }
0xb2: {  	v3 =	vsel vm4, $0x1, v1;
	[tilespmem:$0x90] =	vst v6  }
0xb3: {  	s0 =	sadd.s32 @!p1 $0xFAFF, s29;
	[tilespmem:$0xA0] =	vst v3  }
0xb4: {  	[spmem:s15] =	stream.linear.scatter @!p1 [tilespmem:s0], [sflag:$0x1], $0x1, $0x38;
	[tilespmem:$0x11A60] =	vst v63  }
0xb5: {  	s0 =	simm.s32 @!p1 $0x1  }
0xb6: {  	v3 =	vmctz.xlane @!p1 vm4;
	_ =	swait.ge @!p1 [sflag:s0], $0x1  }
0xb7: {  	(v2sf) =	vpush @!p1 v4, $0x0  }
0xb8: {  	(v2sf) =	vpush @!p1 v3, $0x0;
	_ =	sdelay $0xd  }
0xb9: {  	s2 =	spop @!p1 (v2sf)  }
0xba: {  	s22 =	spop @!p1 (v2sf)  }
0xbb: {  	p2 =	sne.s32 @!p1 s28, s2;
	p3 =	slt.s32 @!p1 s22, $0xF  }
0xbc: {  	[sflag:s0] =	ssyncset.done @!p1 $0x0;
	p2 =	por p2, p1;
	p3 =	por !p3, p1  }
0xbd: {  	[sflag:s0] =	ssyncadd.s32 @!p1 $0xFFFFFFFF;
	v3 =	vimm.s32 @!p2 $0xFFFFFFFF;
	s22 =	simm.s32 @p3 $0xF  }
0xbe: {  	[tilespmem:$0x80] =	vst @!p2 v3;
	s2 =	sadd.s32 @!p1 $0x90, s22  }
0xbf: {  	[spmem:s3] =	stream.linear.scatter @!p1 [tilespmem:s2], [sflag:$0x1], $0x1, $0x38;
	[tilespmem:$0x11A60] =	vst v63  }
0xc0: {  	_ =	swait.ge @!p1 [sflag:s0], $0x1  }
0xc1: {  	[sflag:s0] =	ssyncset.done @!p1 $0x0  }
0xc2: {  	s2 =	simm.s32 @!p1 $0x80;
	[sflag:s0] =	ssyncadd.s32 @!p1 $0xFFFFFFFF  }
0xc3: {  	[spmem:s13] =	stream.linear.scatter @!p1 [tilespmem:s2], [sflag:$0x1], $0x1, $0x38;
	[tilespmem:$0x11A60] =	vst v63  }
0xc4: {  	_ =	swait.ge @!p1 [sflag:s0], $0x1  }
0xc5: {  	[sflag:s0] =	ssyncset.done @!p1 $0x0  }
0xc6: {  	[sflag:s0] =	ssyncadd.s32 @!p1 $0xFFFFFFFF;
	(ifvalue) =	ssetifvalue $0xFFFFFFFF;
	v3 =	vld [tilespmem:s25+$0x10];
	_ =	sdelay $0x3  }
.Ltmp6:
0xc7: {  	_ = 	snop;
	(pc) =	sbr.rel .LBB2_9-.Ltmp6, $3  }
0xc8: {  	_ =	sdelay $0x1  }
0xc9: {  	(ifvalue) =	ssetifvalue $0xFFFFFFFF  }
0xca: {  	[hbm4b:s1+s16] =	stream.indirect_vreg.scatter [tilespmem:s26], [sflag:$0x9], $0x1, v3, vm0, $0x4038;
	[tilespmem:$0x11A60] =	vst v63  }
.LBB2_10:
0xcb: {  	_ =	sfence.sel $0x180000  }
0xcc: {  	s0 =	simm.s32 $0x7;
	[bflag:$0x0] =	sbarrier.arrive $0xFFFF  }
0xcd: {  	s26 =	simm.s32 $0x8;
	[sflag:s0] =	ssyncpa.u1 $0x1  }
0xce: {  	s28 =	simm.s32 $0x9;
	[sflag:s26] =	ssyncpa.u1 $0x1  }
0xcf: {  	[sflag:s28] =	ssyncpa.u1 $0x1  }
0xd0: {  	_ =	sfence.stream.spmem  }
0xd1: {  	s29 =	simm.s32 $0x3;
	[bflag:$0x0] =	sbarrier.arrive $0xFFFF  }
0xd2: {  	s30 =	simm.s32 $0x4;
	[sflag:s29] =	ssyncpa.u1 $0x1  }
0xd3: {  	s31 =	simm.s32 $0x3C;
	s2 =	stileid.u32;
	[sflag:s30] =	ssyncpa.u1 $0x1  }
0xd4: {  	p0 =	sne.s32 s2, $0x0;
	[sflag:s31] =	ssyncpa.u1 $0x1  }
0xd5: {  	s0 =	simm.s32 @p0 $0x1;
	_ =	sfence @p0  }
0xd6: {  	[sflag:s0] =	ssyncpa.u1 @p0 $0x1;
	s0 =	simm.s32 @p0 $0x2  }
0xd7: {  	[sflag:s0] =	ssyncpa.u1 @p0 $0x1  }
0xd8: {  	_ =	strace @p0 $0x9000004D  }
0xd9: {  	[bflag:$0x2] =	sbarrier.arrive @p0 $0xFFFF  }
0xda: {  	_ =	shalt @p0  }
.LBB2_11:
0xdb: {  	_ =	sfence.stream.spmem;
	s0 =	simm.s32 $0x5  }
0xdc: {  	s2 =	simm.s32 $0x80;
	s3 =	simm.s32 $0xC0;
	[sflag:s0] =	ssyncpa.u1 $0x0  }
0xdd: {  	[tilespmem:s3], [sflag:$0x5] =	stream.linear.gather [spmem:s2], $0x20, $0x38;
	[tilespmem:$0x11A60] =	vst v63  }
0xde: {  	s2 =	simm.s32 $0x0;
	s3 =	simm.s32 $0xE0  }
0xdf: {  	[tilespmem:s3], [sflag:$0x5] =	stream.linear.gather [spmem:s2], $0x20, $0x38;
	[tilespmem:$0x11A60] =	vst v63  }
.Ltmp7:
0xe0: {  	_ = 	snop;
	(pc) =	sbr.rel .LBB2_12-.Ltmp7, $4  }
0xe1: {  	_ =	swait.ge [sflag:s0], $0x40  }
0xe2: {  	[sflag:s0] =	ssyncset.done $0x0  }
0xe3: {  	s31 =	simm.s32 $0x6;
	[sflag:s0] =	ssyncadd.s32 $0xFFFFFFC0  }
0xe4: {  	s4 =	simm.s32 $0x0;
	[sflag:s31] =	ssyncpa.u1 $0x0  }
.LBB2_17:
0xe5: {  	p0 =	sgt.u32 s5, $0x1FFF  }
0xe6: {  	s0 =	sshrl.u32 @!p0 s5, $0x3  }
0xe7: {  	s5 =	sand.u32 @!p0 $0x7, s5;
	s6 =	simm.s32 @!p0 $0xB0;
	s0 =	sadd.s32 @!p0 s1, s0  }
0xe8: {  	[tilespmem:s6], [sflag:$0x6] =	stream.linear.gather @!p0 [hbm4b:s0+s5], $0x1, $0x38;
	[tilespmem:$0x11A60] =	vst v63  }
0xe9: {  	s0 =	simm.s32 @!p0 $0x6  }
0xea: {  	_ =	swait.ge @!p0 [sflag:s0], $0x1  }
0xeb: {  	[sflag:s0] =	ssyncset.done @!p0 $0x0  }
0xec: {  	[sflag:s0] =	ssyncadd.s32 @!p0 $0xFFFFFFFF  }
0xed: {  	v2 =	vmov @!p0 s4;
	v1 =	vld.msk @!p0 [tilespmem:$0xB0], $0x1;
	_ =	sdelay $0x3  }
0xee: {  	s0 =	simm.s32 @!p0 $0xE0  }
0xef: {  	[tilespmem:v2+s0+$0x0], v1 =	vst.idx.ret.add.f32.msk @!p0 $0x1, v1  }
0xf0: {  	[tilespmem:s2+$0xC0] =	vst.msk $0x1, v0  }
0xf1: {  	v0 =	vld.msk [tilespmem:s4+$0xE0], $0x1;
	_ =	sdelay $0x4  }
0xf2: {  	[tilespmem:s2+$0xE0] =	vst.msk $0x1, v0;
	s2 =	sadd.s32 $0x1, s2  }
.LBB2_19:
0xf3: {  	s4 =	sadd.s32 $0x1, s4  }
0xf4: {  	p0 =	sne.s32 s4, $0x20  }
.Ltmp8:
0xf5: {  	_ = 	snop;
	(pc) =	sbr.rel @!p0 .LBB2_20-.Ltmp8, $1  }
0xf6: {  	_ =	sdelay $0x3  }
.LBB2_12:
0xf7: {  	v0 =	vld.msk [tilespmem:s4+$0xC0], $0x1;
	_ =	sdelay $0x4  }
0xf8: {  	(v2sf) =	vpush v0, $0x0;
	_ =	sdelay $0xe  }
0xf9: {  	s5 =	spop (v2sf)  }
0xfa: {  	p0 =	seq.s32 s5, $0xFFFFFFFF  }
.Ltmp9:
0xfb: {  	_ = 	snop;
	(pc) =	sbr.rel @p0 .LBB2_19-.Ltmp9, $1  }
0xfc: {  	_ =	sdelay $0x3  }
0xfd: {  	p0 =	slt.s32 s2, $0x1  }
.Ltmp10:
0xfe: {  	_ = 	snop;
	(pc) =	sbr.rel @p0 .LBB2_17-.Ltmp10, $1  }
0xff: {  	_ =	sdelay $0x3  }
0x100: {  	s0 =	simm.s32 $0xC0;
	p0 =	por $0x0, $0x0  }
0x101: {  	v1 =	vld.msk @!p0 [tilespmem:s0+$0x0], $0x1;
	_ =	sdelay $0x4  }
0x102: {  	(v2sf) =	vpush @!p0 v1, $0x0;
	_ =	sdelay $0xd  }
0x103: {  	p2 =	sne.s32 s2, $0x1  }
.Ltmp11:
0x104: {  	s6 =	spop @!p0 (v2sf);
	(pc) =	sbr.rel @!p2 .LBB2_16-.Ltmp11, $4  }
0x105: {  	p1 =	seq.s32 @!p0 s5, s6  }
0x106: {  	s6 =	simm.s32 $0x0;
	p1 =	por !p1, p0  }
0x107: {  	s8 =	simm.s32 $0xFFFFFFFF;
	s6 =	simm.s32 @p1 $0xFFFFFFFF  }
0x108: {  	s7 =	simm.s32 $0x1;
	s6 =	smov.u32 @p0 s8  }
.LBB2_15:
0x109: {  	s8 =	smov.u32 s6;
	p0 =	sne.s32 s6, $0xFFFFFFFF  }
0x10a: {  	s0 =	sadd.s32 $0x1, s0;
	s6 =	smov.u32 s7;
	s7 =	sadd.s32 $0x1, s7  }
0x10b: {  	p1 =	sne.s32 s2, s7;
	v1 =	vld.msk @!p0 [tilespmem:s0+$0x0], $0x1;
	_ =	sdelay $0x4  }
0x10c: {  	(v2sf) =	vpush @!p0 v1, $0x0;
	_ =	sdelay $0xe  }
.Ltmp12:
0x10d: {  	s9 =	spop @!p0 (v2sf);
	(pc) =	sbr.rel @p1 .LBB2_15-.Ltmp12, $4  }
0x10e: {  	p2 =	seq.s32 @!p0 s5, s9  }
0x10f: {  	p2 =	por !p2, p0  }
0x110: {  	s6 =	simm.s32 @p2 $0xFFFFFFFF  }
0x111: {  	s6 =	smov.u32 @p0 s8  }
.LBB2_16:
0x112: {  	p0 =	sne.s32 s6, $0xFFFFFFFF  }
.Ltmp13:
0x113: {  	_ = 	snop;
	(pc) =	sbr.rel @!p0 .LBB2_17-.Ltmp13, $1  }
0x114: {  	_ =	sdelay $0x3  }
0x115: {  	v0 =	vld.msk [tilespmem:s4+$0xE0], $0x1;
	v1 =	vmov s6  }
.Ltmp14:
0x116: {  	_ = 	snop;
	(pc) =	sbr.rel .LBB2_19-.Ltmp14, $2  }
0x117: {  	_ =	sdelay $0x2  }
0x118: {  	[tilespmem:v1+s3+$0x0], v0 =	vst.idx.ret.add.f32.msk $0x1, v0  }
.LBB2_20:
0x119: {  	p0 =	slt.s32 s2, $0x1  }
.Ltmp15:
0x11a: {  	_ = 	snop;
	(pc) =	sbr.rel @p0 .LBB2_24-.Ltmp15, $3  }
0x11b: {  	_ =	sdelay $0x1  }
0x11c: {  	s0 =	simm.s32 $0x6  }
0x11d: {  	s3 =	simm.s32 $0x0;
	[sflag:s0] =	ssyncpa.u1 $0x1  }
0x11e: {  	s0 =	simm.s32 $0xC0  }
0x11f: {  	v0 =	vld.msk [tilespmem:s0+$0x0], $0x1;
	_ =	sdelay $0x4  }
0x120: {  	(v2sf) =	vpush v0, $0x0;
	_ =	sdelay $0xe  }
0x121: {  	s2 =	sadd.s32 $0xFFFFFFFF, s2;
	s4 =	spop (v2sf)  }
0x122: {  	p1 =	sne.s32 s2, $0x0;
	p0 =	sgt.u32 s4, $0x1FFF  }
.Ltmp16:
0x123: {  	s5 =	sshrl.u32 @!p0 s4, $0x3;
	(pc) =	sbr.rel @!p1 .LBB2_23-.Ltmp16, $4  }
0x124: {  	s0 =	simm.s32 $0xE0;
	s4 =	sand.u32 @!p0 $0x7, s4;
	s5 =	sadd.s32 @!p0 s1, s5  }
0x125: {  	[hbm4b:s5+s4] =	stream.linear.scatter @!p0 [tilespmem:s0], [sflag:$0x5], $0x1, $0x38;
	[tilespmem:$0x11A60] =	vst v63  }
0x126: {  	s5 =	simm.s32 $0x0  }
0x127: {  	s4 =	simm.s32 $0xC1;
	s5 =	simm.s32 @!p0 $0x4  }
.LBB2_22:
0x128: {  	v0 =	vld.msk [tilespmem:s4+$0x0], $0x1;
	s2 =	sadd.s32 $0xFFFFFFFF, s2;
	s3 =	sadd.s32 s3, s5  }
0x129: {  	p0 =	sne.s32 s2, $0x0;
	_ =	sdelay $0x3  }
0x12a: {  	(v2sf) =	vpush v0, $0x0;
	_ =	sdelay $0xe  }
.Ltmp17:
0x12b: {  	s6 =	spop (v2sf);
	(pc) =	sbr.rel @p0 .LBB2_22-.Ltmp17, $4  }
0x12c: {  	s5 =	simm.s32 $0x0;
	p1 =	sgt.u32 s6, $0x1FFF  }
0x12d: {  	s0 =	sadd.s32 $0x1, s0;
	s5 =	simm.s32 @!p1 $0x4;
	s7 =	sshrl.u32 @!p1 s6, $0x3  }
0x12e: {  	s4 =	sadd.s32 $0x1, s4;
	s6 =	sand.u32 @!p1 $0x7, s6;
	s7 =	sadd.s32 @!p1 s1, s7  }
0x12f: {  	[hbm4b:s7+s6] =	stream.linear.scatter @!p1 [tilespmem:s0], [sflag:$0x5], $0x1, $0x38;
	[tilespmem:$0x11A60] =	vst v63  }
.LBB2_23:
0x130: {  	s0 =	sadd.s32 s3, s5  }
0x131: {  	s3 =	sshrl.u32 s0, $0x2  }
.LBB2_24:
0x132: {  	s0 =	simm.s32 $0x5  }
0x133: {  	_ =	swait.ge [sflag:s0], s3  }
0x134: {  	s1 =	ssub.s32 $0x0, s3;
	[sflag:s0] =	ssyncset.done $0x0  }
0x135: {  	[sflag:s0] =	ssyncadd.s32 s1  }
0x136: {  	[sflag:s0] =	ssyncpa.u1 $0x1  }
0x137: {  	s29 =	simm.s32 $0x1;
	_ =	sfence  }
0x138: {  	s30 =	simm.s32 $0x2;
	[sflag:s29] =	ssyncpa.u1 $0x1  }
0x139: {  	[sflag:s30] =	ssyncpa.u1 $0x1  }
0x13a: {  	_ =	strace $0x9000004D  }
0x13b: {  	[bflag:$0x2] =	sbarrier.arrive $0xFFFF  }
0x13c: {  	s31 =	rddreg [dreg:$0x2]  }
0x13d: {  	s0 =	sadd.s32 $0x100000, s31  }
0x13e: {  	[sflag:s0] =	ssyncadd.tile.s32 $0x1;
	_ =	shalt  }
.Lfunc_end2:
_tile_overlayer_lowered:
.L_overlay_start_2:
0x13f: {  	(tag) =	ssettag $0x2  }
0x140: {  	s0 =	rddreg [dreg:$0x0];
	s2 =	stileid.u32  }
0x141: {  	s1 =	rddreg [dreg:$0x1];
	p0 =	sne.s32 s2, $0x0  }
0x142: {  	s3 =	rddreg [dreg:$0x2];
	[bflag:$0x3] =	sbarrier.arrive $0xFFFF;
	s2 =	simm.s32 @!p0 $0x1C01  }
0x143: {  	[timem:s3], [sflag:s2] =	dma.local @!p0 [hbm:s0], s1  }
0x144: {  	s0 =	simm.s32 @!p0 $0x1  }
0x145: {  	_ =	swait.ge @!p0 [sflag:s0], s1  }
0x146: {  	s1 =	ssub.s32 @!p0 $0x0, s1;
	[sflag:s0] =	ssyncset.done @!p0 $0x0  }
0x147: {  	[sflag:s0] =	ssyncadd.s32 @!p0 s1  }
0x148: {  	[bflag:$0x3] =	sbarrier.arrive $0xFFFF  }
0x149: {  	_ =	shalt  }

// kernel: scatter_offload_async_start.3
scs
__scs_entry_jumppad:
0x0: {  	(pc) =	sbr.rel $0x88, $3  }
0x1: {  	(tag) =	ssettag $0x0;
	lr =	simm.s32 $0x1  }
0x2: {  	[smem:$0x3F8D] =	sst lr;
	_ =	strace $0xD0000000  }
0x3: {  	_ = 	snop  }
0x4: {  	_ = 	snop  }
0x5: {  	_ = 	snop  }
0x6: {  	_ = 	snop  }
0x7: {  	_ = 	snop  }
__scs_overlays_trampoline_lowered:
0x8: {  	[smem:$0x3F9C] =	sst s0  }
0x9: {  	[smem:$0x3F9D] =	sst s1  }
0xa: {  	[smem:$0x3F9E] =	sst s2  }
0xb: {  	[smem:$0x3F9F] =	sst s3  }
0xc: {  	[smem:$0x3FA0] =	sst s4  }
0xd: {  	[smem:$0x3FA1] =	sst s5  }
0xe: {  	[smem:$0x3FA2] =	sst s6  }
0xf: {  	[smem:$0x3FA3] =	sst s7  }
0x10: {  	[smem:$0x3FA4] =	sst s8  }
0x11: {  	[smem:$0x3FA5] =	sst s9;
	s0 =	simm.s32 @!p0 $0x0  }
0x12: {  	s1 =	sld [smem:$0x3F8B];
	s0 =	simm.s32 @p0 $0x1  }
0x13: {  	[smem:$0x3FA6] =	sst s0;
	s0 =	simm.s32 @!p1 $0x0  }
0x14: {  	s2 =	sld [smem:$0x3F8A];
	s0 =	simm.s32 @p1 $0x1  }
0x15: {  	[smem:$0x3FA7] =	sst s0;
	s0 =	simm.s32 @!p2 $0x0  }
0x16: {  	s3 =	sld [smem:$0x3FDB];
	s0 =	simm.s32 @p2 $0x1  }
0x17: {  	s4 =	simm.s32 $0x1BF5;
	[smem:$0x3FA9] =	sst s0  }
0x18: {  	s0 =	sld [smem:$0x3F8C];
	_ =	swait.ge [sflag:s4], $0x0  }
0x19: {  	s7 =	sld [smem:$0x3F8D]  }
0x1a: {  	s8 =	sadd.s32 $0xFFFFE003, lr  }
0x1b: {  	s9 =	sadd.s32 $0xFFFFFEF7, lr;
	s5 =	simm.s32 $0xFFFFFFFF;
	p2 =	slt.u32 s8, $0xFFFFF086  }
0x1c: {  	p1 =	slt.u32 s9, $0xF7A;
	s5 =	simm.s32 @!p2 $0x0  }
0x1d: {  	s5 =	simm.s32 @p1 $0x1;
	p0 =	seq.s32 s7, s2  }
0x1e: {  	s7 =	smul.u32 @!p0 $0xF7A, s2;
	p2 =	seq.s32 @!p0 s5, $0x0  }
0x1f: {  	s9 =	smul.u32 $0xF7A, s1;
	s8 =	simm.s32 @!p0 $0x1BF5;
	p2 =	por !p2, p0  }
0x20: {  	[sflag:s8] =	ssyncset.s32 @!p0 $0xFFFFF086;
	s6 =	sadd.s32 @!p0 s3, s7;
	s7 =	simm.s32 @!p0 $0x108  }
0x21: {  	s3 =	sadd.s32 s3, s9;
	s6 =	sadd.s32 @!p0 $0x88, s6;
	s7 =	simm.s32 @p2 $0x1082  }
0x22: {  	[simem:s7], [sflag:s8] =	dma.local @!p0 [hbm:s6], $0xF7A  }
0x23: {  	s9 =	sor.u32 $0xD0000000, s2;
	s6 =	simm.s32 $0x108;
	_ =	swait.ge @!p0 [sflag:s8], $0x0  }
0x24: {  	s3 =	sadd.s32 $0x88, s3;
	s6 =	simm.s32 @!p1 $0x1082;
	[sflag:s4] =	ssyncset.s32 $0xFFFFF086  }
0x25: {  	[simem:s6], [sflag:s4] =	dma.local [hbm:s3], $0xF7A  }
0x26: {  	[smem:$0x3F8D] =	sst s1;
	(tag) =	ssettag s2;
	_ =	strace s9  }
0x27: {  	s1 =	sld [smem:$0x3F9D]  }
0x28: {  	s2 =	sld [smem:$0x3F9E]  }
0x29: {  	s4 =	sld [smem:$0x3FA0]  }
0x2a: {  	p0 =	seq.s32 s5, $0x0;
	s5 =	sld [smem:$0x3FA1]  }
0x2b: {  	s6 =	sld [smem:$0x3FA2]  }
0x2c: {  	s7 =	sld [smem:$0x3FA3]  }
0x2d: {  	s3 =	simm.s32 $0x108;
	s8 =	sld [smem:$0x3FA4]  }
0x2e: {  	s3 =	simm.s32 @!p0 $0x1082;
	s9 =	sld [smem:$0x3FA5]  }
0x2f: {  	lr =	sadd.s32 s0, s3;
	s0 =	sld [smem:$0x3F9C]  }
0x30: {  	s3 =	sld [smem:$0x3F9F]  }
0x31: {  	[smem:$0x3FA8] =	sst s10  }
0x32: {  	s10 =	sld [smem:$0x3FA6];
	_ =	sdelay $0x3  }
0x33: {  	p0 =	seq.s32 s10, $0x1;
	s10 =	sld [smem:$0x3FA8];
	_ =	sdelay $0x3  }
0x34: {  	[smem:$0x3FA8] =	sst s10  }
0x35: {  	s10 =	sld [smem:$0x3FA7];
	_ =	sdelay $0x3  }
0x36: {  	p1 =	seq.s32 s10, $0x1;
	s10 =	sld [smem:$0x3FA8];
	_ =	sdelay $0x3  }
0x37: {  	[smem:$0x3FA8] =	sst s10  }
0x38: {  	s10 =	sld [smem:$0x3FA9]  }
0x39: {  	_ = 	snop;
	(pc) =	sbr.ind lr, $3  }
0x3a: {  	_ = 	snop  }
0x3b: {  	_ = 	snop  }
0x3c: {  	p2 =	seq.s32 s10, $0x1;
	s10 =	sld [smem:$0x3FA8]  }
0x3d: {  	_ =	shalt  }
0x3e: {  	_ =	shalt  }
0x3f: {  	_ =	shalt  }
0x40: {  	_ =	shalt  }
0x41: {  	_ =	shalt  }
0x42: {  	_ =	shalt  }
0x43: {  	_ =	shalt  }
0x44: {  	_ =	shalt  }
0x45: {  	_ =	shalt  }
0x46: {  	_ =	shalt  }
0x47: {  	_ =	shalt  }
0x48: {  	_ =	shalt  }
0x49: {  	_ =	shalt  }
0x4a: {  	_ =	shalt  }
0x4b: {  	_ =	shalt  }
0x4c: {  	_ =	shalt  }
0x4d: {  	_ =	shalt  }
0x4e: {  	_ =	shalt  }
0x4f: {  	_ =	shalt  }
0x50: {  	_ =	shalt  }
0x51: {  	_ =	shalt  }
0x52: {  	_ =	shalt  }
0x53: {  	_ =	shalt  }
0x54: {  	_ =	shalt  }
0x55: {  	_ =	shalt  }
0x56: {  	_ =	shalt  }
0x57: {  	_ =	shalt  }
0x58: {  	_ =	shalt  }
0x59: {  	_ =	shalt  }
0x5a: {  	_ =	shalt  }
0x5b: {  	_ =	shalt  }
0x5c: {  	_ =	shalt  }
0x5d: {  	_ =	shalt  }
0x5e: {  	_ =	shalt  }
0x5f: {  	_ =	shalt  }
0x60: {  	_ =	shalt  }
0x61: {  	_ =	shalt  }
0x62: {  	_ =	shalt  }
0x63: {  	_ =	shalt  }
0x64: {  	_ =	shalt  }
0x65: {  	_ =	shalt  }
0x66: {  	_ =	shalt  }
0x67: {  	_ =	shalt  }
0x68: {  	_ =	shalt  }
0x69: {  	_ =	shalt  }
0x6a: {  	_ =	shalt  }
0x6b: {  	_ =	shalt  }
0x6c: {  	_ =	shalt  }
0x6d: {  	_ =	shalt  }
0x6e: {  	_ =	shalt  }
0x6f: {  	_ =	shalt  }
0x70: {  	_ =	shalt  }
0x71: {  	_ =	shalt  }
0x72: {  	_ =	shalt  }
0x73: {  	_ =	shalt  }
0x74: {  	_ =	shalt  }
0x75: {  	_ =	shalt  }
0x76: {  	_ =	shalt  }
0x77: {  	_ =	shalt  }
0x78: {  	_ =	shalt  }
0x79: {  	_ =	shalt  }
0x7a: {  	_ =	shalt  }
0x7b: {  	_ =	shalt  }
0x7c: {  	_ =	shalt  }
0x7d: {  	_ =	shalt  }
0x7e: {  	_ =	shalt  }
0x7f: {  	_ =	shalt  }
0x80: {  	_ =	shalt  }
0x81: {  	_ =	shalt  }
0x82: {  	_ =	shalt  }
0x83: {  	_ =	shalt  }
0x84: {  	_ =	shalt  }
0x85: {  	_ =	shalt  }
0x86: {  	_ =	shalt  }
0x87: {  	_ =	shalt  }
.Lfunc_end0:
.L_simem_size_0:
called_computation.3_lowered:
.L_overlay_start_0:
0x88: {  	s2 =	sld [smem:$0x3FD9]  }
0x89: {  	s3 =	sld [smem:$0x3FFE];
	_ =	sdelay $0x1  }
0x8a: {  	s1 =	srdreg.scid  }
0x8b: {  	s0 =	sand.u32 $0x1, s1  }
0x8c: {  	s15 =	sshll.u32 s0, $0xA;
	s2 =	sadd.s32 s3, s2  }
0x8d: {  	s2 =	sadd.s32 s2, s15  }
0x8e: {  	[smem:$0x3FB4] =	sst s2  }
0x8f: {  	_ = 	snop  }
0x90: {  	s2 =	sld [smem:$0x3FD0];
	_ =	sdelay $0x2  }
0x91: {  	s16 =	simm.s32 $0xD;
	s4 =	simm.s32 $0x10  }
0x92: {  	[smem:s4], [sflag:s16] =	dma.local [hbm:s2], $0x1  }
0x93: {  	_ =	swait.eq [sflag:s16], $0x1  }
0x94: {  	[sflag:s16] =	ssyncset.done $0x0  }
0x95: {  	[sflag:s16] =	ssyncadd.s32 $0xFFFFFFFF  }
0x96: {  	s17 =	sld [smem:$0x10];
	(tm) =	ssettm $0x1  }
0x97: {  	s18 =	sld [smem:$0x3FFB];
	_ =	sdelay $0x3  }
0x98: {  	_ =	strace s18  }
0x99: {  	s2 =	sld [smem:$0x3FFC];
	_ =	sdelay $0x3  }
0x9a: {  	_ =	strace s2  }
0x9b: {  	s2 =	sld [smem:$0x3FFD];
	_ =	sdelay $0x3  }
0x9c: {  	_ =	strace s2  }
0x9d: {  	_ =	strace $0x8FFFFFFF  }
0x9e: {  	s19 =	sld [smem:$0x3FDB];
	_ =	sdelay $0x1  }
0x9f: {  	s20 =	simm.s32 $_scs_section_size  }
0xa0: {  	s5 =	simm.s32 $_size__tile_overlayer_lowered;
	s6 =	simm.s32 $_tile_overlayer_lowered  }
0xa1: {  	s7 =	simm.s32 $0x1BFF;
	s21 =	sshll.u32 s6, $0x1;
	s4 =	sadd.s32 s20, s19  }
0xa2: {  	s22 =	simm.s32 $0x0;
	s5 =	sshll.u32 s5, $0x1;
	s6 =	sadd.s32 s21, s4  }
0xa3: {  	[timem:s22], [sflag:s7] =	dma.local [hbm:s6], s5  }
0xa4: {  	_ =	swait.ge [sflag:s7], s5  }
0xa5: {  	s5 =	ssub.s32 $0x0, s5;
	[sflag:s7] =	ssyncset.done $0x0  }
0xa6: {  	[sflag:s7] =	ssyncadd.s32 s5;
	_ =	sdelay $0x1  }
0xa7: {  	s23 =	simm.s32 $0x1B8B  }
0xa8: {  	_ =	swait.ge [sflag:s23], $0x1  }
0xa9: {  	[sflag:s23] =	ssyncset.done $0x0  }
0xaa: {  	[sflag:s23] =	ssyncadd.s32 $0xFFFFFFFF  }
0xab: {  	s5 =	sld [smem:$0x0]  }
0xac: {  	s6 =	sand.u32 $0xFFFFFFFE, s1  }
0xad: {  	p0 =	sne.s32 s1, s6  }
0xae: {  	s6 =	sshll.u32 @p0 s6, $0xE  }
0xaf: {  	s6 =	sadd.s32 @p0 $0x11B8D, s6;
	s7 =	sshll.u32 @p0 s5, $0x11  }
0xb0: {  	s6 =	sor.u32 @p0 s7, s6  }
0xb1: {  	[sflag:s6] =	ssyncadd.remote.s32 @p0 $0x1;
	_ =	sdelay $0x1  }
0xb2: {  	s6 =	simm.s32 @p0 $0x1B8D  }
0xb3: {  	_ =	swait.eq @p0 [sflag:s6], $0x1  }
0xb4: {  	[sflag:s6] =	ssyncadd.s32 @p0 $0xFFFFFFFF  }
0xb5: {  	s7 =	sshll.u32 @!p0 s1, $0xE  }
0xb6: {  	s7 =	sor.u32 @!p0 $0x4000, s7;
	s6 =	simm.s32 @!p0 $0x1B8D  }
0xb7: {  	s8 =	sshll.u32 @!p0 s5, $0x11;
	s7 =	sadd.s32 @!p0 $0x11B8D, s7;
	_ =	swait.eq @!p0 [sflag:s6], $0x1  }
0xb8: {  	[sflag:s6] =	ssyncadd.s32 @!p0 $0xFFFFFFFF;
	s6 =	sor.u32 @!p0 s8, s7  }
0xb9: {  	s25 =	simm.s32 $0x1B8E;
	s24 =	sld [smem:$0x3FFE];
	[sflag:s6] =	ssyncadd.remote.s32 @!p0 $0x1  }
0xba: {  	s26 =	simm.s32 $execute0_lowered;
	[smem:$0x3FD2] =	sst s25  }
0xbb: {  	s7 =	sshll.u32 s26, $0x1;
	_ =	strace $0x80000052;
	[dreg:$0x1] =	wrdreg $0xFFFFFFFF  }
0xbc: {  	s28 =	simm.s32 $_size_execute0_lowered;
	s4 =	sadd.s32 s4, s7;
	[dreg:$0x0] =	wrdreg $0x0  }
0xbd: {  	s7 =	sshll.u32 s28, $0x1;
	[dreg:$0x2] =	wrdreg s4  }
0xbe: {  	[dreg:$0x3] =	wrdreg s7  }
0xbf: {  	[dreg:$0x4] =	wrdreg $0xC0  }
0xc0: {  	_ =	task [dreg:s22], $0x5FFFF  }
0xc1: {  	[dreg:$0x1] =	wrdreg $0xFFFFFFFF  }
0xc2: {  	[dreg:$0x0] =	wrdreg $0x60  }
0xc3: {  	[dreg:$0x2] =	wrdreg s24  }
0xc4: {  	[dreg:$0x3] =	wrdreg s17  }
0xc5: {  	[dreg:$0x4] =	wrdreg s1  }
0xc6: {  	[dreg:$0x5] =	wrdreg s5  }
0xc7: {  	[dreg:$0x6] =	wrdreg $0xC  }
0xc8: {  	_ =	task.clear_ibuf [dreg:s22], $0x7FFFF;
	_ =	strace $0x90000052  }
0xc9: {  	s29 =	simm.s32 $0xC;
	_ =	strace $0x80000054  }
0xca: {  	_ =	swait.ge [sflag:s29], $0x1  }
0xcb: {  	[sflag:s29] =	ssyncadd.s32 $0xFFFFFFFF  }
0xcc: {  	_ =	strace $0x90000054  }
0xcd: {  	_ =	sfence  }
0xce: {  	s30 =	sld [smem:$0x0];
	_ =	sdelay $0x2  }
0xcf: {  	s31 =	sshll.u32 s1, $0xD;
	s1 =	sshrl.u32 s1, $0x2  }
0xd0: {  	s4 =	sand.u32 $0x4000, s31;
	s1 =	sadd.s32 s1, s30  }
0xd1: {  	s0 =	sor.u32 s4, s0;
	s1 =	sshll.u32 s1, $0x11  }
0xd2: {  	s0 =	sor.u32 s1, s0  }
0xd3: {  	s0 =	sadd.s32 $0x8F2B, s0  }
0xd4: {  	[sflag:s0] =	ssyncadd.remote.s32 $0x1  }
0xd5: {  	_ =	sfence.sel $0xFFFF  }
0xd6: {  	[dreg:$0x0] =	wrdreg $0xFFFFFFFF;
	(pc) =	sbr.abs _section_cstart, $3  }
0xd7: {  	[dreg:$0x1] =	wrdreg $0xFFFFFFFF  }
0xd8: {  	_ =	task.clear_ibuf [dreg:s22], $0x2FFFF;
	_ =	strace $0x9FFFFFFF  }
0xd9: {  	(tm) =	ssettm $0x7FFFFFFF  }
tec
execute0_lowered:
.L_overlay_start_1:
0x0: {  	(tag) =	ssettag $0x1  }
0x1: {  	s2 =	rddreg [dreg:$0x0]  }
0x2: {  	s15 =	rddreg [dreg:$0x1]  }
0x3: {  	s3 =	rddreg [dreg:$0x2];
	_ =	strace $0x80000053;
	s0 =	simm.s32 $0x1  }
0x4: {  	v0 =	vimm.s32 $0x0;
	[sflag:s0] =	ssyncpa.u1 $0x0;
	s0 =	simm.s32 $0x108  }
0x5: {  	[tilespmem:s0+$0x70] =	vst v0  }
0x6: {  	[tilespmem:s0+$0x60] =	vst v0  }
0x7: {  	[tilespmem:s0+$0x50] =	vst v0  }
0x8: {  	[tilespmem:s0+$0x40] =	vst v0  }
0x9: {  	[tilespmem:s0+$0x30] =	vst v0  }
0xa: {  	s1 =	sadd.s32 $0x39600, s2;
	s6 =	sadd.s32 $0xF7D600, s2;
	[tilespmem:s0+$0x20] =	vst v0  }
0xb: {  	s14 =	sadd.s32 $0x2F800, s2;
	s5 =	sand.u32 $0x1, s3;
	s3 =	simm.s32 $0x40;
	[tilespmem:s0+$0x10] =	vst v0  }
.LBB2_1:
0xc: {  	s3 =	sadd.s32 $0x40, s3;
	[tilespmem:s0+$0x0] =	vst v0;
	s0 =	sadd.s32 $0x80, s0  }
0xd: {  	p0 =	slt.u32 s3, $0x3C40;
	[tilespmem:s0+$0x70] =	vst v0  }
0xe: {  	[tilespmem:s0+$0x60] =	vst v0  }
.Ltmp0:
0xf: {  	[tilespmem:s0+$0x50] =	vst v0;
	(pc) =	sbr.rel @p0 .LBB2_1-.Ltmp0, $4  }
0x10: {  	[tilespmem:s0+$0x40] =	vst v0  }
0x11: {  	[tilespmem:s0+$0x30] =	vst v0  }
0x12: {  	[tilespmem:s0+$0x20] =	vst v0  }
0x13: {  	[tilespmem:s0+$0x10] =	vst v0  }
0x14: {  	s9 =	stileid.u32  }
0x15: {  	s2 =	smul.u32 $0x29, s9  }
0x16: {  	s3 =	smin.u32 s9, $0xB  }
0x17: {  	s2 =	sadd.s32 s3, s2  }
0x18: {  	p0 =	slt.u32 s9, $0xB;
	s7 =	smul.u32 $0xF0, s2;
	s2 =	simm.s32 $0x2760  }
0x19: {  	s2 =	simm.s32 @!p0 $0x2670  }
0x1a: {  	s2 =	sadd.s32 s2, s7  }
0x1b: {  	s8 =	smin.u32 s2, $0x27100  }
0x1c: {  	s2 =	ssub.s32 s8, s7  }
0x1d: {  	p0 =	sgt.s32 s2, $0x0  }
0x1e: {  	s29 =	simm.s32 $0x2;
	s10 =	simm.s32 $0x9;
	s2 =	simm.s32 @!p0 $0x0  }
0x1f: {  	s4 =	simm.s32 $0xA;
	s11 =	simm.s32 $0xB;
	s28 =	smulhi.u32 $0x88888889, s2  }
0x20: {  	[dreg:$0x5] =	wrdreg s5;
	s31 =	smul.u32 $0x4E20, s5;
	s12 =	simm.s32 $0x1  }
0x21: {  	s22 =	simm.s32 $0x0;
	s18 =	simm.s32 $0xC;
	s30 =	sshrl.u32 s28, $0x7  }
0x22: {  	s20 =	simm.s32 $0x0;
	s21 =	simm.s32 $0x0;
	s3 =	smul.u32 $0xF0, s30  }
.Ltmp1:
0x23: {  	[tilespmem:s0+$0x0] =	vst v0;
	v0 =	vimm.s32 $0xFFFFFFFF;
	[sflag:s29] =	ssyncpa.u1 $0x0;
	s16 =	sshll.u32 s9, $0x8;
	(pc) =	sbr.rel .LBB2_3-.Ltmp1, $4  }
0x24: {  	[tilespmem:$0xF208] =	vst v0;
	[sflag:s10] =	ssyncpa.u1 $0x0;
	p0 =	sne.s32 s2, s3;
	s2 =	simm.s32 $0x1  }
0x25: {  	s14 =	sadd.s32 s31, s14;
	[sflag:s4] =	ssyncpa.u1 $0x0;
	s2 =	simm.s32 @!p0 $0x0  }
0x26: {  	s15 =	sadd.s32 s31, s15;
	[sflag:s11] =	ssyncpa.u1 $0x0;
	s13 =	sadd.s32 s2, s30  }
0x27: {  	v0 =	vlaneseq.u32;
	s19 =	smov.u32 s7;
	p0 =	por $0x0, $0x0;
	s17 =	sadd.s32 $0x1, s13  }
.LBB2_18:
0x28: {  	s0 =	sshrl.u32 s31, $0x2  }
.LBB2_20:
0x29: {  	_ =	swait.ge [sflag:s18], s0  }
0x2a: {  	s31 =	ssub.s32 $0x0, s0;
	v1 =	vmov s24;
	vm0 =	veq.s32 v0, $0x0;
	[sflag:s18] =	ssyncset.done $0x0  }
0x2b: {  	vm15 =	veq.s32 v0, $0x2;
	v1 =	vsel vm0, s30, v1;
	[sflag:s18] =	ssyncadd.s32 s31  }
0x2c: {  	v1 =	vsel vm15, s22, v1;
	[sflag:s18] =	ssyncpa.u1 $0x1  }
0x2d: {  	[tilespmem:$0xF208] =	vst v1  }
.LBB2_21:
0x2e: {  	s0 =	sadd.s32 $0xF0, s19  }
0x2f: {  	s2 =	smov.u32 s7;
	p1 =	slt.s32 s0, s8  }
0x30: {  	s2 =	smov.u32 @p1 s0;
	p1 =	sne.s32 s21, s17  }
.Ltmp2:
0x31: {  	_ = 	snop;
	(pc) =	sbr.rel @!p1 .LBB2_22-.Ltmp2, $3  }
0x32: {  	_ =	sdelay $0x1  }
0x33: {  	s22 =	smov.u32 s20;
	s31 =	sadd.s32 $0x1, s21;
	s20 =	smov.u32 s19  }
0x34: {  	p0 =	por !p0, !p0;
	s21 =	smov.u32 s31;
	s19 =	smov.u32 s2  }
.LBB2_3:
0x35: {  	p1 =	sge.u32 s21, s13  }
0x36: {  	s0 =	smulhi.u32 @!p1 $0xAAAAAAAB, s21  }
0x37: {  	s2 =	smov.u32 s19;
	p2 =	sgt.s32 @!p1 s19, $0x27010  }
0x38: {  	s3 =	sshra.s32 @!p1 s19, $0x1F;
	p2 =	por !p2, p1;
	s0 =	sshrl.u32 @!p1 s0, $0x1  }
0x39: {  	s3 =	sand.u32 @!p1 s3, s19;
	s2 =	simm.s32 @p2 $0x27010;
	s0 =	smul.u32 @!p1 $0x3, s0  }
0x3a: {  	s2 =	ssub.s32 @!p1 s2, s3  }
0x3b: {  	s2 =	sadd.s32 @!p1 $0xFFFD8FF0, s2;
	s0 =	ssub.s32 @!p1 s21, s0  }
0x3c: {  	s3 =	sshll.u32 @!p1 s2, $0x2;
	p2 =	sgt.s32 @!p1 s2, $0xEF;
	s0 =	smul.u32 @!p1 $0x3C0, s0  }
0x3d: {  	s4 =	sand.u32 @!p1 $0x7, s19;
	s2 =	ssub.s32 @!p1 $0x3C0, s3;
	p2 =	por !p2, p1  }
0x3e: {  	s3 =	sshrl.u32 @!p1 s19, $0x3;
	s2 =	sshrl.u32 @!p1 s2, $0x2;
	s0 =	sshrl.u32 @!p1 s0, $0x2  }
0x3f: {  	s3 =	sadd.s32 @!p1 s3, s14;
	s2 =	simm.s32 @!p2 $0x0;
	s0 =	sadd.s32 @!p1 $0x10248, s0  }
0x40: {  	[tilespmem:s0], [sflag:$0xA] =	stream.linear.gather @!p1 [hbm4b:s3+s4], s2, $0x38;
	[tilespmem:$0x1F6F8] =	vst v63  }
0x41: {  	s0 =	sadd.s32 $0xFFFFFFFF, s21  }
0x42: {  	p1 =	sge.u32 s0, s13  }
0x43: {  	p2 =	sgt.s32 @!p1 s20, $0x27010  }
0x44: {  	s2 =	smov.u32 s20;
	s3 =	sshra.s32 @!p1 s20, $0x1F;
	p2 =	por !p2, p1  }
0x45: {  	s3 =	sand.u32 @!p1 s3, s20;
	s2 =	simm.s32 @p2 $0x27010  }
0x46: {  	s2 =	ssub.s32 @!p1 s2, s3  }
0x47: {  	s2 =	sadd.s32 @!p1 $0xFFFD8FF0, s2  }
0x48: {  	s4 =	sand.u32 @!p1 $0x1, s0;
	s3 =	sshll.u32 @!p1 s2, $0x2  }
0x49: {  	p2 =	sgt.s32 @!p1 s2, $0xEF;
	s2 =	ssub.s32 @!p1 $0x3C0, s3;
	s3 =	smulhi.u32 @!p1 $0xAAAAAAAB, s0  }
0x4a: {  	s23 =	smul.u32 @!p1 $0x3C0, s4;
	p2 =	por !p2, p1;
	s2 =	sshrl.u32 @!p1 s2, $0x2  }
0x4b: {  	s5 =	simm.s32 @!p1 $0xA;
	s2 =	simm.s32 @!p2 $0x0;
	s3 =	sshrl.u32 @!p1 s3, $0x1  }
0x4c: {  	s23 =	sshrl.u32 @!p1 s23, $0x2;
	_ =	swait.ge @!p1 [sflag:s5], s2;
	s3 =	smul.u32 @!p1 $0x3, s3  }
0x4d: {  	s23 =	sadd.s32 @!p1 $0x10518, s23;
	s24 =	ssub.s32 @!p1 $0x0, s2;
	[sflag:s5] =	ssyncset.done @!p1 $0x0  }
0x4e: {  	[sflag:s5] =	ssyncadd.s32 @!p1 s24;
	s5 =	sshrl.u32 @!p1 s20, $0x3;
	s0 =	ssub.s32 @!p1 s0, s3  }
0x4f: {  	s24 =	sand.u32 @!p1 $0x7, s20;
	s5 =	sadd.s32 @!p1 s5, s15;
	s0 =	smul.u32 @!p1 $0x3C0, s0  }
0x50: {  	[tilespmem:s23], [sflag:$0xB] =	stream.linear.gather @!p1 [hbm4b:s5+s24], s2, $0x38;
	[tilespmem:$0x1F6F8] =	vst v63  }
0x51: {  	s3 =	ssub.s32 @!p1 $0x27100, s20;
	s2 =	smul.u32 @!p1 $0x1E000, s4  }
0x52: {  	p2 =	slt.s32 @!p1 s3, $0xF0  }
0x53: {  	p2 =	por !p2, p1;
	s0 =	sshrl.u32 @!p1 s0, $0x2;
	s2 =	sshrl.u32 @!p1 s2, $0x2  }
0x54: {  	s3 =	simm.s32 @p2 $0xF0;
	s0 =	sadd.s32 @!p1 $0x10248, s0;
	s2 =	sor.u32 @!p1 $0x106F8, s2  }
0x55: {  	[tilespmem:s2], [sflag:$0x9] =	stream.indirect.gather @!p1 [hbm4b:s6+s3], $0x80, s0, s3, $0xb8;
	[tilespmem:$0x1F6F8] =	vst v63  }
0x56: {  	p1 =	slt.u32 s21, $0x2  }
.Ltmp3:
0x57: {  	_ = 	snop;
	(pc) =	sbr.rel @p1 .LBB2_21-.Ltmp3, $1  }
0x58: {  	_ =	sdelay $0x3  }
0x59: {  	p1 =	sgt.s32 s22, $0x27010  }
0x5a: {  	s0 =	smov.u32 s22;
	s2 =	sshra.s32 s22, $0x1F;
	s3 =	ssub.s32 $0x27100, s22  }
0x5b: {  	s0 =	simm.s32 @!p1 $0x27010;
	s2 =	sand.u32 s2, s22;
	p1 =	slt.s32 s3, $0xF0  }
0x5c: {  	s0 =	ssub.s32 s0, s2;
	s3 =	simm.s32 @!p1 $0xF0  }
0x5d: {  	s0 =	sadd.s32 $0xFFFD8FF0, s0;
	s25 =	sshll.u32 s3, $0x7  }
0x5e: {  	s26 =	sshll.u32 s0, $0x2;
	s2 =	sand.u32 $0x3FFFFF80, s25  }
0x5f: {  	p1 =	sgt.s32 s0, $0xEF;
	s29 =	ssub.s32 $0x3C0, s26;
	_ =	swait.ge [sflag:s10], s2  }
0x60: {  	s2 =	ssub.s32 $0x0, s2;
	[sflag:s10] =	ssyncset.done $0x0;
	s0 =	sshrl.u32 s29, $0x2  }
0x61: {  	[sflag:s10] =	ssyncadd.s32 s2;
	s0 =	simm.s32 @p1 $0x0  }
0x62: {  	_ =	swait.ge [sflag:s11], s0  }
0x63: {  	s0 =	ssub.s32 $0x0, s0;
	[sflag:s11] =	ssyncset.done $0x0  }
0x64: {  	[sflag:s11] =	ssyncadd.s32 s0  }
0x65: {  	v1 =	vld [tilespmem:$0xF208];
	_ =	sdelay $0x4  }
0x66: {  	(v2sf) =	vpush v1, $0x0  }
0x67: {  	(v2sf) =	vpush v1, $0x1  }
0x68: {  	(v2sf) =	vpush v1, $0x2;
	_ =	sdelay $0x3  }
0x69: {  	s0 =	sadd.s32 $0xF0, s22  }
0x6a: {  	s2 =	ssub.s32 $0x4E200, s22;
	p1 =	slt.s32 s8, s0  }
0x6b: {  	s0 =	smov.u32 @p1 s8;
	p1 =	sgt.s32 s2, $0x0  }
0x6c: {  	s26 =	ssub.s32 s0, s22;
	s2 =	simm.s32 @!p1 $0x0  }
0x6d: {  	p1 =	slt.s32 s2, s26  }
0x6e: {  	s26 =	smov.u32 @p1 s2  }
0x6f: {  	s25 =	simm.s32 $0x1;
	p1 =	slt.s32 s26, $0x1  }
.Ltmp4:
0x70: {  	s25 =	simm.s32 @!p0 $0x0;
	(pc) =	sbr.rel @p1 .LBB2_8-.Ltmp4, $4  }
0x71: {  	s31 =	smul.u32 $0x3C0, s25  }
0x72: {  	s28 =	spop (v2sf)  }
0x73: {  	s0 =	sshrl.u32 s31, $0x2;
	s30 =	spop (v2sf)  }
0x74: {  	s23 =	sadd.s32 $0x10518, s0;
	s22 =	spop (v2sf)  }
0x75: {  	s0 =	smin.u32 s26, $0x10  }
0x76: {  	v1 =	vmov s0  }
0x77: {  	p2 =	sgt.s32 s26, $0x10;
	vm1 =	vgt.u32 v1, v0  }
.Ltmp5:
0x78: {  	_ = 	snop;
	(pc) =	sbr.rel @!p2 .LBB2_7-.Ltmp5, $2  }
0x79: {  	_ =	sdelay $0x2  }
0x7a: {  	s4 =	simm.s32 $0x10;
	s24 =	sadd.s32 $0xFFFFFFF0, s26;
	s0 =	smov.u32 s23;
	vm0 =	vmmov vm1  }
.LBB2_6:
0x7b: {  	s2 =	smin.u32 s24, $0x10;
	s4 =	sadd.s32 $0x10, s4;
	v1 =	vld.msk [tilespmem:s0+$0x0 ss:$0x1], vm1  }
0x7c: {  	v2 =	vmov s2;
	p2 =	slt.s32 s4, s26  }
0x7d: {  	vm1 =	vgt.u32 v2, v0  }
.Ltmp6:
0x7e: {  	(pc) =	sbr.rel @p2 .LBB2_6-.Ltmp6, $3  }
0x7f: {  	_ =	sdelay $0x1  }
0x80: {  	v1 =	vshll.u32 v1, $0x4  }
0x81: {  	s24 =	sadd.s32 $0xFFFFFFF0, s24;
	[tilespmem:s0+$0x0] =	vst.msk vm0, v1;
	s0 =	sadd.s32 $0x10, s0;
	vm0 =	vmmov vm1  }
.LBB2_7:
0x82: {  	_ =	sdelay $0x4  }
0x83: {  	v1 =	vld.msk [tilespmem:s0+$0x0 ss:$0x1], vm1;
	_ =	sdelay $0x4  }
0x84: {  	v1 =	vshll.u32 v1, $0x4  }
0x85: {  	[tilespmem:s0+$0x0] =	vst.msk vm0, v1  }
.LBB2_8:
0x86: {  	s0 =	sand.u32 $0x1, s21  }
0x87: {  	s0 =	smul.u32 $0xF0, s0  }
0x88: {  	p2 =	sne.s32 s30, $0xFFFFFFFF  }
0x89: {  	v1 =	vld.msk @!p2 [tilespmem:s0+$0x10518], $0x1;
	_ =	sdelay $0x4  }
0x8a: {  	(v2sf) =	vpush @!p2 v1, $0x0;
	_ =	sdelay $0xc  }
.Ltmp7:
0x8b: {  	_ = 	snop;
	(pc) =	sbr.rel @p1 .LBB2_19-.Ltmp7, $4  }
0x8c: {  	_ = 	snop  }
0x8d: {  	s29 =	spop @!p2 (v2sf)  }
0x8e: {  	s22 =	simm.s32 @!p2 $0x0;
	s24 =	smov.u32 s29  }
0x8f: {  	[sflag:s18] =	ssyncpa.u1 $0x0;
	s29 =	smov.u32 @p2 s28;
	s24 =	smov.u32 @p2 s30  }
0x90: {  	v1 =	vld.msk [tilespmem:s23+$0x0], $0x1;
	_ =	sdelay $0x4  }
0x91: {  	(v2sf) =	vpush v1, $0x0;
	_ =	sdelay $0xe  }
0x92: {  	s2 =	smul.u32 $0x1E000, s25;
	s0 =	spop (v2sf)  }
0x93: {  	s26 =	ssub.s32 $0x0, s26;
	p1 =	seq.s32 s29, s0  }
0x94: {  	s30 =	sadd.s32 $0x1, s26;
	s2 =	sshrl.u32 s2, $0x2;
	p2 =	sgt.s32 @!p1 s29, $0x0  }
0x95: {  	s25 =	sor.u32 $0x10738, s2;
	s2 =	smov.u32 s29;
	p2 =	por !p2, p1  }
0x96: {  	s2 =	simm.s32 @p2 $0x0;
	p2 =	seq.s32 s30, $0x0  }
.Ltmp8:
0x97: {  	_ = 	snop;
	(pc) =	sbr.rel @p2 .LBB2_11-.Ltmp8, $4  }
0x98: {  	_ = 	snop  }
0x99: {  	s28 =	simm.s32 $0x0;
	s31 =	sadd.s32 $0x1, s23;
	s2 =	smin.u32 @!p1 s2, $0x1F470  }
0x9a: {  	s4 =	simm.s32 @!p1 $0x1;
	s5 =	simm.s32 @!p1 $0x7988;
	s3 =	sand.u32 @!p1 $0x1FFF8, s2  }
0x9b: {  	s4 =	smov.u32 @p1 s28;
	s2 =	sand.u32 @!p1 $0x7, s2;
	s3 =	sadd.s32 @!p1 s1, s3  }
.LBB2_10:
0x9c: {  	s9 =	smov.u32 s4  }
0x9d: {  	[tilespmem:s5], [sflag:$0x2] =	stream.linear.gather @!p1 [hbm4b:s3+s2], $0x80, $0x38;
	[tilespmem:$0x1F6F8] =	vst v63  }
0x9e: {  	s30 =	sadd.s32 $0x1, s30;
	s2 =	smov.u32 s0;
	v1 =	vld.msk [tilespmem:s31+$0x0], $0x1  }
0x9f: {  	p2 =	seq.s32 s30, $0x0;
	_ =	sdelay $0x3  }
0xa0: {  	(v2sf) =	vpush v1, $0x0;
	_ =	sdelay $0xe  }
0xa1: {  	s0 =	spop (v2sf)  }
0xa2: {  	p1 =	seq.s32 s2, s0  }
0xa3: {  	p3 =	sgt.s32 @!p1 s2, $0x0;
	s3 =	sshll.u32 @!p1 s4, $0x9;
	s4 =	sadd.s32 @!p1 $0x1, s4  }
.Ltmp9:
0xa4: {  	p3 =	por !p3, p1;
	s3 =	sshra.s32 @!p1 s3, $0x2;
	(pc) =	sbr.rel @!p2 .LBB2_10-.Ltmp9, $4  }
0xa5: {  	s4 =	smov.u32 @p1 s9;
	s2 =	simm.s32 @p3 $0x0;
	s5 =	sadd.s32 @!p1 $0x7988, s3  }
0xa6: {  	s2 =	smin.u32 @!p1 s2, $0x1F470  }
0xa7: {  	s3 =	sand.u32 @!p1 $0x1FFF8, s2;
	s2 =	sand.u32 @!p1 $0x7, s2  }
0xa8: {  	s31 =	sadd.s32 $0x1, s31;
	s3 =	sadd.s32 @!p1 s1, s3  }
.LBB2_11:
0xa9: {  	[tilespmem:s5], [sflag:$0x2] =	stream.linear.gather @!p1 [hbm4b:s3+s2], $0x80, $0x38;
	[tilespmem:$0x1F6F8] =	vst v63  }
.Ltmp10:
0xaa: {  	s0 =	sshll.u32 s4, $0x7;
	(pc) =	sbr.rel .LBB2_12-.Ltmp10, $4  }
0xab: {  	s30 =	simm.s32 $0x2;
	s0 =	sand.u32 $0x3FFFFF80, s0  }
0xac: {  	_ =	swait.ge [sflag:s30], s0  }
0xad: {  	s0 =	ssub.s32 $0x0, s0;
	[sflag:s30] =	ssyncset.done $0x0  }
0xae: {  	s31 =	simm.s32 $0x0;
	[sflag:s30] =	ssyncadd.s32 s0  }
.LBB2_13:
0xaf: {  	v1 =	vld [tilespmem:s25+$0xFFFFFFC0];
	_ =	sdelay $0x3  }
0xb0: {  	s0 =	sshra.s32 s0, $0x2  }
0xb1: {  	[tilespmem:s0+$0x108] =	vst.add.f32.msk $0xffff, v1  }
0xb2: {  	v1 =	vld [tilespmem:s25+$0xFFFFFFD0];
	_ =	sdelay $0x4  }
0xb3: {  	[tilespmem:s0+$0x118] =	vst.add.f32.msk $0xffff, v1  }
0xb4: {  	v1 =	vld [tilespmem:s25+$0xFFFFFFE0];
	_ =	sdelay $0x4  }
0xb5: {  	[tilespmem:s0+$0x128] =	vst.add.f32.msk $0xffff, v1  }
0xb6: {  	v1 =	vld [tilespmem:s25+$0xFFFFFFF0];
	_ =	sdelay $0x4  }
0xb7: {  	[tilespmem:s0+$0x138] =	vst.add.f32.msk $0xffff, v1  }
0xb8: {  	v1 =	vld [tilespmem:s25+$0x0];
	_ =	sdelay $0x4  }
0xb9: {  	[tilespmem:s0+$0x148] =	vst.add.f32.msk $0xffff, v1  }
0xba: {  	v1 =	vld [tilespmem:s25+$0x10];
	_ =	sdelay $0x4  }
0xbb: {  	[tilespmem:s0+$0x158] =	vst.add.f32.msk $0xffff, v1  }
0xbc: {  	v1 =	vld [tilespmem:s25+$0x20];
	_ =	sdelay $0x4  }
0xbd: {  	[tilespmem:s0+$0x168] =	vst.add.f32.msk $0xffff, v1  }
0xbe: {  	v1 =	vld [tilespmem:s25+$0x30];
	_ =	sdelay $0x4  }
0xbf: {  	[tilespmem:s0+$0x178] =	vst.add.f32.msk $0xffff, v1  }
.LBB2_17:
0xc0: {  	s26 =	sadd.s32 $0x1, s26  }
0xc1: {  	p1 =	seq.s32 s26, $0x0  }
.Ltmp11:
0xc2: {  	_ = 	snop;
	(pc) =	sbr.rel @p1 .LBB2_18-.Ltmp11, $2  }
0xc3: {  	_ =	sdelay $0x2  }
0xc4: {  	s23 =	sadd.s32 $0x1, s23;
	s25 =	sadd.s32 $0x80, s25;
	s29 =	smov.u32 s30  }
.LBB2_12:
0xc5: {  	v1 =	vld.msk [tilespmem:s23+$0x0], $0x1;
	_ =	sdelay $0x4  }
0xc6: {  	(v2sf) =	vpush v1, $0x0;
	_ =	sdelay $0xe  }
0xc7: {  	s30 =	spop (v2sf)  }
0xc8: {  	p1 =	sne.s32 s29, s30  }
.Ltmp12:
0xc9: {  	_ = 	snop;
	(pc) =	sbr.rel @!p1 .LBB2_13-.Ltmp12, $2  }
0xca: {  	_ =	sdelay $0x2  }
0xcb: {  	s0 =	sshll.u32 s22, $0x9  }
0xcc: {  	p1 =	seq.s32 s29, s24  }
.Ltmp13:
0xcd: {  	_ = 	snop;
	(pc) =	sbr.rel @!p1 .LBB2_15-.Ltmp13, $1  }
0xce: {  	_ =	sdelay $0x3  }
0xcf: {  	s0 =	sshra.s32 s0, $0x2  }
.Ltmp14:
0xd0: {  	s0 =	sadd.s32 $0x108, s0;
	(pc) =	sbr.rel .LBB2_16-.Ltmp14, $4  }
0xd1: {  	[spmem:s16] =	stream.linear.scatter [tilespmem:s0], [sflag:$0x1], $0x80, $0x38;
	[tilespmem:$0x1F6F8] =	vst v63  }
0xd2: {  	_ =	swait.ge [sflag:s12], $0x80  }
0xd3: {  	[sflag:s12] =	ssyncset.done $0x0  }
0xd4: {  	[sflag:s12] =	ssyncadd.s32 $0xFFFFFF80  }
.LBB2_15:
0xd5: {  	s2 =	sshll.u32 s28, $0x9  }
0xd6: {  	s2 =	sshra.s32 s2, $0x2  }
0xd7: {  	v1 =	vld [tilespmem:s2+$0x7988];
	_ =	sdelay $0x3  }
0xd8: {  	s0 =	sshra.s32 s0, $0x2  }
0xd9: {  	[tilespmem:s0+$0x108] =	vst.add.f32.msk $0xffff, v1  }
0xda: {  	v1 =	vld [tilespmem:s2+$0x7998];
	_ =	sdelay $0x4  }
0xdb: {  	[tilespmem:s0+$0x118] =	vst.add.f32.msk $0xffff, v1  }
0xdc: {  	v1 =	vld [tilespmem:s2+$0x79A8];
	_ =	sdelay $0x4  }
0xdd: {  	[tilespmem:s0+$0x128] =	vst.add.f32.msk $0xffff, v1  }
0xde: {  	v1 =	vld [tilespmem:s2+$0x79B8];
	_ =	sdelay $0x4  }
0xdf: {  	[tilespmem:s0+$0x138] =	vst.add.f32.msk $0xffff, v1  }
0xe0: {  	v1 =	vld [tilespmem:s2+$0x79C8];
	_ =	sdelay $0x4  }
0xe1: {  	[tilespmem:s0+$0x148] =	vst.add.f32.msk $0xffff, v1  }
0xe2: {  	v1 =	vld [tilespmem:s2+$0x79D8];
	_ =	sdelay $0x4  }
0xe3: {  	[tilespmem:s0+$0x158] =	vst.add.f32.msk $0xffff, v1  }
0xe4: {  	v1 =	vld [tilespmem:s2+$0x79E8];
	_ =	sdelay $0x4  }
0xe5: {  	[tilespmem:s0+$0x168] =	vst.add.f32.msk $0xffff, v1  }
0xe6: {  	v1 =	vld [tilespmem:s2+$0x79F8];
	_ =	sdelay $0x2  }
0xe7: {  	p1 =	sgt.u32 s29, $0x1F470  }
0xe8: {  	s2 =	sand.u32 @!p1 $0x1FFF8, s29  }
0xe9: {  	s3 =	sadd.s32 $0x108, s0;
	[tilespmem:s0+$0x178] =	vst.add.f32.msk $0xffff, v1;
	s0 =	sadd.s32 @!p1 s1, s2;
	s2 =	sand.u32 @!p1 $0x7, s29  }
0xea: {  	[hbm4b:s0+s2] =	stream.linear.scatter @!p1 [tilespmem:s3], [sflag:$0xC], $0x80, $0x38;
	[tilespmem:$0x1F6F8] =	vst v63  }
0xeb: {  	s0 =	simm.s32 $0x0  }
0xec: {  	s0 =	simm.s32 @!p1 $0x200  }
0xed: {  	s31 =	sadd.s32 s0, s31  }
.LBB2_16:
0xee: {  	s0 =	sadd.s32 $0x1, s22  }
0xef: {  	s2 =	smulhi.u32 $0x88888889, s0;
	_ =	sdelay $0x1  }
0xf0: {  	v1 =	vld [tilespmem:s25+$0xFFFFFFC0];
	s2 =	sshrl.u32 s2, $0x7  }
0xf1: {  	s2 =	smul.u32 $0xF0, s2;
	_ =	sdelay $0x1  }
0xf2: {  	s22 =	ssub.s32 s0, s2  }
0xf3: {  	s0 =	sshll.u32 s22, $0x7  }
0xf4: {  	[tilespmem:s0+$0x108] =	vst v1  }
0xf5: {  	v1 =	vld [tilespmem:s25+$0xFFFFFFD0];
	_ =	sdelay $0x4  }
0xf6: {  	[tilespmem:s0+$0x118] =	vst v1  }
0xf7: {  	v1 =	vld [tilespmem:s25+$0xFFFFFFE0];
	_ =	sdelay $0x4  }
0xf8: {  	[tilespmem:s0+$0x128] =	vst v1  }
0xf9: {  	v1 =	vld [tilespmem:s25+$0xFFFFFFF0];
	_ =	sdelay $0x4  }
0xfa: {  	[tilespmem:s0+$0x138] =	vst v1  }
0xfb: {  	v1 =	vld [tilespmem:s25+$0x0];
	_ =	sdelay $0x4  }
0xfc: {  	[tilespmem:s0+$0x148] =	vst v1  }
0xfd: {  	v1 =	vld [tilespmem:s25+$0x10];
	_ =	sdelay $0x4  }
0xfe: {  	[tilespmem:s0+$0x158] =	vst v1  }
0xff: {  	v1 =	vld [tilespmem:s25+$0x20];
	_ =	sdelay $0x4  }
0x100: {  	[tilespmem:s0+$0x168] =	vst v1  }
0x101: {  	v1 =	vld [tilespmem:s25+$0x30]  }
.Ltmp15:
0x102: {  	_ = 	snop;
	(pc) =	sbr.rel .LBB2_17-.Ltmp15, $2  }
0x103: {  	_ =	sdelay $0x2  }
0x104: {  	s28 =	sadd.s32 $0x1, s28;
	[tilespmem:s0+$0x178] =	vst v1  }
.LBB2_19:
.Ltmp16:
0x105: {  	(pc) =	sbr.rel .LBB2_20-.Ltmp16, $4  }
0x106: {  	_ = 	snop  }
0x107: {  	s0 =	simm.s32 $0x2  }
0x108: {  	_ =	swait.ge [sflag:s0], $0x0  }
0x109: {  	s30 =	smov.u32 s29;
	[sflag:s0] =	ssyncset.done $0x0;
	s0 =	simm.s32 $0x0  }
.LBB2_22:
0x10a: {  	_ =	sfence.sel $0x180000  }
0x10b: {  	s0 =	simm.s32 $0x9;
	[bflag:$0x0] =	sbarrier.arrive $0xFFFF  }
0x10c: {  	s24 =	simm.s32 $0xA;
	[sflag:s0] =	ssyncpa.u1 $0x1  }
0x10d: {  	s25 =	simm.s32 $0xB;
	[sflag:s24] =	ssyncpa.u1 $0x1  }
0x10e: {  	s26 =	simm.s32 $0x2;
	[sflag:s25] =	ssyncpa.u1 $0x1  }
0x10f: {  	[sflag:s26] =	ssyncpa.u1 $0x1  }
0x110: {  	v0 =	vld [tilespmem:$0xF208];
	_ =	sdelay $0x4  }
0x111: {  	(v2sf) =	vpush v0, $0x0  }
0x112: {  	(v2sf) =	vpush v0, $0x1;
	_ =	sdelay $0x1  }
0x113: {  	(v2sf) =	vpush v0, $0x2;
	_ =	sdelay $0xb  }
0x114: {  	s0 =	spop (v2sf)  }
0x115: {  	s2 =	spop (v2sf)  }
0x116: {  	s3 =	smov.u32 s0;
	p0 =	sne.s32 s0, s2  }
0x117: {  	s4 =	spop (v2sf);
	s3 =	simm.s32 @!p0 $0xFFFFFFFF  }
0x118: {  	v2 =	vimm.s32 $0x1;
	v3 =	vlaneseq.u32;
	p0 =	seq.s32 s4, $0xFFFFFFFF;
	v1 =	vmov s3  }
0x119: {  	s16 =	stileid.u32;
	v0 =	vperm.xlane v0, v2;
	p1 =	sne.s32 @!p0 s0, s2;
	v1 =	vperm.xlane v1, v3  }
0x11a: {  	vm0 =	vcmask $0x3F04;
	s6 =	simm.s32 $0xF208;
	s0 =	simm.s32 @!p0 $0x1;
	p1 =	por !p1, p0  }
0x11b: {  	s3 =	sshll.u32 s16, $0x1;
	s2 =	sshll.u32 @!p0 s4, $0x9;
	s0 =	simm.s32 @p1 $0x0;
	v0 =	vsel vm0, v1, v0  }
0x11c: {  	s5 =	sor.u32 $0x1000, s3;
	s2 =	sshra.s32 @!p0 s2, $0x2;
	s0 =	sor.u32 @!p0 s0, s3;
	[tilespmem:$0xF208] =	vst v0  }
0x11d: {  	[spmem:s5] =	stream.linear.scatter [tilespmem:s6], [sflag:$0x1], $0x2, $0x38;
	[tilespmem:$0x1F6F8] =	vst v63  }
0x11e: {  	s2 =	sadd.s32 @!p0 $0x108, s2;
	s0 =	sshll.u32 @!p0 s0, $0x7  }
0x11f: {  	[spmem:s0] =	stream.linear.scatter @!p0 [tilespmem:s2], [sflag:$0x1], $0x80, $0x38;
	[tilespmem:$0x1F6F8] =	vst v63  }
0x120: {  	s0 =	simm.s32 @!p0 $0x82  }
0x121: {  	s28 =	simm.s32 $0x1;
	s0 =	simm.s32 @p0 $0x2  }
0x122: {  	_ =	swait.ge [sflag:s28], s0  }
0x123: {  	s0 =	ssub.s32 $0x0, s0;
	[sflag:s28] =	ssyncset.done $0x0  }
0x124: {  	p0 =	sne.s32 s16, $0x0;
	[sflag:s28] =	ssyncadd.s32 s0  }
.Ltmp17:
0x125: {  	_ =	sfence.stream.spmem;
	(pc) =	sbr.rel @p0 .LBB2_39-.Ltmp17, $4  }
0x126: {  	s29 =	simm.s32 $0x3;
	[bflag:$0x0] =	sbarrier.arrive $0xFFFF  }
0x127: {  	s30 =	simm.s32 $0x4;
	[sflag:s29] =	ssyncpa.u1 $0x1  }
0x128: {  	s31 =	simm.s32 $0x3C;
	[sflag:s30] =	ssyncpa.u1 $0x1  }
0x129: {  	s15 =	rddreg [dreg:$0x5];
	[sflag:s31] =	ssyncpa.u1 $0x1  }
0x12a: {  	_ =	sfence.stream.spmem;
	s0 =	simm.s32 $0x5  }
0x12b: {  	s2 =	simm.s32 $0x1000;
	s3 =	simm.s32 $0xF218;
	[sflag:s0] =	ssyncpa.u1 $0x0  }
0x12c: {  	[tilespmem:s3], [sflag:$0x5] =	stream.linear.gather [spmem:s2], $0x20, $0x38;
	[tilespmem:$0x1F6F8] =	vst v63  }
0x12d: {  	s26 =	simm.s32 $0x0;
	s28 =	simm.s32 $0xF238  }
0x12e: {  	[tilespmem:s28], [sflag:$0x5] =	stream.linear.gather [spmem:s26], $0x1000, $0x38;
	[tilespmem:$0x1F6F8] =	vst v63  }
0x12f: {  	_ =	swait.ge [sflag:s0], $0x1020  }
0x130: {  	[sflag:s0] =	ssyncset.done $0x0  }
0x131: {  	s29 =	simm.s32 $0x0;
	[sflag:s0] =	ssyncadd.s32 $0xFFFFEFE0  }
0x132: {  	v0 =	vld.msk [tilespmem:s29+$0xF218], $0x1;
	_ =	sdelay $0x1  }
0x133: {  	s30 =	simm.s32 $0x1  }
0x134: {  	v1 =	vld.msk [tilespmem:s30+$0xF218], $0x1;
	_ =	sdelay $0x1  }
0x135: {  	(v2sf) =	vpush v0, $0x0;
	_ =	sdelay $0x2  }
0x136: {  	(v2sf) =	vpush v1, $0x0;
	_ =	sdelay $0x2  }
0x137: {  	s31 =	simm.s32 $0x2  }
0x138: {  	v0 =	vld.msk [tilespmem:s31+$0xF218], $0x1;
	_ =	sdelay $0x2  }
0x139: {  	s4 =	simm.s32 $0xFFFFFFFF;
	s5 =	simm.s32 $0xFFFFFFFF;
	s0 =	simm.s32 $0xC  }
.LBB2_24:
0x13a: {  	s2 =	smov.u32 s5;
	s3 =	smov.u32 s4  }
0x13b: {  	s4 =	sshra.s32 s0, $0x2;
	p1 =	sne.s32 s0, $0x7C;
	s0 =	sadd.s32 $0x4, s0;
	(v2sf) =	vpush v0, $0x0  }
0x13c: {  	v0 =	vld.msk [tilespmem:s4+$0xF218], $0x1  }
.Ltmp18:
0x13d: {  	(pc) =	sbr.rel @p1 .LBB2_24-.Ltmp18, $4  }
0x13e: {  	s5 =	spop (v2sf)  }
0x13f: {  	p2 =	sne.s32 s3, $0xFFFFFFFF;
	s4 =	smov.u32 s5  }
0x140: {  	p3 =	seq.s32 s5, $0xFFFFFFFF;
	s4 =	smov.u32 @p2 s3  }
0x141: {  	s5 =	smov.u32 @p3 s2;
	s4 =	smov.u32 @p3 s3  }
0x142: {  	(v2sf) =	vpush v0, $0x0;
	_ =	sdelay $0x8  }
0x143: {  	s0 =	spop (v2sf)  }
0x144: {  	p1 =	sne.s32 s4, $0xFFFFFFFF;
	s2 =	smov.u32 s0  }
0x145: {  	s9 =	simm.s32 $0x6;
	p2 =	seq.s32 s0, $0xFFFFFFFF;
	s2 =	smov.u32 @p1 s4  }
0x146: {  	s6 =	simm.s32 $0x0;
	s2 =	smov.u32 @p2 s4;
	s3 =	spop (v2sf)  }
0x147: {  	s0 =	smov.u32 @p2 s5;
	p1 =	sne.s32 s2, $0xFFFFFFFF;
	s4 =	smov.u32 s3  }
.Ltmp19:
0x148: {  	p2 =	seq.s32 s3, $0xFFFFFFFF;
	s4 =	smov.u32 @p1 s2;
	(pc) =	sbr.rel .LBB2_26-.Ltmp19, $4  }
0x149: {  	s10 =	simm.s32 $0xF188;
	s4 =	smov.u32 @p2 s2;
	s7 =	spop (v2sf)  }
0x14a: {  	s11 =	simm.s32 $0x0;
	p1 =	sne.s32 s4, $0xFFFFFFFF;
	s8 =	smov.u32 s7  }
0x14b: {  	s3 =	smov.u32 @p2 s0;
	p2 =	seq.s32 s7, $0xFFFFFFFF;
	s8 =	smov.u32 @p1 s4  }
0x14c: {  	[sflag:s9] =	ssyncpa.u1 $0x0;
	s7 =	smov.u32 @p2 s3;
	s8 =	smov.u32 @p2 s4  }
.LBB2_32:
0x14d: {  	p1 =	sgt.u32 s12, $0x1F470  }
0x14e: {  	p2 =	seq.s32 @!p1 s12, s8  }
0x14f: {  	p1 =	por p1, p2  }
0x150: {  	p2 =	sne.s32 @!p1 s12, s7  }
0x151: {  	p1 =	por p1, !p2  }
0x152: {  	s0 =	sshll.u32 @p1 s11, $0x9  }
0x153: {  	s0 =	sand.u32 @!p1 $0x1FFF8, s12  }
0x154: {  	s2 =	sand.u32 @!p1 $0x7, s12;
	s0 =	sadd.s32 @!p1 s1, s0  }
0x155: {  	[tilespmem:s10], [sflag:$0x6] =	stream.linear.gather @!p1 [hbm4b:s0+s2], $0x80, $0x38;
	[tilespmem:$0x1F6F8] =	vst v63  }
0x156: {  	_ =	swait.ge @!p1 [sflag:s9], $0x80  }
0x157: {  	[sflag:s9] =	ssyncset.done @!p1 $0x0  }
0x158: {  	[sflag:s9] =	ssyncadd.s32 @!p1 $0xFFFFFF80  }
0x159: {  	v1 =	vld @!p1 [tilespmem:$0xF188];
	_ =	sdelay $0x2  }
0x15a: {  	s0 =	sshll.u32 @!p1 s11, $0x9  }
0x15b: {  	s2 =	sshrl.u32 @!p1 s0, $0x2  }
0x15c: {  	[tilespmem:s2+$0xF238] =	vst.add.f32.msk @!p1 $0xffff, v1  }
0x15d: {  	v1 =	vld @!p1 [tilespmem:$0xF198];
	_ =	sdelay $0x4  }
0x15e: {  	[tilespmem:s2+$0xF248] =	vst.add.f32.msk @!p1 $0xffff, v1  }
0x15f: {  	v1 =	vld @!p1 [tilespmem:$0xF1A8];
	_ =	sdelay $0x4  }
0x160: {  	[tilespmem:s2+$0xF258] =	vst.add.f32.msk @!p1 $0xffff, v1  }
0x161: {  	v1 =	vld @!p1 [tilespmem:$0xF1B8];
	_ =	sdelay $0x4  }
0x162: {  	[tilespmem:s2+$0xF268] =	vst.add.f32.msk @!p1 $0xffff, v1  }
0x163: {  	v1 =	vld @!p1 [tilespmem:$0xF1C8];
	_ =	sdelay $0x4  }
0x164: {  	[tilespmem:s2+$0xF278] =	vst.add.f32.msk @!p1 $0xffff, v1  }
0x165: {  	v1 =	vld @!p1 [tilespmem:$0xF1D8];
	_ =	sdelay $0x4  }
0x166: {  	[tilespmem:s2+$0xF288] =	vst.add.f32.msk @!p1 $0xffff, v1  }
0x167: {  	v1 =	vld @!p1 [tilespmem:$0xF1E8];
	_ =	sdelay $0x4  }
0x168: {  	[tilespmem:s2+$0xF298] =	vst.add.f32.msk @!p1 $0xffff, v1  }
0x169: {  	v1 =	vld @!p1 [tilespmem:$0xF1F8];
	_ =	sdelay $0x4  }
0x16a: {  	[tilespmem:s2+$0xF2A8] =	vst.add.f32.msk @!p1 $0xffff, v1  }
0x16b: {  	s0 =	sshrl.u32 s0, $0x2;
	[tilespmem:s6+$0xF218] =	vst.msk $0x1, v0  }
0x16c: {  	v0 =	vld [tilespmem:s0+$0xF238];
	_ =	sdelay $0x2  }
0x16d: {  	s31 =	sshll.u32 s6, $0x9  }
0x16e: {  	s2 =	sshra.s32 s31, $0x2  }
0x16f: {  	[tilespmem:s2+$0xF238] =	vst v0  }
0x170: {  	v0 =	vld [tilespmem:s0+$0xF248];
	_ =	sdelay $0x4  }
0x171: {  	[tilespmem:s2+$0xF248] =	vst v0  }
0x172: {  	v0 =	vld [tilespmem:s0+$0xF258];
	_ =	sdelay $0x4  }
0x173: {  	[tilespmem:s2+$0xF258] =	vst v0  }
0x174: {  	v0 =	vld [tilespmem:s0+$0xF268];
	_ =	sdelay $0x4  }
0x175: {  	[tilespmem:s2+$0xF268] =	vst v0  }
0x176: {  	v0 =	vld [tilespmem:s0+$0xF278];
	_ =	sdelay $0x4  }
0x177: {  	[tilespmem:s2+$0xF278] =	vst v0  }
0x178: {  	v0 =	vld [tilespmem:s0+$0xF288];
	_ =	sdelay $0x4  }
0x179: {  	[tilespmem:s2+$0xF288] =	vst v0  }
0x17a: {  	v0 =	vld [tilespmem:s0+$0xF298];
	_ =	sdelay $0x4  }
0x17b: {  	[tilespmem:s2+$0xF298] =	vst v0  }
0x17c: {  	v0 =	vld [tilespmem:s0+$0xF2A8];
	_ =	sdelay $0x4  }
0x17d: {  	s6 =	sadd.s32 $0x1, s6;
	[tilespmem:s2+$0xF2A8] =	vst v0  }
.LBB2_33:
0x17e: {  	s11 =	sadd.s32 $0x1, s11  }
0x17f: {  	p1 =	sne.s32 s11, $0x20  }
.Ltmp20:
0x180: {  	_ = 	snop;
	(pc) =	sbr.rel @!p1 .LBB2_34-.Ltmp20, $1  }
0x181: {  	_ =	sdelay $0x3  }
.LBB2_26:
0x182: {  	v0 =	vld.msk [tilespmem:s11+$0xF218], $0x1;
	_ =	sdelay $0x4  }
0x183: {  	(v2sf) =	vpush v0, $0x0;
	_ =	sdelay $0xe  }
0x184: {  	s12 =	spop (v2sf)  }
0x185: {  	p1 =	seq.s32 s12, $0xFFFFFFFF  }
.Ltmp21:
0x186: {  	_ = 	snop;
	(pc) =	sbr.rel @p1 .LBB2_33-.Ltmp21, $1  }
0x187: {  	_ =	sdelay $0x3  }
0x188: {  	p1 =	slt.s32 s6, $0x1  }
.Ltmp22:
0x189: {  	_ = 	snop;
	(pc) =	sbr.rel @p1 .LBB2_32-.Ltmp22, $1  }
0x18a: {  	_ =	sdelay $0x3  }
0x18b: {  	s13 =	simm.s32 $0xF218;
	p1 =	por $0x0, $0x0  }
0x18c: {  	v1 =	vld.msk @!p1 [tilespmem:s13+$0x0], $0x1;
	_ =	sdelay $0x4  }
0x18d: {  	(v2sf) =	vpush @!p1 v1, $0x0;
	_ =	sdelay $0xd  }
0x18e: {  	p3 =	sne.s32 s6, $0x1  }
.Ltmp23:
0x18f: {  	s0 =	spop @!p1 (v2sf);
	(pc) =	sbr.rel @!p3 .LBB2_30-.Ltmp23, $4  }
0x190: {  	p2 =	seq.s32 @!p1 s12, s0  }
0x191: {  	s14 =	simm.s32 $0x0;
	p2 =	por !p2, p1  }
0x192: {  	s2 =	simm.s32 $0xFFFFFFFF;
	s14 =	simm.s32 @p2 $0xFFFFFFFF  }
0x193: {  	s0 =	simm.s32 $0x1;
	s14 =	smov.u32 @p1 s2  }
.LBB2_29:
0x194: {  	s2 =	smov.u32 s14;
	p1 =	sne.s32 s14, $0xFFFFFFFF  }
0x195: {  	s13 =	sadd.s32 $0x1, s13;
	s14 =	smov.u32 s0;
	s0 =	sadd.s32 $0x1, s0  }
0x196: {  	p2 =	sne.s32 s6, s0;
	v1 =	vld.msk @!p1 [tilespmem:s13+$0x0], $0x1;
	_ =	sdelay $0x4  }
0x197: {  	(v2sf) =	vpush @!p1 v1, $0x0;
	_ =	sdelay $0xe  }
.Ltmp24:
0x198: {  	s3 =	spop @!p1 (v2sf);
	(pc) =	sbr.rel @p2 .LBB2_29-.Ltmp24, $4  }
0x199: {  	p3 =	seq.s32 @!p1 s12, s3  }
0x19a: {  	p3 =	por !p3, p1  }
0x19b: {  	s14 =	simm.s32 @p3 $0xFFFFFFFF  }
0x19c: {  	s14 =	smov.u32 @p1 s2  }
.LBB2_30:
0x19d: {  	p1 =	seq.s32 s14, $0xFFFFFFFF  }
.Ltmp25:
0x19e: {  	_ = 	snop;
	(pc) =	sbr.rel @p1 .LBB2_32-.Ltmp25, $1  }
0x19f: {  	_ =	sdelay $0x3  }
0x1a0: {  	s0 =	sshll.u32 s11, $0x7  }
0x1a1: {  	s0 =	sand.u32 $0x3FFFFF80, s0  }
0x1a2: {  	v0 =	vld [tilespmem:s0+$0xF238];
	_ =	sdelay $0x2  }
0x1a3: {  	s2 =	sshll.u32 s14, $0x9  }
0x1a4: {  	s2 =	sshra.s32 s2, $0x2  }
0x1a5: {  	[tilespmem:s2+$0xF238] =	vst.add.f32.msk $0xffff, v0  }
0x1a6: {  	v0 =	vld [tilespmem:s0+$0xF248];
	_ =	sdelay $0x4  }
0x1a7: {  	[tilespmem:s2+$0xF248] =	vst.add.f32.msk $0xffff, v0  }
0x1a8: {  	v0 =	vld [tilespmem:s0+$0xF258];
	_ =	sdelay $0x4  }
0x1a9: {  	[tilespmem:s2+$0xF258] =	vst.add.f32.msk $0xffff, v0  }
0x1aa: {  	v0 =	vld [tilespmem:s0+$0xF268];
	_ =	sdelay $0x4  }
0x1ab: {  	[tilespmem:s2+$0xF268] =	vst.add.f32.msk $0xffff, v0  }
0x1ac: {  	v0 =	vld [tilespmem:s0+$0xF278];
	_ =	sdelay $0x4  }
0x1ad: {  	[tilespmem:s2+$0xF278] =	vst.add.f32.msk $0xffff, v0  }
0x1ae: {  	v0 =	vld [tilespmem:s0+$0xF288];
	_ =	sdelay $0x4  }
0x1af: {  	[tilespmem:s2+$0xF288] =	vst.add.f32.msk $0xffff, v0  }
0x1b0: {  	v0 =	vld [tilespmem:s0+$0xF298];
	_ =	sdelay $0x4  }
0x1b1: {  	[tilespmem:s2+$0xF298] =	vst.add.f32.msk $0xffff, v0  }
0x1b2: {  	v0 =	vld [tilespmem:s0+$0xF2A8]  }
.Ltmp26:
0x1b3: {  	_ = 	snop;
	(pc) =	sbr.rel .LBB2_33-.Ltmp26, $2  }
0x1b4: {  	_ =	sdelay $0x2  }
0x1b5: {  	[tilespmem:s2+$0xF2A8] =	vst.add.f32.msk $0xffff, v0  }
.LBB2_34:
0x1b6: {  	s0 =	simm.s32 $0x6;
	p1 =	seq.s32 s6, $0x0  }
0x1b7: {  	[sflag:s0] =	ssyncpa.u1 $0x1;
	v0 =	vimm.s32 @p1 $0xFFFFFFFF  }
0x1b8: {  	s9 =	sadd.s32 $0xFFFFFFFF, s6;
	[tilespmem:$0x10238] =	vst @p1 v0  }
0x1b9: {  	v0 =	vld.msk @!p1 [tilespmem:s9+$0xF218], $0x1;
	_ =	sdelay $0x1  }
0x1ba: {  	v1 =	vld.msk @!p1 [tilespmem:$0xF218], $0x1;
	_ =	sdelay $0x2  }
0x1bb: {  	p2 =	seq.s32 @!p1 s9, $0x0;
	v0 =	vbroadcast @!p1 v0, $0x0  }
0x1bc: {  	vm0 =	vmmov @!p1 $0x1;
	p2 =	por !p2, p1  }
0x1bd: {  	v1 =	vnsel @!p1 vm0, $0xFFFFFFFF, v1;
	vm0 =	vcmask @!p1 $0x308;
	v0 =	vpsel !p2, $0xFFFFFFFF, v0  }
0x1be: {  	p2 =	sne.s32 @!p1 s8, s7;
	v0 =	vsel @!p1 vm0, v1, v0  }
0x1bf: {  	s0 =	simm.s32 @!p1 $0xF238;
	s2 =	simm.s32 @!p1 $0x0;
	p3 =	por !p2, p1;
	[tilespmem:$0x10238] =	vst @!p1 v0  }
0x1c0: {  	[spmem:s2] =	stream.linear.scatter @!p1 [tilespmem:s0], [sflag:$0x1], $0x80, $0x38;
	[tilespmem:$0x1F6F8] =	vst v63  }
0x1c1: {  	s0 =	sshll.u32 @!p3 s9, $0x9  }
0x1c2: {  	s0 =	sshra.s32 @!p3 s0, $0x2  }
0x1c3: {  	s2 =	simm.s32 @!p3 $0x80;
	s0 =	sadd.s32 @!p3 $0xF238, s0  }
0x1c4: {  	[spmem:s2] =	stream.linear.scatter @!p3 [tilespmem:s0], [sflag:$0x1], $0x80, $0x38;
	[tilespmem:$0x1F6F8] =	vst v63  }
0x1c5: {  	s0 =	simm.s32 @!p3 $0x1  }
0x1c6: {  	_ =	swait.ge @!p3 [sflag:s0], $0x100  }
0x1c7: {  	p1 =	por p2, p1;
	[sflag:s0] =	ssyncset.done @!p3 $0x0  }
0x1c8: {  	[sflag:s0] =	ssyncadd.s32 @!p3 $0xFFFFFF00;
	s0 =	simm.s32 @!p1 $0x1  }
0x1c9: {  	_ =	swait.ge @!p1 [sflag:s0], $0x80  }
0x1ca: {  	s29 =	simm.s32 $0x10238;
	[sflag:s0] =	ssyncset.done @!p1 $0x0  }
0x1cb: {  	s30 =	simm.s32 $0x1000;
	s31 =	simm.s32 $0x1;
	[sflag:s0] =	ssyncadd.s32 @!p1 $0xFFFFFF80  }
0x1cc: {  	[spmem:s30] =	stream.linear.scatter [tilespmem:s29], [sflag:$0x1], $0x10, $0x38;
	[tilespmem:$0x1F6F8] =	vst v63  }
0x1cd: {  	_ =	swait.ge [sflag:s31], $0x10  }
0x1ce: {  	[sflag:s31] =	ssyncset.done $0x0  }
0x1cf: {  	p1 =	seq.s32 s15, $0x0;
	s8 =	rddreg [dreg:$0x2];
	[sflag:s31] =	ssyncadd.s32 $0xFFFFFFF0  }
0x1d0: {  	s2 =	sshll.u32 @p1 s8, $0xE;
	s7 =	rddreg [dreg:$0x3]  }
0x1d1: {  	s0 =	sadd.s32 @p1 $0x15C3C, s2;
	s2 =	sshll.u32 @p1 s7, $0x11  }
0x1d2: {  	_ =	sfence.stream.spmem;
	s0 =	sor.u32 @p1 s2, s0  }
0x1d3: {  	[sflag:s0] =	ssyncadd.remote.s32 @p1 $0x1;
	s0 =	simm.s32 @p1 $0x4  }
0x1d4: {  	s3 =	simm.s32 @!p1 $0x3C;
	s2 =	sand.u32 $0xFFFFFFFE, s8;
	_ =	swait.ge @p1 [sflag:s0], $0x22  }
0x1d5: {  	s4 =	simm.s32 @!p1 $0x0;
	s2 =	sadd.s32 @!p1 $0x4, s2;
	[sflag:s0] =	ssyncset.done @p1 $0x0  }
0x1d6: {  	s5 =	simm.s32 @!p1 $0x100;
	[sflag:s0] =	ssyncadd.s32 @p1 $0xFFFFFFDE;
	s0 =	sshll.u32 @!p1 s2, $0x1A  }
0x1d7: {  	s2 =	sshll.u32 @!p1 s2, $0xD;
	s0 =	sor.u32 @!p1 s0, s7;
	_ =	swait.eq @!p1 [sflag:s3], $0x1  }
0x1d8: {  	s2 =	sor.u32 @!p1 $0x1C04, s2;
	s3 =	simm.s32 @!p1 $0x1C03;
	s0 =	sor.u32 @!p1 $0x80004000, s0  }
0x1d9: {  	[spmem:s5], [sflag:s2] =	dma.general @!p1 [spmem:s4], [sflag:s3], length:$0x20, [dreg:$0x0], stride_count:$0x0, ici_dest:s0, dma_misc:DstOpCode:WRITE  }
0x1da: {  	p2 =	slt.s32 s9, $0x2;
	s4 =	simm.s32 @!p1 $0x200;
	s5 =	simm.s32 @!p1 $0x202  }
0x1db: {  	[spmem:s5], [sflag:s2] =	dma.general @!p1 [spmem:s4], [sflag:s3], length:$0x2, [dreg:$0x0], stride_count:$0x0, ici_dest:s0, dma_misc:DstOpCode:WRITE  }
.Ltmp27:
0x1dc: {  	s0 =	simm.s32 @!p1 $0x3;
	(pc) =	sbr.rel @p2 .LBB2_38-.Ltmp27, $4  }
0x1dd: {  	s2 =	sshll.u32 @!p1 s8, $0xE;
	_ =	swait.ge @!p1 [sflag:s0], $0x22  }
0x1de: {  	s3 =	sshll.u32 @!p1 s7, $0x11;
	s2 =	sadd.s32 @!p1 $0x11C3C, s2;
	[sflag:s0] =	ssyncset.done @!p1 $0x0  }
0x1df: {  	[sflag:s0] =	ssyncadd.s32 @!p1 $0xFFFFFFDE;
	s0 =	sor.u32 @!p1 s3, s2  }
0x1e0: {  	[sflag:s0] =	ssyncadd.remote.s32 @!p1 $0xFFFFFFFF;
	s0 =	simm.s32 $0x0  }
0x1e1: {  	s0 =	simm.s32 $0xF219  }
0x1e2: {  	v0 =	vld.msk [tilespmem:s0+$0x0], $0x1;
	_ =	sdelay $0x4  }
0x1e3: {  	(v2sf) =	vpush v0, $0x0;
	_ =	sdelay $0xb  }
0x1e4: {  	s31 =	sadd.s32 $0xFFFFFFFE, s6  }
0x1e5: {  	s0 =	sadd.s32 $0xFFFFFFFF, s31  }
0x1e6: {  	p2 =	sne.s32 s0, $0x0  }
.Ltmp28:
0x1e7: {  	s2 =	spop (v2sf);
	(pc) =	sbr.rel @!p2 .LBB2_37-.Ltmp28, $4  }
0x1e8: {  	s4 =	simm.s32 $0xF2B8;
	s7 =	simm.s32 $0x0;
	p1 =	sgt.u32 s2, $0x1F470  }
0x1e9: {  	s5 =	simm.s32 $0x0;
	s6 =	simm.s32 $0xF21A;
	s3 =	sand.u32 @!p1 $0x1FFF8, s2  }
0x1ea: {  	s2 =	sand.u32 @!p1 $0x7, s2;
	s7 =	simm.s32 @!p1 $0x200;
	s3 =	sadd.s32 @!p1 s1, s3  }
0x1eb: {  	[hbm4b:s3+s2] =	stream.linear.scatter @!p1 [tilespmem:s4], [sflag:$0x5], $0x80, $0x38;
	[tilespmem:$0x1F6F8] =	vst v63  }
.LBB2_36:
0x1ec: {  	v0 =	vld.msk [tilespmem:s6+$0x0], $0x1;
	s0 =	sadd.s32 $0xFFFFFFFF, s0;
	s5 =	sadd.s32 s5, s7  }
0x1ed: {  	p1 =	sne.s32 s0, $0x0;
	_ =	sdelay $0x3  }
0x1ee: {  	(v2sf) =	vpush v0, $0x0;
	_ =	sdelay $0xe  }
.Ltmp29:
0x1ef: {  	s2 =	spop (v2sf);
	(pc) =	sbr.rel @p1 .LBB2_36-.Ltmp29, $4  }
0x1f0: {  	s7 =	simm.s32 $0x0;
	p2 =	sgt.u32 s2, $0x1F470  }
0x1f1: {  	s4 =	sadd.s32 $0x80, s4;
	s7 =	simm.s32 @!p2 $0x200;
	s3 =	sand.u32 @!p2 $0x1FFF8, s2  }
0x1f2: {  	s6 =	sadd.s32 $0x1, s6;
	s2 =	sand.u32 @!p2 $0x7, s2;
	s3 =	sadd.s32 @!p2 s1, s3  }
0x1f3: {  	[hbm4b:s3+s2] =	stream.linear.scatter @!p2 [tilespmem:s4], [sflag:$0x5], $0x80, $0x38;
	[tilespmem:$0x1F6F8] =	vst v63  }
.LBB2_37:
0x1f4: {  	s0 =	sadd.s32 s5, s7  }
0x1f5: {  	s0 =	sshrl.u32 s0, $0x2  }
.LBB2_38:
0x1f6: {  	s2 =	simm.s32 $0x5  }
0x1f7: {  	_ =	swait.ge [sflag:s2], s0  }
0x1f8: {  	s31 =	ssub.s32 $0x0, s0;
	[sflag:s2] =	ssyncset.done $0x0  }
0x1f9: {  	[sflag:s2] =	ssyncadd.s32 s31  }
0x1fa: {  	[sflag:s2] =	ssyncpa.u1 $0x1  }
.LBB2_39:
0x1fb: {  	s0 =	sor.u32 s15, s16  }
0x1fc: {  	p1 =	sne.s32 s0, $0x0  }
.Ltmp30:
0x1fd: {  	_ = 	snop;
	(pc) =	sbr.rel @p1 .LBB2_54-.Ltmp30, $3  }
0x1fe: {  	_ =	sdelay $0x1  }
0x1ff: {  	[bflag:$0x0] =	sbarrier.arrive $0xFFFF  }
0x200: {  	_ =	sfence  }
0x201: {  	s0 =	simm.s32 $0x7  }
0x202: {  	s2 =	simm.s32 $0x1000;
	s3 =	simm.s32 $0xF218;
	[sflag:s0] =	ssyncpa.u1 $0x0  }
0x203: {  	[tilespmem:s3], [sflag:$0x7] =	stream.linear.gather [spmem:s2], $0x20, $0x38;
	[tilespmem:$0x1F6F8] =	vst v63  }
0x204: {  	s30 =	simm.s32 $0xF238;
	s2 =	simm.s32 $0x0  }
0x205: {  	[tilespmem:s30], [sflag:$0x7] =	stream.linear.gather [spmem:s2], $0x1000, $0x38;
	[tilespmem:$0x1F6F8] =	vst v63  }
.Ltmp31:
0x206: {  	_ = 	snop;
	(pc) =	sbr.rel .LBB2_41-.Ltmp31, $4  }
0x207: {  	_ =	swait.ge [sflag:s0], $0x1020  }
0x208: {  	[sflag:s0] =	ssyncset.done $0x0  }
0x209: {  	s31 =	simm.s32 $0x8;
	[sflag:s0] =	ssyncadd.s32 $0xFFFFEFE0  }
0x20a: {  	s3 =	simm.s32 $0x0;
	[sflag:s31] =	ssyncpa.u1 $0x0  }
.LBB2_47:
0x20b: {  	p1 =	slt.u32 s4, $0x1F471  }
0x20c: {  	s0 =	sand.u32 @p1 $0x1FFF8, s4  }
0x20d: {  	s4 =	sand.u32 @p1 $0x7, s4;
	s5 =	simm.s32 @p1 $0xF188;
	s0 =	sadd.s32 @p1 s1, s0  }
0x20e: {  	[tilespmem:s5], [sflag:$0x8] =	stream.linear.gather @p1 [hbm4b:s0+s4], $0x80, $0x38;
	[tilespmem:$0x1F6F8] =	vst v63  }
0x20f: {  	s0 =	simm.s32 @p1 $0x8  }
0x210: {  	_ =	swait.ge @p1 [sflag:s0], $0x80  }
0x211: {  	[sflag:s0] =	ssyncset.done @p1 $0x0  }
0x212: {  	[sflag:s0] =	ssyncadd.s32 @p1 $0xFFFFFF80  }
0x213: {  	v1 =	vld @p1 [tilespmem:$0xF188];
	_ =	sdelay $0x2  }
0x214: {  	s0 =	sshll.u32 @p1 s3, $0x9  }
0x215: {  	s4 =	sshrl.u32 @p1 s0, $0x2  }
0x216: {  	[tilespmem:s4+$0xF238] =	vst.add.f32.msk @p1 $0xffff, v1  }
0x217: {  	v1 =	vld @p1 [tilespmem:$0xF198];
	_ =	sdelay $0x4  }
0x218: {  	[tilespmem:s4+$0xF248] =	vst.add.f32.msk @p1 $0xffff, v1  }
0x219: {  	v1 =	vld @p1 [tilespmem:$0xF1A8];
	_ =	sdelay $0x4  }
0x21a: {  	[tilespmem:s4+$0xF258] =	vst.add.f32.msk @p1 $0xffff, v1  }
0x21b: {  	v1 =	vld @p1 [tilespmem:$0xF1B8];
	_ =	sdelay $0x4  }
0x21c: {  	[tilespmem:s4+$0xF268] =	vst.add.f32.msk @p1 $0xffff, v1  }
0x21d: {  	v1 =	vld @p1 [tilespmem:$0xF1C8];
	_ =	sdelay $0x4  }
0x21e: {  	[tilespmem:s4+$0xF278] =	vst.add.f32.msk @p1 $0xffff, v1  }
0x21f: {  	v1 =	vld @p1 [tilespmem:$0xF1D8];
	_ =	sdelay $0x4  }
0x220: {  	[tilespmem:s4+$0xF288] =	vst.add.f32.msk @p1 $0xffff, v1  }
0x221: {  	v1 =	vld @p1 [tilespmem:$0xF1E8];
	_ =	sdelay $0x4  }
0x222: {  	[tilespmem:s4+$0xF298] =	vst.add.f32.msk @p1 $0xffff, v1  }
0x223: {  	v1 =	vld @p1 [tilespmem:$0xF1F8];
	_ =	sdelay $0x3  }
0x224: {  	s5 =	sshll.u32 @!p1 s3, $0x9  }
0x225: {  	s5 =	smov.u32 @p1 s0;
	[tilespmem:s4+$0xF2A8] =	vst.add.f32.msk @p1 $0xffff, v1  }
0x226: {  	s0 =	sshrl.u32 s5, $0x2;
	[tilespmem:s2+$0xF218] =	vst.msk $0x1, v0  }
0x227: {  	v0 =	vld [tilespmem:s0+$0xF238];
	_ =	sdelay $0x2  }
0x228: {  	s31 =	sshll.u32 s2, $0x9  }
0x229: {  	s4 =	sshra.s32 s31, $0x2  }
0x22a: {  	[tilespmem:s4+$0xF238] =	vst v0  }
0x22b: {  	v0 =	vld [tilespmem:s0+$0xF248];
	_ =	sdelay $0x4  }
0x22c: {  	[tilespmem:s4+$0xF248] =	vst v0  }
0x22d: {  	v0 =	vld [tilespmem:s0+$0xF258];
	_ =	sdelay $0x4  }
0x22e: {  	[tilespmem:s4+$0xF258] =	vst v0  }
0x22f: {  	v0 =	vld [tilespmem:s0+$0xF268];
	_ =	sdelay $0x4  }
0x230: {  	[tilespmem:s4+$0xF268] =	vst v0  }
0x231: {  	v0 =	vld [tilespmem:s0+$0xF278];
	_ =	sdelay $0x4  }
0x232: {  	[tilespmem:s4+$0xF278] =	vst v0  }
0x233: {  	v0 =	vld [tilespmem:s0+$0xF288];
	_ =	sdelay $0x4  }
0x234: {  	[tilespmem:s4+$0xF288] =	vst v0  }
0x235: {  	v0 =	vld [tilespmem:s0+$0xF298];
	_ =	sdelay $0x4  }
0x236: {  	[tilespmem:s4+$0xF298] =	vst v0  }
0x237: {  	v0 =	vld [tilespmem:s0+$0xF2A8];
	_ =	sdelay $0x4  }
0x238: {  	s2 =	sadd.s32 $0x1, s2;
	[tilespmem:s4+$0xF2A8] =	vst v0  }
.LBB2_48:
0x239: {  	s3 =	sadd.s32 $0x1, s3  }
0x23a: {  	p1 =	sne.s32 s3, $0x20  }
.Ltmp32:
0x23b: {  	_ = 	snop;
	(pc) =	sbr.rel @!p1 .LBB2_49-.Ltmp32, $1  }
0x23c: {  	_ =	sdelay $0x3  }
.LBB2_41:
0x23d: {  	v0 =	vld.msk [tilespmem:s3+$0xF218], $0x1;
	_ =	sdelay $0x4  }
0x23e: {  	(v2sf) =	vpush v0, $0x0;
	_ =	sdelay $0xe  }
0x23f: {  	s4 =	spop (v2sf)  }
0x240: {  	p1 =	seq.s32 s4, $0xFFFFFFFF  }
.Ltmp33:
0x241: {  	_ = 	snop;
	(pc) =	sbr.rel @p1 .LBB2_48-.Ltmp33, $1  }
0x242: {  	_ =	sdelay $0x3  }
0x243: {  	p1 =	slt.s32 s2, $0x1  }
.Ltmp34:
0x244: {  	_ = 	snop;
	(pc) =	sbr.rel @p1 .LBB2_47-.Ltmp34, $1  }
0x245: {  	_ =	sdelay $0x3  }
0x246: {  	s5 =	simm.s32 $0xF218;
	p1 =	por $0x0, $0x0  }
0x247: {  	v1 =	vld.msk @!p1 [tilespmem:s5+$0x0], $0x1;
	_ =	sdelay $0x4  }
0x248: {  	(v2sf) =	vpush @!p1 v1, $0x0;
	_ =	sdelay $0xd  }
0x249: {  	p3 =	sne.s32 s2, $0x1  }
.Ltmp35:
0x24a: {  	s0 =	spop @!p1 (v2sf);
	(pc) =	sbr.rel @!p3 .LBB2_45-.Ltmp35, $4  }
0x24b: {  	p2 =	seq.s32 @!p1 s4, s0  }
0x24c: {  	s6 =	simm.s32 $0x0;
	p2 =	por !p2, p1  }
0x24d: {  	s7 =	simm.s32 $0xFFFFFFFF;
	s6 =	simm.s32 @p2 $0xFFFFFFFF  }
0x24e: {  	s0 =	simm.s32 $0x1;
	s6 =	smov.u32 @p1 s7  }
.LBB2_44:
0x24f: {  	s7 =	smov.u32 s6;
	p1 =	sne.s32 s6, $0xFFFFFFFF  }
0x250: {  	s5 =	sadd.s32 $0x1, s5;
	s6 =	smov.u32 s0;
	s0 =	sadd.s32 $0x1, s0  }
0x251: {  	p2 =	sne.s32 s2, s0;
	v1 =	vld.msk @!p1 [tilespmem:s5+$0x0], $0x1;
	_ =	sdelay $0x4  }
0x252: {  	(v2sf) =	vpush @!p1 v1, $0x0;
	_ =	sdelay $0xe  }
.Ltmp36:
0x253: {  	s8 =	spop @!p1 (v2sf);
	(pc) =	sbr.rel @p2 .LBB2_44-.Ltmp36, $4  }
0x254: {  	p3 =	seq.s32 @!p1 s4, s8  }
0x255: {  	p3 =	por !p3, p1  }
0x256: {  	s6 =	simm.s32 @p3 $0xFFFFFFFF  }
0x257: {  	s6 =	smov.u32 @p1 s7  }
.LBB2_45:
0x258: {  	p1 =	seq.s32 s6, $0xFFFFFFFF  }
.Ltmp37:
0x259: {  	_ = 	snop;
	(pc) =	sbr.rel @p1 .LBB2_47-.Ltmp37, $1  }
0x25a: {  	_ =	sdelay $0x3  }
0x25b: {  	s0 =	sshll.u32 s3, $0x7  }
0x25c: {  	s0 =	sand.u32 $0x3FFFFF80, s0  }
0x25d: {  	v0 =	vld [tilespmem:s0+$0xF238];
	_ =	sdelay $0x2  }
0x25e: {  	s4 =	sshll.u32 s6, $0x9  }
0x25f: {  	s4 =	sshra.s32 s4, $0x2  }
0x260: {  	[tilespmem:s4+$0xF238] =	vst.add.f32.msk $0xffff, v0  }
0x261: {  	v0 =	vld [tilespmem:s0+$0xF248];
	_ =	sdelay $0x4  }
0x262: {  	[tilespmem:s4+$0xF248] =	vst.add.f32.msk $0xffff, v0  }
0x263: {  	v0 =	vld [tilespmem:s0+$0xF258];
	_ =	sdelay $0x4  }
0x264: {  	[tilespmem:s4+$0xF258] =	vst.add.f32.msk $0xffff, v0  }
0x265: {  	v0 =	vld [tilespmem:s0+$0xF268];
	_ =	sdelay $0x4  }
0x266: {  	[tilespmem:s4+$0xF268] =	vst.add.f32.msk $0xffff, v0  }
0x267: {  	v0 =	vld [tilespmem:s0+$0xF278];
	_ =	sdelay $0x4  }
0x268: {  	[tilespmem:s4+$0xF278] =	vst.add.f32.msk $0xffff, v0  }
0x269: {  	v0 =	vld [tilespmem:s0+$0xF288];
	_ =	sdelay $0x4  }
0x26a: {  	[tilespmem:s4+$0xF288] =	vst.add.f32.msk $0xffff, v0  }
0x26b: {  	v0 =	vld [tilespmem:s0+$0xF298];
	_ =	sdelay $0x4  }
0x26c: {  	[tilespmem:s4+$0xF298] =	vst.add.f32.msk $0xffff, v0  }
0x26d: {  	v0 =	vld [tilespmem:s0+$0xF2A8]  }
.Ltmp38:
0x26e: {  	_ = 	snop;
	(pc) =	sbr.rel .LBB2_48-.Ltmp38, $2  }
0x26f: {  	_ =	sdelay $0x2  }
0x270: {  	[tilespmem:s4+$0xF2A8] =	vst.add.f32.msk $0xffff, v0  }
.LBB2_49:
0x271: {  	p1 =	slt.s32 s2, $0x1  }
.Ltmp39:
0x272: {  	_ = 	snop;
	(pc) =	sbr.rel @p1 .LBB2_53-.Ltmp39, $3  }
0x273: {  	_ =	sdelay $0x1  }
0x274: {  	s0 =	simm.s32 $0x8  }
0x275: {  	s3 =	simm.s32 $0x0;
	[sflag:s0] =	ssyncpa.u1 $0x1  }
0x276: {  	s0 =	simm.s32 $0xF218  }
0x277: {  	v0 =	vld.msk [tilespmem:s0+$0x0], $0x1;
	_ =	sdelay $0x4  }
0x278: {  	(v2sf) =	vpush v0, $0x0;
	_ =	sdelay $0xe  }
0x279: {  	s0 =	sadd.s32 $0xFFFFFFFF, s2;
	s5 =	spop (v2sf)  }
0x27a: {  	p2 =	sne.s32 s0, $0x0;
	p1 =	sgt.u32 s5, $0x1F470  }
.Ltmp40:
0x27b: {  	s6 =	sand.u32 @!p1 $0x1FFF8, s5;
	(pc) =	sbr.rel @!p2 .LBB2_52-.Ltmp40, $4  }
0x27c: {  	s4 =	simm.s32 $0xF238;
	s5 =	sand.u32 @!p1 $0x7, s5;
	s2 =	sadd.s32 @!p1 s1, s6  }
0x27d: {  	[hbm4b:s2+s5] =	stream.linear.scatter @!p1 [tilespmem:s4], [sflag:$0x7], $0x80, $0x38;
	[tilespmem:$0x1F6F8] =	vst v63  }
0x27e: {  	s5 =	simm.s32 $0x0  }
0x27f: {  	s2 =	simm.s32 $0xF219;
	s5 =	simm.s32 @!p1 $0x200  }
.LBB2_51:
0x280: {  	v0 =	vld.msk [tilespmem:s2+$0x0], $0x1;
	s0 =	sadd.s32 $0xFFFFFFFF, s0;
	s3 =	sadd.s32 s3, s5  }
0x281: {  	p1 =	sne.s32 s0, $0x0;
	_ =	sdelay $0x3  }
0x282: {  	(v2sf) =	vpush v0, $0x0;
	_ =	sdelay $0xe  }
.Ltmp41:
0x283: {  	s6 =	spop (v2sf);
	(pc) =	sbr.rel @p1 .LBB2_51-.Ltmp41, $4  }
0x284: {  	s5 =	simm.s32 $0x0;
	p2 =	sgt.u32 s6, $0x1F470  }
0x285: {  	s4 =	sadd.s32 $0x80, s4;
	s5 =	simm.s32 @!p2 $0x200;
	s7 =	sand.u32 @!p2 $0x1FFF8, s6  }
0x286: {  	s2 =	sadd.s32 $0x1, s2;
	s6 =	sand.u32 @!p2 $0x7, s6;
	s7 =	sadd.s32 @!p2 s1, s7  }
0x287: {  	[hbm4b:s7+s6] =	stream.linear.scatter @!p2 [tilespmem:s4], [sflag:$0x7], $0x80, $0x38;
	[tilespmem:$0x1F6F8] =	vst v63  }
.LBB2_52:
0x288: {  	s0 =	sadd.s32 s3, s5  }
0x289: {  	s3 =	sshrl.u32 s0, $0x2  }
.LBB2_53:
0x28a: {  	s0 =	simm.s32 $0x7  }
0x28b: {  	_ =	swait.ge [sflag:s0], s3  }
0x28c: {  	s1 =	ssub.s32 $0x0, s3;
	[sflag:s0] =	ssyncset.done $0x0  }
0x28d: {  	[sflag:s0] =	ssyncadd.s32 s1  }
0x28e: {  	[sflag:s0] =	ssyncpa.u1 $0x1  }
.LBB2_54:
0x28f: {  	_ =	sfence;
	s0 =	simm.s32 $0x1  }
0x290: {  	[sflag:s0] =	ssyncpa.u1 $0x1  }
0x291: {  	_ =	strace $0x90000053  }
0x292: {  	[bflag:$0x2] =	sbarrier.arrive $0xFFFF  }
0x293: {  	s0 =	rddreg [dreg:$0x4]  }
0x294: {  	s0 =	sadd.s32 @!p0 $0x100000, s0  }
0x295: {  	[sflag:s0] =	ssyncadd.tile.s32 @!p0 $0x1;
	_ =	shalt  }
.Lfunc_end2:
_tile_overlayer_lowered:
.L_overlay_start_2:
0x296: {  	(tag) =	ssettag $0x2  }
0x297: {  	s0 =	rddreg [dreg:$0x0];
	s2 =	stileid.u32  }
0x298: {  	s1 =	rddreg [dreg:$0x1];
	p0 =	sne.s32 s2, $0x0  }
0x299: {  	s3 =	rddreg [dreg:$0x2];
	[bflag:$0x3] =	sbarrier.arrive $0xFFFF;
	s2 =	simm.s32 @!p0 $0x1C01  }
0x29a: {  	[timem:s3], [sflag:s2] =	dma.local @!p0 [hbm:s0], s1  }
0x29b: {  	s0 =	simm.s32 @!p0 $0x1  }
0x29c: {  	_ =	swait.ge @!p0 [sflag:s0], s1  }
0x29d: {  	s1 =	ssub.s32 @!p0 $0x0, s1;
	[sflag:s0] =	ssyncset.done @!p0 $0x0  }
0x29e: {  	[sflag:s0] =	ssyncadd.s32 @!p0 s1  }
0x29f: {  	[bflag:$0x3] =	sbarrier.arrive $0xFFFF  }
0x2a0: {  	_ =	shalt  }

// kernel: scatter_offload_async_start
scs
__scs_entry_jumppad:
0x0: {  	(pc) =	sbr.rel $0x88, $3  }
0x1: {  	(tag) =	ssettag $0x0;
	lr =	simm.s32 $0x1  }
0x2: {  	[smem:$0x3F8D] =	sst lr;
	_ =	strace $0xD0000000  }
0x3: {  	_ = 	snop  }
0x4: {  	_ = 	snop  }
0x5: {  	_ = 	snop  }
0x6: {  	_ = 	snop  }
0x7: {  	_ = 	snop  }
__scs_overlays_trampoline_lowered:
0x8: {  	[smem:$0x3F9C] =	sst s0  }
0x9: {  	[smem:$0x3F9D] =	sst s1  }
0xa: {  	[smem:$0x3F9E] =	sst s2  }
0xb: {  	[smem:$0x3F9F] =	sst s3  }
0xc: {  	[smem:$0x3FA0] =	sst s4  }
0xd: {  	[smem:$0x3FA1] =	sst s5  }
0xe: {  	[smem:$0x3FA2] =	sst s6  }
0xf: {  	[smem:$0x3FA3] =	sst s7  }
0x10: {  	[smem:$0x3FA4] =	sst s8  }
0x11: {  	[smem:$0x3FA5] =	sst s9;
	s0 =	simm.s32 @!p0 $0x0  }
0x12: {  	s1 =	sld [smem:$0x3F8B];
	s0 =	simm.s32 @p0 $0x1  }
0x13: {  	[smem:$0x3FA6] =	sst s0;
	s0 =	simm.s32 @!p1 $0x0  }
0x14: {  	s2 =	sld [smem:$0x3F8A];
	s0 =	simm.s32 @p1 $0x1  }
0x15: {  	[smem:$0x3FA7] =	sst s0;
	s0 =	simm.s32 @!p2 $0x0  }
0x16: {  	s3 =	sld [smem:$0x3FDB];
	s0 =	simm.s32 @p2 $0x1  }
0x17: {  	s4 =	simm.s32 $0x1BF5;
	[smem:$0x3FA9] =	sst s0  }
0x18: {  	s0 =	sld [smem:$0x3F8C];
	_ =	swait.ge [sflag:s4], $0x0  }
0x19: {  	s7 =	sld [smem:$0x3F8D]  }
0x1a: {  	s8 =	sadd.s32 $0xFFFFE003, lr  }
0x1b: {  	s9 =	sadd.s32 $0xFFFFFEF7, lr;
	s5 =	simm.s32 $0xFFFFFFFF;
	p2 =	slt.u32 s8, $0xFFFFF086  }
0x1c: {  	p1 =	slt.u32 s9, $0xF7A;
	s5 =	simm.s32 @!p2 $0x0  }
0x1d: {  	s5 =	simm.s32 @p1 $0x1;
	p0 =	seq.s32 s7, s2  }
0x1e: {  	s7 =	smul.u32 @!p0 $0xF7A, s2;
	p2 =	seq.s32 @!p0 s5, $0x0  }
0x1f: {  	s9 =	smul.u32 $0xF7A, s1;
	s8 =	simm.s32 @!p0 $0x1BF5;
	p2 =	por !p2, p0  }
0x20: {  	[sflag:s8] =	ssyncset.s32 @!p0 $0xFFFFF086;
	s6 =	sadd.s32 @!p0 s3, s7;
	s7 =	simm.s32 @!p0 $0x108  }
0x21: {  	s3 =	sadd.s32 s3, s9;
	s6 =	sadd.s32 @!p0 $0x88, s6;
	s7 =	simm.s32 @p2 $0x1082  }
0x22: {  	[simem:s7], [sflag:s8] =	dma.local @!p0 [hbm:s6], $0xF7A  }
0x23: {  	s9 =	sor.u32 $0xD0000000, s2;
	s6 =	simm.s32 $0x108;
	_ =	swait.ge @!p0 [sflag:s8], $0x0  }
0x24: {  	s3 =	sadd.s32 $0x88, s3;
	s6 =	simm.s32 @!p1 $0x1082;
	[sflag:s4] =	ssyncset.s32 $0xFFFFF086  }
0x25: {  	[simem:s6], [sflag:s4] =	dma.local [hbm:s3], $0xF7A  }
0x26: {  	[smem:$0x3F8D] =	sst s1;
	(tag) =	ssettag s2;
	_ =	strace s9  }
0x27: {  	s1 =	sld [smem:$0x3F9D]  }
0x28: {  	s2 =	sld [smem:$0x3F9E]  }
0x29: {  	s4 =	sld [smem:$0x3FA0]  }
0x2a: {  	p0 =	seq.s32 s5, $0x0;
	s5 =	sld [smem:$0x3FA1]  }
0x2b: {  	s6 =	sld [smem:$0x3FA2]  }
0x2c: {  	s7 =	sld [smem:$0x3FA3]  }
0x2d: {  	s3 =	simm.s32 $0x108;
	s8 =	sld [smem:$0x3FA4]  }
0x2e: {  	s3 =	simm.s32 @!p0 $0x1082;
	s9 =	sld [smem:$0x3FA5]  }
0x2f: {  	lr =	sadd.s32 s0, s3;
	s0 =	sld [smem:$0x3F9C]  }
0x30: {  	s3 =	sld [smem:$0x3F9F]  }
0x31: {  	[smem:$0x3FA8] =	sst s10  }
0x32: {  	s10 =	sld [smem:$0x3FA6];
	_ =	sdelay $0x3  }
0x33: {  	p0 =	seq.s32 s10, $0x1;
	s10 =	sld [smem:$0x3FA8];
	_ =	sdelay $0x3  }
0x34: {  	[smem:$0x3FA8] =	sst s10  }
0x35: {  	s10 =	sld [smem:$0x3FA7];
	_ =	sdelay $0x3  }
0x36: {  	p1 =	seq.s32 s10, $0x1;
	s10 =	sld [smem:$0x3FA8];
	_ =	sdelay $0x3  }
0x37: {  	[smem:$0x3FA8] =	sst s10  }
0x38: {  	s10 =	sld [smem:$0x3FA9]  }
0x39: {  	_ = 	snop;
	(pc) =	sbr.ind lr, $3  }
0x3a: {  	_ = 	snop  }
0x3b: {  	_ = 	snop  }
0x3c: {  	p2 =	seq.s32 s10, $0x1;
	s10 =	sld [smem:$0x3FA8]  }
0x3d: {  	_ =	shalt  }
0x3e: {  	_ =	shalt  }
0x3f: {  	_ =	shalt  }
0x40: {  	_ =	shalt  }
0x41: {  	_ =	shalt  }
0x42: {  	_ =	shalt  }
0x43: {  	_ =	shalt  }
0x44: {  	_ =	shalt  }
0x45: {  	_ =	shalt  }
0x46: {  	_ =	shalt  }
0x47: {  	_ =	shalt  }
0x48: {  	_ =	shalt  }
0x49: {  	_ =	shalt  }
0x4a: {  	_ =	shalt  }
0x4b: {  	_ =	shalt  }
0x4c: {  	_ =	shalt  }
0x4d: {  	_ =	shalt  }
0x4e: {  	_ =	shalt  }
0x4f: {  	_ =	shalt  }
0x50: {  	_ =	shalt  }
0x51: {  	_ =	shalt  }
0x52: {  	_ =	shalt  }
0x53: {  	_ =	shalt  }
0x54: {  	_ =	shalt  }
0x55: {  	_ =	shalt  }
0x56: {  	_ =	shalt  }
0x57: {  	_ =	shalt  }
0x58: {  	_ =	shalt  }
0x59: {  	_ =	shalt  }
0x5a: {  	_ =	shalt  }
0x5b: {  	_ =	shalt  }
0x5c: {  	_ =	shalt  }
0x5d: {  	_ =	shalt  }
0x5e: {  	_ =	shalt  }
0x5f: {  	_ =	shalt  }
0x60: {  	_ =	shalt  }
0x61: {  	_ =	shalt  }
0x62: {  	_ =	shalt  }
0x63: {  	_ =	shalt  }
0x64: {  	_ =	shalt  }
0x65: {  	_ =	shalt  }
0x66: {  	_ =	shalt  }
0x67: {  	_ =	shalt  }
0x68: {  	_ =	shalt  }
0x69: {  	_ =	shalt  }
0x6a: {  	_ =	shalt  }
0x6b: {  	_ =	shalt  }
0x6c: {  	_ =	shalt  }
0x6d: {  	_ =	shalt  }
0x6e: {  	_ =	shalt  }
0x6f: {  	_ =	shalt  }
0x70: {  	_ =	shalt  }
0x71: {  	_ =	shalt  }
0x72: {  	_ =	shalt  }
0x73: {  	_ =	shalt  }
0x74: {  	_ =	shalt  }
0x75: {  	_ =	shalt  }
0x76: {  	_ =	shalt  }
0x77: {  	_ =	shalt  }
0x78: {  	_ =	shalt  }
0x79: {  	_ =	shalt  }
0x7a: {  	_ =	shalt  }
0x7b: {  	_ =	shalt  }
0x7c: {  	_ =	shalt  }
0x7d: {  	_ =	shalt  }
0x7e: {  	_ =	shalt  }
0x7f: {  	_ =	shalt  }
0x80: {  	_ =	shalt  }
0x81: {  	_ =	shalt  }
0x82: {  	_ =	shalt  }
0x83: {  	_ =	shalt  }
0x84: {  	_ =	shalt  }
0x85: {  	_ =	shalt  }
0x86: {  	_ =	shalt  }
0x87: {  	_ =	shalt  }
.Lfunc_end0:
.L_simem_size_0:
called_computation_lowered:
.L_overlay_start_0:
0x88: {  	s0 =	sld [smem:$0x3FD9]  }
0x89: {  	s1 =	sld [smem:$0x3FFE];
	_ =	sdelay $0x3  }
0x8a: {  	s0 =	sadd.s32 s1, s0  }
0x8b: {  	[smem:$0x3FB4] =	sst s0  }
0x8c: {  	_ = 	snop  }
0x8d: {  	(tm) =	ssettm $0x1  }
0x8e: {  	s15 =	sld [smem:$0x3FFB];
	_ =	sdelay $0x3  }
0x8f: {  	_ =	strace s15  }
0x90: {  	s0 =	sld [smem:$0x3FFC];
	_ =	sdelay $0x3  }
0x91: {  	_ =	strace s0  }
0x92: {  	s0 =	sld [smem:$0x3FFD];
	_ =	sdelay $0x3  }
0x93: {  	_ =	strace s0  }
0x94: {  	_ =	strace $0x8FFFFFFF  }
0x95: {  	s16 =	sld [smem:$0x3FDB];
	_ =	sdelay $0x1  }
0x96: {  	s17 =	simm.s32 $_scs_section_size  }
0x97: {  	s2 =	simm.s32 $_size__tile_overlayer_lowered;
	s3 =	simm.s32 $_tile_overlayer_lowered  }
0x98: {  	s20 =	simm.s32 $0x1BFF;
	s19 =	sshll.u32 s3, $0x1;
	s0 =	sadd.s32 s17, s16  }
0x99: {  	s4 =	simm.s32 $0x0;
	s18 =	sshll.u32 s2, $0x1;
	s2 =	sadd.s32 s19, s0  }
0x9a: {  	[timem:s4], [sflag:s20] =	dma.local [hbm:s2], s18  }
0x9b: {  	_ =	swait.ge [sflag:s20], s18  }
0x9c: {  	s1 =	ssub.s32 $0x0, s18;
	[sflag:s20] =	ssyncset.done $0x0  }
0x9d: {  	[sflag:s20] =	ssyncadd.s32 s1;
	_ =	sdelay $0x1  }
0x9e: {  	s21 =	simm.s32 $0x1B8B  }
0x9f: {  	_ =	swait.ge [sflag:s21], $0x1  }
0xa0: {  	[sflag:s21] =	ssyncset.done $0x0  }
0xa1: {  	s23 =	simm.s32 $0x1B8E;
	s22 =	sld [smem:$0x3FFE];
	[sflag:s21] =	ssyncadd.s32 $0xFFFFFFFF  }
0xa2: {  	s24 =	simm.s32 $execute0_lowered;
	[smem:$0x3FD2] =	sst s23  }
0xa3: {  	s2 =	sshll.u32 s24, $0x1;
	_ =	strace $0x80000049;
	[dreg:$0x1] =	wrdreg $0xFFFFFFFF  }
0xa4: {  	s25 =	simm.s32 $_size_execute0_lowered;
	s0 =	sadd.s32 s0, s2;
	[dreg:$0x0] =	wrdreg $0x0  }
0xa5: {  	s2 =	sshll.u32 s25, $0x1;
	[dreg:$0x2] =	wrdreg s0  }
0xa6: {  	[dreg:$0x3] =	wrdreg s2  }
0xa7: {  	[dreg:$0x4] =	wrdreg $0xC0  }
0xa8: {  	_ =	task [dreg:s4], $0x5FFFF  }
0xa9: {  	[dreg:$0x1] =	wrdreg $0xFFFFFFFF  }
0xaa: {  	[dreg:$0x0] =	wrdreg $0x60  }
0xab: {  	[dreg:$0x2] =	wrdreg s22  }
0xac: {  	[dreg:$0x3] =	wrdreg $0x9  }
0xad: {  	_ =	task.clear_ibuf [dreg:s4], $0x4FFFF;
	_ =	strace $0x90000049  }
0xae: {  	s26 =	simm.s32 $0x9;
	_ =	strace $0x8000004B  }
0xaf: {  	_ =	swait.ge [sflag:s26], $0x1  }
0xb0: {  	[sflag:s26] =	ssyncadd.s32 $0xFFFFFFFF  }
0xb1: {  	_ =	strace $0x9000004B  }
0xb2: {  	_ =	sfence  }
0xb3: {  	s28 =	sld [smem:$0x0];
	_ =	sdelay $0x1  }
0xb4: {  	s29 =	srdreg.scid  }
0xb5: {  	s30 =	sshll.u32 s29, $0xD;
	s31 =	sshrl.u32 s29, $0x2  }
0xb6: {  	s1 =	sand.u32 $0x1, s29;
	s2 =	sand.u32 $0x4000, s30;
	s0 =	sadd.s32 s31, s28  }
0xb7: {  	s1 =	sor.u32 s2, s1;
	s0 =	sshll.u32 s0, $0x11  }
0xb8: {  	s0 =	sor.u32 s0, s1  }
0xb9: {  	s0 =	sadd.s32 $0x8F2B, s0  }
0xba: {  	[sflag:s0] =	ssyncadd.remote.s32 $0x1  }
0xbb: {  	_ =	sfence.sel $0xFFFF  }
0xbc: {  	[dreg:$0x0] =	wrdreg $0xFFFFFFFF;
	(pc) =	sbr.abs _section_cstart, $3  }
0xbd: {  	[dreg:$0x1] =	wrdreg $0xFFFFFFFF  }
0xbe: {  	_ =	task.clear_ibuf [dreg:s4], $0x2FFFF;
	_ =	strace $0x9FFFFFFF  }
0xbf: {  	(tm) =	ssettm $0x7FFFFFFF  }
tec
execute0_lowered:
.L_overlay_start_1:
0x0: {  	(tag) =	ssettag $0x1  }
0x1: {  	s3 =	rddreg [dreg:$0x0];
	_ =	strace $0x8000004A;
	s15 =	stileid.u32  }
0x2: {  	s0 =	simm.s32 $0x1;
	s1 =	smin.u32 s15, $0x8;
	s4 =	sshll.u32 s15, $0x1  }
0x3: {  	v1 =	vimm.s32 $0xFFFFFFFF;
	[sflag:s0] =	ssyncpa.u1 $0x0;
	s1 =	sadd.s32 s1, s4  }
0x4: {  	p0 =	slt.u32 s15, $0x8;
	[tilespmem:$0x10] =	vst v1;
	s5 =	smul.u32 $0x1F40, s1;
	s1 =	simm.s32 $0x5DC0  }
0x5: {  	v0 =	vimm.f32 $0.0e+00;
	[tilespmem:$0x20] =	vst v1;
	s1 =	simm.s32 @!p0 $0x3E80  }
0x6: {  	[tilespmem:$0x30] =	vst v0;
	s1 =	sadd.s32 s1, s5  }
0x7: {  	[tilespmem:$0x40] =	vst v0;
	s6 =	smin.u32 s1, $0x4E200  }
0x8: {  	s7 =	simm.s32 $0x2;
	[tilespmem:$0x50] =	vst v0;
	s2 =	ssub.s32 s6, s5  }
0x9: {  	s8 =	simm.s32 $0x8;
	s31 =	simm.s32 $0x9;
	[tilespmem:$0x60] =	vst v1;
	p0 =	sgt.s32 s2, $0x0  }
0xa: {  	s16 =	simm.s32 $0x0;
	s17 =	simm.s32 $0xF0;
	[tilespmem:$0x70] =	vst v1;
	s2 =	simm.s32 @!p0 $0x0  }
0xb: {  	s18 =	simm.s32 $0xFFFFFFFF;
	s19 =	simm.s32 $0xFFFFC280;
	[tilespmem:$0x80] =	vst v1;
	s30 =	smulhi.u32 $0x10624DD3, s2  }
0xc: {  	s20 =	simm.s32 $0xFFFFFFFE;
	s21 =	simm.s32 $0xF;
	s25 =	simm.s32 $0x0;
	v1 =	vimm.s32 $0x0;
	[tilespmem:$0xB0] =	vst v0  }
0xd: {  	s24 =	simm.s32 $0x0;
	s15 =	sshllo.u32 s15, $0x1;
	[tilespmem:$0x90] =	vst v1;
	s10 =	sshrl.u32 s30, $0x9  }
0xe: {  	[tilespmem:$0xA0] =	vst v1;
	[sflag:s7] =	ssyncpa.u1 $0x0;
	s7 =	simm.s32 $0x7;
	s9 =	smul.u32 $0x1F40, s10  }
.Ltmp0:
0xf: {  	s13 =	sor.u32 $0x80, s4;
	[sflag:s7] =	ssyncpa.u1 $0x0;
	(pc) =	sbr.rel .LBB2_1-.Ltmp0, $4  }
0x10: {  	s14 =	sor.u32 $0x81, s4;
	[sflag:s8] =	ssyncpa.u1 $0x0;
	p0 =	sne.s32 s2, s9  }
0x11: {  	s23 =	smov.u32 s5;
	s1 =	sadd.s32 $0x27800, s3;
	s0 =	simm.s32 @!p0 $0x0  }
0x12: {  	vm0 =	vmmov $0xffff;
	v2 =	vlaneseq.u32;
	[sflag:s31] =	ssyncpa.u1 $0x0;
	s9 =	sadd.s32 $0x9E00, s3;
	s10 =	sadd.s32 s0, s10  }
0x13: {  	vm1 =	vmxor vm1, vm1;
	vm2 =	vmmov $0x1;
	vm3 =	vcmask $0x3F3C;
	p0 =	por $0x0, $0x0;
	s11 =	sadd.s32 $0x1, s10;
	s12 =	sadd.s32 $0x2, s10  }
.LBB2_9:
0x14: {  	p1 =	slt.u32 s24, $0x3  }
0x15: {  	s0 =	simm.s32 @!p1 $0x2  }
0x16: {  	_ =	swait.ge @!p1 [sflag:s0], $0x1F40  }
0x17: {  	[sflag:s0] =	ssyncset.done @!p1 $0x0  }
0x18: {  	[sflag:s0] =	ssyncadd.s32 @!p1 $0xFFFFE0C0;
	s0 =	simm.s32 @!p1 $0x9  }
0x19: {  	_ =	swait.ge @!p1 [sflag:s0], $0x10  }
0x1a: {  	[sflag:s0] =	ssyncset.done @!p1 $0x0  }
0x1b: {  	[sflag:s0] =	ssyncadd.s32 @!p1 $0xFFFFFFF0;
	p1 =	sne.s32 s24, s12  }
.Ltmp1:
0x1c: {  	s2 =	sadd.s32 $0x1F40, s23;
	(pc) =	sbr.rel @!p1 .LBB2_10-.Ltmp1, $4  }
0x1d: {  	s22 =	smov.u32 s5;
	s31 =	sadd.s32 $0x1, s24;
	s17 =	sadd.s32 $0x1F40, s17  }
0x1e: {  	s18 =	sadd.s32 $0x1, s18;
	s25 =	smov.u32 s23;
	p2 =	slt.s32 s2, s6  }
0x1f: {  	p0 =	por !p0, !p0;
	s19 =	sadd.s32 $0x1F40, s19;
	s22 =	smov.u32 @p2 s2  }
0x20: {  	s20 =	sadd.s32 $0x1, s20;
	s23 =	smov.u32 s22;
	s24 =	smov.u32 s31  }
.LBB2_1:
0x21: {  	p1 =	sge.u32 s24, s10  }
0x22: {  	s0 =	smulhi.u32 @!p1 $0xAAAAAAAB, s24;
	_ =	sdelay $0x1  }
0x23: {  	s0 =	sshrl.u32 @!p1 s0, $0x1  }
0x24: {  	s0 =	smul.u32 @!p1 $0x3, s0;
	_ =	sdelay $0x1  }
0x25: {  	s0 =	ssub.s32 @!p1 s24, s0  }
0x26: {  	s0 =	smul.u32 @!p1 $0x7D00, s0;
	_ =	sdelay $0x1  }
0x27: {  	s2 =	sshrl.u32 @!p1 s23, $0x3;
	s0 =	sshrl.u32 @!p1 s0, $0x2  }
0x28: {  	s22 =	sand.u32 @!p1 $0x7, s23;
	s2 =	sadd.s32 @!p1 s3, s2;
	s0 =	sadd.s32 @!p1 $0x100, s0  }
0x29: {  	[tilespmem:s0], [sflag:$0x7] =	stream.linear.gather @!p1 [hbm4b:s2+s22], $0x1F40, $0x38;
	[tilespmem:$0x11A60] =	vst v63  }
0x2a: {  	s0 =	sadd.s32 $0xFFFFFFFF, s24  }
0x2b: {  	p1 =	sge.u32 s0, s10  }
.Ltmp2:
0x2c: {  	_ = 	snop;
	(pc) =	sbr.rel @p1 .LBB2_5-.Ltmp2, $1  }
0x2d: {  	_ =	sdelay $0x3  }
0x2e: {  	s2 =	smulhi.u32 $0xAAAAAAAB, s0;
	_ =	sdelay $0x1  }
0x2f: {  	s2 =	sshrl.u32 s2, $0x1  }
0x30: {  	s2 =	smul.u32 $0x3, s2;
	_ =	sdelay $0x1  }
0x31: {  	s2 =	ssub.s32 s0, s2  }
0x32: {  	s2 =	smul.u32 $0x7D00, s2  }
0x33: {  	_ =	swait.ge [sflag:s7], $0x1F40  }
0x34: {  	[sflag:s7] =	ssyncset.done $0x0;
	s2 =	sshrl.u32 s2, $0x2  }
0x35: {  	[sflag:s7] =	ssyncadd.s32 $0xFFFFE0C0;
	(ifvalue) =	ssetifvalue $0xFFFFFFFF;
	v3 =	vld.msk [tilespmem:s2+$0x100 ss:$0x1], $0xffff;
	_ =	sdelay $0x2  }
0x36: {  	s30 =	smulhi.u32 $0xAAAAAAAB, s18;
	p1 =	sne.s32 s24, $0x1  }
0x37: {  	v4 =	vimm.s32 @!p1 $0x0  }
0x38: {  	s2 =	sshrl.u32 s30, $0x1;
	v4 =	vperm.xlane @!p1 v3, v4  }
0x39: {  	s22 =	sshll.u32 s24, $0x4;
	s2 =	smul.u32 $0xFFFE8900, s2;
	vm4 =	vlt.u32 v3, $0x800  }
0x3a: {  	s22 =	sand.u32 $0x10, s22;
	v3 =	vnsel vm4, $0xFFFFFFFE, v3;
	vm4 =	vlt.u32 @!p1 v4, $0x800  }
0x3b: {  	s2 =	sshra.s32 s2, $0x2;
	[tilespmem:s22+$0x60] =	vst v3;
	v3 =	vnsel @!p1 vm4, $0xFFFFFFFE, v4  }
0x3c: {  	s28 =	sadd.s32 s2, s17;
	[tilespmem:$0x80] =	vst @!p1 v3  }
0x3d: {  	v3 =	vld.msk [tilespmem:s28+$0x0 ss:$0x1], $0xffff;
	_ =	sdelay $0x4  }
0x3e: {  	(xrf1) =	vunique.msk.u32 $0xffff, v3;
	_ =	sdelay $0xd  }
0x3f: {  	v4 =	vimm.s32 $0xFFFFFFFF;
	v5, _, _ =	vpop (xrf1)  }
0x40: {  	vm5 =	vne.s32 v3, v4;
	vm4 =	veq.s32 v5, v2  }
0x41: {  	vm6 =	vlt.u32 v3, $0x800;
	vm4 =	vmand vm5, vm4  }
0x42: {  	vm4 =	vmand vm6, vm4  }
0x43: {  	v4 =	vnsel vm4, $0xFFFFFFFF, v3  }
0x44: {  	s31 =	sand.u32 $0x1, s0  }
0x45: {  	s0 =	simm.s32 $0x1F40;
	p1 =	seq.s32 s31, $0x1  }
0x46: {  	s0 =	simm.s32 @!p1 $0x0  }
0x47: {  	s26 =	sadd.s32 $0x7DF0, s0;
	(ifvalue) =	ssetifvalue $0xFFFFFFFF  }
0x48: {  	v3 =	vperm.xlane v3, v1;
	[tilespmem:s26], [sflag:$0x8] =	stream.indirect_vreg.gather [hbm4b:s1+s16], $0x1, v4, vm0, $0x4038;
	v4 =	vnsel vm6, $0xFFFFFFFE, v4;
	[tilespmem:$0x11A60] =	vst v63  }
0x49: {  	s2 =	simm.s32 $0x0;
	s22 =	sadd.s32 $0xFFFFFFF0, s28;
	[tilespmem:s28+$0x0] =	vst v4  }
.LBB2_3:
0x4a: {  	v4 =	vld.msk [tilespmem:s22+$0x0 ss:$0x1], $0xffff;
	s2 =	sadd.s32 $0x10, s2;
	v5 =	vmov v3;
	s28 =	smov.u32 s22  }
0x4b: {  	p1 =	slt.u32 s2, $0x1F30;
	_ =	sdelay $0x4  }
0x4c: {  	v3 =	vperm.xlane v4, v1;
	(xrf1) =	vunique.msk.u32 $0xffff, v4;
	_ =	sdelay $0xd  }
0x4d: {  	v6, _, _ =	vpop (xrf1)  }
0x4e: {  	vm5 =	vne.s32 v4, v5;
	vm4 =	veq.s32 v6, v2  }
0x4f: {  	vm6 =	vlt.u32 v4, $0x800;
	vm4 =	vmand vm5, vm4  }
0x50: {  	vm4 =	vmand vm6, vm4  }
0x51: {  	v4 =	vnsel vm4, $0xFFFFFFFF, v4  }
.Ltmp3:
0x52: {  	v5 =	vnsel vm6, $0xFFFFFFFE, v4;
	(pc) =	sbr.rel @p1 .LBB2_3-.Ltmp3, $3  }
0x53: {  	_ =	sdelay $0x1  }
0x54: {  	s22 =	sadd.s32 $0xFFFFFFF0, s22;
	s26 =	sadd.s32 $0xFFFFFFF0, s26;
	(ifvalue) =	ssetifvalue $0xFFFFFFFF  }
0x55: {  	[tilespmem:s26], [sflag:$0x8] =	stream.indirect_vreg.gather [hbm4b:s1+s16], $0x1, v4, vm0, $0x4038;
	[tilespmem:s28+$0x0] =	vst v5  }
0x56: {  	s2 =	sshrl.u32 s25, $0x3  }
0x57: {  	s0 =	sadd.s32 $0x9D40, s0;
	s2 =	sadd.s32 s9, s2  }
0x58: {  	[tilespmem:s0], [sflag:$0x8] =	stream.linear.gather [hbm:s2], $0x1F40, $0x38;
	[tilespmem:$0x11A60] =	vst v63  }
.LBB2_5:
0x59: {  	p1 =	slt.u32 s24, $0x2  }
0x5a: {  	p2 =	sge.u32 @!p1 s24, s12  }
0x5b: {  	p1 =	por p1, p2  }
.Ltmp4:
0x5c: {  	_ = 	snop;
	(pc) =	sbr.rel @p1 .LBB2_9-.Ltmp4, $1  }
0x5d: {  	_ =	sdelay $0x3  }
0x5e: {  	s0 =	sadd.s32 $0xFFFFFFFE, s24  }
0x5f: {  	s2 =	smulhi.u32 $0xAAAAAAAB, s0;
	_ =	sdelay $0x1  }
0x60: {  	s2 =	sshrl.u32 s2, $0x1  }
0x61: {  	s2 =	smul.u32 $0x3, s2;
	_ =	sdelay $0x1  }
0x62: {  	s0 =	ssub.s32 s0, s2  }
0x63: {  	_ =	swait.ge [sflag:s8], $0x3E80;
	s0 =	smul.u32 $0x1F40, s0  }
0x64: {  	p1 =	sne.s32 s24, s11;
	[sflag:s8] =	ssyncset.done $0x0  }
0x65: {  	[sflag:s8] =	ssyncadd.s32 $0xFFFFC180;
	s2 =	sadd.s32 @!p1 $0x203F, s0  }
0x66: {  	[spmem:s14] =	stream.linear.scatter @!p1 [tilespmem:s2], [sflag:$0x1], $0x1, $0x38;
	[tilespmem:$0x11A60] =	vst v63  }
0x67: {  	s2 =	simm.s32 @!p1 $0x1  }
0x68: {  	_ =	swait.ge @!p1 [sflag:s2], $0x1  }
0x69: {  	s22 =	sshll.u32 s24, $0x4;
	[sflag:s2] =	ssyncset.done @!p1 $0x0  }
0x6a: {  	s25 =	sand.u32 $0x10, s22;
	[sflag:s2] =	ssyncadd.s32 @!p1 $0xFFFFFFFF  }
0x6b: {  	s2 =	sxor.u32 $0x10, s25;
	v4 =	vld [tilespmem:s25+$0x10]  }
0x6c: {  	v5 =	vld [tilespmem:s2+$0x60]  }
0x6d: {  	v3 =	vld [tilespmem:$0x80];
	_ =	sdelay $0x2  }
0x6e: {  	(v2sf) =	vpush v4, $0x0  }
0x6f: {  	(v2sf) =	vpush v5, $0x0  }
0x70: {  	(v2sf) =	vpush v3, $0x0;
	_ =	sdelay $0xc  }
0x71: {  	s22 =	spop (v2sf)  }
0x72: {  	s26 =	spop (v2sf)  }
0x73: {  	s28 =	spop (v2sf)  }
0x74: {  	p2 =	seq.s32 s22, s26;
	p3 =	seq.s32 s28, s22  }
0x75: {  	p3 =	por p2, p3  }
0x76: {  	s26 =	sand.u32 $0x1, s24;
	v4 =	vpsel p3, $0xFFFFFFFF, v4  }
0x77: {  	s29 =	smul.u32 $0x1F40, s26;
	[tilespmem:s25+$0x10] =	vst.msk $0x1, v4  }
0x78: {  	v4 =	vld [tilespmem:$0x30]  }
0x79: {  	v5 =	vld [tilespmem:s29+$0x9D40]  }
0x7a: {  	v6 =	vld [tilespmem:s25+$0x40];
	_ =	sdelay $0x3  }
0x7b: {  	vm4 =	vmmov vm1;
	v5 =	vadd.f32 v5, v4  }
0x7c: {  	vm5 =	vmmov vm2;
	vm4 =	vmmov @p2 vm2;
	s22 =	sshll.u32 s26, $0x4;
	v4 =	vadd.f32 v6, v4  }
0x7d: {  	s26 =	sor.u32 $0x11A40, s22;
	vm5 =	vmmov @p3 vm1;
	[tilespmem:s29+$0x9D40] =	vst.msk vm4, v5  }
0x7e: {  	[tilespmem:s26+$0x0] =	vst.msk vm5, v4  }
0x7f: {  	v4 =	vld [tilespmem:s29+$0x7DF0];
	_ =	sdelay $0x3  }
0x80: {  	v5 =	vimm.f32 $0.0e+00  }
0x81: {  	v4 =	vshift.insert v4, v5, s21  }
0x82: {  	s22 =	sor.u32 $0x40, s2  }
0x83: {  	[tilespmem:s22+$0x0] =	vst.msk $0x1, v4  }
0x84: {  	[tilespmem:s29+$0x7DFF] =	vst.msk $0x1, v5  }
0x85: {  	v4 =	vld [tilespmem:s0+$0x2030];
	_ =	sdelay $0x1  }
0x86: {  	s22 =	smulhi.u32 $0xAAAAAAAB, s20;
	s0 =	simm.s32 $0x1  }
0x87: {  	s0 =	simm.s32 @!p0 $0x0  }
0x88: {  	s22 =	sshrl.u32 s22, $0x1;
	s0 =	smul.u32 $0x7D00, s0  }
0x89: {  	s22 =	smul.u32 $0xFFFE8900, s22;
	v4 =	vshift.insert v4, v1, s21  }
0x8a: {  	s0 =	sshrl.u32 s0, $0x2  }
0x8b: {  	s22 =	sshra.s32 s22, $0x2;
	s30 =	sadd.s32 $0x9D40, s0;
	[tilespmem:s2+$0x10] =	vst.msk $0x1, v4  }
0x8c: {  	s22 =	sadd.s32 s22, s19;
	v6 =	vld [tilespmem:s30+$0x0]  }
0x8d: {  	v7 =	vld [tilespmem:s22+$0x0];
	_ =	sdelay $0x3  }
0x8e: {  	v5 =	vadd.f32 v6, v5  }
0x8f: {  	vm4 =	vne.s32 v7, $0xFFFFFFFF  }
0x90: {  	(xrf2) =	vadd.seg.scan.f32 vm4, v5;
	_ =	sdelay $0x3  }
0x91: {  	s31 =	sadd.s32 $0x5EC0, s0;
	v5 =	vperm.xlane v4, v1  }
0x92: {  	v6 =	vld [tilespmem:s31+$0x0]  }
0x93: {  	vm5 =	veq.s32 v7, v3;
	vm6 =	veq.s32 v7, v5  }
0x94: {  	vm7 =	vgt.u32 v7, $0xFFFFFFFD;
	vm6 =	vmor vm6, vm5  }
0x95: {  	vm6 =	vmor vm6, vm7  }
0x96: {  	v9 =	vld [tilespmem:$0xA0];
	v7 =	vsel vm6, $0xFFFFFFFF, v7  }
0x97: {  	v10 =	vld [tilespmem:$0x90];
	v6 =	vsel vm5, $0x0, v6;
	v8, _, _ =	vpop (xrf2)  }
0x98: {  	v6 =	vadd.f32 v8, v6  }
0x99: {  	s0 =	sadd.s32 $0xDBC0, s0  }
0x9a: {  	vm4 =	vmand vm4, vm3;
	[tilespmem:s0+$0x0] =	vst v6;
	(ifvalue) =	ssetifvalue $0xFFFFFFFF  }
0x9b: {  	vm6 =	veq.s32 v9, $0x1;
	[hbm4b:s1+s16] =	stream.indirect_vreg.scatter [tilespmem:s0], [sflag:$0x2], $0x1, v7, vm0, $0x4038;
	v7 =	vsel vm4, $0x0, v8;
	[tilespmem:$0x11A60] =	vst v63  }
0x9c: {  	s2 =	simm.s32 $0x0;
	s22 =	sadd.s32 $0x10, s22;
	vm4 =	vmor vm6, vm5;
	v6 =	vsel vm5, v8, v10;
	v7 =	vshift.insert v7, v0, s21  }
.LBB2_7:
0x9d: {  	v8 =	vld [tilespmem:s22+$0x0];
	s30 =	sadd.s32 $0x10, s30  }
0x9e: {  	s31 =	sadd.s32 $0x10, s31;
	v9 =	vld [tilespmem:s30+$0x0]  }
0x9f: {  	s2 =	sadd.s32 $0x10, s2;
	v10 =	vld [tilespmem:s31+$0x0]  }
0xa0: {  	p2 =	slt.u32 s2, $0x1F30;
	_ =	sdelay $0x2  }
0xa1: {  	v7 =	vadd.f32 v9, v7  }
0xa2: {  	vm5 =	vne.s32 v8, $0xFFFFFFFF  }
0xa3: {  	vm6 =	vmand vm5, vm3;
	(xrf2) =	vadd.seg.scan.f32 vm5, v7;
	_ =	sdelay $0x5  }
0xa4: {  	vm7 =	veq.s32 v8, v5;
	vm5 =	veq.s32 v8, v3  }
0xa5: {  	vm8 =	vgt.u32 v8, $0xFFFFFFFD;
	vm4 =	vmor vm4, vm5;
	vm7 =	vmor vm7, vm5  }
0xa6: {  	vm7 =	vmor vm7, vm8  }
0xa7: {  	v8 =	vsel vm7, $0xFFFFFFFF, v8  }
.Ltmp5:
0xa8: {  	v7 =	vsel vm5, $0x0, v10;
	v9, _, _ =	vpop (xrf2);
	(pc) =	sbr.rel @p2 .LBB2_7-.Ltmp5, $4  }
0xa9: {  	v6 =	vsel vm5, v9, v6;
	v10 =	vadd.f32 v9, v7;
	v7 =	vsel vm6, $0x0, v9  }
0xaa: {  	s0 =	sadd.s32 $0x10, s0;
	v7 =	vshift.insert v7, v0, s21  }
0xab: {  	s22 =	sadd.s32 $0x10, s22;
	[tilespmem:s0+$0x0] =	vst v10;
	(ifvalue) =	ssetifvalue $0xFFFFFFFF  }
0xac: {  	[hbm4b:s1+s16] =	stream.indirect_vreg.scatter [tilespmem:s0], [sflag:$0x2], $0x1, v8, vm0, $0x4038;
	[tilespmem:$0x11A60] =	vst v63  }
0xad: {  	v3 =	vld [tilespmem:s29+$0xFAF0];
	_ =	sdelay $0x4  }
0xae: {  	v3 =	vshift.insert v3, v0, s21  }
0xaf: {  	s0 =	simm.s32 $0x30  }
0xb0: {  	[tilespmem:s0+$0x0] =	vst.msk $0x1, v3  }
0xb1: {  	v3 =	vsel vm4, $0x1, v1;
	[tilespmem:$0x90] =	vst v6  }
0xb2: {  	s0 =	sadd.s32 @!p1 $0xFAFF, s29;
	[tilespmem:$0xA0] =	vst v3  }
0xb3: {  	[spmem:s15] =	stream.linear.scatter @!p1 [tilespmem:s0], [sflag:$0x1], $0x1, $0x38;
	[tilespmem:$0x11A60] =	vst v63  }
0xb4: {  	s0 =	simm.s32 @!p1 $0x1  }
0xb5: {  	v3 =	vmctz.xlane @!p1 vm4;
	_ =	swait.ge @!p1 [sflag:s0], $0x1  }
0xb6: {  	(v2sf) =	vpush @!p1 v4, $0x0  }
0xb7: {  	(v2sf) =	vpush @!p1 v3, $0x0;
	_ =	sdelay $0xd  }
0xb8: {  	s2 =	spop @!p1 (v2sf)  }
0xb9: {  	s22 =	spop @!p1 (v2sf)  }
0xba: {  	p2 =	sne.s32 @!p1 s28, s2;
	p3 =	slt.s32 @!p1 s22, $0xF  }
0xbb: {  	[sflag:s0] =	ssyncset.done @!p1 $0x0;
	p2 =	por p2, p1;
	p3 =	por !p3, p1  }
0xbc: {  	[sflag:s0] =	ssyncadd.s32 @!p1 $0xFFFFFFFF;
	v3 =	vimm.s32 @!p2 $0xFFFFFFFF;
	s22 =	simm.s32 @p3 $0xF  }
0xbd: {  	[tilespmem:$0x80] =	vst @!p2 v3;
	s2 =	sadd.s32 @!p1 $0x90, s22  }
0xbe: {  	[spmem:s4] =	stream.linear.scatter @!p1 [tilespmem:s2], [sflag:$0x1], $0x1, $0x38;
	[tilespmem:$0x11A60] =	vst v63  }
0xbf: {  	_ =	swait.ge @!p1 [sflag:s0], $0x1  }
0xc0: {  	[sflag:s0] =	ssyncset.done @!p1 $0x0  }
0xc1: {  	s2 =	simm.s32 @!p1 $0x80;
	[sflag:s0] =	ssyncadd.s32 @!p1 $0xFFFFFFFF  }
0xc2: {  	[spmem:s13] =	stream.linear.scatter @!p1 [tilespmem:s2], [sflag:$0x1], $0x1, $0x38;
	[tilespmem:$0x11A60] =	vst v63  }
0xc3: {  	_ =	swait.ge @!p1 [sflag:s0], $0x1  }
0xc4: {  	[sflag:s0] =	ssyncset.done @!p1 $0x0  }
0xc5: {  	[sflag:s0] =	ssyncadd.s32 @!p1 $0xFFFFFFFF;
	(ifvalue) =	ssetifvalue $0xFFFFFFFF;
	v3 =	vld [tilespmem:s25+$0x10];
	_ =	sdelay $0x3  }
.Ltmp6:
0xc6: {  	_ = 	snop;
	(pc) =	sbr.rel .LBB2_9-.Ltmp6, $3  }
0xc7: {  	_ =	sdelay $0x1  }
0xc8: {  	(ifvalue) =	ssetifvalue $0xFFFFFFFF  }
0xc9: {  	[hbm4b:s1+s16] =	stream.indirect_vreg.scatter [tilespmem:s26], [sflag:$0x9], $0x1, v3, vm0, $0x4038;
	[tilespmem:$0x11A60] =	vst v63  }
.LBB2_10:
0xca: {  	_ =	sfence.sel $0x180000  }
0xcb: {  	s0 =	simm.s32 $0x7;
	[bflag:$0x0] =	sbarrier.arrive $0xFFFF  }
0xcc: {  	s26 =	simm.s32 $0x8;
	[sflag:s0] =	ssyncpa.u1 $0x1  }
0xcd: {  	s28 =	simm.s32 $0x9;
	[sflag:s26] =	ssyncpa.u1 $0x1  }
0xce: {  	[sflag:s28] =	ssyncpa.u1 $0x1  }
0xcf: {  	_ =	sfence.stream.spmem  }
0xd0: {  	s29 =	simm.s32 $0x3;
	[bflag:$0x0] =	sbarrier.arrive $0xFFFF  }
0xd1: {  	s30 =	simm.s32 $0x4;
	[sflag:s29] =	ssyncpa.u1 $0x1  }
0xd2: {  	s31 =	simm.s32 $0x3C;
	s2 =	stileid.u32;
	[sflag:s30] =	ssyncpa.u1 $0x1  }
0xd3: {  	p0 =	sne.s32 s2, $0x0;
	[sflag:s31] =	ssyncpa.u1 $0x1  }
0xd4: {  	s0 =	simm.s32 @p0 $0x1;
	_ =	sfence @p0  }
0xd5: {  	[sflag:s0] =	ssyncpa.u1 @p0 $0x1;
	s0 =	simm.s32 @p0 $0x2  }
0xd6: {  	[sflag:s0] =	ssyncpa.u1 @p0 $0x1  }
0xd7: {  	_ =	strace @p0 $0x9000004A  }
0xd8: {  	[bflag:$0x2] =	sbarrier.arrive @p0 $0xFFFF  }
0xd9: {  	_ =	shalt @p0  }
.LBB2_11:
0xda: {  	_ =	sfence.stream.spmem;
	s0 =	simm.s32 $0x5  }
0xdb: {  	s2 =	simm.s32 $0x80;
	s3 =	simm.s32 $0xC0;
	[sflag:s0] =	ssyncpa.u1 $0x0  }
0xdc: {  	[tilespmem:s3], [sflag:$0x5] =	stream.linear.gather [spmem:s2], $0x20, $0x38;
	[tilespmem:$0x11A60] =	vst v63  }
0xdd: {  	s2 =	simm.s32 $0x0;
	s3 =	simm.s32 $0xE0  }
0xde: {  	[tilespmem:s3], [sflag:$0x5] =	stream.linear.gather [spmem:s2], $0x20, $0x38;
	[tilespmem:$0x11A60] =	vst v63  }
.Ltmp7:
0xdf: {  	_ = 	snop;
	(pc) =	sbr.rel .LBB2_12-.Ltmp7, $4  }
0xe0: {  	_ =	swait.ge [sflag:s0], $0x40  }
0xe1: {  	[sflag:s0] =	ssyncset.done $0x0  }
0xe2: {  	s31 =	simm.s32 $0x6;
	[sflag:s0] =	ssyncadd.s32 $0xFFFFFFC0  }
0xe3: {  	s4 =	simm.s32 $0x0;
	[sflag:s31] =	ssyncpa.u1 $0x0  }
.LBB2_17:
0xe4: {  	p0 =	sgt.u32 s5, $0x7FF  }
0xe5: {  	s0 =	sshrl.u32 @!p0 s5, $0x3  }
0xe6: {  	s5 =	sand.u32 @!p0 $0x7, s5;
	s6 =	simm.s32 @!p0 $0xB0;
	s0 =	sadd.s32 @!p0 s1, s0  }
0xe7: {  	[tilespmem:s6], [sflag:$0x6] =	stream.linear.gather @!p0 [hbm4b:s0+s5], $0x1, $0x38;
	[tilespmem:$0x11A60] =	vst v63  }
0xe8: {  	s0 =	simm.s32 @!p0 $0x6  }
0xe9: {  	_ =	swait.ge @!p0 [sflag:s0], $0x1  }
0xea: {  	[sflag:s0] =	ssyncset.done @!p0 $0x0  }
0xeb: {  	[sflag:s0] =	ssyncadd.s32 @!p0 $0xFFFFFFFF  }
0xec: {  	v2 =	vmov @!p0 s4;
	v1 =	vld.msk @!p0 [tilespmem:$0xB0], $0x1;
	_ =	sdelay $0x3  }
0xed: {  	s0 =	simm.s32 @!p0 $0xE0  }
0xee: {  	[tilespmem:v2+s0+$0x0], v1 =	vst.idx.ret.add.f32.msk @!p0 $0x1, v1  }
0xef: {  	[tilespmem:s2+$0xC0] =	vst.msk $0x1, v0  }
0xf0: {  	v0 =	vld.msk [tilespmem:s4+$0xE0], $0x1;
	_ =	sdelay $0x4  }
0xf1: {  	[tilespmem:s2+$0xE0] =	vst.msk $0x1, v0;
	s2 =	sadd.s32 $0x1, s2  }
.LBB2_19:
0xf2: {  	s4 =	sadd.s32 $0x1, s4  }
0xf3: {  	p0 =	sne.s32 s4, $0x20  }
.Ltmp8:
0xf4: {  	_ = 	snop;
	(pc) =	sbr.rel @!p0 .LBB2_20-.Ltmp8, $1  }
0xf5: {  	_ =	sdelay $0x3  }
.LBB2_12:
0xf6: {  	v0 =	vld.msk [tilespmem:s4+$0xC0], $0x1;
	_ =	sdelay $0x4  }
0xf7: {  	(v2sf) =	vpush v0, $0x0;
	_ =	sdelay $0xe  }
0xf8: {  	s5 =	spop (v2sf)  }
0xf9: {  	p0 =	seq.s32 s5, $0xFFFFFFFF  }
.Ltmp9:
0xfa: {  	_ = 	snop;
	(pc) =	sbr.rel @p0 .LBB2_19-.Ltmp9, $1  }
0xfb: {  	_ =	sdelay $0x3  }
0xfc: {  	p0 =	slt.s32 s2, $0x1  }
.Ltmp10:
0xfd: {  	_ = 	snop;
	(pc) =	sbr.rel @p0 .LBB2_17-.Ltmp10, $1  }
0xfe: {  	_ =	sdelay $0x3  }
0xff: {  	s0 =	simm.s32 $0xC0;
	p0 =	por $0x0, $0x0  }
0x100: {  	v1 =	vld.msk @!p0 [tilespmem:s0+$0x0], $0x1;
	_ =	sdelay $0x4  }
0x101: {  	(v2sf) =	vpush @!p0 v1, $0x0;
	_ =	sdelay $0xd  }
0x102: {  	p2 =	sne.s32 s2, $0x1  }
.Ltmp11:
0x103: {  	s6 =	spop @!p0 (v2sf);
	(pc) =	sbr.rel @!p2 .LBB2_16-.Ltmp11, $4  }
0x104: {  	p1 =	seq.s32 @!p0 s5, s6  }
0x105: {  	s6 =	simm.s32 $0x0;
	p1 =	por !p1, p0  }
0x106: {  	s8 =	simm.s32 $0xFFFFFFFF;
	s6 =	simm.s32 @p1 $0xFFFFFFFF  }
0x107: {  	s7 =	simm.s32 $0x1;
	s6 =	smov.u32 @p0 s8  }
.LBB2_15:
0x108: {  	s8 =	smov.u32 s6;
	p0 =	sne.s32 s6, $0xFFFFFFFF  }
0x109: {  	s0 =	sadd.s32 $0x1, s0;
	s6 =	smov.u32 s7;
	s7 =	sadd.s32 $0x1, s7  }
0x10a: {  	p1 =	sne.s32 s2, s7;
	v1 =	vld.msk @!p0 [tilespmem:s0+$0x0], $0x1;
	_ =	sdelay $0x4  }
0x10b: {  	(v2sf) =	vpush @!p0 v1, $0x0;
	_ =	sdelay $0xe  }
.Ltmp12:
0x10c: {  	s9 =	spop @!p0 (v2sf);
	(pc) =	sbr.rel @p1 .LBB2_15-.Ltmp12, $4  }
0x10d: {  	p2 =	seq.s32 @!p0 s5, s9  }
0x10e: {  	p2 =	por !p2, p0  }
0x10f: {  	s6 =	simm.s32 @p2 $0xFFFFFFFF  }
0x110: {  	s6 =	smov.u32 @p0 s8  }
.LBB2_16:
0x111: {  	p0 =	sne.s32 s6, $0xFFFFFFFF  }
.Ltmp13:
0x112: {  	_ = 	snop;
	(pc) =	sbr.rel @!p0 .LBB2_17-.Ltmp13, $1  }
0x113: {  	_ =	sdelay $0x3  }
0x114: {  	v0 =	vld.msk [tilespmem:s4+$0xE0], $0x1;
	v1 =	vmov s6  }
.Ltmp14:
0x115: {  	_ = 	snop;
	(pc) =	sbr.rel .LBB2_19-.Ltmp14, $2  }
0x116: {  	_ =	sdelay $0x2  }
0x117: {  	[tilespmem:v1+s3+$0x0], v0 =	vst.idx.ret.add.f32.msk $0x1, v0  }
.LBB2_20:
0x118: {  	p0 =	slt.s32 s2, $0x1  }
.Ltmp15:
0x119: {  	_ = 	snop;
	(pc) =	sbr.rel @p0 .LBB2_24-.Ltmp15, $3  }
0x11a: {  	_ =	sdelay $0x1  }
0x11b: {  	s0 =	simm.s32 $0x6  }
0x11c: {  	s3 =	simm.s32 $0x0;
	[sflag:s0] =	ssyncpa.u1 $0x1  }
0x11d: {  	s0 =	simm.s32 $0xC0  }
0x11e: {  	v0 =	vld.msk [tilespmem:s0+$0x0], $0x1;
	_ =	sdelay $0x4  }
0x11f: {  	(v2sf) =	vpush v0, $0x0;
	_ =	sdelay $0xe  }
0x120: {  	s2 =	sadd.s32 $0xFFFFFFFF, s2;
	s4 =	spop (v2sf)  }
0x121: {  	p1 =	sne.s32 s2, $0x0;
	p0 =	sgt.u32 s4, $0x7FF  }
.Ltmp16:
0x122: {  	s5 =	sshrl.u32 @!p0 s4, $0x3;
	(pc) =	sbr.rel @!p1 .LBB2_23-.Ltmp16, $4  }
0x123: {  	s0 =	simm.s32 $0xE0;
	s4 =	sand.u32 @!p0 $0x7, s4;
	s5 =	sadd.s32 @!p0 s1, s5  }
0x124: {  	[hbm4b:s5+s4] =	stream.linear.scatter @!p0 [tilespmem:s0], [sflag:$0x5], $0x1, $0x38;
	[tilespmem:$0x11A60] =	vst v63  }
0x125: {  	s5 =	simm.s32 $0x0  }
0x126: {  	s4 =	simm.s32 $0xC1;
	s5 =	simm.s32 @!p0 $0x4  }
.LBB2_22:
0x127: {  	v0 =	vld.msk [tilespmem:s4+$0x0], $0x1;
	s2 =	sadd.s32 $0xFFFFFFFF, s2;
	s3 =	sadd.s32 s3, s5  }
0x128: {  	p0 =	sne.s32 s2, $0x0;
	_ =	sdelay $0x3  }
0x129: {  	(v2sf) =	vpush v0, $0x0;
	_ =	sdelay $0xe  }
.Ltmp17:
0x12a: {  	s6 =	spop (v2sf);
	(pc) =	sbr.rel @p0 .LBB2_22-.Ltmp17, $4  }
0x12b: {  	s5 =	simm.s32 $0x0;
	p1 =	sgt.u32 s6, $0x7FF  }
0x12c: {  	s0 =	sadd.s32 $0x1, s0;
	s5 =	simm.s32 @!p1 $0x4;
	s7 =	sshrl.u32 @!p1 s6, $0x3  }
0x12d: {  	s4 =	sadd.s32 $0x1, s4;
	s6 =	sand.u32 @!p1 $0x7, s6;
	s7 =	sadd.s32 @!p1 s1, s7  }
0x12e: {  	[hbm4b:s7+s6] =	stream.linear.scatter @!p1 [tilespmem:s0], [sflag:$0x5], $0x1, $0x38;
	[tilespmem:$0x11A60] =	vst v63  }
.LBB2_23:
0x12f: {  	s0 =	sadd.s32 s3, s5  }
0x130: {  	s3 =	sshrl.u32 s0, $0x2  }
.LBB2_24:
0x131: {  	s0 =	simm.s32 $0x5  }
0x132: {  	_ =	swait.ge [sflag:s0], s3  }
0x133: {  	s1 =	ssub.s32 $0x0, s3;
	[sflag:s0] =	ssyncset.done $0x0  }
0x134: {  	[sflag:s0] =	ssyncadd.s32 s1  }
0x135: {  	[sflag:s0] =	ssyncpa.u1 $0x1  }
0x136: {  	s29 =	simm.s32 $0x1;
	_ =	sfence  }
0x137: {  	s30 =	simm.s32 $0x2;
	[sflag:s29] =	ssyncpa.u1 $0x1  }
0x138: {  	[sflag:s30] =	ssyncpa.u1 $0x1  }
0x139: {  	_ =	strace $0x9000004A  }
0x13a: {  	[bflag:$0x2] =	sbarrier.arrive $0xFFFF  }
0x13b: {  	s31 =	rddreg [dreg:$0x1]  }
0x13c: {  	s0 =	sadd.s32 $0x100000, s31  }
0x13d: {  	[sflag:s0] =	ssyncadd.tile.s32 $0x1;
	_ =	shalt  }
.Lfunc_end2:
_tile_overlayer_lowered:
.L_overlay_start_2:
0x13e: {  	(tag) =	ssettag $0x2  }
0x13f: {  	s0 =	rddreg [dreg:$0x0];
	s2 =	stileid.u32  }
0x140: {  	s1 =	rddreg [dreg:$0x1];
	p0 =	sne.s32 s2, $0x0  }
0x141: {  	s3 =	rddreg [dreg:$0x2];
	[bflag:$0x3] =	sbarrier.arrive $0xFFFF;
	s2 =	simm.s32 @!p0 $0x1C01  }
0x142: {  	[timem:s3], [sflag:s2] =	dma.local @!p0 [hbm:s0], s1  }
0x143: {  	s0 =	simm.s32 @!p0 $0x1  }
0x144: {  	_ =	swait.ge @!p0 [sflag:s0], s1  }
0x145: {  	s1 =	ssub.s32 @!p0 $0x0, s1;
	[sflag:s0] =	ssyncset.done @!p0 $0x0  }
0x146: {  	[sflag:s0] =	ssyncadd.s32 @!p0 s1  }
0x147: {  	[bflag:$0x3] =	sbarrier.arrive $0xFFFF  }
0x148: {  	_ =	shalt  }

</sc_bundles>
